<compile_context>
chip_gen: v7x
topology: tpu7x:2x2x1
jax: 0.10.2.dev20260603
libtpu: 0.0.44.dev20260713+nightly
codegen_flags: <defaults>
</compile_context>

<pallas_src>
import jax
import jax.numpy as jnp
from jax import lax
from jax.experimental import pallas as pl
from jax.experimental.pallas import tpu as pltpu
from jax.experimental.pallas import tpu_sc as plsc

_R, _N = 64, 32768
_L = 16
_NCHUNK = _N // _L
_GRP = 16
_NGRP = _NCHUNK // _GRP
_NCOL = _NGRP * _L
_NBLK = _NGRP // _L
_NC, _NS = 2, 16
_NW = _NC * _NS
_ROWS_PER_W = _R // _NW
_NQ = 4
_QW = _N // _NQ
_QGRP = _NGRP // _NQ
_NEG = -3.0e38


def _max_quarter(row_v, gmax_v, q, gl):

    @plsc.parallel_loop(q * _QGRP, (q + 1) * _QGRP, step=1, unroll=2,
                        carry=gl)
    def max_loop(g, acc):
        base = g * (_GRP * _L)
        vs = [row_v[pl.ds(base + u * _L, _L)] for u in range(_GRP)]
        while len(vs) > 1:
            vs = [jnp.maximum(vs[2 * i], vs[2 * i + 1])
                  for i in range(len(vs) // 2)]
        gmax_v[pl.ds(g * _L, _L)] = vs[0]
        return jnp.maximum(acc, vs[0])

    return max_loop


def _row_tau(row_v, gmax_v, cnts_v, offs_v, colid_v, colval_v, gl):
    mx = jnp.max(gl)
    t0 = mx - 1.0
    lane0 = lax.iota(jnp.int32, _L) == 0

    @plsc.parallel_loop(0, _NGRP, step=1, unroll=2)
    def cnt_loop(g):
        gv = gmax_v[pl.ds(g * _L, _L)]
        m = gv > t0
        cnt = plsc.all_reduce_population_count(m)
        plsc.store_scatter(cnts_v, [jnp.full((_L,), g, jnp.int32)], cnt,
                           mask=lane0)

    def scan_body(b, tot):
        c = cnts_v[pl.ds(b * _L, _L)]
        inc = plsc.cumsum(c)
        offs_v[pl.ds(b * _L, _L)] = inc - c + tot
        return tot + inc[_L - 1]

    wc = lax.fori_loop(0, _NBLK, scan_body, jnp.int32(0))

    @plsc.parallel_loop(0, _NGRP, step=1, unroll=2)
    def colcap_loop(g):
        gv = gmax_v[pl.ds(g * _L, _L)]
        m = gv > t0
        off = offs_v[pl.ds(g, _L)][0]
        ids = lax.iota(jnp.int32, _L) + g * _L
        plsc.store_compressed(colid_v.at[pl.ds(off, _L)], ids, mask=m)

    @plsc.parallel_loop(0, wc, step=1, unroll=2)
    def gather_loop(i):
        cid = colid_v[pl.ds(i, _L)][0]
        base = (cid >> 4) * (_GRP * _L) + (cid & (_L - 1))
        idx = base + lax.iota(jnp.int32, _L) * _L
        colval_v[pl.ds(i * _L, _L)] = plsc.load_gather(row_v, [idx])

    colval_v[pl.ds(wc * _L, _L)] = jnp.full((_L,), _NEG, jnp.float32)
    npair = (wc + 1) >> 1

    def mich_cond(carry):
        tau, prev, it = carry
        return (tau > prev) & (it < jnp.int32(64))

    def mich_body(carry):
        tau, prev, it = carry

        def sbody(i, c4):
            s1, k1, s2, k2 = c4
            va = colval_v[pl.ds(i * (2 * _L), _L)]
            vb = colval_v[pl.ds(i * (2 * _L) + _L, _L)]
            ma = va > tau
            mb = vb > tau
            return (s1 + jnp.where(ma, va, 0.0), k1 + jnp.where(ma, 1, 0),
                    s2 + jnp.where(mb, vb, 0.0), k2 + jnp.where(mb, 1, 0))

        z_f = jnp.zeros((_L,), jnp.float32)
        z_i = jnp.zeros((_L,), jnp.int32)
        s1, k1, s2, k2 = lax.fori_loop(0, npair, sbody, (z_f, z_i, z_f, z_i))
        S = jnp.sum(s1 + s2)
        K = jnp.sum(k1 + k2)
        num = jnp.full((_L,), S - 1.0, jnp.float32)
        den = jnp.full((_L,), jnp.maximum(K, 1), jnp.int32).astype(jnp.float32)
        nt = jnp.max(num / den)
        return (nt, tau, it + 1)

    tau, _, _ = lax.while_loop(mich_cond, mich_body,
                               (t0, t0 - 1.0, jnp.int32(0)))
    return tau


def _emit_output(row_v, out_row_hbm, tau, sem):
    copies = []
    for q in range(_NQ):

        @plsc.parallel_loop(q * _QGRP, (q + 1) * _QGRP, step=1, unroll=2)
        def out_loop(g):
            base = g * (_GRP * _L)
            for u in range(_GRP):
                sl = pl.ds(base + u * _L, _L)
                row_v[sl] = jnp.maximum(row_v[sl] - tau, 0.0)

        copies.append(pltpu.async_copy(
            row_v.at[pl.ds(q * _QW, _QW)],
            out_row_hbm.at[pl.ds(q * _QW, _QW)], sem))
    return copies


def _sparsemax_body(x_hbm, out_hbm, row_a, row_b, gmax_v, cnts_v, offs_v,
                    colid_v, colval_v, sem_a, sem_b, sem_oa, sem_ob):
    c = lax.axis_index("c")
    s = lax.axis_index("s")
    wid = s * _NC + c
    r0 = wid * _ROWS_PER_W
    r1 = r0 + 1

    cps_a = [pltpu.async_copy(x_hbm.at[r0, pl.ds(q * _QW, _QW)],
                              row_a.at[pl.ds(q * _QW, _QW)], sem_a)
             for q in range(_NQ)]

    gl = jnp.full((_L,), _NEG, jnp.float32)
    cp_b = None
    for q in range(_NQ):
        cps_a[q].wait()
        if q == 0:
            cp_b = pltpu.async_copy(x_hbm.at[r1], row_b, sem_b)
        gl = _max_quarter(row_a, gmax_v, q, gl)
    tau_a = _row_tau(row_a, gmax_v, cnts_v, offs_v, colid_v, colval_v, gl)
    out_a = _emit_output(row_a, out_hbm.at[r0], tau_a, sem_oa)

    cp_b.wait()
    gl = jnp.full((_L,), _NEG, jnp.float32)
    for q in range(_NQ):
        gl = _max_quarter(row_b, gmax_v, q, gl)
    tau_b = _row_tau(row_b, gmax_v, cnts_v, offs_v, colid_v, colval_v, gl)
    out_b = _emit_output(row_b, out_hbm.at[r1], tau_b, sem_ob)

    for cp in out_a + out_b:
        cp.wait()


def kernel(input):
    f = pl.kernel(
        _sparsemax_body,
        out_type=jax.ShapeDtypeStruct((_R, _N), jnp.float32),
        mesh=plsc.VectorSubcoreMesh(core_axis_name="c", subcore_axis_name="s"),
        compiler_params=pltpu.CompilerParams(needs_layout_passes=False,
                                             skip_device_barrier=True),
        scratch_types=[
            pltpu.VMEM((_N,), jnp.float32),
            pltpu.VMEM((_N,), jnp.float32),
            pltpu.VMEM((_NCOL,), jnp.float32),
            pltpu.VMEM((_NGRP,), jnp.int32),
            pltpu.VMEM((_NGRP + _L,), jnp.int32),
            pltpu.VMEM((_NCOL + _L,), jnp.int32),
            pltpu.VMEM((_N + 2 * _L,), jnp.float32),
            pltpu.SemaphoreType.DMA,
            pltpu.SemaphoreType.DMA,
            pltpu.SemaphoreType.DMA,
            pltpu.SemaphoreType.DMA,
        ],
    )
    return f(input)

# --- scband reference (transcript-rebuilt; emitter-appended) ---
"""Pipeline reference for scband-sparsemax-47167330845262 (READ-ONLY COPY).

The authoritative reference and input builder live on the scoring server;
editing this copy changes nothing except your own understanding.
"""

import jax, jax.numpy as jnp
import numpy as np


def setup_inputs(seed: int = 0) -> dict:
    key = jax.random.key(seed)
    x = jax.random.normal(key, (64, 32768), dtype=jnp.float32)
    return {"input": x}


def reference(input):
    original_shape = input.shape
    x = input.reshape(input.shape[0], -1)
    n = x.shape[1]
    # descending sort
    x_sorted = -jnp.sort(-x, axis=1)
    x_cumsum = jnp.cumsum(x_sorted, axis=1) - 1.0
    range_values = jnp.arange(1, n + 1, dtype=jnp.float32)
    is_gt = (x_sorted - x_cumsum / range_values) > 0
    k = jnp.sum(is_gt.astype(jnp.float32), axis=1, keepdims=True)
    idx = (k - 1.0).astype(jnp.int32)
    tau_sum = jnp.take_along_axis(x_cumsum, idx, axis=1)
    tau = tau_sum / k
    output = jnp.clip(x - tau, 0.0, None)
    return output.reshape(original_shape)

if __name__ == "__main__":
    import jax
    _d = setup_inputs()
    print(jax.jit(kernel)(*tuple(_d.values())))

</pallas_src>

<mosaic_0001>
#map = affine_map<(d0, d1) -> (0, 0)>
module attributes {stable_mosaic.version = 14 : i64} {
  func.func @_sparsemax_body(%arg0: i32, %arg1: i32, %arg2: memref<64x32768xf32, #tpu.memory_space<hbm>>, %arg3: memref<64x32768xf32, #tpu.memory_space<hbm>>, %arg4: memref<32768xf32, #tpu.memory_space<vmem>>, %arg5: memref<32768xf32, #tpu.memory_space<vmem>>, %arg6: memref<2048xf32, #tpu.memory_space<vmem>>, %arg7: memref<128xi32, #tpu.memory_space<vmem>>, %arg8: memref<144xi32, #tpu.memory_space<vmem>>, %arg9: memref<2064xi32, #tpu.memory_space<vmem>>, %arg10: memref<32800xf32, #tpu.memory_space<vmem>>, %arg11: memref<!tpu.dma_semaphore, #tpu.memory_space<semaphore_mem>>, %arg12: memref<!tpu.dma_semaphore, #tpu.memory_space<semaphore_mem>>, %arg13: memref<!tpu.dma_semaphore, #tpu.memory_space<semaphore_mem>>, %arg14: memref<!tpu.dma_semaphore, #tpu.memory_space<semaphore_mem>>) attributes {dimension_semantics = [#tpu.dimension_semantics<core_parallel>, #tpu.dimension_semantics<subcore_parallel>], iteration_bounds = array<i64: 2, 16>, scalar_prefetch = 0 : i64, scratch_operands = 11 : i64, tpu.core_type = #tpu.core_type<sc_vector_subcore>, window_params = [{transform_indices = #map}, {transform_indices = #map}]} {
    %mul3A = arith.constant 2 : i32
    %mul3A_0 = arith.muli %arg1, %mul3A : i32
    %add3A = arith.addi %mul3A_0, %arg0 : i32
    %mul3A_1 = arith.constant 2 : i32
    %mul3A_2 = arith.muli %add3A, %mul3A_1 : i32
    %add3A_3 = arith.constant 1 : i32
    %add3A_4 = arith.addi %mul3A_2, %add3A_3 : i32
    %dma_start3A = arith.constant 0 : i32
    %dma_start3A_5 = tpu.memref_slice %arg4[%dma_start3A] : memref<32768xf32, #tpu.memory_space<vmem>> -> memref<8192xf32, #tpu.memory_space<vmem>>
    %dma_start3A_6 = arith.constant 0 : i32
    %dma_start3A_7 = tpu.memref_slice %arg2[%mul3A_2, %dma_start3A_6] : memref<64x32768xf32, #tpu.memory_space<hbm>> -> memref<1x8192xf32, #tpu.memory_space<hbm>>
    %dma_start3A_8 = tpu.memref_squeeze %dma_start3A_7 : memref<1x8192xf32, #tpu.memory_space<hbm>> -> memref<8192xf32, #tpu.memory_space<hbm>>
    %dma_start3A_9 = arith.constant 0 : i32
    %dma_start3A_10 = tpu.memref_slice %arg4[%dma_start3A_9] : memref<32768xf32, #tpu.memory_space<vmem>> -> memref<8192xf32, #tpu.memory_space<vmem>>
    %dma_start3A_11 = arith.constant 0 : i32
    %dma_start3A_12 = tpu.memref_slice %arg2[%mul3A_2, %dma_start3A_11] : memref<64x32768xf32, #tpu.memory_space<hbm>> -> memref<1x8192xf32, #tpu.memory_space<hbm>>
    %dma_start3A_13 = tpu.memref_squeeze %dma_start3A_12 : memref<1x8192xf32, #tpu.memory_space<hbm>> -> memref<8192xf32, #tpu.memory_space<hbm>>
    tpu.enqueue_dma source(%dma_start3A_13 : memref<8192xf32, #tpu.memory_space<hbm>>) target(%dma_start3A_10 : memref<8192xf32, #tpu.memory_space<vmem>>) target_semaphore(%arg11 : memref<!tpu.dma_semaphore, #tpu.memory_space<semaphore_mem>>)
    %dma_start3A_14 = arith.constant 8192 : i32
    %dma_start3A_15 = tpu.memref_slice %arg4[%dma_start3A_14] : memref<32768xf32, #tpu.memory_space<vmem>> -> memref<8192xf32, #tpu.memory_space<vmem>>
    %dma_start3A_16 = arith.constant 8192 : i32
    %dma_start3A_17 = tpu.memref_slice %arg2[%mul3A_2, %dma_start3A_16] : memref<64x32768xf32, #tpu.memory_space<hbm>> -> memref<1x8192xf32, #tpu.memory_space<hbm>>
    %dma_start3A_18 = tpu.memref_squeeze %dma_start3A_17 : memref<1x8192xf32, #tpu.memory_space<hbm>> -> memref<8192xf32, #tpu.memory_space<hbm>>
    %dma_start3A_19 = arith.constant 8192 : i32
    %dma_start3A_20 = tpu.memref_slice %arg4[%dma_start3A_19] : memref<32768xf32, #tpu.memory_space<vmem>> -> memref<8192xf32, #tpu.memory_space<vmem>>
    %dma_start3A_21 = arith.constant 8192 : i32
    %dma_start3A_22 = tpu.memref_slice %arg2[%mul3A_2, %dma_start3A_21] : memref<64x32768xf32, #tpu.memory_space<hbm>> -> memref<1x8192xf32, #tpu.memory_space<hbm>>
    %dma_start3A_23 = tpu.memref_squeeze %dma_start3A_22 : memref<1x8192xf32, #tpu.memory_space<hbm>> -> memref<8192xf32, #tpu.memory_space<hbm>>
    tpu.enqueue_dma source(%dma_start3A_23 : memref<8192xf32, #tpu.memory_space<hbm>>) target(%dma_start3A_20 : memref<8192xf32, #tpu.memory_space<vmem>>) target_semaphore(%arg11 : memref<!tpu.dma_semaphore, #tpu.memory_space<semaphore_mem>>)
    %dma_start3A_24 = arith.constant 16384 : i32
    %dma_start3A_25 = tpu.memref_slice %arg4[%dma_start3A_24] : memref<32768xf32, #tpu.memory_space<vmem>> -> memref<8192xf32, #tpu.memory_space<vmem>>
    %dma_start3A_26 = arith.constant 16384 : i32
    %dma_start3A_27 = tpu.memref_slice %arg2[%mul3A_2, %dma_start3A_26] : memref<64x32768xf32, #tpu.memory_space<hbm>> -> memref<1x8192xf32, #tpu.memory_space<hbm>>
    %dma_start3A_28 = tpu.memref_squeeze %dma_start3A_27 : memref<1x8192xf32, #tpu.memory_space<hbm>> -> memref<8192xf32, #tpu.memory_space<hbm>>
    %dma_start3A_29 = arith.constant 16384 : i32
    %dma_start3A_30 = tpu.memref_slice %arg4[%dma_start3A_29] : memref<32768xf32, #tpu.memory_space<vmem>> -> memref<8192xf32, #tpu.memory_space<vmem>>
    %dma_start3A_31 = arith.constant 16384 : i32
    %dma_start3A_32 = tpu.memref_slice %arg2[%mul3A_2, %dma_start3A_31] : memref<64x32768xf32, #tpu.memory_space<hbm>> -> memref<1x8192xf32, #tpu.memory_space<hbm>>
    %dma_start3A_33 = tpu.memref_squeeze %dma_start3A_32 : memref<1x8192xf32, #tpu.memory_space<hbm>> -> memref<8192xf32, #tpu.memory_space<hbm>>
    tpu.enqueue_dma source(%dma_start3A_33 : memref<8192xf32, #tpu.memory_space<hbm>>) target(%dma_start3A_30 : memref<8192xf32, #tpu.memory_space<vmem>>) target_semaphore(%arg11 : memref<!tpu.dma_semaphore, #tpu.memory_space<semaphore_mem>>)
    %dma_start3A_34 = arith.constant 24576 : i32
    %dma_start3A_35 = tpu.memref_slice %arg4[%dma_start3A_34] : memref<32768xf32, #tpu.memory_space<vmem>> -> memref<8192xf32, #tpu.memory_space<vmem>>
    %dma_start3A_36 = arith.constant 24576 : i32
    %dma_start3A_37 = tpu.memref_slice %arg2[%mul3A_2, %dma_start3A_36] : memref<64x32768xf32, #tpu.memory_space<hbm>> -> memref<1x8192xf32, #tpu.memory_space<hbm>>
    %dma_start3A_38 = tpu.memref_squeeze %dma_start3A_37 : memref<1x8192xf32, #tpu.memory_space<hbm>> -> memref<8192xf32, #tpu.memory_space<hbm>>
    %dma_start3A_39 = arith.constant 24576 : i32
    %dma_start3A_40 = tpu.memref_slice %arg4[%dma_start3A_39] : memref<32768xf32, #tpu.memory_space<vmem>> -> memref<8192xf32, #tpu.memory_space<vmem>>
    %dma_start3A_41 = arith.constant 24576 : i32
    %dma_start3A_42 = tpu.memref_slice %arg2[%mul3A_2, %dma_start3A_41] : memref<64x32768xf32, #tpu.memory_space<hbm>> -> memref<1x8192xf32, #tpu.memory_space<hbm>>
    %dma_start3A_43 = tpu.memref_squeeze %dma_start3A_42 : memref<1x8192xf32, #tpu.memory_space<hbm>> -> memref<8192xf32, #tpu.memory_space<hbm>>
    tpu.enqueue_dma source(%dma_start3A_43 : memref<8192xf32, #tpu.memory_space<hbm>>) target(%dma_start3A_40 : memref<8192xf32, #tpu.memory_space<vmem>>) target_semaphore(%arg11 : memref<!tpu.dma_semaphore, #tpu.memory_space<semaphore_mem>>)
    %broadcast_in_dim3A = arith.constant -3.000000e+38 : f32
    %broadcast_in_dim3A_44 = vector.broadcast %broadcast_in_dim3A : f32 to vector<16xf32>
    %dma_wait3A = arith.constant 0 : i32
    %dma_wait3A_45 = tpu.memref_slice %arg4[%dma_wait3A] : memref<32768xf32, #tpu.memory_space<vmem>> -> memref<8192xf32, #tpu.memory_space<vmem>>
    %dma_wait3A_46 = arith.constant 0 : i32
    %dma_wait3A_47 = tpu.memref_slice %arg2[%mul3A_2, %dma_wait3A_46] : memref<64x32768xf32, #tpu.memory_space<hbm>> -> memref<1x8192xf32, #tpu.memory_space<hbm>>
    %dma_wait3A_48 = tpu.memref_squeeze %dma_wait3A_47 : memref<1x8192xf32, #tpu.memory_space<hbm>> -> memref<8192xf32, #tpu.memory_space<hbm>>
    %dma_wait3A_49 = arith.constant 0 : i32
    %dma_wait3A_50 = tpu.memref_slice %arg4[%dma_wait3A_49] : memref<32768xf32, #tpu.memory_space<vmem>> -> memref<8192xf32, #tpu.memory_space<vmem>>
    %dma_wait3A_51 = arith.constant 0 : i32
    %dma_wait3A_52 = tpu.memref_slice %arg2[%mul3A_2, %dma_wait3A_51] : memref<64x32768xf32, #tpu.memory_space<hbm>> -> memref<1x8192xf32, #tpu.memory_space<hbm>>
    %dma_wait3A_53 = tpu.memref_squeeze %dma_wait3A_52 : memref<1x8192xf32, #tpu.memory_space<hbm>> -> memref<8192xf32, #tpu.memory_space<hbm>>
    tpu.wait_dma2 semaphore(%arg11 : memref<!tpu.dma_semaphore, #tpu.memory_space<semaphore_mem>>) src(%dma_wait3A_53 : memref<8192xf32, #tpu.memory_space<hbm>>) dst(%dma_wait3A_50 : memref<8192xf32, #tpu.memory_space<vmem>>)
    %dma_start3A_54 = arith.constant 0 : i32
    %dma_start3A_55 = tpu.memref_slice %arg2[%add3A_4, %dma_start3A_54] : memref<64x32768xf32, #tpu.memory_space<hbm>> -> memref<1x32768xf32, #tpu.memory_space<hbm>>
    %dma_start3A_56 = tpu.memref_squeeze %dma_start3A_55 : memref<1x32768xf32, #tpu.memory_space<hbm>> -> memref<32768xf32, #tpu.memory_space<hbm>>
    %dma_start3A_57 = arith.constant 0 : i32
    %dma_start3A_58 = tpu.memref_slice %arg2[%add3A_4, %dma_start3A_57] : memref<64x32768xf32, #tpu.memory_space<hbm>> -> memref<1x32768xf32, #tpu.memory_space<hbm>>
    %dma_start3A_59 = tpu.memref_squeeze %dma_start3A_58 : memref<1x32768xf32, #tpu.memory_space<hbm>> -> memref<32768xf32, #tpu.memory_space<hbm>>
    tpu.enqueue_dma source(%dma_start3A_59 : memref<32768xf32, #tpu.memory_space<hbm>>) target(%arg5 : memref<32768xf32, #tpu.memory_space<vmem>>) target_semaphore(%arg12 : memref<!tpu.dma_semaphore, #tpu.memory_space<semaphore_mem>>)
    %parallel_loop3A = arith.constant 0 : i32
    %parallel_loop3A_60 = arith.constant 32 : i32
    %parallel_loop3A_61 = arith.constant 1 : i32
    %parallel_loop3A_62 = scf.for %parallel_loop3A_447 = %parallel_loop3A to %parallel_loop3A_60 step %parallel_loop3A_61 iter_args(%parallel_loop3A_448 = %broadcast_in_dim3A_44) -> (vector<16xf32>)  : i32 {
      %parallel_loop3A_449 = arith.constant 256 : i32
      %parallel_loop3A_450 = arith.muli %parallel_loop3A_447, %parallel_loop3A_449 : i32
      %parallel_loop3A_451 = arith.constant 0 : i32
      %parallel_loop3A_452 = arith.addi %parallel_loop3A_450, %parallel_loop3A_451 : i32
      %parallel_loop3A_453 = arith.index_cast %parallel_loop3A_452 : i32 to index
      %parallel_loop3A_454 = tpu.vector_load %arg4[%parallel_loop3A_453] {strides = array<i32>} : memref<32768xf32, #tpu.memory_space<vmem>>, vector<16xf32>,
      %parallel_loop3A_455 = arith.constant 16 : i32
      %parallel_loop3A_456 = arith.addi %parallel_loop3A_450, %parallel_loop3A_455 : i32
      %parallel_loop3A_457 = arith.index_cast %parallel_loop3A_456 : i32 to index
      %parallel_loop3A_458 = tpu.vector_load %arg4[%parallel_loop3A_457] {strides = array<i32>} : memref<32768xf32, #tpu.memory_space<vmem>>, vector<16xf32>,
      %parallel_loop3A_459 = arith.constant 32 : i32
      %parallel_loop3A_460 = arith.addi %parallel_loop3A_450, %parallel_loop3A_459 : i32
      %parallel_loop3A_461 = arith.index_cast %parallel_loop3A_460 : i32 to index
      %parallel_loop3A_462 = tpu.vector_load %arg4[%parallel_loop3A_461] {strides = array<i32>} : memref<32768xf32, #tpu.memory_space<vmem>>, vector<16xf32>,
      %parallel_loop3A_463 = arith.constant 48 : i32
      %parallel_loop3A_464 = arith.addi %parallel_loop3A_450, %parallel_loop3A_463 : i32
      %parallel_loop3A_465 = arith.index_cast %parallel_loop3A_464 : i32 to index
      %parallel_loop3A_466 = tpu.vector_load %arg4[%parallel_loop3A_465] {strides = array<i32>} : memref<32768xf32, #tpu.memory_space<vmem>>, vector<16xf32>,
      %parallel_loop3A_467 = arith.constant 64 : i32
      %parallel_loop3A_468 = arith.addi %parallel_loop3A_450, %parallel_loop3A_467 : i32
      %parallel_loop3A_469 = arith.index_cast %parallel_loop3A_468 : i32 to index
      %parallel_loop3A_470 = tpu.vector_load %arg4[%parallel_loop3A_469] {strides = array<i32>} : memref<32768xf32, #tpu.memory_space<vmem>>, vector<16xf32>,
      %parallel_loop3A_471 = arith.constant 80 : i32
      %parallel_loop3A_472 = arith.addi %parallel_loop3A_450, %parallel_loop3A_471 : i32
      %parallel_loop3A_473 = arith.index_cast %parallel_loop3A_472 : i32 to index
      %parallel_loop3A_474 = tpu.vector_load %arg4[%parallel_loop3A_473] {strides = array<i32>} : memref<32768xf32, #tpu.memory_space<vmem>>, vector<16xf32>,
      %parallel_loop3A_475 = arith.constant 96 : i32
      %parallel_loop3A_476 = arith.addi %parallel_loop3A_450, %parallel_loop3A_475 : i32
      %parallel_loop3A_477 = arith.index_cast %parallel_loop3A_476 : i32 to index
      %parallel_loop3A_478 = tpu.vector_load %arg4[%parallel_loop3A_477] {strides = array<i32>} : memref<32768xf32, #tpu.memory_space<vmem>>, vector<16xf32>,
      %parallel_loop3A_479 = arith.constant 112 : i32
      %parallel_loop3A_480 = arith.addi %parallel_loop3A_450, %parallel_loop3A_479 : i32
      %parallel_loop3A_481 = arith.index_cast %parallel_loop3A_480 : i32 to index
      %parallel_loop3A_482 = tpu.vector_load %arg4[%parallel_loop3A_481] {strides = array<i32>} : memref<32768xf32, #tpu.memory_space<vmem>>, vector<16xf32>,
      %parallel_loop3A_483 = arith.constant 128 : i32
      %parallel_loop3A_484 = arith.addi %parallel_loop3A_450, %parallel_loop3A_483 : i32
      %parallel_loop3A_485 = arith.index_cast %parallel_loop3A_484 : i32 to index
      %parallel_loop3A_486 = tpu.vector_load %arg4[%parallel_loop3A_485] {strides = array<i32>} : memref<32768xf32, #tpu.memory_space<vmem>>, vector<16xf32>,
      %parallel_loop3A_487 = arith.constant 144 : i32
      %parallel_loop3A_488 = arith.addi %parallel_loop3A_450, %parallel_loop3A_487 : i32
      %parallel_loop3A_489 = arith.index_cast %parallel_loop3A_488 : i32 to index
      %parallel_loop3A_490 = tpu.vector_load %arg4[%parallel_loop3A_489] {strides = array<i32>} : memref<32768xf32, #tpu.memory_space<vmem>>, vector<16xf32>,
      %parallel_loop3A_491 = arith.constant 160 : i32
      %parallel_loop3A_492 = arith.addi %parallel_loop3A_450, %parallel_loop3A_491 : i32
      %parallel_loop3A_493 = arith.index_cast %parallel_loop3A_492 : i32 to index
      %parallel_loop3A_494 = tpu.vector_load %arg4[%parallel_loop3A_493] {strides = array<i32>} : memref<32768xf32, #tpu.memory_space<vmem>>, vector<16xf32>,
      %parallel_loop3A_495 = arith.constant 176 : i32
      %parallel_loop3A_496 = arith.addi %parallel_loop3A_450, %parallel_loop3A_495 : i32
      %parallel_loop3A_497 = arith.index_cast %parallel_loop3A_496 : i32 to index
      %parallel_loop3A_498 = tpu.vector_load %arg4[%parallel_loop3A_497] {strides = array<i32>} : memref<32768xf32, #tpu.memory_space<vmem>>, vector<16xf32>,
      %parallel_loop3A_499 = arith.constant 192 : i32
      %parallel_loop3A_500 = arith.addi %parallel_loop3A_450, %parallel_loop3A_499 : i32
      %parallel_loop3A_501 = arith.index_cast %parallel_loop3A_500 : i32 to index
      %parallel_loop3A_502 = tpu.vector_load %arg4[%parallel_loop3A_501] {strides = array<i32>} : memref<32768xf32, #tpu.memory_space<vmem>>, vector<16xf32>,
      %parallel_loop3A_503 = arith.constant 208 : i32
      %parallel_loop3A_504 = arith.addi %parallel_loop3A_450, %parallel_loop3A_503 : i32
      %parallel_loop3A_505 = arith.index_cast %parallel_loop3A_504 : i32 to index
      %parallel_loop3A_506 = tpu.vector_load %arg4[%parallel_loop3A_505] {strides = array<i32>} : memref<32768xf32, #tpu.memory_space<vmem>>, vector<16xf32>,
      %parallel_loop3A_507 = arith.constant 224 : i32
      %parallel_loop3A_508 = arith.addi %parallel_loop3A_450, %parallel_loop3A_507 : i32
      %parallel_loop3A_509 = arith.index_cast %parallel_loop3A_508 : i32 to index
      %parallel_loop3A_510 = tpu.vector_load %arg4[%parallel_loop3A_509] {strides = array<i32>} : memref<32768xf32, #tpu.memory_space<vmem>>, vector<16xf32>,
      %parallel_loop3A_511 = arith.constant 240 : i32
      %parallel_loop3A_512 = arith.addi %parallel_loop3A_450, %parallel_loop3A_511 : i32
      %parallel_loop3A_513 = arith.index_cast %parallel_loop3A_512 : i32 to index
      %parallel_loop3A_514 = tpu.vector_load %arg4[%parallel_loop3A_513] {strides = array<i32>} : memref<32768xf32, #tpu.memory_space<vmem>>, vector<16xf32>,
      %parallel_loop3A_515 = arith.maximumf %parallel_loop3A_454, %parallel_loop3A_458 : vector<16xf32>
      %parallel_loop3A_516 = arith.maximumf %parallel_loop3A_462, %parallel_loop3A_466 : vector<16xf32>
      %parallel_loop3A_517 = arith.maximumf %parallel_loop3A_470, %parallel_loop3A_474 : vector<16xf32>
      %parallel_loop3A_518 = arith.maximumf %parallel_loop3A_478, %parallel_loop3A_482 : vector<16xf32>
      %parallel_loop3A_519 = arith.maximumf %parallel_loop3A_486, %parallel_loop3A_490 : vector<16xf32>
      %parallel_loop3A_520 = arith.maximumf %parallel_loop3A_494, %parallel_loop3A_498 : vector<16xf32>
      %parallel_loop3A_521 = arith.maximumf %parallel_loop3A_502, %parallel_loop3A_506 : vector<16xf32>
      %parallel_loop3A_522 = arith.maximumf %parallel_loop3A_510, %parallel_loop3A_514 : vector<16xf32>
      %parallel_loop3A_523 = arith.maximumf %parallel_loop3A_515, %parallel_loop3A_516 : vector<16xf32>
      %parallel_loop3A_524 = arith.maximumf %parallel_loop3A_517, %parallel_loop3A_518 : vector<16xf32>
      %parallel_loop3A_525 = arith.maximumf %parallel_loop3A_519, %parallel_loop3A_520 : vector<16xf32>
      %parallel_loop3A_526 = arith.maximumf %parallel_loop3A_521, %parallel_loop3A_522 : vector<16xf32>
      %parallel_loop3A_527 = arith.maximumf %parallel_loop3A_523, %parallel_loop3A_524 : vector<16xf32>
      %parallel_loop3A_528 = arith.maximumf %parallel_loop3A_525, %parallel_loop3A_526 : vector<16xf32>
      %parallel_loop3A_529 = arith.maximumf %parallel_loop3A_527, %parallel_loop3A_528 : vector<16xf32>
      %parallel_loop3A_530 = arith.constant 16 : i32
      %parallel_loop3A_531 = arith.muli %parallel_loop3A_447, %parallel_loop3A_530 : i32
      %parallel_loop3A_532 = arith.index_cast %parallel_loop3A_531 : i32 to index
      %parallel_loop3A_533 = tpu.vector_load %arg6[%parallel_loop3A_532] {strides = array<i32>} : memref<2048xf32, #tpu.memory_space<vmem>>, vector<16xf32>,
      tpu.vector_store %arg6[%parallel_loop3A_532], %parallel_loop3A_529 {strides = array<i32>} : memref<2048xf32, #tpu.memory_space<vmem>>, vector<16xf32>,
      %parallel_loop3A_534 = arith.maximumf %parallel_loop3A_448, %parallel_loop3A_529 : vector<16xf32>
      scf.yield %parallel_loop3A_534 : vector<16xf32>
    } {sc.loop_unroll_factor = 2 : i64, sc.parallel_access}
    %dma_wait3A_63 = arith.constant 8192 : i32
    %dma_wait3A_64 = tpu.memref_slice %arg4[%dma_wait3A_63] : memref<32768xf32, #tpu.memory_space<vmem>> -> memref<8192xf32, #tpu.memory_space<vmem>>
    %dma_wait3A_65 = arith.constant 8192 : i32
    %dma_wait3A_66 = tpu.memref_slice %arg2[%mul3A_2, %dma_wait3A_65] : memref<64x32768xf32, #tpu.memory_space<hbm>> -> memref<1x8192xf32, #tpu.memory_space<hbm>>
    %dma_wait3A_67 = tpu.memref_squeeze %dma_wait3A_66 : memref<1x8192xf32, #tpu.memory_space<hbm>> -> memref<8192xf32, #tpu.memory_space<hbm>>
    %dma_wait3A_68 = arith.constant 8192 : i32
    %dma_wait3A_69 = tpu.memref_slice %arg4[%dma_wait3A_68] : memref<32768xf32, #tpu.memory_space<vmem>> -> memref<8192xf32, #tpu.memory_space<vmem>>
    %dma_wait3A_70 = arith.constant 8192 : i32
    %dma_wait3A_71 = tpu.memref_slice %arg2[%mul3A_2, %dma_wait3A_70] : memref<64x32768xf32, #tpu.memory_space<hbm>> -> memref<1x8192xf32, #tpu.memory_space<hbm>>
    %dma_wait3A_72 = tpu.memref_squeeze %dma_wait3A_71 : memref<1x8192xf32, #tpu.memory_space<hbm>> -> memref<8192xf32, #tpu.memory_space<hbm>>
    tpu.wait_dma2 semaphore(%arg11 : memref<!tpu.dma_semaphore, #tpu.memory_space<semaphore_mem>>) src(%dma_wait3A_72 : memref<8192xf32, #tpu.memory_space<hbm>>) dst(%dma_wait3A_69 : memref<8192xf32, #tpu.memory_space<vmem>>)
    %parallel_loop3A_73 = arith.constant 32 : i32
    %parallel_loop3A_74 = arith.constant 64 : i32
    %parallel_loop3A_75 = arith.constant 1 : i32
    %parallel_loop3A_76 = scf.for %parallel_loop3A_447 = %parallel_loop3A_73 to %parallel_loop3A_74 step %parallel_loop3A_75 iter_args(%parallel_loop3A_448 = %parallel_loop3A_62) -> (vector<16xf32>)  : i32 {
      %parallel_loop3A_449 = arith.constant 256 : i32
      %parallel_loop3A_450 = arith.muli %parallel_loop3A_447, %parallel_loop3A_449 : i32
      %parallel_loop3A_451 = arith.constant 0 : i32
      %parallel_loop3A_452 = arith.addi %parallel_loop3A_450, %parallel_loop3A_451 : i32
      %parallel_loop3A_453 = arith.index_cast %parallel_loop3A_452 : i32 to index
      %parallel_loop3A_454 = tpu.vector_load %arg4[%parallel_loop3A_453] {strides = array<i32>} : memref<32768xf32, #tpu.memory_space<vmem>>, vector<16xf32>,
      %parallel_loop3A_455 = arith.constant 16 : i32
      %parallel_loop3A_456 = arith.addi %parallel_loop3A_450, %parallel_loop3A_455 : i32
      %parallel_loop3A_457 = arith.index_cast %parallel_loop3A_456 : i32 to index
      %parallel_loop3A_458 = tpu.vector_load %arg4[%parallel_loop3A_457] {strides = array<i32>} : memref<32768xf32, #tpu.memory_space<vmem>>, vector<16xf32>,
      %parallel_loop3A_459 = arith.constant 32 : i32
      %parallel_loop3A_460 = arith.addi %parallel_loop3A_450, %parallel_loop3A_459 : i32
      %parallel_loop3A_461 = arith.index_cast %parallel_loop3A_460 : i32 to index
      %parallel_loop3A_462 = tpu.vector_load %arg4[%parallel_loop3A_461] {strides = array<i32>} : memref<32768xf32, #tpu.memory_space<vmem>>, vector<16xf32>,
      %parallel_loop3A_463 = arith.constant 48 : i32
      %parallel_loop3A_464 = arith.addi %parallel_loop3A_450, %parallel_loop3A_463 : i32
      %parallel_loop3A_465 = arith.index_cast %parallel_loop3A_464 : i32 to index
      %parallel_loop3A_466 = tpu.vector_load %arg4[%parallel_loop3A_465] {strides = array<i32>} : memref<32768xf32, #tpu.memory_space<vmem>>, vector<16xf32>,
      %parallel_loop3A_467 = arith.constant 64 : i32
      %parallel_loop3A_468 = arith.addi %parallel_loop3A_450, %parallel_loop3A_467 : i32
      %parallel_loop3A_469 = arith.index_cast %parallel_loop3A_468 : i32 to index
      %parallel_loop3A_470 = tpu.vector_load %arg4[%parallel_loop3A_469] {strides = array<i32>} : memref<32768xf32, #tpu.memory_space<vmem>>, vector<16xf32>,
      %parallel_loop3A_471 = arith.constant 80 : i32
      %parallel_loop3A_472 = arith.addi %parallel_loop3A_450, %parallel_loop3A_471 : i32
      %parallel_loop3A_473 = arith.index_cast %parallel_loop3A_472 : i32 to index
      %parallel_loop3A_474 = tpu.vector_load %arg4[%parallel_loop3A_473] {strides = array<i32>} : memref<32768xf32, #tpu.memory_space<vmem>>, vector<16xf32>,
      %parallel_loop3A_475 = arith.constant 96 : i32
      %parallel_loop3A_476 = arith.addi %parallel_loop3A_450, %parallel_loop3A_475 : i32
      %parallel_loop3A_477 = arith.index_cast %parallel_loop3A_476 : i32 to index
      %parallel_loop3A_478 = tpu.vector_load %arg4[%parallel_loop3A_477] {strides = array<i32>} : memref<32768xf32, #tpu.memory_space<vmem>>, vector<16xf32>,
      %parallel_loop3A_479 = arith.constant 112 : i32
      %parallel_loop3A_480 = arith.addi %parallel_loop3A_450, %parallel_loop3A_479 : i32
      %parallel_loop3A_481 = arith.index_cast %parallel_loop3A_480 : i32 to index
      %parallel_loop3A_482 = tpu.vector_load %arg4[%parallel_loop3A_481] {strides = array<i32>} : memref<32768xf32, #tpu.memory_space<vmem>>, vector<16xf32>,
      %parallel_loop3A_483 = arith.constant 128 : i32
      %parallel_loop3A_484 = arith.addi %parallel_loop3A_450, %parallel_loop3A_483 : i32
      %parallel_loop3A_485 = arith.index_cast %parallel_loop3A_484 : i32 to index
      %parallel_loop3A_486 = tpu.vector_load %arg4[%parallel_loop3A_485] {strides = array<i32>} : memref<32768xf32, #tpu.memory_space<vmem>>, vector<16xf32>,
      %parallel_loop3A_487 = arith.constant 144 : i32
      %parallel_loop3A_488 = arith.addi %parallel_loop3A_450, %parallel_loop3A_487 : i32
      %parallel_loop3A_489 = arith.index_cast %parallel_loop3A_488 : i32 to index
      %parallel_loop3A_490 = tpu.vector_load %arg4[%parallel_loop3A_489] {strides = array<i32>} : memref<32768xf32, #tpu.memory_space<vmem>>, vector<16xf32>,
      %parallel_loop3A_491 = arith.constant 160 : i32
      %parallel_loop3A_492 = arith.addi %parallel_loop3A_450, %parallel_loop3A_491 : i32
      %parallel_loop3A_493 = arith.index_cast %parallel_loop3A_492 : i32 to index
      %parallel_loop3A_494 = tpu.vector_load %arg4[%parallel_loop3A_493] {strides = array<i32>} : memref<32768xf32, #tpu.memory_space<vmem>>, vector<16xf32>,
      %parallel_loop3A_495 = arith.constant 176 : i32
      %parallel_loop3A_496 = arith.addi %parallel_loop3A_450, %parallel_loop3A_495 : i32
      %parallel_loop3A_497 = arith.index_cast %parallel_loop3A_496 : i32 to index
      %parallel_loop3A_498 = tpu.vector_load %arg4[%parallel_loop3A_497] {strides = array<i32>} : memref<32768xf32, #tpu.memory_space<vmem>>, vector<16xf32>,
      %parallel_loop3A_499 = arith.constant 192 : i32
      %parallel_loop3A_500 = arith.addi %parallel_loop3A_450, %parallel_loop3A_499 : i32
      %parallel_loop3A_501 = arith.index_cast %parallel_loop3A_500 : i32 to index
      %parallel_loop3A_502 = tpu.vector_load %arg4[%parallel_loop3A_501] {strides = array<i32>} : memref<32768xf32, #tpu.memory_space<vmem>>, vector<16xf32>,
      %parallel_loop3A_503 = arith.constant 208 : i32
      %parallel_loop3A_504 = arith.addi %parallel_loop3A_450, %parallel_loop3A_503 : i32
      %parallel_loop3A_505 = arith.index_cast %parallel_loop3A_504 : i32 to index
      %parallel_loop3A_506 = tpu.vector_load %arg4[%parallel_loop3A_505] {strides = array<i32>} : memref<32768xf32, #tpu.memory_space<vmem>>, vector<16xf32>,
      %parallel_loop3A_507 = arith.constant 224 : i32
      %parallel_loop3A_508 = arith.addi %parallel_loop3A_450, %parallel_loop3A_507 : i32
      %parallel_loop3A_509 = arith.index_cast %parallel_loop3A_508 : i32 to index
      %parallel_loop3A_510 = tpu.vector_load %arg4[%parallel_loop3A_509] {strides = array<i32>} : memref<32768xf32, #tpu.memory_space<vmem>>, vector<16xf32>,
      %parallel_loop3A_511 = arith.constant 240 : i32
      %parallel_loop3A_512 = arith.addi %parallel_loop3A_450, %parallel_loop3A_511 : i32
      %parallel_loop3A_513 = arith.index_cast %parallel_loop3A_512 : i32 to index
      %parallel_loop3A_514 = tpu.vector_load %arg4[%parallel_loop3A_513] {strides = array<i32>} : memref<32768xf32, #tpu.memory_space<vmem>>, vector<16xf32>,
      %parallel_loop3A_515 = arith.maximumf %parallel_loop3A_454, %parallel_loop3A_458 : vector<16xf32>
      %parallel_loop3A_516 = arith.maximumf %parallel_loop3A_462, %parallel_loop3A_466 : vector<16xf32>
      %parallel_loop3A_517 = arith.maximumf %parallel_loop3A_470, %parallel_loop3A_474 : vector<16xf32>
      %parallel_loop3A_518 = arith.maximumf %parallel_loop3A_478, %parallel_loop3A_482 : vector<16xf32>
      %parallel_loop3A_519 = arith.maximumf %parallel_loop3A_486, %parallel_loop3A_490 : vector<16xf32>
      %parallel_loop3A_520 = arith.maximumf %parallel_loop3A_494, %parallel_loop3A_498 : vector<16xf32>
      %parallel_loop3A_521 = arith.maximumf %parallel_loop3A_502, %parallel_loop3A_506 : vector<16xf32>
      %parallel_loop3A_522 = arith.maximumf %parallel_loop3A_510, %parallel_loop3A_514 : vector<16xf32>
      %parallel_loop3A_523 = arith.maximumf %parallel_loop3A_515, %parallel_loop3A_516 : vector<16xf32>
      %parallel_loop3A_524 = arith.maximumf %parallel_loop3A_517, %parallel_loop3A_518 : vector<16xf32>
      %parallel_loop3A_525 = arith.maximumf %parallel_loop3A_519, %parallel_loop3A_520 : vector<16xf32>
      %parallel_loop3A_526 = arith.maximumf %parallel_loop3A_521, %parallel_loop3A_522 : vector<16xf32>
      %parallel_loop3A_527 = arith.maximumf %parallel_loop3A_523, %parallel_loop3A_524 : vector<16xf32>
      %parallel_loop3A_528 = arith.maximumf %parallel_loop3A_525, %parallel_loop3A_526 : vector<16xf32>
      %parallel_loop3A_529 = arith.maximumf %parallel_loop3A_527, %parallel_loop3A_528 : vector<16xf32>
      %parallel_loop3A_530 = arith.constant 16 : i32
      %parallel_loop3A_531 = arith.muli %parallel_loop3A_447, %parallel_loop3A_530 : i32
      %parallel_loop3A_532 = arith.index_cast %parallel_loop3A_531 : i32 to index
      %parallel_loop3A_533 = tpu.vector_load %arg6[%parallel_loop3A_532] {strides = array<i32>} : memref<2048xf32, #tpu.memory_space<vmem>>, vector<16xf32>,
      tpu.vector_store %arg6[%parallel_loop3A_532], %parallel_loop3A_529 {strides = array<i32>} : memref<2048xf32, #tpu.memory_space<vmem>>, vector<16xf32>,
      %parallel_loop3A_534 = arith.maximumf %parallel_loop3A_448, %parallel_loop3A_529 : vector<16xf32>
      scf.yield %parallel_loop3A_534 : vector<16xf32>
    } {sc.loop_unroll_factor = 2 : i64, sc.parallel_access}
    %dma_wait3A_77 = arith.constant 16384 : i32
    %dma_wait3A_78 = tpu.memref_slice %arg4[%dma_wait3A_77] : memref<32768xf32, #tpu.memory_space<vmem>> -> memref<8192xf32, #tpu.memory_space<vmem>>
    %dma_wait3A_79 = arith.constant 16384 : i32
    %dma_wait3A_80 = tpu.memref_slice %arg2[%mul3A_2, %dma_wait3A_79] : memref<64x32768xf32, #tpu.memory_space<hbm>> -> memref<1x8192xf32, #tpu.memory_space<hbm>>
    %dma_wait3A_81 = tpu.memref_squeeze %dma_wait3A_80 : memref<1x8192xf32, #tpu.memory_space<hbm>> -> memref<8192xf32, #tpu.memory_space<hbm>>
    %dma_wait3A_82 = arith.constant 16384 : i32
    %dma_wait3A_83 = tpu.memref_slice %arg4[%dma_wait3A_82] : memref<32768xf32, #tpu.memory_space<vmem>> -> memref<8192xf32, #tpu.memory_space<vmem>>
    %dma_wait3A_84 = arith.constant 16384 : i32
    %dma_wait3A_85 = tpu.memref_slice %arg2[%mul3A_2, %dma_wait3A_84] : memref<64x32768xf32, #tpu.memory_space<hbm>> -> memref<1x8192xf32, #tpu.memory_space<hbm>>
    %dma_wait3A_86 = tpu.memref_squeeze %dma_wait3A_85 : memref<1x8192xf32, #tpu.memory_space<hbm>> -> memref<8192xf32, #tpu.memory_space<hbm>>
    tpu.wait_dma2 semaphore(%arg11 : memref<!tpu.dma_semaphore, #tpu.memory_space<semaphore_mem>>) src(%dma_wait3A_86 : memref<8192xf32, #tpu.memory_space<hbm>>) dst(%dma_wait3A_83 : memref<8192xf32, #tpu.memory_space<vmem>>)
    %parallel_loop3A_87 = arith.constant 64 : i32
    %parallel_loop3A_88 = arith.constant 96 : i32
    %parallel_loop3A_89 = arith.constant 1 : i32
    %parallel_loop3A_90 = scf.for %parallel_loop3A_447 = %parallel_loop3A_87 to %parallel_loop3A_88 step %parallel_loop3A_89 iter_args(%parallel_loop3A_448 = %parallel_loop3A_76) -> (vector<16xf32>)  : i32 {
      %parallel_loop3A_449 = arith.constant 256 : i32
      %parallel_loop3A_450 = arith.muli %parallel_loop3A_447, %parallel_loop3A_449 : i32
      %parallel_loop3A_451 = arith.constant 0 : i32
      %parallel_loop3A_452 = arith.addi %parallel_loop3A_450, %parallel_loop3A_451 : i32
      %parallel_loop3A_453 = arith.index_cast %parallel_loop3A_452 : i32 to index
      %parallel_loop3A_454 = tpu.vector_load %arg4[%parallel_loop3A_453] {strides = array<i32>} : memref<32768xf32, #tpu.memory_space<vmem>>, vector<16xf32>,
      %parallel_loop3A_455 = arith.constant 16 : i32
      %parallel_loop3A_456 = arith.addi %parallel_loop3A_450, %parallel_loop3A_455 : i32
      %parallel_loop3A_457 = arith.index_cast %parallel_loop3A_456 : i32 to index
      %parallel_loop3A_458 = tpu.vector_load %arg4[%parallel_loop3A_457] {strides = array<i32>} : memref<32768xf32, #tpu.memory_space<vmem>>, vector<16xf32>,
      %parallel_loop3A_459 = arith.constant 32 : i32
      %parallel_loop3A_460 = arith.addi %parallel_loop3A_450, %parallel_loop3A_459 : i32
      %parallel_loop3A_461 = arith.index_cast %parallel_loop3A_460 : i32 to index
      %parallel_loop3A_462 = tpu.vector_load %arg4[%parallel_loop3A_461] {strides = array<i32>} : memref<32768xf32, #tpu.memory_space<vmem>>, vector<16xf32>,
      %parallel_loop3A_463 = arith.constant 48 : i32
      %parallel_loop3A_464 = arith.addi %parallel_loop3A_450, %parallel_loop3A_463 : i32
      %parallel_loop3A_465 = arith.index_cast %parallel_loop3A_464 : i32 to index
      %parallel_loop3A_466 = tpu.vector_load %arg4[%parallel_loop3A_465] {strides = array<i32>} : memref<32768xf32, #tpu.memory_space<vmem>>, vector<16xf32>,
      %parallel_loop3A_467 = arith.constant 64 : i32
      %parallel_loop3A_468 = arith.addi %parallel_loop3A_450, %parallel_loop3A_467 : i32
      %parallel_loop3A_469 = arith.index_cast %parallel_loop3A_468 : i32 to index
      %parallel_loop3A_470 = tpu.vector_load %arg4[%parallel_loop3A_469] {strides = array<i32>} : memref<32768xf32, #tpu.memory_space<vmem>>, vector<16xf32>,
      %parallel_loop3A_471 = arith.constant 80 : i32
      %parallel_loop3A_472 = arith.addi %parallel_loop3A_450, %parallel_loop3A_471 : i32
      %parallel_loop3A_473 = arith.index_cast %parallel_loop3A_472 : i32 to index
      %parallel_loop3A_474 = tpu.vector_load %arg4[%parallel_loop3A_473] {strides = array<i32>} : memref<32768xf32, #tpu.memory_space<vmem>>, vector<16xf32>,
      %parallel_loop3A_475 = arith.constant 96 : i32
      %parallel_loop3A_476 = arith.addi %parallel_loop3A_450, %parallel_loop3A_475 : i32
      %parallel_loop3A_477 = arith.index_cast %parallel_loop3A_476 : i32 to index
      %parallel_loop3A_478 = tpu.vector_load %arg4[%parallel_loop3A_477] {strides = array<i32>} : memref<32768xf32, #tpu.memory_space<vmem>>, vector<16xf32>,
      %parallel_loop3A_479 = arith.constant 112 : i32
      %parallel_loop3A_480 = arith.addi %parallel_loop3A_450, %parallel_loop3A_479 : i32
      %parallel_loop3A_481 = arith.index_cast %parallel_loop3A_480 : i32 to index
      %parallel_loop3A_482 = tpu.vector_load %arg4[%parallel_loop3A_481] {strides = array<i32>} : memref<32768xf32, #tpu.memory_space<vmem>>, vector<16xf32>,
      %parallel_loop3A_483 = arith.constant 128 : i32
      %parallel_loop3A_484 = arith.addi %parallel_loop3A_450, %parallel_loop3A_483 : i32
      %parallel_loop3A_485 = arith.index_cast %parallel_loop3A_484 : i32 to index
      %parallel_loop3A_486 = tpu.vector_load %arg4[%parallel_loop3A_485] {strides = array<i32>} : memref<32768xf32, #tpu.memory_space<vmem>>, vector<16xf32>,
      %parallel_loop3A_487 = arith.constant 144 : i32
      %parallel_loop3A_488 = arith.addi %parallel_loop3A_450, %parallel_loop3A_487 : i32
      %parallel_loop3A_489 = arith.index_cast %parallel_loop3A_488 : i32 to index
      %parallel_loop3A_490 = tpu.vector_load %arg4[%parallel_loop3A_489] {strides = array<i32>} : memref<32768xf32, #tpu.memory_space<vmem>>, vector<16xf32>,
      %parallel_loop3A_491 = arith.constant 160 : i32
      %parallel_loop3A_492 = arith.addi %parallel_loop3A_450, %parallel_loop3A_491 : i32
      %parallel_loop3A_493 = arith.index_cast %parallel_loop3A_492 : i32 to index
      %parallel_loop3A_494 = tpu.vector_load %arg4[%parallel_loop3A_493] {strides = array<i32>} : memref<32768xf32, #tpu.memory_space<vmem>>, vector<16xf32>,
      %parallel_loop3A_495 = arith.constant 176 : i32
      %parallel_loop3A_496 = arith.addi %parallel_loop3A_450, %parallel_loop3A_495 : i32
      %parallel_loop3A_497 = arith.index_cast %parallel_loop3A_496 : i32 to index
      %parallel_loop3A_498 = tpu.vector_load %arg4[%parallel_loop3A_497] {strides = array<i32>} : memref<32768xf32, #tpu.memory_space<vmem>>, vector<16xf32>,
      %parallel_loop3A_499 = arith.constant 192 : i32
      %parallel_loop3A_500 = arith.addi %parallel_loop3A_450, %parallel_loop3A_499 : i32
      %parallel_loop3A_501 = arith.index_cast %parallel_loop3A_500 : i32 to index
      %parallel_loop3A_502 = tpu.vector_load %arg4[%parallel_loop3A_501] {strides = array<i32>} : memref<32768xf32, #tpu.memory_space<vmem>>, vector<16xf32>,
      %parallel_loop3A_503 = arith.constant 208 : i32
      %parallel_loop3A_504 = arith.addi %parallel_loop3A_450, %parallel_loop3A_503 : i32
      %parallel_loop3A_505 = arith.index_cast %parallel_loop3A_504 : i32 to index
      %parallel_loop3A_506 = tpu.vector_load %arg4[%parallel_loop3A_505] {strides = array<i32>} : memref<32768xf32, #tpu.memory_space<vmem>>, vector<16xf32>,
      %parallel_loop3A_507 = arith.constant 224 : i32
      %parallel_loop3A_508 = arith.addi %parallel_loop3A_450, %parallel_loop3A_507 : i32
      %parallel_loop3A_509 = arith.index_cast %parallel_loop3A_508 : i32 to index
      %parallel_loop3A_510 = tpu.vector_load %arg4[%parallel_loop3A_509] {strides = array<i32>} : memref<32768xf32, #tpu.memory_space<vmem>>, vector<16xf32>,
      %parallel_loop3A_511 = arith.constant 240 : i32
      %parallel_loop3A_512 = arith.addi %parallel_loop3A_450, %parallel_loop3A_511 : i32
      %parallel_loop3A_513 = arith.index_cast %parallel_loop3A_512 : i32 to index
      %parallel_loop3A_514 = tpu.vector_load %arg4[%parallel_loop3A_513] {strides = array<i32>} : memref<32768xf32, #tpu.memory_space<vmem>>, vector<16xf32>,
      %parallel_loop3A_515 = arith.maximumf %parallel_loop3A_454, %parallel_loop3A_458 : vector<16xf32>
      %parallel_loop3A_516 = arith.maximumf %parallel_loop3A_462, %parallel_loop3A_466 : vector<16xf32>
      %parallel_loop3A_517 = arith.maximumf %parallel_loop3A_470, %parallel_loop3A_474 : vector<16xf32>
      %parallel_loop3A_518 = arith.maximumf %parallel_loop3A_478, %parallel_loop3A_482 : vector<16xf32>
      %parallel_loop3A_519 = arith.maximumf %parallel_loop3A_486, %parallel_loop3A_490 : vector<16xf32>
      %parallel_loop3A_520 = arith.maximumf %parallel_loop3A_494, %parallel_loop3A_498 : vector<16xf32>
      %parallel_loop3A_521 = arith.maximumf %parallel_loop3A_502, %parallel_loop3A_506 : vector<16xf32>
      %parallel_loop3A_522 = arith.maximumf %parallel_loop3A_510, %parallel_loop3A_514 : vector<16xf32>
      %parallel_loop3A_523 = arith.maximumf %parallel_loop3A_515, %parallel_loop3A_516 : vector<16xf32>
      %parallel_loop3A_524 = arith.maximumf %parallel_loop3A_517, %parallel_loop3A_518 : vector<16xf32>
      %parallel_loop3A_525 = arith.maximumf %parallel_loop3A_519, %parallel_loop3A_520 : vector<16xf32>
      %parallel_loop3A_526 = arith.maximumf %parallel_loop3A_521, %parallel_loop3A_522 : vector<16xf32>
      %parallel_loop3A_527 = arith.maximumf %parallel_loop3A_523, %parallel_loop3A_524 : vector<16xf32>
      %parallel_loop3A_528 = arith.maximumf %parallel_loop3A_525, %parallel_loop3A_526 : vector<16xf32>
      %parallel_loop3A_529 = arith.maximumf %parallel_loop3A_527, %parallel_loop3A_528 : vector<16xf32>
      %parallel_loop3A_530 = arith.constant 16 : i32
      %parallel_loop3A_531 = arith.muli %parallel_loop3A_447, %parallel_loop3A_530 : i32
      %parallel_loop3A_532 = arith.index_cast %parallel_loop3A_531 : i32 to index
      %parallel_loop3A_533 = tpu.vector_load %arg6[%parallel_loop3A_532] {strides = array<i32>} : memref<2048xf32, #tpu.memory_space<vmem>>, vector<16xf32>,
      tpu.vector_store %arg6[%parallel_loop3A_532], %parallel_loop3A_529 {strides = array<i32>} : memref<2048xf32, #tpu.memory_space<vmem>>, vector<16xf32>,
      %parallel_loop3A_534 = arith.maximumf %parallel_loop3A_448, %parallel_loop3A_529 : vector<16xf32>
      scf.yield %parallel_loop3A_534 : vector<16xf32>
    } {sc.loop_unroll_factor = 2 : i64, sc.parallel_access}
    %dma_wait3A_91 = arith.constant 24576 : i32
    %dma_wait3A_92 = tpu.memref_slice %arg4[%dma_wait3A_91] : memref<32768xf32, #tpu.memory_space<vmem>> -> memref<8192xf32, #tpu.memory_space<vmem>>
    %dma_wait3A_93 = arith.constant 24576 : i32
    %dma_wait3A_94 = tpu.memref_slice %arg2[%mul3A_2, %dma_wait3A_93] : memref<64x32768xf32, #tpu.memory_space<hbm>> -> memref<1x8192xf32, #tpu.memory_space<hbm>>
    %dma_wait3A_95 = tpu.memref_squeeze %dma_wait3A_94 : memref<1x8192xf32, #tpu.memory_space<hbm>> -> memref<8192xf32, #tpu.memory_space<hbm>>
    %dma_wait3A_96 = arith.constant 24576 : i32
    %dma_wait3A_97 = tpu.memref_slice %arg4[%dma_wait3A_96] : memref<32768xf32, #tpu.memory_space<vmem>> -> memref<8192xf32, #tpu.memory_space<vmem>>
    %dma_wait3A_98 = arith.constant 24576 : i32
    %dma_wait3A_99 = tpu.memref_slice %arg2[%mul3A_2, %dma_wait3A_98] : memref<64x32768xf32, #tpu.memory_space<hbm>> -> memref<1x8192xf32, #tpu.memory_space<hbm>>
    %dma_wait3A_100 = tpu.memref_squeeze %dma_wait3A_99 : memref<1x8192xf32, #tpu.memory_space<hbm>> -> memref<8192xf32, #tpu.memory_space<hbm>>
    tpu.wait_dma2 semaphore(%arg11 : memref<!tpu.dma_semaphore, #tpu.memory_space<semaphore_mem>>) src(%dma_wait3A_100 : memref<8192xf32, #tpu.memory_space<hbm>>) dst(%dma_wait3A_97 : memref<8192xf32, #tpu.memory_space<vmem>>)
    %parallel_loop3A_101 = arith.constant 96 : i32
    %parallel_loop3A_102 = arith.constant 128 : i32
    %parallel_loop3A_103 = arith.constant 1 : i32
    %parallel_loop3A_104 = scf.for %parallel_loop3A_447 = %parallel_loop3A_101 to %parallel_loop3A_102 step %parallel_loop3A_103 iter_args(%parallel_loop3A_448 = %parallel_loop3A_90) -> (vector<16xf32>)  : i32 {
      %parallel_loop3A_449 = arith.constant 256 : i32
      %parallel_loop3A_450 = arith.muli %parallel_loop3A_447, %parallel_loop3A_449 : i32
      %parallel_loop3A_451 = arith.constant 0 : i32
      %parallel_loop3A_452 = arith.addi %parallel_loop3A_450, %parallel_loop3A_451 : i32
      %parallel_loop3A_453 = arith.index_cast %parallel_loop3A_452 : i32 to index
      %parallel_loop3A_454 = tpu.vector_load %arg4[%parallel_loop3A_453] {strides = array<i32>} : memref<32768xf32, #tpu.memory_space<vmem>>, vector<16xf32>,
      %parallel_loop3A_455 = arith.constant 16 : i32
      %parallel_loop3A_456 = arith.addi %parallel_loop3A_450, %parallel_loop3A_455 : i32
      %parallel_loop3A_457 = arith.index_cast %parallel_loop3A_456 : i32 to index
      %parallel_loop3A_458 = tpu.vector_load %arg4[%parallel_loop3A_457] {strides = array<i32>} : memref<32768xf32, #tpu.memory_space<vmem>>, vector<16xf32>,
      %parallel_loop3A_459 = arith.constant 32 : i32
      %parallel_loop3A_460 = arith.addi %parallel_loop3A_450, %parallel_loop3A_459 : i32
      %parallel_loop3A_461 = arith.index_cast %parallel_loop3A_460 : i32 to index
      %parallel_loop3A_462 = tpu.vector_load %arg4[%parallel_loop3A_461] {strides = array<i32>} : memref<32768xf32, #tpu.memory_space<vmem>>, vector<16xf32>,
      %parallel_loop3A_463 = arith.constant 48 : i32
      %parallel_loop3A_464 = arith.addi %parallel_loop3A_450, %parallel_loop3A_463 : i32
      %parallel_loop3A_465 = arith.index_cast %parallel_loop3A_464 : i32 to index
      %parallel_loop3A_466 = tpu.vector_load %arg4[%parallel_loop3A_465] {strides = array<i32>} : memref<32768xf32, #tpu.memory_space<vmem>>, vector<16xf32>,
      %parallel_loop3A_467 = arith.constant 64 : i32
      %parallel_loop3A_468 = arith.addi %parallel_loop3A_450, %parallel_loop3A_467 : i32
      %parallel_loop3A_469 = arith.index_cast %parallel_loop3A_468 : i32 to index
      %parallel_loop3A_470 = tpu.vector_load %arg4[%parallel_loop3A_469] {strides = array<i32>} : memref<32768xf32, #tpu.memory_space<vmem>>, vector<16xf32>,
      %parallel_loop3A_471 = arith.constant 80 : i32
      %parallel_loop3A_472 = arith.addi %parallel_loop3A_450, %parallel_loop3A_471 : i32
      %parallel_loop3A_473 = arith.index_cast %parallel_loop3A_472 : i32 to index
      %parallel_loop3A_474 = tpu.vector_load %arg4[%parallel_loop3A_473] {strides = array<i32>} : memref<32768xf32, #tpu.memory_space<vmem>>, vector<16xf32>,
      %parallel_loop3A_475 = arith.constant 96 : i32
      %parallel_loop3A_476 = arith.addi %parallel_loop3A_450, %parallel_loop3A_475 : i32
      %parallel_loop3A_477 = arith.index_cast %parallel_loop3A_476 : i32 to index
      %parallel_loop3A_478 = tpu.vector_load %arg4[%parallel_loop3A_477] {strides = array<i32>} : memref<32768xf32, #tpu.memory_space<vmem>>, vector<16xf32>,
      %parallel_loop3A_479 = arith.constant 112 : i32
      %parallel_loop3A_480 = arith.addi %parallel_loop3A_450, %parallel_loop3A_479 : i32
      %parallel_loop3A_481 = arith.index_cast %parallel_loop3A_480 : i32 to index
      %parallel_loop3A_482 = tpu.vector_load %arg4[%parallel_loop3A_481] {strides = array<i32>} : memref<32768xf32, #tpu.memory_space<vmem>>, vector<16xf32>,
      %parallel_loop3A_483 = arith.constant 128 : i32
      %parallel_loop3A_484 = arith.addi %parallel_loop3A_450, %parallel_loop3A_483 : i32
      %parallel_loop3A_485 = arith.index_cast %parallel_loop3A_484 : i32 to index
      %parallel_loop3A_486 = tpu.vector_load %arg4[%parallel_loop3A_485] {strides = array<i32>} : memref<32768xf32, #tpu.memory_space<vmem>>, vector<16xf32>,
      %parallel_loop3A_487 = arith.constant 144 : i32
      %parallel_loop3A_488 = arith.addi %parallel_loop3A_450, %parallel_loop3A_487 : i32
      %parallel_loop3A_489 = arith.index_cast %parallel_loop3A_488 : i32 to index
      %parallel_loop3A_490 = tpu.vector_load %arg4[%parallel_loop3A_489] {strides = array<i32>} : memref<32768xf32, #tpu.memory_space<vmem>>, vector<16xf32>,
      %parallel_loop3A_491 = arith.constant 160 : i32
      %parallel_loop3A_492 = arith.addi %parallel_loop3A_450, %parallel_loop3A_491 : i32
      %parallel_loop3A_493 = arith.index_cast %parallel_loop3A_492 : i32 to index
      %parallel_loop3A_494 = tpu.vector_load %arg4[%parallel_loop3A_493] {strides = array<i32>} : memref<32768xf32, #tpu.memory_space<vmem>>, vector<16xf32>,
      %parallel_loop3A_495 = arith.constant 176 : i32
      %parallel_loop3A_496 = arith.addi %parallel_loop3A_450, %parallel_loop3A_495 : i32
      %parallel_loop3A_497 = arith.index_cast %parallel_loop3A_496 : i32 to index
      %parallel_loop3A_498 = tpu.vector_load %arg4[%parallel_loop3A_497] {strides = array<i32>} : memref<32768xf32, #tpu.memory_space<vmem>>, vector<16xf32>,
      %parallel_loop3A_499 = arith.constant 192 : i32
      %parallel_loop3A_500 = arith.addi %parallel_loop3A_450, %parallel_loop3A_499 : i32
      %parallel_loop3A_501 = arith.index_cast %parallel_loop3A_500 : i32 to index
      %parallel_loop3A_502 = tpu.vector_load %arg4[%parallel_loop3A_501] {strides = array<i32>} : memref<32768xf32, #tpu.memory_space<vmem>>, vector<16xf32>,
      %parallel_loop3A_503 = arith.constant 208 : i32
      %parallel_loop3A_504 = arith.addi %parallel_loop3A_450, %parallel_loop3A_503 : i32
      %parallel_loop3A_505 = arith.index_cast %parallel_loop3A_504 : i32 to index
      %parallel_loop3A_506 = tpu.vector_load %arg4[%parallel_loop3A_505] {strides = array<i32>} : memref<32768xf32, #tpu.memory_space<vmem>>, vector<16xf32>,
      %parallel_loop3A_507 = arith.constant 224 : i32
      %parallel_loop3A_508 = arith.addi %parallel_loop3A_450, %parallel_loop3A_507 : i32
      %parallel_loop3A_509 = arith.index_cast %parallel_loop3A_508 : i32 to index
      %parallel_loop3A_510 = tpu.vector_load %arg4[%parallel_loop3A_509] {strides = array<i32>} : memref<32768xf32, #tpu.memory_space<vmem>>, vector<16xf32>,
      %parallel_loop3A_511 = arith.constant 240 : i32
      %parallel_loop3A_512 = arith.addi %parallel_loop3A_450, %parallel_loop3A_511 : i32
      %parallel_loop3A_513 = arith.index_cast %parallel_loop3A_512 : i32 to index
      %parallel_loop3A_514 = tpu.vector_load %arg4[%parallel_loop3A_513] {strides = array<i32>} : memref<32768xf32, #tpu.memory_space<vmem>>, vector<16xf32>,
      %parallel_loop3A_515 = arith.maximumf %parallel_loop3A_454, %parallel_loop3A_458 : vector<16xf32>
      %parallel_loop3A_516 = arith.maximumf %parallel_loop3A_462, %parallel_loop3A_466 : vector<16xf32>
      %parallel_loop3A_517 = arith.maximumf %parallel_loop3A_470, %parallel_loop3A_474 : vector<16xf32>
      %parallel_loop3A_518 = arith.maximumf %parallel_loop3A_478, %parallel_loop3A_482 : vector<16xf32>
      %parallel_loop3A_519 = arith.maximumf %parallel_loop3A_486, %parallel_loop3A_490 : vector<16xf32>
      %parallel_loop3A_520 = arith.maximumf %parallel_loop3A_494, %parallel_loop3A_498 : vector<16xf32>
      %parallel_loop3A_521 = arith.maximumf %parallel_loop3A_502, %parallel_loop3A_506 : vector<16xf32>
      %parallel_loop3A_522 = arith.maximumf %parallel_loop3A_510, %parallel_loop3A_514 : vector<16xf32>
      %parallel_loop3A_523 = arith.maximumf %parallel_loop3A_515, %parallel_loop3A_516 : vector<16xf32>
      %parallel_loop3A_524 = arith.maximumf %parallel_loop3A_517, %parallel_loop3A_518 : vector<16xf32>
      %parallel_loop3A_525 = arith.maximumf %parallel_loop3A_519, %parallel_loop3A_520 : vector<16xf32>
      %parallel_loop3A_526 = arith.maximumf %parallel_loop3A_521, %parallel_loop3A_522 : vector<16xf32>
      %parallel_loop3A_527 = arith.maximumf %parallel_loop3A_523, %parallel_loop3A_524 : vector<16xf32>
      %parallel_loop3A_528 = arith.maximumf %parallel_loop3A_525, %parallel_loop3A_526 : vector<16xf32>
      %parallel_loop3A_529 = arith.maximumf %parallel_loop3A_527, %parallel_loop3A_528 : vector<16xf32>
      %parallel_loop3A_530 = arith.constant 16 : i32
      %parallel_loop3A_531 = arith.muli %parallel_loop3A_447, %parallel_loop3A_530 : i32
      %parallel_loop3A_532 = arith.index_cast %parallel_loop3A_531 : i32 to index
      %parallel_loop3A_533 = tpu.vector_load %arg6[%parallel_loop3A_532] {strides = array<i32>} : memref<2048xf32, #tpu.memory_space<vmem>>, vector<16xf32>,
      tpu.vector_store %arg6[%parallel_loop3A_532], %parallel_loop3A_529 {strides = array<i32>} : memref<2048xf32, #tpu.memory_space<vmem>>, vector<16xf32>,
      %parallel_loop3A_534 = arith.maximumf %parallel_loop3A_448, %parallel_loop3A_529 : vector<16xf32>
      scf.yield %parallel_loop3A_534 : vector<16xf32>
    } {sc.loop_unroll_factor = 2 : i64, sc.parallel_access}
    %reduce_max3A = arith.constant true
    %reduce_max3A_105 = vector.broadcast %reduce_max3A : i1 to vector<16xi1>
    %reduce_max3A_106 = tpu.scan <max>, %parallel_loop3A_104 masked %reduce_max3A_105 : vector<16xf32>, vector<16xi1> -> vector<16xf32>
    %reduce_max3A_107 = vector.extract %reduce_max3A_106[15] : f32 from vector<16xf32>
    %sub3A = arith.constant 1.000000e+00 : f32
    %sub3A_108 = arith.subf %reduce_max3A_107, %sub3A : f32
    %iota3A = tpu.iota {dimensions = array<i32: 0>} : vector<16xi32>
    %eq3A = arith.constant 0 : i32
    %eq3A_109 = vector.broadcast %eq3A : i32 to vector<16xi32>
    %eq3A_110 = arith.cmpi eq, %iota3A, %eq3A_109 : vector<16xi32>
    %parallel_loop3A_111 = arith.constant 0 : i32
    %parallel_loop3A_112 = arith.constant 128 : i32
    %parallel_loop3A_113 = arith.constant 1 : i32
    scf.for %parallel_loop3A_447 = %parallel_loop3A_111 to %parallel_loop3A_112 step %parallel_loop3A_113  : i32 {
      %parallel_loop3A_448 = arith.constant 16 : i32
      %parallel_loop3A_449 = arith.muli %parallel_loop3A_447, %parallel_loop3A_448 : i32
      %parallel_loop3A_450 = arith.index_cast %parallel_loop3A_449 : i32 to index
      %parallel_loop3A_451 = tpu.vector_load %arg6[%parallel_loop3A_450] {strides = array<i32>} : memref<2048xf32, #tpu.memory_space<vmem>>, vector<16xf32>,
      %parallel_loop3A_452 = vector.broadcast %sub3A_108 : f32 to vector<16xf32>
      %parallel_loop3A_453 = arith.cmpf ogt, %parallel_loop3A_451, %parallel_loop3A_452 : vector<16xf32>
      %parallel_loop3A_454 = tpu.all_reduce %parallel_loop3A_453 {dim = 0 : i64, kind = #tpu.reduction_kind<sum>} : vector<16xi1> -> vector<16xi32>
      %parallel_loop3A_455 = vector.broadcast %parallel_loop3A_447 : i32 to vector<16xi32>
      tpu.vector_store_idx %arg7[%parallel_loop3A_455], %parallel_loop3A_454 masked %eq3A_110 : memref<128xi32, #tpu.memory_space<vmem>>[vector<16xi32>], vector<16xi32>, vector<16xi1>
    } {sc.loop_unroll_factor = 2 : i64, sc.parallel_access}
    %scan3A = arith.constant 0 : i32
    %scan3A_114 = arith.constant 0 : i32
    %scan3A_115 = arith.constant 8 : i32
    %scan3A_116 = arith.addi %scan3A_114, %scan3A_115 : i32
    %scan3A_117 = arith.constant 1 : i32
    %scan3A_118 = scf.for %scan3A_447 = %scan3A_114 to %scan3A_116 step %scan3A_117 iter_args(%scan3A_448 = %scan3A) -> (i32)  : i32 {
      %mul3A_449 = arith.constant 16 : i32
      %mul3A_450 = arith.muli %scan3A_447, %mul3A_449 : i32
      %get3A = arith.index_cast %mul3A_450 : i32 to index
      %get3A_451 = tpu.vector_load %arg7[%get3A] {strides = array<i32>} : memref<128xi32, #tpu.memory_space<vmem>>, vector<16xi32>,
      %broadcast_in_dim3A_452 = arith.constant true
      %broadcast_in_dim3A_453 = vector.broadcast %broadcast_in_dim3A_452 : i1 to vector<16xi1>
      %masked_cumsum3A = tpu.scan <sum>, %get3A_451 masked %broadcast_in_dim3A_453 : vector<16xi32>, vector<16xi1> -> vector<16xi32>
      %sub3A_454 = arith.subi %masked_cumsum3A, %get3A_451 : vector<16xi32>
      %add3A_455 = vector.broadcast %scan3A_448 : i32 to vector<16xi32>
      %add3A_456 = arith.addi %sub3A_454, %add3A_455 : vector<16xi32>
      %mul3A_457 = arith.constant 16 : i32
      %mul3A_458 = arith.muli %scan3A_447, %mul3A_457 : i32
      %swap3A_459 = arith.index_cast %mul3A_458 : i32 to index
      %swap3A_460 = tpu.vector_load %arg8[%swap3A_459] {strides = array<i32>} : memref<144xi32, #tpu.memory_space<vmem>>, vector<16xi32>,
      tpu.vector_store %arg8[%swap3A_459], %add3A_456 {strides = array<i32>} : memref<144xi32, #tpu.memory_space<vmem>>, vector<16xi32>,
      %slice3A = vector.extract_strided_slice %masked_cumsum3A {offsets = [15], sizes = [1], strides = [1]} : vector<16xi32> to vector<1xi32>
      %squeeze3A = vector.extract %slice3A[0] : i32 from vector<1xi32>
      %add3A_461 = arith.addi %scan3A_448, %squeeze3A : i32
      scf.yield %add3A_461 : i32
    }
    %scan3A_119 = arith.constant 8 : i32
    %parallel_loop3A_120 = arith.constant 0 : i32
    %parallel_loop3A_121 = arith.constant 128 : i32
    %parallel_loop3A_122 = arith.constant 1 : i32
    scf.for %parallel_loop3A_447 = %parallel_loop3A_120 to %parallel_loop3A_121 step %parallel_loop3A_122  : i32 {
      %parallel_loop3A_448 = arith.constant 16 : i32
      %parallel_loop3A_449 = arith.muli %parallel_loop3A_447, %parallel_loop3A_448 : i32
      %parallel_loop3A_450 = arith.index_cast %parallel_loop3A_449 : i32 to index
      %parallel_loop3A_451 = tpu.vector_load %arg6[%parallel_loop3A_450] {strides = array<i32>} : memref<2048xf32, #tpu.memory_space<vmem>>, vector<16xf32>,
      %parallel_loop3A_452 = vector.broadcast %sub3A_108 : f32 to vector<16xf32>
      %parallel_loop3A_453 = arith.cmpf ogt, %parallel_loop3A_451, %parallel_loop3A_452 : vector<16xf32>
      %parallel_loop3A_454 = arith.index_cast %parallel_loop3A_447 : i32 to index
      %parallel_loop3A_455 = tpu.vector_load %arg8[%parallel_loop3A_454] {strides = array<i32>} : memref<144xi32, #tpu.memory_space<vmem>>, vector<16xi32>,
      %parallel_loop3A_456 = vector.extract_strided_slice %parallel_loop3A_455 {offsets = [0], sizes = [1], strides = [1]} : vector<16xi32> to vector<1xi32>
      %parallel_loop3A_457 = vector.extract %parallel_loop3A_456[0] : i32 from vector<1xi32>
      %parallel_loop3A_458 = tpu.iota {dimensions = array<i32: 0>} : vector<16xi32>
      %parallel_loop3A_459 = arith.constant 16 : i32
      %parallel_loop3A_460 = arith.muli %parallel_loop3A_447, %parallel_loop3A_459 : i32
      %parallel_loop3A_461 = vector.broadcast %parallel_loop3A_460 : i32 to vector<16xi32>
      %parallel_loop3A_462 = arith.addi %parallel_loop3A_458, %parallel_loop3A_461 : vector<16xi32>
      %parallel_loop3A_463 = arith.index_cast %parallel_loop3A_457 : i32 to index
      %parallel_loop3A_464 = tpu.vector_load %arg9[%parallel_loop3A_463] masked %parallel_loop3A_453 {strides = array<i32>} : memref<2064xi32, #tpu.memory_space<vmem>>, vector<16xi32>, vector<16xi1>
      tpu.vector_store %arg9[%parallel_loop3A_463], %parallel_loop3A_462 masked %parallel_loop3A_453 {strides = array<i32>} : memref<2064xi32, #tpu.memory_space<vmem>>, vector<16xi32>, vector<16xi1>
    } {sc.loop_unroll_factor = 2 : i64, sc.parallel_access}
    %parallel_loop3A_123 = arith.constant 0 : i32
    %parallel_loop3A_124 = arith.constant 1 : i32
    scf.for %parallel_loop3A_447 = %parallel_loop3A_123 to %scan3A_118 step %parallel_loop3A_124  : i32 {
      %parallel_loop3A_448 = arith.index_cast %parallel_loop3A_447 : i32 to index
      %parallel_loop3A_449 = tpu.vector_load %arg9[%parallel_loop3A_448] {strides = array<i32>} : memref<2064xi32, #tpu.memory_space<vmem>>, vector<16xi32>,
      %parallel_loop3A_450 = vector.extract_strided_slice %parallel_loop3A_449 {offsets = [0], sizes = [1], strides = [1]} : vector<16xi32> to vector<1xi32>
      %parallel_loop3A_451 = vector.extract %parallel_loop3A_450[0] : i32 from vector<1xi32>
      %parallel_loop3A_452 = arith.constant 4 : i32
      %parallel_loop3A_453 = arith.shrsi %parallel_loop3A_451, %parallel_loop3A_452 : i32
      %parallel_loop3A_454 = arith.constant 256 : i32
      %parallel_loop3A_455 = arith.muli %parallel_loop3A_453, %parallel_loop3A_454 : i32
      %parallel_loop3A_456 = arith.constant 15 : i32
      %parallel_loop3A_457 = arith.andi %parallel_loop3A_451, %parallel_loop3A_456 : i32
      %parallel_loop3A_458 = arith.addi %parallel_loop3A_455, %parallel_loop3A_457 : i32
      %parallel_loop3A_459 = tpu.iota {dimensions = array<i32: 0>} : vector<16xi32>
      %parallel_loop3A_460 = arith.constant 16 : i32
      %parallel_loop3A_461 = vector.broadcast %parallel_loop3A_460 : i32 to vector<16xi32>
      %parallel_loop3A_462 = arith.muli %parallel_loop3A_459, %parallel_loop3A_461 : vector<16xi32>
      %parallel_loop3A_463 = vector.broadcast %parallel_loop3A_458 : i32 to vector<16xi32>
      %parallel_loop3A_464 = arith.addi %parallel_loop3A_463, %parallel_loop3A_462 : vector<16xi32>
      %parallel_loop3A_465 = tpu.vector_load_idx %arg4[%parallel_loop3A_464] : memref<32768xf32, #tpu.memory_space<vmem>>[vector<16xi32>], vector<16xf32>,
      %parallel_loop3A_466 = arith.constant 16 : i32
      %parallel_loop3A_467 = arith.muli %parallel_loop3A_447, %parallel_loop3A_466 : i32
      %parallel_loop3A_468 = arith.index_cast %parallel_loop3A_467 : i32 to index
      %parallel_loop3A_469 = tpu.vector_load %arg10[%parallel_loop3A_468] {strides = array<i32>} : memref<32800xf32, #tpu.memory_space<vmem>>, vector<16xf32>,
      tpu.vector_store %arg10[%parallel_loop3A_468], %parallel_loop3A_465 {strides = array<i32>} : memref<32800xf32, #tpu.memory_space<vmem>>, vector<16xf32>,
    } {sc.loop_unroll_factor = 2 : i64, sc.parallel_access}
    %broadcast_in_dim3A_125 = arith.constant -3.000000e+38 : f32
    %broadcast_in_dim3A_126 = vector.broadcast %broadcast_in_dim3A_125 : f32 to vector<16xf32>
    %mul3A_127 = arith.constant 16 : i32
    %mul3A_128 = arith.muli %scan3A_118, %mul3A_127 : i32
    %swap3A = arith.index_cast %mul3A_128 : i32 to index
    %swap3A_129 = tpu.vector_load %arg10[%swap3A] {strides = array<i32>} : memref<32800xf32, #tpu.memory_space<vmem>>, vector<16xf32>,
    tpu.vector_store %arg10[%swap3A], %broadcast_in_dim3A_126 {strides = array<i32>} : memref<32800xf32, #tpu.memory_space<vmem>>, vector<16xf32>,
    %add3A_130 = arith.constant 1 : i32
    %add3A_131 = arith.addi %scan3A_118, %add3A_130 : i32
    %shift_right_arithmetic3A = arith.constant 1 : i32
    %shift_right_arithmetic3A_132 = arith.shrsi %add3A_131, %shift_right_arithmetic3A : i32
    %sub3A_133 = arith.constant 1.000000e+00 : f32
    %sub3A_134 = arith.subf %sub3A_108, %sub3A_133 : f32
    %while3A = arith.constant 0 : i32
    %while3A_135:3 = scf.while (%while3A_447 = %sub3A_108, %while3A_448 = %sub3A_134, %while3A_449 = %while3A) : (f32, f32, i32) -> (f32, f32, i32) {
      %gt3A = arith.cmpf ogt, %while3A_447, %while3A_448 : f32
      %lt3A = arith.constant 64 : i32
      %lt3A_450 = arith.cmpi slt, %while3A_449, %lt3A : i32
      %and3A = arith.andi %gt3A, %lt3A_450 : i1
      scf.condition(%and3A) %while3A_447, %while3A_448, %while3A_449 : f32, f32, i32
    } do {
    ^bb0(%while3A_447: f32, %while3A_448: f32, %while3A_449: i32):
      %broadcast_in_dim3A_450 = arith.constant 0.000000e+00 : f32
      %broadcast_in_dim3A_451 = vector.broadcast %broadcast_in_dim3A_450 : f32 to vector<16xf32>
      %broadcast_in_dim3A_452 = arith.constant 0 : i32
      %broadcast_in_dim3A_453 = vector.broadcast %broadcast_in_dim3A_452 : i32 to vector<16xi32>
      %while3A_454 = arith.constant 0 : i32
      %while3A_455 = arith.subi %shift_right_arithmetic3A_132, %while3A_454 : i32
      %while3A_456 = arith.addi %while3A_454, %while3A_455 : i32
      %while3A_457 = arith.constant 1 : i32
      %while3A_458 = arith.divsi %while3A_455, %while3A_457 : i32
      %while3A_459 = arith.muli %while3A_458, %while3A_457 : i32
      %while3A_460 = arith.addi %while3A_454, %while3A_459 : i32
      %while3A_461 = arith.constant 1 : i32
      %while3A_462:4 = scf.for %while3A_485 = %while3A_454 to %while3A_460 step %while3A_461 iter_args(%while3A_486 = %broadcast_in_dim3A_451, %while3A_487 = %broadcast_in_dim3A_453, %while3A_488 = %broadcast_in_dim3A_451, %while3A_489 = %broadcast_in_dim3A_453) -> (vector<16xf32>, vector<16xi32>, vector<16xf32>, vector<16xi32>)  : i32 {
        %mul3A_490 = arith.constant 32 : i32
        %mul3A_491 = arith.muli %while3A_485, %mul3A_490 : i32
        %get3A = arith.index_cast %mul3A_491 : i32 to index
        %get3A_492 = tpu.vector_load %arg10[%get3A] {strides = array<i32>} : memref<32800xf32, #tpu.memory_space<vmem>>, vector<16xf32>,
        %mul3A_493 = arith.constant 32 : i32
        %mul3A_494 = arith.muli %while3A_485, %mul3A_493 : i32
        %add3A_495 = arith.constant 16 : i32
        %add3A_496 = arith.addi %mul3A_494, %add3A_495 : i32
        %get3A_497 = arith.index_cast %add3A_496 : i32 to index
        %get3A_498 = tpu.vector_load %arg10[%get3A_497] {strides = array<i32>} : memref<32800xf32, #tpu.memory_space<vmem>>, vector<16xf32>,
        %gt3A = vector.broadcast %while3A_447 : f32 to vector<16xf32>
        %gt3A_499 = arith.cmpf ogt, %get3A_492, %gt3A : vector<16xf32>
        %gt3A_500 = vector.broadcast %while3A_447 : f32 to vector<16xf32>
        %gt3A_501 = arith.cmpf ogt, %get3A_498, %gt3A_500 : vector<16xf32>
        %jit3A = arith.constant 0.000000e+00 : f32
        %broadcast_in_dim3A_502 = vector.broadcast %jit3A : f32 to vector<16xf32>
        %select_n3A = arith.select %gt3A_499, %get3A_492, %broadcast_in_dim3A_502 : vector<16xi1>, vector<16xf32>
        %add3A_503 = arith.addf %while3A_486, %select_n3A : vector<16xf32>
        %jit3A_504 = arith.constant 1 : i32
        %jit3A_505 = arith.constant 0 : i32
        %broadcast_in_dim3A_506 = vector.broadcast %jit3A_504 : i32 to vector<16xi32>
        %broadcast_in_dim3A_507 = vector.broadcast %jit3A_505 : i32 to vector<16xi32>
        %select_n3A_508 = arith.select %gt3A_499, %broadcast_in_dim3A_506, %broadcast_in_dim3A_507 : vector<16xi1>, vector<16xi32>
        %add3A_509 = arith.addi %while3A_487, %select_n3A_508 : vector<16xi32>
        %jit3A_510 = arith.constant 0.000000e+00 : f32
        %broadcast_in_dim3A_511 = vector.broadcast %jit3A_510 : f32 to vector<16xf32>
        %select_n3A_512 = arith.select %gt3A_501, %get3A_498, %broadcast_in_dim3A_511 : vector<16xi1>, vector<16xf32>
        %add3A_513 = arith.addf %while3A_488, %select_n3A_512 : vector<16xf32>
        %jit3A_514 = arith.constant 1 : i32
        %jit3A_515 = arith.constant 0 : i32
        %broadcast_in_dim3A_516 = vector.broadcast %jit3A_514 : i32 to vector<16xi32>
        %broadcast_in_dim3A_517 = vector.broadcast %jit3A_515 : i32 to vector<16xi32>
        %select_n3A_518 = arith.select %gt3A_501, %broadcast_in_dim3A_516, %broadcast_in_dim3A_517 : vector<16xi1>, vector<16xi32>
        %add3A_519 = arith.addi %while3A_489, %select_n3A_518 : vector<16xi32>
        scf.yield %add3A_503, %add3A_509, %add3A_513, %add3A_519 : vector<16xf32>, vector<16xi32>, vector<16xf32>, vector<16xi32>
      }
      %while3A_463 = arith.constant 1 : i32
      %while3A_464:4 = scf.for %while3A_485 = %while3A_460 to %while3A_456 step %while3A_463 iter_args(%while3A_486 = %while3A_462#0, %while3A_487 = %while3A_462#1, %while3A_488 = %while3A_462#2, %while3A_489 = %while3A_462#3) -> (vector<16xf32>, vector<16xi32>, vector<16xf32>, vector<16xi32>)  : i32 {
        %mul3A_490 = arith.constant 32 : i32
        %mul3A_491 = arith.muli %while3A_485, %mul3A_490 : i32
        %get3A = arith.index_cast %mul3A_491 : i32 to index
        %get3A_492 = tpu.vector_load %arg10[%get3A] {strides = array<i32>} : memref<32800xf32, #tpu.memory_space<vmem>>, vector<16xf32>,
        %mul3A_493 = arith.constant 32 : i32
        %mul3A_494 = arith.muli %while3A_485, %mul3A_493 : i32
        %add3A_495 = arith.constant 16 : i32
        %add3A_496 = arith.addi %mul3A_494, %add3A_495 : i32
        %get3A_497 = arith.index_cast %add3A_496 : i32 to index
        %get3A_498 = tpu.vector_load %arg10[%get3A_497] {strides = array<i32>} : memref<32800xf32, #tpu.memory_space<vmem>>, vector<16xf32>,
        %gt3A = vector.broadcast %while3A_447 : f32 to vector<16xf32>
        %gt3A_499 = arith.cmpf ogt, %get3A_492, %gt3A : vector<16xf32>
        %gt3A_500 = vector.broadcast %while3A_447 : f32 to vector<16xf32>
        %gt3A_501 = arith.cmpf ogt, %get3A_498, %gt3A_500 : vector<16xf32>
        %jit3A = arith.constant 0.000000e+00 : f32
        %broadcast_in_dim3A_502 = vector.broadcast %jit3A : f32 to vector<16xf32>
        %select_n3A = arith.select %gt3A_499, %get3A_492, %broadcast_in_dim3A_502 : vector<16xi1>, vector<16xf32>
        %add3A_503 = arith.addf %while3A_486, %select_n3A : vector<16xf32>
        %jit3A_504 = arith.constant 1 : i32
        %jit3A_505 = arith.constant 0 : i32
        %broadcast_in_dim3A_506 = vector.broadcast %jit3A_504 : i32 to vector<16xi32>
        %broadcast_in_dim3A_507 = vector.broadcast %jit3A_505 : i32 to vector<16xi32>
        %select_n3A_508 = arith.select %gt3A_499, %broadcast_in_dim3A_506, %broadcast_in_dim3A_507 : vector<16xi1>, vector<16xi32>
        %add3A_509 = arith.addi %while3A_487, %select_n3A_508 : vector<16xi32>
        %jit3A_510 = arith.constant 0.000000e+00 : f32
        %broadcast_in_dim3A_511 = vector.broadcast %jit3A_510 : f32 to vector<16xf32>
        %select_n3A_512 = arith.select %gt3A_501, %get3A_498, %broadcast_in_dim3A_511 : vector<16xi1>, vector<16xf32>
        %add3A_513 = arith.addf %while3A_488, %select_n3A_512 : vector<16xf32>
        %jit3A_514 = arith.constant 1 : i32
        %jit3A_515 = arith.constant 0 : i32
        %broadcast_in_dim3A_516 = vector.broadcast %jit3A_514 : i32 to vector<16xi32>
        %broadcast_in_dim3A_517 = vector.broadcast %jit3A_515 : i32 to vector<16xi32>
        %select_n3A_518 = arith.select %gt3A_501, %broadcast_in_dim3A_516, %broadcast_in_dim3A_517 : vector<16xi1>, vector<16xi32>
        %add3A_519 = arith.addi %while3A_489, %select_n3A_518 : vector<16xi32>
        scf.yield %add3A_503, %add3A_509, %add3A_513, %add3A_519 : vector<16xf32>, vector<16xi32>, vector<16xf32>, vector<16xi32>
      }
      %add3A_465 = arith.addf %while3A_464#0, %while3A_464#2 : vector<16xf32>
      %reduce_sum3A = arith.constant true
      %reduce_sum3A_466 = vector.broadcast %reduce_sum3A : i1 to vector<16xi1>
      %reduce_sum3A_467 = tpu.scan <sum>, %add3A_465 masked %reduce_sum3A_466 : vector<16xf32>, vector<16xi1> -> vector<16xf32>
      %reduce_sum3A_468 = vector.extract %reduce_sum3A_467[15] : f32 from vector<16xf32>
      %add3A_469 = arith.addi %while3A_464#1, %while3A_464#3 : vector<16xi32>
      %reduce_sum3A_470 = arith.constant true
      %reduce_sum3A_471 = vector.broadcast %reduce_sum3A_470 : i1 to vector<16xi1>
      %reduce_sum3A_472 = tpu.scan <sum>, %add3A_469 masked %reduce_sum3A_471 : vector<16xi32>, vector<16xi1> -> vector<16xi32>
      %reduce_sum3A_473 = vector.extract %reduce_sum3A_472[15] : i32 from vector<16xi32>
      %sub3A_474 = arith.constant 1.000000e+00 : f32
      %sub3A_475 = arith.subf %reduce_sum3A_468, %sub3A_474 : f32
      %broadcast_in_dim3A_476 = vector.broadcast %sub3A_475 : f32 to vector<16xf32>
      %max3A = arith.constant 1 : i32
      %max3A_477 = arith.maxsi %reduce_sum3A_473, %max3A : i32
      %broadcast_in_dim3A_478 = vector.broadcast %max3A_477 : i32 to vector<16xi32>
      %convert_element_type3A = arith.sitofp %broadcast_in_dim3A_478 : vector<16xi32> to vector<16xf32>
      %div3A = arith.divf %broadcast_in_dim3A_476, %convert_element_type3A : vector<16xf32>
      %reduce_max3A_479 = arith.constant true
      %reduce_max3A_480 = vector.broadcast %reduce_max3A_479 : i1 to vector<16xi1>
      %reduce_max3A_481 = tpu.scan <max>, %div3A masked %reduce_max3A_480 : vector<16xf32>, vector<16xi1> -> vector<16xf32>
      %reduce_max3A_482 = vector.extract %reduce_max3A_481[15] : f32 from vector<16xf32>
      %add3A_483 = arith.constant 1 : i32
      %add3A_484 = arith.addi %while3A_449, %add3A_483 : i32
      scf.yield %reduce_max3A_482, %while3A_447, %add3A_484 : f32, f32, i32
    }
    %parallel_loop3A_136 = arith.constant 0 : i32
    %parallel_loop3A_137 = arith.constant 32 : i32
    %parallel_loop3A_138 = arith.constant 1 : i32
    scf.for %parallel_loop3A_447 = %parallel_loop3A_136 to %parallel_loop3A_137 step %parallel_loop3A_138  : i32 {
      %parallel_loop3A_448 = arith.constant 256 : i32
      %parallel_loop3A_449 = arith.muli %parallel_loop3A_447, %parallel_loop3A_448 : i32
      %parallel_loop3A_450 = arith.constant 0 : i32
      %parallel_loop3A_451 = arith.addi %parallel_loop3A_449, %parallel_loop3A_450 : i32
      %parallel_loop3A_452 = arith.index_cast %parallel_loop3A_451 : i32 to index
      %parallel_loop3A_453 = tpu.vector_load %arg4[%parallel_loop3A_452] {strides = array<i32>} : memref<32768xf32, #tpu.memory_space<vmem>>, vector<16xf32>,
      %parallel_loop3A_454 = vector.broadcast %while3A_135#0 : f32 to vector<16xf32>
      %parallel_loop3A_455 = arith.subf %parallel_loop3A_453, %parallel_loop3A_454 : vector<16xf32>
      %parallel_loop3A_456 = arith.constant 0.000000e+00 : f32
      %parallel_loop3A_457 = vector.broadcast %parallel_loop3A_456 : f32 to vector<16xf32>
      %parallel_loop3A_458 = arith.maximumf %parallel_loop3A_455, %parallel_loop3A_457 : vector<16xf32>
      %parallel_loop3A_459 = arith.index_cast %parallel_loop3A_451 : i32 to index
      %parallel_loop3A_460 = tpu.vector_load %arg4[%parallel_loop3A_459] {strides = array<i32>} : memref<32768xf32, #tpu.memory_space<vmem>>, vector<16xf32>,
      tpu.vector_store %arg4[%parallel_loop3A_459], %parallel_loop3A_458 {strides = array<i32>} : memref<32768xf32, #tpu.memory_space<vmem>>, vector<16xf32>,
      %parallel_loop3A_461 = arith.constant 16 : i32
      %parallel_loop3A_462 = arith.addi %parallel_loop3A_449, %parallel_loop3A_461 : i32
      %parallel_loop3A_463 = arith.index_cast %parallel_loop3A_462 : i32 to index
      %parallel_loop3A_464 = tpu.vector_load %arg4[%parallel_loop3A_463] {strides = array<i32>} : memref<32768xf32, #tpu.memory_space<vmem>>, vector<16xf32>,
      %parallel_loop3A_465 = vector.broadcast %while3A_135#0 : f32 to vector<16xf32>
      %parallel_loop3A_466 = arith.subf %parallel_loop3A_464, %parallel_loop3A_465 : vector<16xf32>
      %parallel_loop3A_467 = arith.constant 0.000000e+00 : f32
      %parallel_loop3A_468 = vector.broadcast %parallel_loop3A_467 : f32 to vector<16xf32>
      %parallel_loop3A_469 = arith.maximumf %parallel_loop3A_466, %parallel_loop3A_468 : vector<16xf32>
      %parallel_loop3A_470 = arith.index_cast %parallel_loop3A_462 : i32 to index
      %parallel_loop3A_471 = tpu.vector_load %arg4[%parallel_loop3A_470] {strides = array<i32>} : memref<32768xf32, #tpu.memory_space<vmem>>, vector<16xf32>,
      tpu.vector_store %arg4[%parallel_loop3A_470], %parallel_loop3A_469 {strides = array<i32>} : memref<32768xf32, #tpu.memory_space<vmem>>, vector<16xf32>,
      %parallel_loop3A_472 = arith.constant 32 : i32
      %parallel_loop3A_473 = arith.addi %parallel_loop3A_449, %parallel_loop3A_472 : i32
      %parallel_loop3A_474 = arith.index_cast %parallel_loop3A_473 : i32 to index
      %parallel_loop3A_475 = tpu.vector_load %arg4[%parallel_loop3A_474] {strides = array<i32>} : memref<32768xf32, #tpu.memory_space<vmem>>, vector<16xf32>,
      %parallel_loop3A_476 = vector.broadcast %while3A_135#0 : f32 to vector<16xf32>
      %parallel_loop3A_477 = arith.subf %parallel_loop3A_475, %parallel_loop3A_476 : vector<16xf32>
      %parallel_loop3A_478 = arith.constant 0.000000e+00 : f32
      %parallel_loop3A_479 = vector.broadcast %parallel_loop3A_478 : f32 to vector<16xf32>
      %parallel_loop3A_480 = arith.maximumf %parallel_loop3A_477, %parallel_loop3A_479 : vector<16xf32>
      %parallel_loop3A_481 = arith.index_cast %parallel_loop3A_473 : i32 to index
      %parallel_loop3A_482 = tpu.vector_load %arg4[%parallel_loop3A_481] {strides = array<i32>} : memref<32768xf32, #tpu.memory_space<vmem>>, vector<16xf32>,
      tpu.vector_store %arg4[%parallel_loop3A_481], %parallel_loop3A_480 {strides = array<i32>} : memref<32768xf32, #tpu.memory_space<vmem>>, vector<16xf32>,
      %parallel_loop3A_483 = arith.constant 48 : i32
      %parallel_loop3A_484 = arith.addi %parallel_loop3A_449, %parallel_loop3A_483 : i32
      %parallel_loop3A_485 = arith.index_cast %parallel_loop3A_484 : i32 to index
      %parallel_loop3A_486 = tpu.vector_load %arg4[%parallel_loop3A_485] {strides = array<i32>} : memref<32768xf32, #tpu.memory_space<vmem>>, vector<16xf32>,
      %parallel_loop3A_487 = vector.broadcast %while3A_135#0 : f32 to vector<16xf32>
      %parallel_loop3A_488 = arith.subf %parallel_loop3A_486, %parallel_loop3A_487 : vector<16xf32>
      %parallel_loop3A_489 = arith.constant 0.000000e+00 : f32
      %parallel_loop3A_490 = vector.broadcast %parallel_loop3A_489 : f32 to vector<16xf32>
      %parallel_loop3A_491 = arith.maximumf %parallel_loop3A_488, %parallel_loop3A_490 : vector<16xf32>
      %parallel_loop3A_492 = arith.index_cast %parallel_loop3A_484 : i32 to index
      %parallel_loop3A_493 = tpu.vector_load %arg4[%parallel_loop3A_492] {strides = array<i32>} : memref<32768xf32, #tpu.memory_space<vmem>>, vector<16xf32>,
      tpu.vector_store %arg4[%parallel_loop3A_492], %parallel_loop3A_491 {strides = array<i32>} : memref<32768xf32, #tpu.memory_space<vmem>>, vector<16xf32>,
      %parallel_loop3A_494 = arith.constant 64 : i32
      %parallel_loop3A_495 = arith.addi %parallel_loop3A_449, %parallel_loop3A_494 : i32
      %parallel_loop3A_496 = arith.index_cast %parallel_loop3A_495 : i32 to index
      %parallel_loop3A_497 = tpu.vector_load %arg4[%parallel_loop3A_496] {strides = array<i32>} : memref<32768xf32, #tpu.memory_space<vmem>>, vector<16xf32>,
      %parallel_loop3A_498 = vector.broadcast %while3A_135#0 : f32 to vector<16xf32>
      %parallel_loop3A_499 = arith.subf %parallel_loop3A_497, %parallel_loop3A_498 : vector<16xf32>
      %parallel_loop3A_500 = arith.constant 0.000000e+00 : f32
      %parallel_loop3A_501 = vector.broadcast %parallel_loop3A_500 : f32 to vector<16xf32>
      %parallel_loop3A_502 = arith.maximumf %parallel_loop3A_499, %parallel_loop3A_501 : vector<16xf32>
      %parallel_loop3A_503 = arith.index_cast %parallel_loop3A_495 : i32 to index
      %parallel_loop3A_504 = tpu.vector_load %arg4[%parallel_loop3A_503] {strides = array<i32>} : memref<32768xf32, #tpu.memory_space<vmem>>, vector<16xf32>,
      tpu.vector_store %arg4[%parallel_loop3A_503], %parallel_loop3A_502 {strides = array<i32>} : memref<32768xf32, #tpu.memory_space<vmem>>, vector<16xf32>,
      %parallel_loop3A_505 = arith.constant 80 : i32
      %parallel_loop3A_506 = arith.addi %parallel_loop3A_449, %parallel_loop3A_505 : i32
      %parallel_loop3A_507 = arith.index_cast %parallel_loop3A_506 : i32 to index
      %parallel_loop3A_508 = tpu.vector_load %arg4[%parallel_loop3A_507] {strides = array<i32>} : memref<32768xf32, #tpu.memory_space<vmem>>, vector<16xf32>,
      %parallel_loop3A_509 = vector.broadcast %while3A_135#0 : f32 to vector<16xf32>
      %parallel_loop3A_510 = arith.subf %parallel_loop3A_508, %parallel_loop3A_509 : vector<16xf32>
      %parallel_loop3A_511 = arith.constant 0.000000e+00 : f32
      %parallel_loop3A_512 = vector.broadcast %parallel_loop3A_511 : f32 to vector<16xf32>
      %parallel_loop3A_513 = arith.maximumf %parallel_loop3A_510, %parallel_loop3A_512 : vector<16xf32>
      %parallel_loop3A_514 = arith.index_cast %parallel_loop3A_506 : i32 to index
      %parallel_loop3A_515 = tpu.vector_load %arg4[%parallel_loop3A_514] {strides = array<i32>} : memref<32768xf32, #tpu.memory_space<vmem>>, vector<16xf32>,
      tpu.vector_store %arg4[%parallel_loop3A_514], %parallel_loop3A_513 {strides = array<i32>} : memref<32768xf32, #tpu.memory_space<vmem>>, vector<16xf32>,
      %parallel_loop3A_516 = arith.constant 96 : i32
      %parallel_loop3A_517 = arith.addi %parallel_loop3A_449, %parallel_loop3A_516 : i32
      %parallel_loop3A_518 = arith.index_cast %parallel_loop3A_517 : i32 to index
      %parallel_loop3A_519 = tpu.vector_load %arg4[%parallel_loop3A_518] {strides = array<i32>} : memref<32768xf32, #tpu.memory_space<vmem>>, vector<16xf32>,
      %parallel_loop3A_520 = vector.broadcast %while3A_135#0 : f32 to vector<16xf32>
      %parallel_loop3A_521 = arith.subf %parallel_loop3A_519, %parallel_loop3A_520 : vector<16xf32>
      %parallel_loop3A_522 = arith.constant 0.000000e+00 : f32
      %parallel_loop3A_523 = vector.broadcast %parallel_loop3A_522 : f32 to vector<16xf32>
      %parallel_loop3A_524 = arith.maximumf %parallel_loop3A_521, %parallel_loop3A_523 : vector<16xf32>
      %parallel_loop3A_525 = arith.index_cast %parallel_loop3A_517 : i32 to index
      %parallel_loop3A_526 = tpu.vector_load %arg4[%parallel_loop3A_525] {strides = array<i32>} : memref<32768xf32, #tpu.memory_space<vmem>>, vector<16xf32>,
      tpu.vector_store %arg4[%parallel_loop3A_525], %parallel_loop3A_524 {strides = array<i32>} : memref<32768xf32, #tpu.memory_space<vmem>>, vector<16xf32>,
      %parallel_loop3A_527 = arith.constant 112 : i32
      %parallel_loop3A_528 = arith.addi %parallel_loop3A_449, %parallel_loop3A_527 : i32
      %parallel_loop3A_529 = arith.index_cast %parallel_loop3A_528 : i32 to index
      %parallel_loop3A_530 = tpu.vector_load %arg4[%parallel_loop3A_529] {strides = array<i32>} : memref<32768xf32, #tpu.memory_space<vmem>>, vector<16xf32>,
      %parallel_loop3A_531 = vector.broadcast %while3A_135#0 : f32 to vector<16xf32>
      %parallel_loop3A_532 = arith.subf %parallel_loop3A_530, %parallel_loop3A_531 : vector<16xf32>
      %parallel_loop3A_533 = arith.constant 0.000000e+00 : f32
      %parallel_loop3A_534 = vector.broadcast %parallel_loop3A_533 : f32 to vector<16xf32>
      %parallel_loop3A_535 = arith.maximumf %parallel_loop3A_532, %parallel_loop3A_534 : vector<16xf32>
      %parallel_loop3A_536 = arith.index_cast %parallel_loop3A_528 : i32 to index
      %parallel_loop3A_537 = tpu.vector_load %arg4[%parallel_loop3A_536] {strides = array<i32>} : memref<32768xf32, #tpu.memory_space<vmem>>, vector<16xf32>,
      tpu.vector_store %arg4[%parallel_loop3A_536], %parallel_loop3A_535 {strides = array<i32>} : memref<32768xf32, #tpu.memory_space<vmem>>, vector<16xf32>,
      %parallel_loop3A_538 = arith.constant 128 : i32
      %parallel_loop3A_539 = arith.addi %parallel_loop3A_449, %parallel_loop3A_538 : i32
      %parallel_loop3A_540 = arith.index_cast %parallel_loop3A_539 : i32 to index
      %parallel_loop3A_541 = tpu.vector_load %arg4[%parallel_loop3A_540] {strides = array<i32>} : memref<32768xf32, #tpu.memory_space<vmem>>, vector<16xf32>,
      %parallel_loop3A_542 = vector.broadcast %while3A_135#0 : f32 to vector<16xf32>
      %parallel_loop3A_543 = arith.subf %parallel_loop3A_541, %parallel_loop3A_542 : vector<16xf32>
      %parallel_loop3A_544 = arith.constant 0.000000e+00 : f32
      %parallel_loop3A_545 = vector.broadcast %parallel_loop3A_544 : f32 to vector<16xf32>
      %parallel_loop3A_546 = arith.maximumf %parallel_loop3A_543, %parallel_loop3A_545 : vector<16xf32>
      %parallel_loop3A_547 = arith.index_cast %parallel_loop3A_539 : i32 to index
      %parallel_loop3A_548 = tpu.vector_load %arg4[%parallel_loop3A_547] {strides = array<i32>} : memref<32768xf32, #tpu.memory_space<vmem>>, vector<16xf32>,
      tpu.vector_store %arg4[%parallel_loop3A_547], %parallel_loop3A_546 {strides = array<i32>} : memref<32768xf32, #tpu.memory_space<vmem>>, vector<16xf32>,
      %parallel_loop3A_549 = arith.constant 144 : i32
      %parallel_loop3A_550 = arith.addi %parallel_loop3A_449, %parallel_loop3A_549 : i32
      %parallel_loop3A_551 = arith.index_cast %parallel_loop3A_550 : i32 to index
      %parallel_loop3A_552 = tpu.vector_load %arg4[%parallel_loop3A_551] {strides = array<i32>} : memref<32768xf32, #tpu.memory_space<vmem>>, vector<16xf32>,
      %parallel_loop3A_553 = vector.broadcast %while3A_135#0 : f32 to vector<16xf32>
      %parallel_loop3A_554 = arith.subf %parallel_loop3A_552, %parallel_loop3A_553 : vector<16xf32>
      %parallel_loop3A_555 = arith.constant 0.000000e+00 : f32
      %parallel_loop3A_556 = vector.broadcast %parallel_loop3A_555 : f32 to vector<16xf32>
      %parallel_loop3A_557 = arith.maximumf %parallel_loop3A_554, %parallel_loop3A_556 : vector<16xf32>
      %parallel_loop3A_558 = arith.index_cast %parallel_loop3A_550 : i32 to index
      %parallel_loop3A_559 = tpu.vector_load %arg4[%parallel_loop3A_558] {strides = array<i32>} : memref<32768xf32, #tpu.memory_space<vmem>>, vector<16xf32>,
      tpu.vector_store %arg4[%parallel_loop3A_558], %parallel_loop3A_557 {strides = array<i32>} : memref<32768xf32, #tpu.memory_space<vmem>>, vector<16xf32>,
      %parallel_loop3A_560 = arith.constant 160 : i32
      %parallel_loop3A_561 = arith.addi %parallel_loop3A_449, %parallel_loop3A_560 : i32
      %parallel_loop3A_562 = arith.index_cast %parallel_loop3A_561 : i32 to index
      %parallel_loop3A_563 = tpu.vector_load %arg4[%parallel_loop3A_562] {strides = array<i32>} : memref<32768xf32, #tpu.memory_space<vmem>>, vector<16xf32>,
      %parallel_loop3A_564 = vector.broadcast %while3A_135#0 : f32 to vector<16xf32>
      %parallel_loop3A_565 = arith.subf %parallel_loop3A_563, %parallel_loop3A_564 : vector<16xf32>
      %parallel_loop3A_566 = arith.constant 0.000000e+00 : f32
      %parallel_loop3A_567 = vector.broadcast %parallel_loop3A_566 : f32 to vector<16xf32>
      %parallel_loop3A_568 = arith.maximumf %parallel_loop3A_565, %parallel_loop3A_567 : vector<16xf32>
      %parallel_loop3A_569 = arith.index_cast %parallel_loop3A_561 : i32 to index
      %parallel_loop3A_570 = tpu.vector_load %arg4[%parallel_loop3A_569] {strides = array<i32>} : memref<32768xf32, #tpu.memory_space<vmem>>, vector<16xf32>,
      tpu.vector_store %arg4[%parallel_loop3A_569], %parallel_loop3A_568 {strides = array<i32>} : memref<32768xf32, #tpu.memory_space<vmem>>, vector<16xf32>,
      %parallel_loop3A_571 = arith.constant 176 : i32
      %parallel_loop3A_572 = arith.addi %parallel_loop3A_449, %parallel_loop3A_571 : i32
      %parallel_loop3A_573 = arith.index_cast %parallel_loop3A_572 : i32 to index
      %parallel_loop3A_574 = tpu.vector_load %arg4[%parallel_loop3A_573] {strides = array<i32>} : memref<32768xf32, #tpu.memory_space<vmem>>, vector<16xf32>,
      %parallel_loop3A_575 = vector.broadcast %while3A_135#0 : f32 to vector<16xf32>
      %parallel_loop3A_576 = arith.subf %parallel_loop3A_574, %parallel_loop3A_575 : vector<16xf32>
      %parallel_loop3A_577 = arith.constant 0.000000e+00 : f32
      %parallel_loop3A_578 = vector.broadcast %parallel_loop3A_577 : f32 to vector<16xf32>
      %parallel_loop3A_579 = arith.maximumf %parallel_loop3A_576, %parallel_loop3A_578 : vector<16xf32>
      %parallel_loop3A_580 = arith.index_cast %parallel_loop3A_572 : i32 to index
      %parallel_loop3A_581 = tpu.vector_load %arg4[%parallel_loop3A_580] {strides = array<i32>} : memref<32768xf32, #tpu.memory_space<vmem>>, vector<16xf32>,
      tpu.vector_store %arg4[%parallel_loop3A_580], %parallel_loop3A_579 {strides = array<i32>} : memref<32768xf32, #tpu.memory_space<vmem>>, vector<16xf32>,
      %parallel_loop3A_582 = arith.constant 192 : i32
      %parallel_loop3A_583 = arith.addi %parallel_loop3A_449, %parallel_loop3A_582 : i32
      %parallel_loop3A_584 = arith.index_cast %parallel_loop3A_583 : i32 to index
      %parallel_loop3A_585 = tpu.vector_load %arg4[%parallel_loop3A_584] {strides = array<i32>} : memref<32768xf32, #tpu.memory_space<vmem>>, vector<16xf32>,
      %parallel_loop3A_586 = vector.broadcast %while3A_135#0 : f32 to vector<16xf32>
      %parallel_loop3A_587 = arith.subf %parallel_loop3A_585, %parallel_loop3A_586 : vector<16xf32>
      %parallel_loop3A_588 = arith.constant 0.000000e+00 : f32
      %parallel_loop3A_589 = vector.broadcast %parallel_loop3A_588 : f32 to vector<16xf32>
      %parallel_loop3A_590 = arith.maximumf %parallel_loop3A_587, %parallel_loop3A_589 : vector<16xf32>
      %parallel_loop3A_591 = arith.index_cast %parallel_loop3A_583 : i32 to index
      %parallel_loop3A_592 = tpu.vector_load %arg4[%parallel_loop3A_591] {strides = array<i32>} : memref<32768xf32, #tpu.memory_space<vmem>>, vector<16xf32>,
      tpu.vector_store %arg4[%parallel_loop3A_591], %parallel_loop3A_590 {strides = array<i32>} : memref<32768xf32, #tpu.memory_space<vmem>>, vector<16xf32>,
      %parallel_loop3A_593 = arith.constant 208 : i32
      %parallel_loop3A_594 = arith.addi %parallel_loop3A_449, %parallel_loop3A_593 : i32
      %parallel_loop3A_595 = arith.index_cast %parallel_loop3A_594 : i32 to index
      %parallel_loop3A_596 = tpu.vector_load %arg4[%parallel_loop3A_595] {strides = array<i32>} : memref<32768xf32, #tpu.memory_space<vmem>>, vector<16xf32>,
      %parallel_loop3A_597 = vector.broadcast %while3A_135#0 : f32 to vector<16xf32>
      %parallel_loop3A_598 = arith.subf %parallel_loop3A_596, %parallel_loop3A_597 : vector<16xf32>
      %parallel_loop3A_599 = arith.constant 0.000000e+00 : f32
      %parallel_loop3A_600 = vector.broadcast %parallel_loop3A_599 : f32 to vector<16xf32>
      %parallel_loop3A_601 = arith.maximumf %parallel_loop3A_598, %parallel_loop3A_600 : vector<16xf32>
      %parallel_loop3A_602 = arith.index_cast %parallel_loop3A_594 : i32 to index
      %parallel_loop3A_603 = tpu.vector_load %arg4[%parallel_loop3A_602] {strides = array<i32>} : memref<32768xf32, #tpu.memory_space<vmem>>, vector<16xf32>,
      tpu.vector_store %arg4[%parallel_loop3A_602], %parallel_loop3A_601 {strides = array<i32>} : memref<32768xf32, #tpu.memory_space<vmem>>, vector<16xf32>,
      %parallel_loop3A_604 = arith.constant 224 : i32
      %parallel_loop3A_605 = arith.addi %parallel_loop3A_449, %parallel_loop3A_604 : i32
      %parallel_loop3A_606 = arith.index_cast %parallel_loop3A_605 : i32 to index
      %parallel_loop3A_607 = tpu.vector_load %arg4[%parallel_loop3A_606] {strides = array<i32>} : memref<32768xf32, #tpu.memory_space<vmem>>, vector<16xf32>,
      %parallel_loop3A_608 = vector.broadcast %while3A_135#0 : f32 to vector<16xf32>
      %parallel_loop3A_609 = arith.subf %parallel_loop3A_607, %parallel_loop3A_608 : vector<16xf32>
      %parallel_loop3A_610 = arith.constant 0.000000e+00 : f32
      %parallel_loop3A_611 = vector.broadcast %parallel_loop3A_610 : f32 to vector<16xf32>
      %parallel_loop3A_612 = arith.maximumf %parallel_loop3A_609, %parallel_loop3A_611 : vector<16xf32>
      %parallel_loop3A_613 = arith.index_cast %parallel_loop3A_605 : i32 to index
      %parallel_loop3A_614 = tpu.vector_load %arg4[%parallel_loop3A_613] {strides = array<i32>} : memref<32768xf32, #tpu.memory_space<vmem>>, vector<16xf32>,
      tpu.vector_store %arg4[%parallel_loop3A_613], %parallel_loop3A_612 {strides = array<i32>} : memref<32768xf32, #tpu.memory_space<vmem>>, vector<16xf32>,
      %parallel_loop3A_615 = arith.constant 240 : i32
      %parallel_loop3A_616 = arith.addi %parallel_loop3A_449, %parallel_loop3A_615 : i32
      %parallel_loop3A_617 = arith.index_cast %parallel_loop3A_616 : i32 to index
      %parallel_loop3A_618 = tpu.vector_load %arg4[%parallel_loop3A_617] {strides = array<i32>} : memref<32768xf32, #tpu.memory_space<vmem>>, vector<16xf32>,
      %parallel_loop3A_619 = vector.broadcast %while3A_135#0 : f32 to vector<16xf32>
      %parallel_loop3A_620 = arith.subf %parallel_loop3A_618, %parallel_loop3A_619 : vector<16xf32>
      %parallel_loop3A_621 = arith.constant 0.000000e+00 : f32
      %parallel_loop3A_622 = vector.broadcast %parallel_loop3A_621 : f32 to vector<16xf32>
      %parallel_loop3A_623 = arith.maximumf %parallel_loop3A_620, %parallel_loop3A_622 : vector<16xf32>
      %parallel_loop3A_624 = arith.index_cast %parallel_loop3A_616 : i32 to index
      %parallel_loop3A_625 = tpu.vector_load %arg4[%parallel_loop3A_624] {strides = array<i32>} : memref<32768xf32, #tpu.memory_space<vmem>>, vector<16xf32>,
      tpu.vector_store %arg4[%parallel_loop3A_624], %parallel_loop3A_623 {strides = array<i32>} : memref<32768xf32, #tpu.memory_space<vmem>>, vector<16xf32>,
    } {sc.loop_unroll_factor = 2 : i64, sc.parallel_access}
    %dma_start3A_139 = arith.constant 0 : i32
    %dma_start3A_140 = tpu.memref_slice %arg4[%dma_start3A_139] : memref<32768xf32, #tpu.memory_space<vmem>> -> memref<8192xf32, #tpu.memory_space<vmem>>
    %dma_start3A_141 = arith.constant 0 : i32
    %dma_start3A_142 = tpu.memref_slice %arg3[%mul3A_2, %dma_start3A_141] : memref<64x32768xf32, #tpu.memory_space<hbm>> -> memref<1x32768xf32, #tpu.memory_space<hbm>>
    %dma_start3A_143 = tpu.memref_squeeze %dma_start3A_142 : memref<1x32768xf32, #tpu.memory_space<hbm>> -> memref<32768xf32, #tpu.memory_space<hbm>>
    %dma_start3A_144 = arith.constant 0 : i32
    %dma_start3A_145 = tpu.memref_slice %dma_start3A_143[%dma_start3A_144] : memref<32768xf32, #tpu.memory_space<hbm>> -> memref<8192xf32, #tpu.memory_space<hbm>>
    %dma_start3A_146 = arith.constant 0 : i32
    %dma_start3A_147 = tpu.memref_slice %arg3[%mul3A_2, %dma_start3A_146] : memref<64x32768xf32, #tpu.memory_space<hbm>> -> memref<1x32768xf32, #tpu.memory_space<hbm>>
    %dma_start3A_148 = tpu.memref_squeeze %dma_start3A_147 : memref<1x32768xf32, #tpu.memory_space<hbm>> -> memref<32768xf32, #tpu.memory_space<hbm>>
    %dma_start3A_149 = arith.constant 0 : i32
    %dma_start3A_150 = tpu.memref_slice %dma_start3A_148[%dma_start3A_149] : memref<32768xf32, #tpu.memory_space<hbm>> -> memref<8192xf32, #tpu.memory_space<hbm>>
    %dma_start3A_151 = arith.constant 0 : i32
    %dma_start3A_152 = tpu.memref_slice %arg4[%dma_start3A_151] : memref<32768xf32, #tpu.memory_space<vmem>> -> memref<8192xf32, #tpu.memory_space<vmem>>
    tpu.enqueue_dma source(%dma_start3A_152 : memref<8192xf32, #tpu.memory_space<vmem>>) target(%dma_start3A_150 : memref<8192xf32, #tpu.memory_space<hbm>>) target_semaphore(%arg13 : memref<!tpu.dma_semaphore, #tpu.memory_space<semaphore_mem>>)
    %parallel_loop3A_153 = arith.constant 32 : i32
    %parallel_loop3A_154 = arith.constant 64 : i32
    %parallel_loop3A_155 = arith.constant 1 : i32
    scf.for %parallel_loop3A_447 = %parallel_loop3A_153 to %parallel_loop3A_154 step %parallel_loop3A_155  : i32 {
      %parallel_loop3A_448 = arith.constant 256 : i32
      %parallel_loop3A_449 = arith.muli %parallel_loop3A_447, %parallel_loop3A_448 : i32
      %parallel_loop3A_450 = arith.constant 0 : i32
      %parallel_loop3A_451 = arith.addi %parallel_loop3A_449, %parallel_loop3A_450 : i32
      %parallel_loop3A_452 = arith.index_cast %parallel_loop3A_451 : i32 to index
      %parallel_loop3A_453 = tpu.vector_load %arg4[%parallel_loop3A_452] {strides = array<i32>} : memref<32768xf32, #tpu.memory_space<vmem>>, vector<16xf32>,
      %parallel_loop3A_454 = vector.broadcast %while3A_135#0 : f32 to vector<16xf32>
      %parallel_loop3A_455 = arith.subf %parallel_loop3A_453, %parallel_loop3A_454 : vector<16xf32>
      %parallel_loop3A_456 = arith.constant 0.000000e+00 : f32
      %parallel_loop3A_457 = vector.broadcast %parallel_loop3A_456 : f32 to vector<16xf32>
      %parallel_loop3A_458 = arith.maximumf %parallel_loop3A_455, %parallel_loop3A_457 : vector<16xf32>
      %parallel_loop3A_459 = arith.index_cast %parallel_loop3A_451 : i32 to index
      %parallel_loop3A_460 = tpu.vector_load %arg4[%parallel_loop3A_459] {strides = array<i32>} : memref<32768xf32, #tpu.memory_space<vmem>>, vector<16xf32>,
      tpu.vector_store %arg4[%parallel_loop3A_459], %parallel_loop3A_458 {strides = array<i32>} : memref<32768xf32, #tpu.memory_space<vmem>>, vector<16xf32>,
      %parallel_loop3A_461 = arith.constant 16 : i32
      %parallel_loop3A_462 = arith.addi %parallel_loop3A_449, %parallel_loop3A_461 : i32
      %parallel_loop3A_463 = arith.index_cast %parallel_loop3A_462 : i32 to index
      %parallel_loop3A_464 = tpu.vector_load %arg4[%parallel_loop3A_463] {strides = array<i32>} : memref<32768xf32, #tpu.memory_space<vmem>>, vector<16xf32>,
      %parallel_loop3A_465 = vector.broadcast %while3A_135#0 : f32 to vector<16xf32>
      %parallel_loop3A_466 = arith.subf %parallel_loop3A_464, %parallel_loop3A_465 : vector<16xf32>
      %parallel_loop3A_467 = arith.constant 0.000000e+00 : f32
      %parallel_loop3A_468 = vector.broadcast %parallel_loop3A_467 : f32 to vector<16xf32>
      %parallel_loop3A_469 = arith.maximumf %parallel_loop3A_466, %parallel_loop3A_468 : vector<16xf32>
      %parallel_loop3A_470 = arith.index_cast %parallel_loop3A_462 : i32 to index
      %parallel_loop3A_471 = tpu.vector_load %arg4[%parallel_loop3A_470] {strides = array<i32>} : memref<32768xf32, #tpu.memory_space<vmem>>, vector<16xf32>,
      tpu.vector_store %arg4[%parallel_loop3A_470], %parallel_loop3A_469 {strides = array<i32>} : memref<32768xf32, #tpu.memory_space<vmem>>, vector<16xf32>,
      %parallel_loop3A_472 = arith.constant 32 : i32
      %parallel_loop3A_473 = arith.addi %parallel_loop3A_449, %parallel_loop3A_472 : i32
      %parallel_loop3A_474 = arith.index_cast %parallel_loop3A_473 : i32 to index
      %parallel_loop3A_475 = tpu.vector_load %arg4[%parallel_loop3A_474] {strides = array<i32>} : memref<32768xf32, #tpu.memory_space<vmem>>, vector<16xf32>,
      %parallel_loop3A_476 = vector.broadcast %while3A_135#0 : f32 to vector<16xf32>
      %parallel_loop3A_477 = arith.subf %parallel_loop3A_475, %parallel_loop3A_476 : vector<16xf32>
      %parallel_loop3A_478 = arith.constant 0.000000e+00 : f32
      %parallel_loop3A_479 = vector.broadcast %parallel_loop3A_478 : f32 to vector<16xf32>
      %parallel_loop3A_480 = arith.maximumf %parallel_loop3A_477, %parallel_loop3A_479 : vector<16xf32>
      %parallel_loop3A_481 = arith.index_cast %parallel_loop3A_473 : i32 to index
      %parallel_loop3A_482 = tpu.vector_load %arg4[%parallel_loop3A_481] {strides = array<i32>} : memref<32768xf32, #tpu.memory_space<vmem>>, vector<16xf32>,
      tpu.vector_store %arg4[%parallel_loop3A_481], %parallel_loop3A_480 {strides = array<i32>} : memref<32768xf32, #tpu.memory_space<vmem>>, vector<16xf32>,
      %parallel_loop3A_483 = arith.constant 48 : i32
      %parallel_loop3A_484 = arith.addi %parallel_loop3A_449, %parallel_loop3A_483 : i32
      %parallel_loop3A_485 = arith.index_cast %parallel_loop3A_484 : i32 to index
      %parallel_loop3A_486 = tpu.vector_load %arg4[%parallel_loop3A_485] {strides = array<i32>} : memref<32768xf32, #tpu.memory_space<vmem>>, vector<16xf32>,
      %parallel_loop3A_487 = vector.broadcast %while3A_135#0 : f32 to vector<16xf32>
      %parallel_loop3A_488 = arith.subf %parallel_loop3A_486, %parallel_loop3A_487 : vector<16xf32>
      %parallel_loop3A_489 = arith.constant 0.000000e+00 : f32
      %parallel_loop3A_490 = vector.broadcast %parallel_loop3A_489 : f32 to vector<16xf32>
      %parallel_loop3A_491 = arith.maximumf %parallel_loop3A_488, %parallel_loop3A_490 : vector<16xf32>
      %parallel_loop3A_492 = arith.index_cast %parallel_loop3A_484 : i32 to index
      %parallel_loop3A_493 = tpu.vector_load %arg4[%parallel_loop3A_492] {strides = array<i32>} : memref<32768xf32, #tpu.memory_space<vmem>>, vector<16xf32>,
      tpu.vector_store %arg4[%parallel_loop3A_492], %parallel_loop3A_491 {strides = array<i32>} : memref<32768xf32, #tpu.memory_space<vmem>>, vector<16xf32>,
      %parallel_loop3A_494 = arith.constant 64 : i32
      %parallel_loop3A_495 = arith.addi %parallel_loop3A_449, %parallel_loop3A_494 : i32
      %parallel_loop3A_496 = arith.index_cast %parallel_loop3A_495 : i32 to index
      %parallel_loop3A_497 = tpu.vector_load %arg4[%parallel_loop3A_496] {strides = array<i32>} : memref<32768xf32, #tpu.memory_space<vmem>>, vector<16xf32>,
      %parallel_loop3A_498 = vector.broadcast %while3A_135#0 : f32 to vector<16xf32>
      %parallel_loop3A_499 = arith.subf %parallel_loop3A_497, %parallel_loop3A_498 : vector<16xf32>
      %parallel_loop3A_500 = arith.constant 0.000000e+00 : f32
      %parallel_loop3A_501 = vector.broadcast %parallel_loop3A_500 : f32 to vector<16xf32>
      %parallel_loop3A_502 = arith.maximumf %parallel_loop3A_499, %parallel_loop3A_501 : vector<16xf32>
      %parallel_loop3A_503 = arith.index_cast %parallel_loop3A_495 : i32 to index
      %parallel_loop3A_504 = tpu.vector_load %arg4[%parallel_loop3A_503] {strides = array<i32>} : memref<32768xf32, #tpu.memory_space<vmem>>, vector<16xf32>,
      tpu.vector_store %arg4[%parallel_loop3A_503], %parallel_loop3A_502 {strides = array<i32>} : memref<32768xf32, #tpu.memory_space<vmem>>, vector<16xf32>,
      %parallel_loop3A_505 = arith.constant 80 : i32
      %parallel_loop3A_506 = arith.addi %parallel_loop3A_449, %parallel_loop3A_505 : i32
      %parallel_loop3A_507 = arith.index_cast %parallel_loop3A_506 : i32 to index
      %parallel_loop3A_508 = tpu.vector_load %arg4[%parallel_loop3A_507] {strides = array<i32>} : memref<32768xf32, #tpu.memory_space<vmem>>, vector<16xf32>,
      %parallel_loop3A_509 = vector.broadcast %while3A_135#0 : f32 to vector<16xf32>
      %parallel_loop3A_510 = arith.subf %parallel_loop3A_508, %parallel_loop3A_509 : vector<16xf32>
      %parallel_loop3A_511 = arith.constant 0.000000e+00 : f32
      %parallel_loop3A_512 = vector.broadcast %parallel_loop3A_511 : f32 to vector<16xf32>
      %parallel_loop3A_513 = arith.maximumf %parallel_loop3A_510, %parallel_loop3A_512 : vector<16xf32>
      %parallel_loop3A_514 = arith.index_cast %parallel_loop3A_506 : i32 to index
      %parallel_loop3A_515 = tpu.vector_load %arg4[%parallel_loop3A_514] {strides = array<i32>} : memref<32768xf32, #tpu.memory_space<vmem>>, vector<16xf32>,
      tpu.vector_store %arg4[%parallel_loop3A_514], %parallel_loop3A_513 {strides = array<i32>} : memref<32768xf32, #tpu.memory_space<vmem>>, vector<16xf32>,
      %parallel_loop3A_516 = arith.constant 96 : i32
      %parallel_loop3A_517 = arith.addi %parallel_loop3A_449, %parallel_loop3A_516 : i32
      %parallel_loop3A_518 = arith.index_cast %parallel_loop3A_517 : i32 to index
      %parallel_loop3A_519 = tpu.vector_load %arg4[%parallel_loop3A_518] {strides = array<i32>} : memref<32768xf32, #tpu.memory_space<vmem>>, vector<16xf32>,
      %parallel_loop3A_520 = vector.broadcast %while3A_135#0 : f32 to vector<16xf32>
      %parallel_loop3A_521 = arith.subf %parallel_loop3A_519, %parallel_loop3A_520 : vector<16xf32>
      %parallel_loop3A_522 = arith.constant 0.000000e+00 : f32
      %parallel_loop3A_523 = vector.broadcast %parallel_loop3A_522 : f32 to vector<16xf32>
      %parallel_loop3A_524 = arith.maximumf %parallel_loop3A_521, %parallel_loop3A_523 : vector<16xf32>
      %parallel_loop3A_525 = arith.index_cast %parallel_loop3A_517 : i32 to index
      %parallel_loop3A_526 = tpu.vector_load %arg4[%parallel_loop3A_525] {strides = array<i32>} : memref<32768xf32, #tpu.memory_space<vmem>>, vector<16xf32>,
      tpu.vector_store %arg4[%parallel_loop3A_525], %parallel_loop3A_524 {strides = array<i32>} : memref<32768xf32, #tpu.memory_space<vmem>>, vector<16xf32>,
      %parallel_loop3A_527 = arith.constant 112 : i32
      %parallel_loop3A_528 = arith.addi %parallel_loop3A_449, %parallel_loop3A_527 : i32
      %parallel_loop3A_529 = arith.index_cast %parallel_loop3A_528 : i32 to index
      %parallel_loop3A_530 = tpu.vector_load %arg4[%parallel_loop3A_529] {strides = array<i32>} : memref<32768xf32, #tpu.memory_space<vmem>>, vector<16xf32>,
      %parallel_loop3A_531 = vector.broadcast %while3A_135#0 : f32 to vector<16xf32>
      %parallel_loop3A_532 = arith.subf %parallel_loop3A_530, %parallel_loop3A_531 : vector<16xf32>
      %parallel_loop3A_533 = arith.constant 0.000000e+00 : f32
      %parallel_loop3A_534 = vector.broadcast %parallel_loop3A_533 : f32 to vector<16xf32>
      %parallel_loop3A_535 = arith.maximumf %parallel_loop3A_532, %parallel_loop3A_534 : vector<16xf32>
      %parallel_loop3A_536 = arith.index_cast %parallel_loop3A_528 : i32 to index
      %parallel_loop3A_537 = tpu.vector_load %arg4[%parallel_loop3A_536] {strides = array<i32>} : memref<32768xf32, #tpu.memory_space<vmem>>, vector<16xf32>,
      tpu.vector_store %arg4[%parallel_loop3A_536], %parallel_loop3A_535 {strides = array<i32>} : memref<32768xf32, #tpu.memory_space<vmem>>, vector<16xf32>,
      %parallel_loop3A_538 = arith.constant 128 : i32
      %parallel_loop3A_539 = arith.addi %parallel_loop3A_449, %parallel_loop3A_538 : i32
      %parallel_loop3A_540 = arith.index_cast %parallel_loop3A_539 : i32 to index
      %parallel_loop3A_541 = tpu.vector_load %arg4[%parallel_loop3A_540] {strides = array<i32>} : memref<32768xf32, #tpu.memory_space<vmem>>, vector<16xf32>,
      %parallel_loop3A_542 = vector.broadcast %while3A_135#0 : f32 to vector<16xf32>
      %parallel_loop3A_543 = arith.subf %parallel_loop3A_541, %parallel_loop3A_542 : vector<16xf32>
      %parallel_loop3A_544 = arith.constant 0.000000e+00 : f32
      %parallel_loop3A_545 = vector.broadcast %parallel_loop3A_544 : f32 to vector<16xf32>
      %parallel_loop3A_546 = arith.maximumf %parallel_loop3A_543, %parallel_loop3A_545 : vector<16xf32>
      %parallel_loop3A_547 = arith.index_cast %parallel_loop3A_539 : i32 to index
      %parallel_loop3A_548 = tpu.vector_load %arg4[%parallel_loop3A_547] {strides = array<i32>} : memref<32768xf32, #tpu.memory_space<vmem>>, vector<16xf32>,
      tpu.vector_store %arg4[%parallel_loop3A_547], %parallel_loop3A_546 {strides = array<i32>} : memref<32768xf32, #tpu.memory_space<vmem>>, vector<16xf32>,
      %parallel_loop3A_549 = arith.constant 144 : i32
      %parallel_loop3A_550 = arith.addi %parallel_loop3A_449, %parallel_loop3A_549 : i32
      %parallel_loop3A_551 = arith.index_cast %parallel_loop3A_550 : i32 to index
      %parallel_loop3A_552 = tpu.vector_load %arg4[%parallel_loop3A_551] {strides = array<i32>} : memref<32768xf32, #tpu.memory_space<vmem>>, vector<16xf32>,
      %parallel_loop3A_553 = vector.broadcast %while3A_135#0 : f32 to vector<16xf32>
      %parallel_loop3A_554 = arith.subf %parallel_loop3A_552, %parallel_loop3A_553 : vector<16xf32>
      %parallel_loop3A_555 = arith.constant 0.000000e+00 : f32
      %parallel_loop3A_556 = vector.broadcast %parallel_loop3A_555 : f32 to vector<16xf32>
      %parallel_loop3A_557 = arith.maximumf %parallel_loop3A_554, %parallel_loop3A_556 : vector<16xf32>
      %parallel_loop3A_558 = arith.index_cast %parallel_loop3A_550 : i32 to index
      %parallel_loop3A_559 = tpu.vector_load %arg4[%parallel_loop3A_558] {strides = array<i32>} : memref<32768xf32, #tpu.memory_space<vmem>>, vector<16xf32>,
      tpu.vector_store %arg4[%parallel_loop3A_558], %parallel_loop3A_557 {strides = array<i32>} : memref<32768xf32, #tpu.memory_space<vmem>>, vector<16xf32>,
      %parallel_loop3A_560 = arith.constant 160 : i32
      %parallel_loop3A_561 = arith.addi %parallel_loop3A_449, %parallel_loop3A_560 : i32
      %parallel_loop3A_562 = arith.index_cast %parallel_loop3A_561 : i32 to index
      %parallel_loop3A_563 = tpu.vector_load %arg4[%parallel_loop3A_562] {strides = array<i32>} : memref<32768xf32, #tpu.memory_space<vmem>>, vector<16xf32>,
      %parallel_loop3A_564 = vector.broadcast %while3A_135#0 : f32 to vector<16xf32>
      %parallel_loop3A_565 = arith.subf %parallel_loop3A_563, %parallel_loop3A_564 : vector<16xf32>
      %parallel_loop3A_566 = arith.constant 0.000000e+00 : f32
      %parallel_loop3A_567 = vector.broadcast %parallel_loop3A_566 : f32 to vector<16xf32>
      %parallel_loop3A_568 = arith.maximumf %parallel_loop3A_565, %parallel_loop3A_567 : vector<16xf32>
      %parallel_loop3A_569 = arith.index_cast %parallel_loop3A_561 : i32 to index
      %parallel_loop3A_570 = tpu.vector_load %arg4[%parallel_loop3A_569] {strides = array<i32>} : memref<32768xf32, #tpu.memory_space<vmem>>, vector<16xf32>,
      tpu.vector_store %arg4[%parallel_loop3A_569], %parallel_loop3A_568 {strides = array<i32>} : memref<32768xf32, #tpu.memory_space<vmem>>, vector<16xf32>,
      %parallel_loop3A_571 = arith.constant 176 : i32
      %parallel_loop3A_572 = arith.addi %parallel_loop3A_449, %parallel_loop3A_571 : i32
      %parallel_loop3A_573 = arith.index_cast %parallel_loop3A_572 : i32 to index
      %parallel_loop3A_574 = tpu.vector_load %arg4[%parallel_loop3A_573] {strides = array<i32>} : memref<32768xf32, #tpu.memory_space<vmem>>, vector<16xf32>,
      %parallel_loop3A_575 = vector.broadcast %while3A_135#0 : f32 to vector<16xf32>
      %parallel_loop3A_576 = arith.subf %parallel_loop3A_574, %parallel_loop3A_575 : vector<16xf32>
      %parallel_loop3A_577 = arith.constant 0.000000e+00 : f32
      %parallel_loop3A_578 = vector.broadcast %parallel_loop3A_577 : f32 to vector<16xf32>
      %parallel_loop3A_579 = arith.maximumf %parallel_loop3A_576, %parallel_loop3A_578 : vector<16xf32>
      %parallel_loop3A_580 = arith.index_cast %parallel_loop3A_572 : i32 to index
      %parallel_loop3A_581 = tpu.vector_load %arg4[%parallel_loop3A_580] {strides = array<i32>} : memref<32768xf32, #tpu.memory_space<vmem>>, vector<16xf32>,
      tpu.vector_store %arg4[%parallel_loop3A_580], %parallel_loop3A_579 {strides = array<i32>} : memref<32768xf32, #tpu.memory_space<vmem>>, vector<16xf32>,
      %parallel_loop3A_582 = arith.constant 192 : i32
      %parallel_loop3A_583 = arith.addi %parallel_loop3A_449, %parallel_loop3A_582 : i32
      %parallel_loop3A_584 = arith.index_cast %parallel_loop3A_583 : i32 to index
      %parallel_loop3A_585 = tpu.vector_load %arg4[%parallel_loop3A_584] {strides = array<i32>} : memref<32768xf32, #tpu.memory_space<vmem>>, vector<16xf32>,
      %parallel_loop3A_586 = vector.broadcast %while3A_135#0 : f32 to vector<16xf32>
      %parallel_loop3A_587 = arith.subf %parallel_loop3A_585, %parallel_loop3A_586 : vector<16xf32>
      %parallel_loop3A_588 = arith.constant 0.000000e+00 : f32
      %parallel_loop3A_589 = vector.broadcast %parallel_loop3A_588 : f32 to vector<16xf32>
      %parallel_loop3A_590 = arith.maximumf %parallel_loop3A_587, %parallel_loop3A_589 : vector<16xf32>
      %parallel_loop3A_591 = arith.index_cast %parallel_loop3A_583 : i32 to index
      %parallel_loop3A_592 = tpu.vector_load %arg4[%parallel_loop3A_591] {strides = array<i32>} : memref<32768xf32, #tpu.memory_space<vmem>>, vector<16xf32>,
      tpu.vector_store %arg4[%parallel_loop3A_591], %parallel_loop3A_590 {strides = array<i32>} : memref<32768xf32, #tpu.memory_space<vmem>>, vector<16xf32>,
      %parallel_loop3A_593 = arith.constant 208 : i32
      %parallel_loop3A_594 = arith.addi %parallel_loop3A_449, %parallel_loop3A_593 : i32
      %parallel_loop3A_595 = arith.index_cast %parallel_loop3A_594 : i32 to index
      %parallel_loop3A_596 = tpu.vector_load %arg4[%parallel_loop3A_595] {strides = array<i32>} : memref<32768xf32, #tpu.memory_space<vmem>>, vector<16xf32>,
      %parallel_loop3A_597 = vector.broadcast %while3A_135#0 : f32 to vector<16xf32>
      %parallel_loop3A_598 = arith.subf %parallel_loop3A_596, %parallel_loop3A_597 : vector<16xf32>
      %parallel_loop3A_599 = arith.constant 0.000000e+00 : f32
      %parallel_loop3A_600 = vector.broadcast %parallel_loop3A_599 : f32 to vector<16xf32>
      %parallel_loop3A_601 = arith.maximumf %parallel_loop3A_598, %parallel_loop3A_600 : vector<16xf32>
      %parallel_loop3A_602 = arith.index_cast %parallel_loop3A_594 : i32 to index
      %parallel_loop3A_603 = tpu.vector_load %arg4[%parallel_loop3A_602] {strides = array<i32>} : memref<32768xf32, #tpu.memory_space<vmem>>, vector<16xf32>,
      tpu.vector_store %arg4[%parallel_loop3A_602], %parallel_loop3A_601 {strides = array<i32>} : memref<32768xf32, #tpu.memory_space<vmem>>, vector<16xf32>,
      %parallel_loop3A_604 = arith.constant 224 : i32
      %parallel_loop3A_605 = arith.addi %parallel_loop3A_449, %parallel_loop3A_604 : i32
      %parallel_loop3A_606 = arith.index_cast %parallel_loop3A_605 : i32 to index
      %parallel_loop3A_607 = tpu.vector_load %arg4[%parallel_loop3A_606] {strides = array<i32>} : memref<32768xf32, #tpu.memory_space<vmem>>, vector<16xf32>,
      %parallel_loop3A_608 = vector.broadcast %while3A_135#0 : f32 to vector<16xf32>
      %parallel_loop3A_609 = arith.subf %parallel_loop3A_607, %parallel_loop3A_608 : vector<16xf32>
      %parallel_loop3A_610 = arith.constant 0.000000e+00 : f32
      %parallel_loop3A_611 = vector.broadcast %parallel_loop3A_610 : f32 to vector<16xf32>
      %parallel_loop3A_612 = arith.maximumf %parallel_loop3A_609, %parallel_loop3A_611 : vector<16xf32>
      %parallel_loop3A_613 = arith.index_cast %parallel_loop3A_605 : i32 to index
      %parallel_loop3A_614 = tpu.vector_load %arg4[%parallel_loop3A_613] {strides = array<i32>} : memref<32768xf32, #tpu.memory_space<vmem>>, vector<16xf32>,
      tpu.vector_store %arg4[%parallel_loop3A_613], %parallel_loop3A_612 {strides = array<i32>} : memref<32768xf32, #tpu.memory_space<vmem>>, vector<16xf32>,
      %parallel_loop3A_615 = arith.constant 240 : i32
      %parallel_loop3A_616 = arith.addi %parallel_loop3A_449, %parallel_loop3A_615 : i32
      %parallel_loop3A_617 = arith.index_cast %parallel_loop3A_616 : i32 to index
      %parallel_loop3A_618 = tpu.vector_load %arg4[%parallel_loop3A_617] {strides = array<i32>} : memref<32768xf32, #tpu.memory_space<vmem>>, vector<16xf32>,
      %parallel_loop3A_619 = vector.broadcast %while3A_135#0 : f32 to vector<16xf32>
      %parallel_loop3A_620 = arith.subf %parallel_loop3A_618, %parallel_loop3A_619 : vector<16xf32>
      %parallel_loop3A_621 = arith.constant 0.000000e+00 : f32
      %parallel_loop3A_622 = vector.broadcast %parallel_loop3A_621 : f32 to vector<16xf32>
      %parallel_loop3A_623 = arith.maximumf %parallel_loop3A_620, %parallel_loop3A_622 : vector<16xf32>
      %parallel_loop3A_624 = arith.index_cast %parallel_loop3A_616 : i32 to index
      %parallel_loop3A_625 = tpu.vector_load %arg4[%parallel_loop3A_624] {strides = array<i32>} : memref<32768xf32, #tpu.memory_space<vmem>>, vector<16xf32>,
      tpu.vector_store %arg4[%parallel_loop3A_624], %parallel_loop3A_623 {strides = array<i32>} : memref<32768xf32, #tpu.memory_space<vmem>>, vector<16xf32>,
    } {sc.loop_unroll_factor = 2 : i64, sc.parallel_access}
    %dma_start3A_156 = arith.constant 8192 : i32
    %dma_start3A_157 = tpu.memref_slice %arg4[%dma_start3A_156] : memref<32768xf32, #tpu.memory_space<vmem>> -> memref<8192xf32, #tpu.memory_space<vmem>>
    %dma_start3A_158 = arith.constant 0 : i32
    %dma_start3A_159 = tpu.memref_slice %arg3[%mul3A_2, %dma_start3A_158] : memref<64x32768xf32, #tpu.memory_space<hbm>> -> memref<1x32768xf32, #tpu.memory_space<hbm>>
    %dma_start3A_160 = tpu.memref_squeeze %dma_start3A_159 : memref<1x32768xf32, #tpu.memory_space<hbm>> -> memref<32768xf32, #tpu.memory_space<hbm>>
    %dma_start3A_161 = arith.constant 8192 : i32
    %dma_start3A_162 = tpu.memref_slice %dma_start3A_160[%dma_start3A_161] : memref<32768xf32, #tpu.memory_space<hbm>> -> memref<8192xf32, #tpu.memory_space<hbm>>
    %dma_start3A_163 = arith.constant 0 : i32
    %dma_start3A_164 = tpu.memref_slice %arg3[%mul3A_2, %dma_start3A_163] : memref<64x32768xf32, #tpu.memory_space<hbm>> -> memref<1x32768xf32, #tpu.memory_space<hbm>>
    %dma_start3A_165 = tpu.memref_squeeze %dma_start3A_164 : memref<1x32768xf32, #tpu.memory_space<hbm>> -> memref<32768xf32, #tpu.memory_space<hbm>>
    %dma_start3A_166 = arith.constant 8192 : i32
    %dma_start3A_167 = tpu.memref_slice %dma_start3A_165[%dma_start3A_166] : memref<32768xf32, #tpu.memory_space<hbm>> -> memref<8192xf32, #tpu.memory_space<hbm>>
    %dma_start3A_168 = arith.constant 8192 : i32
    %dma_start3A_169 = tpu.memref_slice %arg4[%dma_start3A_168] : memref<32768xf32, #tpu.memory_space<vmem>> -> memref<8192xf32, #tpu.memory_space<vmem>>
    tpu.enqueue_dma source(%dma_start3A_169 : memref<8192xf32, #tpu.memory_space<vmem>>) target(%dma_start3A_167 : memref<8192xf32, #tpu.memory_space<hbm>>) target_semaphore(%arg13 : memref<!tpu.dma_semaphore, #tpu.memory_space<semaphore_mem>>)
    %parallel_loop3A_170 = arith.constant 64 : i32
    %parallel_loop3A_171 = arith.constant 96 : i32
    %parallel_loop3A_172 = arith.constant 1 : i32
    scf.for %parallel_loop3A_447 = %parallel_loop3A_170 to %parallel_loop3A_171 step %parallel_loop3A_172  : i32 {
      %parallel_loop3A_448 = arith.constant 256 : i32
      %parallel_loop3A_449 = arith.muli %parallel_loop3A_447, %parallel_loop3A_448 : i32
      %parallel_loop3A_450 = arith.constant 0 : i32
      %parallel_loop3A_451 = arith.addi %parallel_loop3A_449, %parallel_loop3A_450 : i32
      %parallel_loop3A_452 = arith.index_cast %parallel_loop3A_451 : i32 to index
      %parallel_loop3A_453 = tpu.vector_load %arg4[%parallel_loop3A_452] {strides = array<i32>} : memref<32768xf32, #tpu.memory_space<vmem>>, vector<16xf32>,
      %parallel_loop3A_454 = vector.broadcast %while3A_135#0 : f32 to vector<16xf32>
      %parallel_loop3A_455 = arith.subf %parallel_loop3A_453, %parallel_loop3A_454 : vector<16xf32>
      %parallel_loop3A_456 = arith.constant 0.000000e+00 : f32
      %parallel_loop3A_457 = vector.broadcast %parallel_loop3A_456 : f32 to vector<16xf32>
      %parallel_loop3A_458 = arith.maximumf %parallel_loop3A_455, %parallel_loop3A_457 : vector<16xf32>
      %parallel_loop3A_459 = arith.index_cast %parallel_loop3A_451 : i32 to index
      %parallel_loop3A_460 = tpu.vector_load %arg4[%parallel_loop3A_459] {strides = array<i32>} : memref<32768xf32, #tpu.memory_space<vmem>>, vector<16xf32>,
      tpu.vector_store %arg4[%parallel_loop3A_459], %parallel_loop3A_458 {strides = array<i32>} : memref<32768xf32, #tpu.memory_space<vmem>>, vector<16xf32>,
      %parallel_loop3A_461 = arith.constant 16 : i32
      %parallel_loop3A_462 = arith.addi %parallel_loop3A_449, %parallel_loop3A_461 : i32
      %parallel_loop3A_463 = arith.index_cast %parallel_loop3A_462 : i32 to index
      %parallel_loop3A_464 = tpu.vector_load %arg4[%parallel_loop3A_463] {strides = array<i32>} : memref<32768xf32, #tpu.memory_space<vmem>>, vector<16xf32>,
      %parallel_loop3A_465 = vector.broadcast %while3A_135#0 : f32 to vector<16xf32>
      %parallel_loop3A_466 = arith.subf %parallel_loop3A_464, %parallel_loop3A_465 : vector<16xf32>
      %parallel_loop3A_467 = arith.constant 0.000000e+00 : f32
      %parallel_loop3A_468 = vector.broadcast %parallel_loop3A_467 : f32 to vector<16xf32>
      %parallel_loop3A_469 = arith.maximumf %parallel_loop3A_466, %parallel_loop3A_468 : vector<16xf32>
      %parallel_loop3A_470 = arith.index_cast %parallel_loop3A_462 : i32 to index
      %parallel_loop3A_471 = tpu.vector_load %arg4[%parallel_loop3A_470] {strides = array<i32>} : memref<32768xf32, #tpu.memory_space<vmem>>, vector<16xf32>,
      tpu.vector_store %arg4[%parallel_loop3A_470], %parallel_loop3A_469 {strides = array<i32>} : memref<32768xf32, #tpu.memory_space<vmem>>, vector<16xf32>,
      %parallel_loop3A_472 = arith.constant 32 : i32
      %parallel_loop3A_473 = arith.addi %parallel_loop3A_449, %parallel_loop3A_472 : i32
      %parallel_loop3A_474 = arith.index_cast %parallel_loop3A_473 : i32 to index
      %parallel_loop3A_475 = tpu.vector_load %arg4[%parallel_loop3A_474] {strides = array<i32>} : memref<32768xf32, #tpu.memory_space<vmem>>, vector<16xf32>,
      %parallel_loop3A_476 = vector.broadcast %while3A_135#0 : f32 to vector<16xf32>
      %parallel_loop3A_477 = arith.subf %parallel_loop3A_475, %parallel_loop3A_476 : vector<16xf32>
      %parallel_loop3A_478 = arith.constant 0.000000e+00 : f32
      %parallel_loop3A_479 = vector.broadcast %parallel_loop3A_478 : f32 to vector<16xf32>
      %parallel_loop3A_480 = arith.maximumf %parallel_loop3A_477, %parallel_loop3A_479 : vector<16xf32>
      %parallel_loop3A_481 = arith.index_cast %parallel_loop3A_473 : i32 to index
      %parallel_loop3A_482 = tpu.vector_load %arg4[%parallel_loop3A_481] {strides = array<i32>} : memref<32768xf32, #tpu.memory_space<vmem>>, vector<16xf32>,
      tpu.vector_store %arg4[%parallel_loop3A_481], %parallel_loop3A_480 {strides = array<i32>} : memref<32768xf32, #tpu.memory_space<vmem>>, vector<16xf32>,
      %parallel_loop3A_483 = arith.constant 48 : i32
      %parallel_loop3A_484 = arith.addi %parallel_loop3A_449, %parallel_loop3A_483 : i32
      %parallel_loop3A_485 = arith.index_cast %parallel_loop3A_484 : i32 to index
      %parallel_loop3A_486 = tpu.vector_load %arg4[%parallel_loop3A_485] {strides = array<i32>} : memref<32768xf32, #tpu.memory_space<vmem>>, vector<16xf32>,
      %parallel_loop3A_487 = vector.broadcast %while3A_135#0 : f32 to vector<16xf32>
      %parallel_loop3A_488 = arith.subf %parallel_loop3A_486, %parallel_loop3A_487 : vector<16xf32>
      %parallel_loop3A_489 = arith.constant 0.000000e+00 : f32
      %parallel_loop3A_490 = vector.broadcast %parallel_loop3A_489 : f32 to vector<16xf32>
      %parallel_loop3A_491 = arith.maximumf %parallel_loop3A_488, %parallel_loop3A_490 : vector<16xf32>
      %parallel_loop3A_492 = arith.index_cast %parallel_loop3A_484 : i32 to index
      %parallel_loop3A_493 = tpu.vector_load %arg4[%parallel_loop3A_492] {strides = array<i32>} : memref<32768xf32, #tpu.memory_space<vmem>>, vector<16xf32>,
      tpu.vector_store %arg4[%parallel_loop3A_492], %parallel_loop3A_491 {strides = array<i32>} : memref<32768xf32, #tpu.memory_space<vmem>>, vector<16xf32>,
      %parallel_loop3A_494 = arith.constant 64 : i32
      %parallel_loop3A_495 = arith.addi %parallel_loop3A_449, %parallel_loop3A_494 : i32
      %parallel_loop3A_496 = arith.index_cast %parallel_loop3A_495 : i32 to index
      %parallel_loop3A_497 = tpu.vector_load %arg4[%parallel_loop3A_496] {strides = array<i32>} : memref<32768xf32, #tpu.memory_space<vmem>>, vector<16xf32>,
      %parallel_loop3A_498 = vector.broadcast %while3A_135#0 : f32 to vector<16xf32>
      %parallel_loop3A_499 = arith.subf %parallel_loop3A_497, %parallel_loop3A_498 : vector<16xf32>
      %parallel_loop3A_500 = arith.constant 0.000000e+00 : f32
      %parallel_loop3A_501 = vector.broadcast %parallel_loop3A_500 : f32 to vector<16xf32>
      %parallel_loop3A_502 = arith.maximumf %parallel_loop3A_499, %parallel_loop3A_501 : vector<16xf32>
      %parallel_loop3A_503 = arith.index_cast %parallel_loop3A_495 : i32 to index
      %parallel_loop3A_504 = tpu.vector_load %arg4[%parallel_loop3A_503] {strides = array<i32>} : memref<32768xf32, #tpu.memory_space<vmem>>, vector<16xf32>,
      tpu.vector_store %arg4[%parallel_loop3A_503], %parallel_loop3A_502 {strides = array<i32>} : memref<32768xf32, #tpu.memory_space<vmem>>, vector<16xf32>,
      %parallel_loop3A_505 = arith.constant 80 : i32
      %parallel_loop3A_506 = arith.addi %parallel_loop3A_449, %parallel_loop3A_505 : i32
      %parallel_loop3A_507 = arith.index_cast %parallel_loop3A_506 : i32 to index
      %parallel_loop3A_508 = tpu.vector_load %arg4[%parallel_loop3A_507] {strides = array<i32>} : memref<32768xf32, #tpu.memory_space<vmem>>, vector<16xf32>,
      %parallel_loop3A_509 = vector.broadcast %while3A_135#0 : f32 to vector<16xf32>
      %parallel_loop3A_510 = arith.subf %parallel_loop3A_508, %parallel_loop3A_509 : vector<16xf32>
      %parallel_loop3A_511 = arith.constant 0.000000e+00 : f32
      %parallel_loop3A_512 = vector.broadcast %parallel_loop3A_511 : f32 to vector<16xf32>
      %parallel_loop3A_513 = arith.maximumf %parallel_loop3A_510, %parallel_loop3A_512 : vector<16xf32>
      %parallel_loop3A_514 = arith.index_cast %parallel_loop3A_506 : i32 to index
      %parallel_loop3A_515 = tpu.vector_load %arg4[%parallel_loop3A_514] {strides = array<i32>} : memref<32768xf32, #tpu.memory_space<vmem>>, vector<16xf32>,
      tpu.vector_store %arg4[%parallel_loop3A_514], %parallel_loop3A_513 {strides = array<i32>} : memref<32768xf32, #tpu.memory_space<vmem>>, vector<16xf32>,
      %parallel_loop3A_516 = arith.constant 96 : i32
      %parallel_loop3A_517 = arith.addi %parallel_loop3A_449, %parallel_loop3A_516 : i32
      %parallel_loop3A_518 = arith.index_cast %parallel_loop3A_517 : i32 to index
      %parallel_loop3A_519 = tpu.vector_load %arg4[%parallel_loop3A_518] {strides = array<i32>} : memref<32768xf32, #tpu.memory_space<vmem>>, vector<16xf32>,
      %parallel_loop3A_520 = vector.broadcast %while3A_135#0 : f32 to vector<16xf32>
      %parallel_loop3A_521 = arith.subf %parallel_loop3A_519, %parallel_loop3A_520 : vector<16xf32>
      %parallel_loop3A_522 = arith.constant 0.000000e+00 : f32
      %parallel_loop3A_523 = vector.broadcast %parallel_loop3A_522 : f32 to vector<16xf32>
      %parallel_loop3A_524 = arith.maximumf %parallel_loop3A_521, %parallel_loop3A_523 : vector<16xf32>
      %parallel_loop3A_525 = arith.index_cast %parallel_loop3A_517 : i32 to index
      %parallel_loop3A_526 = tpu.vector_load %arg4[%parallel_loop3A_525] {strides = array<i32>} : memref<32768xf32, #tpu.memory_space<vmem>>, vector<16xf32>,
      tpu.vector_store %arg4[%parallel_loop3A_525], %parallel_loop3A_524 {strides = array<i32>} : memref<32768xf32, #tpu.memory_space<vmem>>, vector<16xf32>,
      %parallel_loop3A_527 = arith.constant 112 : i32
      %parallel_loop3A_528 = arith.addi %parallel_loop3A_449, %parallel_loop3A_527 : i32
      %parallel_loop3A_529 = arith.index_cast %parallel_loop3A_528 : i32 to index
      %parallel_loop3A_530 = tpu.vector_load %arg4[%parallel_loop3A_529] {strides = array<i32>} : memref<32768xf32, #tpu.memory_space<vmem>>, vector<16xf32>,
      %parallel_loop3A_531 = vector.broadcast %while3A_135#0 : f32 to vector<16xf32>
      %parallel_loop3A_532 = arith.subf %parallel_loop3A_530, %parallel_loop3A_531 : vector<16xf32>
      %parallel_loop3A_533 = arith.constant 0.000000e+00 : f32
      %parallel_loop3A_534 = vector.broadcast %parallel_loop3A_533 : f32 to vector<16xf32>
      %parallel_loop3A_535 = arith.maximumf %parallel_loop3A_532, %parallel_loop3A_534 : vector<16xf32>
      %parallel_loop3A_536 = arith.index_cast %parallel_loop3A_528 : i32 to index
      %parallel_loop3A_537 = tpu.vector_load %arg4[%parallel_loop3A_536] {strides = array<i32>} : memref<32768xf32, #tpu.memory_space<vmem>>, vector<16xf32>,
      tpu.vector_store %arg4[%parallel_loop3A_536], %parallel_loop3A_535 {strides = array<i32>} : memref<32768xf32, #tpu.memory_space<vmem>>, vector<16xf32>,
      %parallel_loop3A_538 = arith.constant 128 : i32
      %parallel_loop3A_539 = arith.addi %parallel_loop3A_449, %parallel_loop3A_538 : i32
      %parallel_loop3A_540 = arith.index_cast %parallel_loop3A_539 : i32 to index
      %parallel_loop3A_541 = tpu.vector_load %arg4[%parallel_loop3A_540] {strides = array<i32>} : memref<32768xf32, #tpu.memory_space<vmem>>, vector<16xf32>,
      %parallel_loop3A_542 = vector.broadcast %while3A_135#0 : f32 to vector<16xf32>
      %parallel_loop3A_543 = arith.subf %parallel_loop3A_541, %parallel_loop3A_542 : vector<16xf32>
      %parallel_loop3A_544 = arith.constant 0.000000e+00 : f32
      %parallel_loop3A_545 = vector.broadcast %parallel_loop3A_544 : f32 to vector<16xf32>
      %parallel_loop3A_546 = arith.maximumf %parallel_loop3A_543, %parallel_loop3A_545 : vector<16xf32>
      %parallel_loop3A_547 = arith.index_cast %parallel_loop3A_539 : i32 to index
      %parallel_loop3A_548 = tpu.vector_load %arg4[%parallel_loop3A_547] {strides = array<i32>} : memref<32768xf32, #tpu.memory_space<vmem>>, vector<16xf32>,
      tpu.vector_store %arg4[%parallel_loop3A_547], %parallel_loop3A_546 {strides = array<i32>} : memref<32768xf32, #tpu.memory_space<vmem>>, vector<16xf32>,
      %parallel_loop3A_549 = arith.constant 144 : i32
      %parallel_loop3A_550 = arith.addi %parallel_loop3A_449, %parallel_loop3A_549 : i32
      %parallel_loop3A_551 = arith.index_cast %parallel_loop3A_550 : i32 to index
      %parallel_loop3A_552 = tpu.vector_load %arg4[%parallel_loop3A_551] {strides = array<i32>} : memref<32768xf32, #tpu.memory_space<vmem>>, vector<16xf32>,
      %parallel_loop3A_553 = vector.broadcast %while3A_135#0 : f32 to vector<16xf32>
      %parallel_loop3A_554 = arith.subf %parallel_loop3A_552, %parallel_loop3A_553 : vector<16xf32>
      %parallel_loop3A_555 = arith.constant 0.000000e+00 : f32
      %parallel_loop3A_556 = vector.broadcast %parallel_loop3A_555 : f32 to vector<16xf32>
      %parallel_loop3A_557 = arith.maximumf %parallel_loop3A_554, %parallel_loop3A_556 : vector<16xf32>
      %parallel_loop3A_558 = arith.index_cast %parallel_loop3A_550 : i32 to index
      %parallel_loop3A_559 = tpu.vector_load %arg4[%parallel_loop3A_558] {strides = array<i32>} : memref<32768xf32, #tpu.memory_space<vmem>>, vector<16xf32>,
      tpu.vector_store %arg4[%parallel_loop3A_558], %parallel_loop3A_557 {strides = array<i32>} : memref<32768xf32, #tpu.memory_space<vmem>>, vector<16xf32>,
      %parallel_loop3A_560 = arith.constant 160 : i32
      %parallel_loop3A_561 = arith.addi %parallel_loop3A_449, %parallel_loop3A_560 : i32
      %parallel_loop3A_562 = arith.index_cast %parallel_loop3A_561 : i32 to index
      %parallel_loop3A_563 = tpu.vector_load %arg4[%parallel_loop3A_562] {strides = array<i32>} : memref<32768xf32, #tpu.memory_space<vmem>>, vector<16xf32>,
      %parallel_loop3A_564 = vector.broadcast %while3A_135#0 : f32 to vector<16xf32>
      %parallel_loop3A_565 = arith.subf %parallel_loop3A_563, %parallel_loop3A_564 : vector<16xf32>
      %parallel_loop3A_566 = arith.constant 0.000000e+00 : f32
      %parallel_loop3A_567 = vector.broadcast %parallel_loop3A_566 : f32 to vector<16xf32>
      %parallel_loop3A_568 = arith.maximumf %parallel_loop3A_565, %parallel_loop3A_567 : vector<16xf32>
      %parallel_loop3A_569 = arith.index_cast %parallel_loop3A_561 : i32 to index
      %parallel_loop3A_570 = tpu.vector_load %arg4[%parallel_loop3A_569] {strides = array<i32>} : memref<32768xf32, #tpu.memory_space<vmem>>, vector<16xf32>,
      tpu.vector_store %arg4[%parallel_loop3A_569], %parallel_loop3A_568 {strides = array<i32>} : memref<32768xf32, #tpu.memory_space<vmem>>, vector<16xf32>,
      %parallel_loop3A_571 = arith.constant 176 : i32
      %parallel_loop3A_572 = arith.addi %parallel_loop3A_449, %parallel_loop3A_571 : i32
      %parallel_loop3A_573 = arith.index_cast %parallel_loop3A_572 : i32 to index
      %parallel_loop3A_574 = tpu.vector_load %arg4[%parallel_loop3A_573] {strides = array<i32>} : memref<32768xf32, #tpu.memory_space<vmem>>, vector<16xf32>,
      %parallel_loop3A_575 = vector.broadcast %while3A_135#0 : f32 to vector<16xf32>
      %parallel_loop3A_576 = arith.subf %parallel_loop3A_574, %parallel_loop3A_575 : vector<16xf32>
      %parallel_loop3A_577 = arith.constant 0.000000e+00 : f32
      %parallel_loop3A_578 = vector.broadcast %parallel_loop3A_577 : f32 to vector<16xf32>
      %parallel_loop3A_579 = arith.maximumf %parallel_loop3A_576, %parallel_loop3A_578 : vector<16xf32>
      %parallel_loop3A_580 = arith.index_cast %parallel_loop3A_572 : i32 to index
      %parallel_loop3A_581 = tpu.vector_load %arg4[%parallel_loop3A_580] {strides = array<i32>} : memref<32768xf32, #tpu.memory_space<vmem>>, vector<16xf32>,
      tpu.vector_store %arg4[%parallel_loop3A_580], %parallel_loop3A_579 {strides = array<i32>} : memref<32768xf32, #tpu.memory_space<vmem>>, vector<16xf32>,
      %parallel_loop3A_582 = arith.constant 192 : i32
      %parallel_loop3A_583 = arith.addi %parallel_loop3A_449, %parallel_loop3A_582 : i32
      %parallel_loop3A_584 = arith.index_cast %parallel_loop3A_583 : i32 to index
      %parallel_loop3A_585 = tpu.vector_load %arg4[%parallel_loop3A_584] {strides = array<i32>} : memref<32768xf32, #tpu.memory_space<vmem>>, vector<16xf32>,
      %parallel_loop3A_586 = vector.broadcast %while3A_135#0 : f32 to vector<16xf32>
      %parallel_loop3A_587 = arith.subf %parallel_loop3A_585, %parallel_loop3A_586 : vector<16xf32>
      %parallel_loop3A_588 = arith.constant 0.000000e+00 : f32
      %parallel_loop3A_589 = vector.broadcast %parallel_loop3A_588 : f32 to vector<16xf32>
      %parallel_loop3A_590 = arith.maximumf %parallel_loop3A_587, %parallel_loop3A_589 : vector<16xf32>
      %parallel_loop3A_591 = arith.index_cast %parallel_loop3A_583 : i32 to index
      %parallel_loop3A_592 = tpu.vector_load %arg4[%parallel_loop3A_591] {strides = array<i32>} : memref<32768xf32, #tpu.memory_space<vmem>>, vector<16xf32>,
      tpu.vector_store %arg4[%parallel_loop3A_591], %parallel_loop3A_590 {strides = array<i32>} : memref<32768xf32, #tpu.memory_space<vmem>>, vector<16xf32>,
      %parallel_loop3A_593 = arith.constant 208 : i32
      %parallel_loop3A_594 = arith.addi %parallel_loop3A_449, %parallel_loop3A_593 : i32
      %parallel_loop3A_595 = arith.index_cast %parallel_loop3A_594 : i32 to index
      %parallel_loop3A_596 = tpu.vector_load %arg4[%parallel_loop3A_595] {strides = array<i32>} : memref<32768xf32, #tpu.memory_space<vmem>>, vector<16xf32>,
      %parallel_loop3A_597 = vector.broadcast %while3A_135#0 : f32 to vector<16xf32>
      %parallel_loop3A_598 = arith.subf %parallel_loop3A_596, %parallel_loop3A_597 : vector<16xf32>
      %parallel_loop3A_599 = arith.constant 0.000000e+00 : f32
      %parallel_loop3A_600 = vector.broadcast %parallel_loop3A_599 : f32 to vector<16xf32>
      %parallel_loop3A_601 = arith.maximumf %parallel_loop3A_598, %parallel_loop3A_600 : vector<16xf32>
      %parallel_loop3A_602 = arith.index_cast %parallel_loop3A_594 : i32 to index
      %parallel_loop3A_603 = tpu.vector_load %arg4[%parallel_loop3A_602] {strides = array<i32>} : memref<32768xf32, #tpu.memory_space<vmem>>, vector<16xf32>,
      tpu.vector_store %arg4[%parallel_loop3A_602], %parallel_loop3A_601 {strides = array<i32>} : memref<32768xf32, #tpu.memory_space<vmem>>, vector<16xf32>,
      %parallel_loop3A_604 = arith.constant 224 : i32
      %parallel_loop3A_605 = arith.addi %parallel_loop3A_449, %parallel_loop3A_604 : i32
      %parallel_loop3A_606 = arith.index_cast %parallel_loop3A_605 : i32 to index
      %parallel_loop3A_607 = tpu.vector_load %arg4[%parallel_loop3A_606] {strides = array<i32>} : memref<32768xf32, #tpu.memory_space<vmem>>, vector<16xf32>,
      %parallel_loop3A_608 = vector.broadcast %while3A_135#0 : f32 to vector<16xf32>
      %parallel_loop3A_609 = arith.subf %parallel_loop3A_607, %parallel_loop3A_608 : vector<16xf32>
      %parallel_loop3A_610 = arith.constant 0.000000e+00 : f32
      %parallel_loop3A_611 = vector.broadcast %parallel_loop3A_610 : f32 to vector<16xf32>
      %parallel_loop3A_612 = arith.maximumf %parallel_loop3A_609, %parallel_loop3A_611 : vector<16xf32>
      %parallel_loop3A_613 = arith.index_cast %parallel_loop3A_605 : i32 to index
      %parallel_loop3A_614 = tpu.vector_load %arg4[%parallel_loop3A_613] {strides = array<i32>} : memref<32768xf32, #tpu.memory_space<vmem>>, vector<16xf32>,
      tpu.vector_store %arg4[%parallel_loop3A_613], %parallel_loop3A_612 {strides = array<i32>} : memref<32768xf32, #tpu.memory_space<vmem>>, vector<16xf32>,
      %parallel_loop3A_615 = arith.constant 240 : i32
      %parallel_loop3A_616 = arith.addi %parallel_loop3A_449, %parallel_loop3A_615 : i32
      %parallel_loop3A_617 = arith.index_cast %parallel_loop3A_616 : i32 to index
      %parallel_loop3A_618 = tpu.vector_load %arg4[%parallel_loop3A_617] {strides = array<i32>} : memref<32768xf32, #tpu.memory_space<vmem>>, vector<16xf32>,
      %parallel_loop3A_619 = vector.broadcast %while3A_135#0 : f32 to vector<16xf32>
      %parallel_loop3A_620 = arith.subf %parallel_loop3A_618, %parallel_loop3A_619 : vector<16xf32>
      %parallel_loop3A_621 = arith.constant 0.000000e+00 : f32
      %parallel_loop3A_622 = vector.broadcast %parallel_loop3A_621 : f32 to vector<16xf32>
      %parallel_loop3A_623 = arith.maximumf %parallel_loop3A_620, %parallel_loop3A_622 : vector<16xf32>
      %parallel_loop3A_624 = arith.index_cast %parallel_loop3A_616 : i32 to index
      %parallel_loop3A_625 = tpu.vector_load %arg4[%parallel_loop3A_624] {strides = array<i32>} : memref<32768xf32, #tpu.memory_space<vmem>>, vector<16xf32>,
      tpu.vector_store %arg4[%parallel_loop3A_624], %parallel_loop3A_623 {strides = array<i32>} : memref<32768xf32, #tpu.memory_space<vmem>>, vector<16xf32>,
    } {sc.loop_unroll_factor = 2 : i64, sc.parallel_access}
    %dma_start3A_173 = arith.constant 16384 : i32
    %dma_start3A_174 = tpu.memref_slice %arg4[%dma_start3A_173] : memref<32768xf32, #tpu.memory_space<vmem>> -> memref<8192xf32, #tpu.memory_space<vmem>>
    %dma_start3A_175 = arith.constant 0 : i32
    %dma_start3A_176 = tpu.memref_slice %arg3[%mul3A_2, %dma_start3A_175] : memref<64x32768xf32, #tpu.memory_space<hbm>> -> memref<1x32768xf32, #tpu.memory_space<hbm>>
    %dma_start3A_177 = tpu.memref_squeeze %dma_start3A_176 : memref<1x32768xf32, #tpu.memory_space<hbm>> -> memref<32768xf32, #tpu.memory_space<hbm>>
    %dma_start3A_178 = arith.constant 16384 : i32
    %dma_start3A_179 = tpu.memref_slice %dma_start3A_177[%dma_start3A_178] : memref<32768xf32, #tpu.memory_space<hbm>> -> memref<8192xf32, #tpu.memory_space<hbm>>
    %dma_start3A_180 = arith.constant 0 : i32
    %dma_start3A_181 = tpu.memref_slice %arg3[%mul3A_2, %dma_start3A_180] : memref<64x32768xf32, #tpu.memory_space<hbm>> -> memref<1x32768xf32, #tpu.memory_space<hbm>>
    %dma_start3A_182 = tpu.memref_squeeze %dma_start3A_181 : memref<1x32768xf32, #tpu.memory_space<hbm>> -> memref<32768xf32, #tpu.memory_space<hbm>>
    %dma_start3A_183 = arith.constant 16384 : i32
    %dma_start3A_184 = tpu.memref_slice %dma_start3A_182[%dma_start3A_183] : memref<32768xf32, #tpu.memory_space<hbm>> -> memref<8192xf32, #tpu.memory_space<hbm>>
    %dma_start3A_185 = arith.constant 16384 : i32
    %dma_start3A_186 = tpu.memref_slice %arg4[%dma_start3A_185] : memref<32768xf32, #tpu.memory_space<vmem>> -> memref<8192xf32, #tpu.memory_space<vmem>>
    tpu.enqueue_dma source(%dma_start3A_186 : memref<8192xf32, #tpu.memory_space<vmem>>) target(%dma_start3A_184 : memref<8192xf32, #tpu.memory_space<hbm>>) target_semaphore(%arg13 : memref<!tpu.dma_semaphore, #tpu.memory_space<semaphore_mem>>)
    %parallel_loop3A_187 = arith.constant 96 : i32
    %parallel_loop3A_188 = arith.constant 128 : i32
    %parallel_loop3A_189 = arith.constant 1 : i32
    scf.for %parallel_loop3A_447 = %parallel_loop3A_187 to %parallel_loop3A_188 step %parallel_loop3A_189  : i32 {
      %parallel_loop3A_448 = arith.constant 256 : i32
      %parallel_loop3A_449 = arith.muli %parallel_loop3A_447, %parallel_loop3A_448 : i32
      %parallel_loop3A_450 = arith.constant 0 : i32
      %parallel_loop3A_451 = arith.addi %parallel_loop3A_449, %parallel_loop3A_450 : i32
      %parallel_loop3A_452 = arith.index_cast %parallel_loop3A_451 : i32 to index
      %parallel_loop3A_453 = tpu.vector_load %arg4[%parallel_loop3A_452] {strides = array<i32>} : memref<32768xf32, #tpu.memory_space<vmem>>, vector<16xf32>,
      %parallel_loop3A_454 = vector.broadcast %while3A_135#0 : f32 to vector<16xf32>
      %parallel_loop3A_455 = arith.subf %parallel_loop3A_453, %parallel_loop3A_454 : vector<16xf32>
      %parallel_loop3A_456 = arith.constant 0.000000e+00 : f32
      %parallel_loop3A_457 = vector.broadcast %parallel_loop3A_456 : f32 to vector<16xf32>
      %parallel_loop3A_458 = arith.maximumf %parallel_loop3A_455, %parallel_loop3A_457 : vector<16xf32>
      %parallel_loop3A_459 = arith.index_cast %parallel_loop3A_451 : i32 to index
      %parallel_loop3A_460 = tpu.vector_load %arg4[%parallel_loop3A_459] {strides = array<i32>} : memref<32768xf32, #tpu.memory_space<vmem>>, vector<16xf32>,
      tpu.vector_store %arg4[%parallel_loop3A_459], %parallel_loop3A_458 {strides = array<i32>} : memref<32768xf32, #tpu.memory_space<vmem>>, vector<16xf32>,
      %parallel_loop3A_461 = arith.constant 16 : i32
      %parallel_loop3A_462 = arith.addi %parallel_loop3A_449, %parallel_loop3A_461 : i32
      %parallel_loop3A_463 = arith.index_cast %parallel_loop3A_462 : i32 to index
      %parallel_loop3A_464 = tpu.vector_load %arg4[%parallel_loop3A_463] {strides = array<i32>} : memref<32768xf32, #tpu.memory_space<vmem>>, vector<16xf32>,
      %parallel_loop3A_465 = vector.broadcast %while3A_135#0 : f32 to vector<16xf32>
      %parallel_loop3A_466 = arith.subf %parallel_loop3A_464, %parallel_loop3A_465 : vector<16xf32>
      %parallel_loop3A_467 = arith.constant 0.000000e+00 : f32
      %parallel_loop3A_468 = vector.broadcast %parallel_loop3A_467 : f32 to vector<16xf32>
      %parallel_loop3A_469 = arith.maximumf %parallel_loop3A_466, %parallel_loop3A_468 : vector<16xf32>
      %parallel_loop3A_470 = arith.index_cast %parallel_loop3A_462 : i32 to index
      %parallel_loop3A_471 = tpu.vector_load %arg4[%parallel_loop3A_470] {strides = array<i32>} : memref<32768xf32, #tpu.memory_space<vmem>>, vector<16xf32>,
      tpu.vector_store %arg4[%parallel_loop3A_470], %parallel_loop3A_469 {strides = array<i32>} : memref<32768xf32, #tpu.memory_space<vmem>>, vector<16xf32>,
      %parallel_loop3A_472 = arith.constant 32 : i32
      %parallel_loop3A_473 = arith.addi %parallel_loop3A_449, %parallel_loop3A_472 : i32
      %parallel_loop3A_474 = arith.index_cast %parallel_loop3A_473 : i32 to index
      %parallel_loop3A_475 = tpu.vector_load %arg4[%parallel_loop3A_474] {strides = array<i32>} : memref<32768xf32, #tpu.memory_space<vmem>>, vector<16xf32>,
      %parallel_loop3A_476 = vector.broadcast %while3A_135#0 : f32 to vector<16xf32>
      %parallel_loop3A_477 = arith.subf %parallel_loop3A_475, %parallel_loop3A_476 : vector<16xf32>
      %parallel_loop3A_478 = arith.constant 0.000000e+00 : f32
      %parallel_loop3A_479 = vector.broadcast %parallel_loop3A_478 : f32 to vector<16xf32>
      %parallel_loop3A_480 = arith.maximumf %parallel_loop3A_477, %parallel_loop3A_479 : vector<16xf32>
      %parallel_loop3A_481 = arith.index_cast %parallel_loop3A_473 : i32 to index
      %parallel_loop3A_482 = tpu.vector_load %arg4[%parallel_loop3A_481] {strides = array<i32>} : memref<32768xf32, #tpu.memory_space<vmem>>, vector<16xf32>,
      tpu.vector_store %arg4[%parallel_loop3A_481], %parallel_loop3A_480 {strides = array<i32>} : memref<32768xf32, #tpu.memory_space<vmem>>, vector<16xf32>,
      %parallel_loop3A_483 = arith.constant 48 : i32
      %parallel_loop3A_484 = arith.addi %parallel_loop3A_449, %parallel_loop3A_483 : i32
      %parallel_loop3A_485 = arith.index_cast %parallel_loop3A_484 : i32 to index
      %parallel_loop3A_486 = tpu.vector_load %arg4[%parallel_loop3A_485] {strides = array<i32>} : memref<32768xf32, #tpu.memory_space<vmem>>, vector<16xf32>,
      %parallel_loop3A_487 = vector.broadcast %while3A_135#0 : f32 to vector<16xf32>
      %parallel_loop3A_488 = arith.subf %parallel_loop3A_486, %parallel_loop3A_487 : vector<16xf32>
      %parallel_loop3A_489 = arith.constant 0.000000e+00 : f32
      %parallel_loop3A_490 = vector.broadcast %parallel_loop3A_489 : f32 to vector<16xf32>
      %parallel_loop3A_491 = arith.maximumf %parallel_loop3A_488, %parallel_loop3A_490 : vector<16xf32>
      %parallel_loop3A_492 = arith.index_cast %parallel_loop3A_484 : i32 to index
      %parallel_loop3A_493 = tpu.vector_load %arg4[%parallel_loop3A_492] {strides = array<i32>} : memref<32768xf32, #tpu.memory_space<vmem>>, vector<16xf32>,
      tpu.vector_store %arg4[%parallel_loop3A_492], %parallel_loop3A_491 {strides = array<i32>} : memref<32768xf32, #tpu.memory_space<vmem>>, vector<16xf32>,
      %parallel_loop3A_494 = arith.constant 64 : i32
      %parallel_loop3A_495 = arith.addi %parallel_loop3A_449, %parallel_loop3A_494 : i32
      %parallel_loop3A_496 = arith.index_cast %parallel_loop3A_495 : i32 to index
      %parallel_loop3A_497 = tpu.vector_load %arg4[%parallel_loop3A_496] {strides = array<i32>} : memref<32768xf32, #tpu.memory_space<vmem>>, vector<16xf32>,
      %parallel_loop3A_498 = vector.broadcast %while3A_135#0 : f32 to vector<16xf32>
      %parallel_loop3A_499 = arith.subf %parallel_loop3A_497, %parallel_loop3A_498 : vector<16xf32>
      %parallel_loop3A_500 = arith.constant 0.000000e+00 : f32
      %parallel_loop3A_501 = vector.broadcast %parallel_loop3A_500 : f32 to vector<16xf32>
      %parallel_loop3A_502 = arith.maximumf %parallel_loop3A_499, %parallel_loop3A_501 : vector<16xf32>
      %parallel_loop3A_503 = arith.index_cast %parallel_loop3A_495 : i32 to index
      %parallel_loop3A_504 = tpu.vector_load %arg4[%parallel_loop3A_503] {strides = array<i32>} : memref<32768xf32, #tpu.memory_space<vmem>>, vector<16xf32>,
      tpu.vector_store %arg4[%parallel_loop3A_503], %parallel_loop3A_502 {strides = array<i32>} : memref<32768xf32, #tpu.memory_space<vmem>>, vector<16xf32>,
      %parallel_loop3A_505 = arith.constant 80 : i32
      %parallel_loop3A_506 = arith.addi %parallel_loop3A_449, %parallel_loop3A_505 : i32
      %parallel_loop3A_507 = arith.index_cast %parallel_loop3A_506 : i32 to index
      %parallel_loop3A_508 = tpu.vector_load %arg4[%parallel_loop3A_507] {strides = array<i32>} : memref<32768xf32, #tpu.memory_space<vmem>>, vector<16xf32>,
      %parallel_loop3A_509 = vector.broadcast %while3A_135#0 : f32 to vector<16xf32>
      %parallel_loop3A_510 = arith.subf %parallel_loop3A_508, %parallel_loop3A_509 : vector<16xf32>
      %parallel_loop3A_511 = arith.constant 0.000000e+00 : f32
      %parallel_loop3A_512 = vector.broadcast %parallel_loop3A_511 : f32 to vector<16xf32>
      %parallel_loop3A_513 = arith.maximumf %parallel_loop3A_510, %parallel_loop3A_512 : vector<16xf32>
      %parallel_loop3A_514 = arith.index_cast %parallel_loop3A_506 : i32 to index
      %parallel_loop3A_515 = tpu.vector_load %arg4[%parallel_loop3A_514] {strides = array<i32>} : memref<32768xf32, #tpu.memory_space<vmem>>, vector<16xf32>,
      tpu.vector_store %arg4[%parallel_loop3A_514], %parallel_loop3A_513 {strides = array<i32>} : memref<32768xf32, #tpu.memory_space<vmem>>, vector<16xf32>,
      %parallel_loop3A_516 = arith.constant 96 : i32
      %parallel_loop3A_517 = arith.addi %parallel_loop3A_449, %parallel_loop3A_516 : i32
      %parallel_loop3A_518 = arith.index_cast %parallel_loop3A_517 : i32 to index
      %parallel_loop3A_519 = tpu.vector_load %arg4[%parallel_loop3A_518] {strides = array<i32>} : memref<32768xf32, #tpu.memory_space<vmem>>, vector<16xf32>,
      %parallel_loop3A_520 = vector.broadcast %while3A_135#0 : f32 to vector<16xf32>
      %parallel_loop3A_521 = arith.subf %parallel_loop3A_519, %parallel_loop3A_520 : vector<16xf32>
      %parallel_loop3A_522 = arith.constant 0.000000e+00 : f32
      %parallel_loop3A_523 = vector.broadcast %parallel_loop3A_522 : f32 to vector<16xf32>
      %parallel_loop3A_524 = arith.maximumf %parallel_loop3A_521, %parallel_loop3A_523 : vector<16xf32>
      %parallel_loop3A_525 = arith.index_cast %parallel_loop3A_517 : i32 to index
      %parallel_loop3A_526 = tpu.vector_load %arg4[%parallel_loop3A_525] {strides = array<i32>} : memref<32768xf32, #tpu.memory_space<vmem>>, vector<16xf32>,
      tpu.vector_store %arg4[%parallel_loop3A_525], %parallel_loop3A_524 {strides = array<i32>} : memref<32768xf32, #tpu.memory_space<vmem>>, vector<16xf32>,
      %parallel_loop3A_527 = arith.constant 112 : i32
      %parallel_loop3A_528 = arith.addi %parallel_loop3A_449, %parallel_loop3A_527 : i32
      %parallel_loop3A_529 = arith.index_cast %parallel_loop3A_528 : i32 to index
      %parallel_loop3A_530 = tpu.vector_load %arg4[%parallel_loop3A_529] {strides = array<i32>} : memref<32768xf32, #tpu.memory_space<vmem>>, vector<16xf32>,
      %parallel_loop3A_531 = vector.broadcast %while3A_135#0 : f32 to vector<16xf32>
      %parallel_loop3A_532 = arith.subf %parallel_loop3A_530, %parallel_loop3A_531 : vector<16xf32>
      %parallel_loop3A_533 = arith.constant 0.000000e+00 : f32
      %parallel_loop3A_534 = vector.broadcast %parallel_loop3A_533 : f32 to vector<16xf32>
      %parallel_loop3A_535 = arith.maximumf %parallel_loop3A_532, %parallel_loop3A_534 : vector<16xf32>
      %parallel_loop3A_536 = arith.index_cast %parallel_loop3A_528 : i32 to index
      %parallel_loop3A_537 = tpu.vector_load %arg4[%parallel_loop3A_536] {strides = array<i32>} : memref<32768xf32, #tpu.memory_space<vmem>>, vector<16xf32>,
      tpu.vector_store %arg4[%parallel_loop3A_536], %parallel_loop3A_535 {strides = array<i32>} : memref<32768xf32, #tpu.memory_space<vmem>>, vector<16xf32>,
      %parallel_loop3A_538 = arith.constant 128 : i32
      %parallel_loop3A_539 = arith.addi %parallel_loop3A_449, %parallel_loop3A_538 : i32
      %parallel_loop3A_540 = arith.index_cast %parallel_loop3A_539 : i32 to index
      %parallel_loop3A_541 = tpu.vector_load %arg4[%parallel_loop3A_540] {strides = array<i32>} : memref<32768xf32, #tpu.memory_space<vmem>>, vector<16xf32>,
      %parallel_loop3A_542 = vector.broadcast %while3A_135#0 : f32 to vector<16xf32>
      %parallel_loop3A_543 = arith.subf %parallel_loop3A_541, %parallel_loop3A_542 : vector<16xf32>
      %parallel_loop3A_544 = arith.constant 0.000000e+00 : f32
      %parallel_loop3A_545 = vector.broadcast %parallel_loop3A_544 : f32 to vector<16xf32>
      %parallel_loop3A_546 = arith.maximumf %parallel_loop3A_543, %parallel_loop3A_545 : vector<16xf32>
      %parallel_loop3A_547 = arith.index_cast %parallel_loop3A_539 : i32 to index
      %parallel_loop3A_548 = tpu.vector_load %arg4[%parallel_loop3A_547] {strides = array<i32>} : memref<32768xf32, #tpu.memory_space<vmem>>, vector<16xf32>,
      tpu.vector_store %arg4[%parallel_loop3A_547], %parallel_loop3A_546 {strides = array<i32>} : memref<32768xf32, #tpu.memory_space<vmem>>, vector<16xf32>,
      %parallel_loop3A_549 = arith.constant 144 : i32
      %parallel_loop3A_550 = arith.addi %parallel_loop3A_449, %parallel_loop3A_549 : i32
      %parallel_loop3A_551 = arith.index_cast %parallel_loop3A_550 : i32 to index
      %parallel_loop3A_552 = tpu.vector_load %arg4[%parallel_loop3A_551] {strides = array<i32>} : memref<32768xf32, #tpu.memory_space<vmem>>, vector<16xf32>,
      %parallel_loop3A_553 = vector.broadcast %while3A_135#0 : f32 to vector<16xf32>
      %parallel_loop3A_554 = arith.subf %parallel_loop3A_552, %parallel_loop3A_553 : vector<16xf32>
      %parallel_loop3A_555 = arith.constant 0.000000e+00 : f32
      %parallel_loop3A_556 = vector.broadcast %parallel_loop3A_555 : f32 to vector<16xf32>
      %parallel_loop3A_557 = arith.maximumf %parallel_loop3A_554, %parallel_loop3A_556 : vector<16xf32>
      %parallel_loop3A_558 = arith.index_cast %parallel_loop3A_550 : i32 to index
      %parallel_loop3A_559 = tpu.vector_load %arg4[%parallel_loop3A_558] {strides = array<i32>} : memref<32768xf32, #tpu.memory_space<vmem>>, vector<16xf32>,
      tpu.vector_store %arg4[%parallel_loop3A_558], %parallel_loop3A_557 {strides = array<i32>} : memref<32768xf32, #tpu.memory_space<vmem>>, vector<16xf32>,
      %parallel_loop3A_560 = arith.constant 160 : i32
      %parallel_loop3A_561 = arith.addi %parallel_loop3A_449, %parallel_loop3A_560 : i32
      %parallel_loop3A_562 = arith.index_cast %parallel_loop3A_561 : i32 to index
      %parallel_loop3A_563 = tpu.vector_load %arg4[%parallel_loop3A_562] {strides = array<i32>} : memref<32768xf32, #tpu.memory_space<vmem>>, vector<16xf32>,
      %parallel_loop3A_564 = vector.broadcast %while3A_135#0 : f32 to vector<16xf32>
      %parallel_loop3A_565 = arith.subf %parallel_loop3A_563, %parallel_loop3A_564 : vector<16xf32>
      %parallel_loop3A_566 = arith.constant 0.000000e+00 : f32
      %parallel_loop3A_567 = vector.broadcast %parallel_loop3A_566 : f32 to vector<16xf32>
      %parallel_loop3A_568 = arith.maximumf %parallel_loop3A_565, %parallel_loop3A_567 : vector<16xf32>
      %parallel_loop3A_569 = arith.index_cast %parallel_loop3A_561 : i32 to index
      %parallel_loop3A_570 = tpu.vector_load %arg4[%parallel_loop3A_569] {strides = array<i32>} : memref<32768xf32, #tpu.memory_space<vmem>>, vector<16xf32>,
      tpu.vector_store %arg4[%parallel_loop3A_569], %parallel_loop3A_568 {strides = array<i32>} : memref<32768xf32, #tpu.memory_space<vmem>>, vector<16xf32>,
      %parallel_loop3A_571 = arith.constant 176 : i32
      %parallel_loop3A_572 = arith.addi %parallel_loop3A_449, %parallel_loop3A_571 : i32
      %parallel_loop3A_573 = arith.index_cast %parallel_loop3A_572 : i32 to index
      %parallel_loop3A_574 = tpu.vector_load %arg4[%parallel_loop3A_573] {strides = array<i32>} : memref<32768xf32, #tpu.memory_space<vmem>>, vector<16xf32>,
      %parallel_loop3A_575 = vector.broadcast %while3A_135#0 : f32 to vector<16xf32>
      %parallel_loop3A_576 = arith.subf %parallel_loop3A_574, %parallel_loop3A_575 : vector<16xf32>
      %parallel_loop3A_577 = arith.constant 0.000000e+00 : f32
      %parallel_loop3A_578 = vector.broadcast %parallel_loop3A_577 : f32 to vector<16xf32>
      %parallel_loop3A_579 = arith.maximumf %parallel_loop3A_576, %parallel_loop3A_578 : vector<16xf32>
      %parallel_loop3A_580 = arith.index_cast %parallel_loop3A_572 : i32 to index
      %parallel_loop3A_581 = tpu.vector_load %arg4[%parallel_loop3A_580] {strides = array<i32>} : memref<32768xf32, #tpu.memory_space<vmem>>, vector<16xf32>,
      tpu.vector_store %arg4[%parallel_loop3A_580], %parallel_loop3A_579 {strides = array<i32>} : memref<32768xf32, #tpu.memory_space<vmem>>, vector<16xf32>,
      %parallel_loop3A_582 = arith.constant 192 : i32
      %parallel_loop3A_583 = arith.addi %parallel_loop3A_449, %parallel_loop3A_582 : i32
      %parallel_loop3A_584 = arith.index_cast %parallel_loop3A_583 : i32 to index
      %parallel_loop3A_585 = tpu.vector_load %arg4[%parallel_loop3A_584] {strides = array<i32>} : memref<32768xf32, #tpu.memory_space<vmem>>, vector<16xf32>,
      %parallel_loop3A_586 = vector.broadcast %while3A_135#0 : f32 to vector<16xf32>
      %parallel_loop3A_587 = arith.subf %parallel_loop3A_585, %parallel_loop3A_586 : vector<16xf32>
      %parallel_loop3A_588 = arith.constant 0.000000e+00 : f32
      %parallel_loop3A_589 = vector.broadcast %parallel_loop3A_588 : f32 to vector<16xf32>
      %parallel_loop3A_590 = arith.maximumf %parallel_loop3A_587, %parallel_loop3A_589 : vector<16xf32>
      %parallel_loop3A_591 = arith.index_cast %parallel_loop3A_583 : i32 to index
      %parallel_loop3A_592 = tpu.vector_load %arg4[%parallel_loop3A_591] {strides = array<i32>} : memref<32768xf32, #tpu.memory_space<vmem>>, vector<16xf32>,
      tpu.vector_store %arg4[%parallel_loop3A_591], %parallel_loop3A_590 {strides = array<i32>} : memref<32768xf32, #tpu.memory_space<vmem>>, vector<16xf32>,
      %parallel_loop3A_593 = arith.constant 208 : i32
      %parallel_loop3A_594 = arith.addi %parallel_loop3A_449, %parallel_loop3A_593 : i32
      %parallel_loop3A_595 = arith.index_cast %parallel_loop3A_594 : i32 to index
      %parallel_loop3A_596 = tpu.vector_load %arg4[%parallel_loop3A_595] {strides = array<i32>} : memref<32768xf32, #tpu.memory_space<vmem>>, vector<16xf32>,
      %parallel_loop3A_597 = vector.broadcast %while3A_135#0 : f32 to vector<16xf32>
      %parallel_loop3A_598 = arith.subf %parallel_loop3A_596, %parallel_loop3A_597 : vector<16xf32>
      %parallel_loop3A_599 = arith.constant 0.000000e+00 : f32
      %parallel_loop3A_600 = vector.broadcast %parallel_loop3A_599 : f32 to vector<16xf32>
      %parallel_loop3A_601 = arith.maximumf %parallel_loop3A_598, %parallel_loop3A_600 : vector<16xf32>
      %parallel_loop3A_602 = arith.index_cast %parallel_loop3A_594 : i32 to index
      %parallel_loop3A_603 = tpu.vector_load %arg4[%parallel_loop3A_602] {strides = array<i32>} : memref<32768xf32, #tpu.memory_space<vmem>>, vector<16xf32>,
      tpu.vector_store %arg4[%parallel_loop3A_602], %parallel_loop3A_601 {strides = array<i32>} : memref<32768xf32, #tpu.memory_space<vmem>>, vector<16xf32>,
      %parallel_loop3A_604 = arith.constant 224 : i32
      %parallel_loop3A_605 = arith.addi %parallel_loop3A_449, %parallel_loop3A_604 : i32
      %parallel_loop3A_606 = arith.index_cast %parallel_loop3A_605 : i32 to index
      %parallel_loop3A_607 = tpu.vector_load %arg4[%parallel_loop3A_606] {strides = array<i32>} : memref<32768xf32, #tpu.memory_space<vmem>>, vector<16xf32>,
      %parallel_loop3A_608 = vector.broadcast %while3A_135#0 : f32 to vector<16xf32>
      %parallel_loop3A_609 = arith.subf %parallel_loop3A_607, %parallel_loop3A_608 : vector<16xf32>
      %parallel_loop3A_610 = arith.constant 0.000000e+00 : f32
      %parallel_loop3A_611 = vector.broadcast %parallel_loop3A_610 : f32 to vector<16xf32>
      %parallel_loop3A_612 = arith.maximumf %parallel_loop3A_609, %parallel_loop3A_611 : vector<16xf32>
      %parallel_loop3A_613 = arith.index_cast %parallel_loop3A_605 : i32 to index
      %parallel_loop3A_614 = tpu.vector_load %arg4[%parallel_loop3A_613] {strides = array<i32>} : memref<32768xf32, #tpu.memory_space<vmem>>, vector<16xf32>,
      tpu.vector_store %arg4[%parallel_loop3A_613], %parallel_loop3A_612 {strides = array<i32>} : memref<32768xf32, #tpu.memory_space<vmem>>, vector<16xf32>,
      %parallel_loop3A_615 = arith.constant 240 : i32
      %parallel_loop3A_616 = arith.addi %parallel_loop3A_449, %parallel_loop3A_615 : i32
      %parallel_loop3A_617 = arith.index_cast %parallel_loop3A_616 : i32 to index
      %parallel_loop3A_618 = tpu.vector_load %arg4[%parallel_loop3A_617] {strides = array<i32>} : memref<32768xf32, #tpu.memory_space<vmem>>, vector<16xf32>,
      %parallel_loop3A_619 = vector.broadcast %while3A_135#0 : f32 to vector<16xf32>
      %parallel_loop3A_620 = arith.subf %parallel_loop3A_618, %parallel_loop3A_619 : vector<16xf32>
      %parallel_loop3A_621 = arith.constant 0.000000e+00 : f32
      %parallel_loop3A_622 = vector.broadcast %parallel_loop3A_621 : f32 to vector<16xf32>
      %parallel_loop3A_623 = arith.maximumf %parallel_loop3A_620, %parallel_loop3A_622 : vector<16xf32>
      %parallel_loop3A_624 = arith.index_cast %parallel_loop3A_616 : i32 to index
      %parallel_loop3A_625 = tpu.vector_load %arg4[%parallel_loop3A_624] {strides = array<i32>} : memref<32768xf32, #tpu.memory_space<vmem>>, vector<16xf32>,
      tpu.vector_store %arg4[%parallel_loop3A_624], %parallel_loop3A_623 {strides = array<i32>} : memref<32768xf32, #tpu.memory_space<vmem>>, vector<16xf32>,
    } {sc.loop_unroll_factor = 2 : i64, sc.parallel_access}
    %dma_start3A_190 = arith.constant 24576 : i32
    %dma_start3A_191 = tpu.memref_slice %arg4[%dma_start3A_190] : memref<32768xf32, #tpu.memory_space<vmem>> -> memref<8192xf32, #tpu.memory_space<vmem>>
    %dma_start3A_192 = arith.constant 0 : i32
    %dma_start3A_193 = tpu.memref_slice %arg3[%mul3A_2, %dma_start3A_192] : memref<64x32768xf32, #tpu.memory_space<hbm>> -> memref<1x32768xf32, #tpu.memory_space<hbm>>
    %dma_start3A_194 = tpu.memref_squeeze %dma_start3A_193 : memref<1x32768xf32, #tpu.memory_space<hbm>> -> memref<32768xf32, #tpu.memory_space<hbm>>
    %dma_start3A_195 = arith.constant 24576 : i32
    %dma_start3A_196 = tpu.memref_slice %dma_start3A_194[%dma_start3A_195] : memref<32768xf32, #tpu.memory_space<hbm>> -> memref<8192xf32, #tpu.memory_space<hbm>>
    %dma_start3A_197 = arith.constant 0 : i32
    %dma_start3A_198 = tpu.memref_slice %arg3[%mul3A_2, %dma_start3A_197] : memref<64x32768xf32, #tpu.memory_space<hbm>> -> memref<1x32768xf32, #tpu.memory_space<hbm>>
    %dma_start3A_199 = tpu.memref_squeeze %dma_start3A_198 : memref<1x32768xf32, #tpu.memory_space<hbm>> -> memref<32768xf32, #tpu.memory_space<hbm>>
    %dma_start3A_200 = arith.constant 24576 : i32
    %dma_start3A_201 = tpu.memref_slice %dma_start3A_199[%dma_start3A_200] : memref<32768xf32, #tpu.memory_space<hbm>> -> memref<8192xf32, #tpu.memory_space<hbm>>
    %dma_start3A_202 = arith.constant 24576 : i32
    %dma_start3A_203 = tpu.memref_slice %arg4[%dma_start3A_202] : memref<32768xf32, #tpu.memory_space<vmem>> -> memref<8192xf32, #tpu.memory_space<vmem>>
    tpu.enqueue_dma source(%dma_start3A_203 : memref<8192xf32, #tpu.memory_space<vmem>>) target(%dma_start3A_201 : memref<8192xf32, #tpu.memory_space<hbm>>) target_semaphore(%arg13 : memref<!tpu.dma_semaphore, #tpu.memory_space<semaphore_mem>>)
    %dma_wait3A_204 = arith.constant 0 : i32
    %dma_wait3A_205 = tpu.memref_slice %arg2[%add3A_4, %dma_wait3A_204] : memref<64x32768xf32, #tpu.memory_space<hbm>> -> memref<1x32768xf32, #tpu.memory_space<hbm>>
    %dma_wait3A_206 = tpu.memref_squeeze %dma_wait3A_205 : memref<1x32768xf32, #tpu.memory_space<hbm>> -> memref<32768xf32, #tpu.memory_space<hbm>>
    %dma_wait3A_207 = arith.constant 0 : i32
    %dma_wait3A_208 = tpu.memref_slice %arg2[%add3A_4, %dma_wait3A_207] : memref<64x32768xf32, #tpu.memory_space<hbm>> -> memref<1x32768xf32, #tpu.memory_space<hbm>>
    %dma_wait3A_209 = tpu.memref_squeeze %dma_wait3A_208 : memref<1x32768xf32, #tpu.memory_space<hbm>> -> memref<32768xf32, #tpu.memory_space<hbm>>
    tpu.wait_dma2 semaphore(%arg12 : memref<!tpu.dma_semaphore, #tpu.memory_space<semaphore_mem>>) src(%dma_wait3A_209 : memref<32768xf32, #tpu.memory_space<hbm>>) dst(%arg5 : memref<32768xf32, #tpu.memory_space<vmem>>)
    %broadcast_in_dim3A_210 = arith.constant -3.000000e+38 : f32
    %broadcast_in_dim3A_211 = vector.broadcast %broadcast_in_dim3A_210 : f32 to vector<16xf32>
    %parallel_loop3A_212 = arith.constant 0 : i32
    %parallel_loop3A_213 = arith.constant 32 : i32
    %parallel_loop3A_214 = arith.constant 1 : i32
    %parallel_loop3A_215 = scf.for %parallel_loop3A_447 = %parallel_loop3A_212 to %parallel_loop3A_213 step %parallel_loop3A_214 iter_args(%parallel_loop3A_448 = %broadcast_in_dim3A_211) -> (vector<16xf32>)  : i32 {
      %parallel_loop3A_449 = arith.constant 256 : i32
      %parallel_loop3A_450 = arith.muli %parallel_loop3A_447, %parallel_loop3A_449 : i32
      %parallel_loop3A_451 = arith.constant 0 : i32
      %parallel_loop3A_452 = arith.addi %parallel_loop3A_450, %parallel_loop3A_451 : i32
      %parallel_loop3A_453 = arith.index_cast %parallel_loop3A_452 : i32 to index
      %parallel_loop3A_454 = tpu.vector_load %arg5[%parallel_loop3A_453] {strides = array<i32>} : memref<32768xf32, #tpu.memory_space<vmem>>, vector<16xf32>,
      %parallel_loop3A_455 = arith.constant 16 : i32
      %parallel_loop3A_456 = arith.addi %parallel_loop3A_450, %parallel_loop3A_455 : i32
      %parallel_loop3A_457 = arith.index_cast %parallel_loop3A_456 : i32 to index
      %parallel_loop3A_458 = tpu.vector_load %arg5[%parallel_loop3A_457] {strides = array<i32>} : memref<32768xf32, #tpu.memory_space<vmem>>, vector<16xf32>,
      %parallel_loop3A_459 = arith.constant 32 : i32
      %parallel_loop3A_460 = arith.addi %parallel_loop3A_450, %parallel_loop3A_459 : i32
      %parallel_loop3A_461 = arith.index_cast %parallel_loop3A_460 : i32 to index
      %parallel_loop3A_462 = tpu.vector_load %arg5[%parallel_loop3A_461] {strides = array<i32>} : memref<32768xf32, #tpu.memory_space<vmem>>, vector<16xf32>,
      %parallel_loop3A_463 = arith.constant 48 : i32
      %parallel_loop3A_464 = arith.addi %parallel_loop3A_450, %parallel_loop3A_463 : i32
      %parallel_loop3A_465 = arith.index_cast %parallel_loop3A_464 : i32 to index
      %parallel_loop3A_466 = tpu.vector_load %arg5[%parallel_loop3A_465] {strides = array<i32>} : memref<32768xf32, #tpu.memory_space<vmem>>, vector<16xf32>,
      %parallel_loop3A_467 = arith.constant 64 : i32
      %parallel_loop3A_468 = arith.addi %parallel_loop3A_450, %parallel_loop3A_467 : i32
      %parallel_loop3A_469 = arith.index_cast %parallel_loop3A_468 : i32 to index
      %parallel_loop3A_470 = tpu.vector_load %arg5[%parallel_loop3A_469] {strides = array<i32>} : memref<32768xf32, #tpu.memory_space<vmem>>, vector<16xf32>,
      %parallel_loop3A_471 = arith.constant 80 : i32
      %parallel_loop3A_472 = arith.addi %parallel_loop3A_450, %parallel_loop3A_471 : i32
      %parallel_loop3A_473 = arith.index_cast %parallel_loop3A_472 : i32 to index
      %parallel_loop3A_474 = tpu.vector_load %arg5[%parallel_loop3A_473] {strides = array<i32>} : memref<32768xf32, #tpu.memory_space<vmem>>, vector<16xf32>,
      %parallel_loop3A_475 = arith.constant 96 : i32
      %parallel_loop3A_476 = arith.addi %parallel_loop3A_450, %parallel_loop3A_475 : i32
      %parallel_loop3A_477 = arith.index_cast %parallel_loop3A_476 : i32 to index
      %parallel_loop3A_478 = tpu.vector_load %arg5[%parallel_loop3A_477] {strides = array<i32>} : memref<32768xf32, #tpu.memory_space<vmem>>, vector<16xf32>,
      %parallel_loop3A_479 = arith.constant 112 : i32
      %parallel_loop3A_480 = arith.addi %parallel_loop3A_450, %parallel_loop3A_479 : i32
      %parallel_loop3A_481 = arith.index_cast %parallel_loop3A_480 : i32 to index
      %parallel_loop3A_482 = tpu.vector_load %arg5[%parallel_loop3A_481] {strides = array<i32>} : memref<32768xf32, #tpu.memory_space<vmem>>, vector<16xf32>,
      %parallel_loop3A_483 = arith.constant 128 : i32
      %parallel_loop3A_484 = arith.addi %parallel_loop3A_450, %parallel_loop3A_483 : i32
      %parallel_loop3A_485 = arith.index_cast %parallel_loop3A_484 : i32 to index
      %parallel_loop3A_486 = tpu.vector_load %arg5[%parallel_loop3A_485] {strides = array<i32>} : memref<32768xf32, #tpu.memory_space<vmem>>, vector<16xf32>,
      %parallel_loop3A_487 = arith.constant 144 : i32
      %parallel_loop3A_488 = arith.addi %parallel_loop3A_450, %parallel_loop3A_487 : i32
      %parallel_loop3A_489 = arith.index_cast %parallel_loop3A_488 : i32 to index
      %parallel_loop3A_490 = tpu.vector_load %arg5[%parallel_loop3A_489] {strides = array<i32>} : memref<32768xf32, #tpu.memory_space<vmem>>, vector<16xf32>,
      %parallel_loop3A_491 = arith.constant 160 : i32
      %parallel_loop3A_492 = arith.addi %parallel_loop3A_450, %parallel_loop3A_491 : i32
      %parallel_loop3A_493 = arith.index_cast %parallel_loop3A_492 : i32 to index
      %parallel_loop3A_494 = tpu.vector_load %arg5[%parallel_loop3A_493] {strides = array<i32>} : memref<32768xf32, #tpu.memory_space<vmem>>, vector<16xf32>,
      %parallel_loop3A_495 = arith.constant 176 : i32
      %parallel_loop3A_496 = arith.addi %parallel_loop3A_450, %parallel_loop3A_495 : i32
      %parallel_loop3A_497 = arith.index_cast %parallel_loop3A_496 : i32 to index
      %parallel_loop3A_498 = tpu.vector_load %arg5[%parallel_loop3A_497] {strides = array<i32>} : memref<32768xf32, #tpu.memory_space<vmem>>, vector<16xf32>,
      %parallel_loop3A_499 = arith.constant 192 : i32
      %parallel_loop3A_500 = arith.addi %parallel_loop3A_450, %parallel_loop3A_499 : i32
      %parallel_loop3A_501 = arith.index_cast %parallel_loop3A_500 : i32 to index
      %parallel_loop3A_502 = tpu.vector_load %arg5[%parallel_loop3A_501] {strides = array<i32>} : memref<32768xf32, #tpu.memory_space<vmem>>, vector<16xf32>,
      %parallel_loop3A_503 = arith.constant 208 : i32
      %parallel_loop3A_504 = arith.addi %parallel_loop3A_450, %parallel_loop3A_503 : i32
      %parallel_loop3A_505 = arith.index_cast %parallel_loop3A_504 : i32 to index
      %parallel_loop3A_506 = tpu.vector_load %arg5[%parallel_loop3A_505] {strides = array<i32>} : memref<32768xf32, #tpu.memory_space<vmem>>, vector<16xf32>,
      %parallel_loop3A_507 = arith.constant 224 : i32
      %parallel_loop3A_508 = arith.addi %parallel_loop3A_450, %parallel_loop3A_507 : i32
      %parallel_loop3A_509 = arith.index_cast %parallel_loop3A_508 : i32 to index
      %parallel_loop3A_510 = tpu.vector_load %arg5[%parallel_loop3A_509] {strides = array<i32>} : memref<32768xf32, #tpu.memory_space<vmem>>, vector<16xf32>,
      %parallel_loop3A_511 = arith.constant 240 : i32
      %parallel_loop3A_512 = arith.addi %parallel_loop3A_450, %parallel_loop3A_511 : i32
      %parallel_loop3A_513 = arith.index_cast %parallel_loop3A_512 : i32 to index
      %parallel_loop3A_514 = tpu.vector_load %arg5[%parallel_loop3A_513] {strides = array<i32>} : memref<32768xf32, #tpu.memory_space<vmem>>, vector<16xf32>,
      %parallel_loop3A_515 = arith.maximumf %parallel_loop3A_454, %parallel_loop3A_458 : vector<16xf32>
      %parallel_loop3A_516 = arith.maximumf %parallel_loop3A_462, %parallel_loop3A_466 : vector<16xf32>
      %parallel_loop3A_517 = arith.maximumf %parallel_loop3A_470, %parallel_loop3A_474 : vector<16xf32>
      %parallel_loop3A_518 = arith.maximumf %parallel_loop3A_478, %parallel_loop3A_482 : vector<16xf32>
      %parallel_loop3A_519 = arith.maximumf %parallel_loop3A_486, %parallel_loop3A_490 : vector<16xf32>
      %parallel_loop3A_520 = arith.maximumf %parallel_loop3A_494, %parallel_loop3A_498 : vector<16xf32>
      %parallel_loop3A_521 = arith.maximumf %parallel_loop3A_502, %parallel_loop3A_506 : vector<16xf32>
      %parallel_loop3A_522 = arith.maximumf %parallel_loop3A_510, %parallel_loop3A_514 : vector<16xf32>
      %parallel_loop3A_523 = arith.maximumf %parallel_loop3A_515, %parallel_loop3A_516 : vector<16xf32>
      %parallel_loop3A_524 = arith.maximumf %parallel_loop3A_517, %parallel_loop3A_518 : vector<16xf32>
      %parallel_loop3A_525 = arith.maximumf %parallel_loop3A_519, %parallel_loop3A_520 : vector<16xf32>
      %parallel_loop3A_526 = arith.maximumf %parallel_loop3A_521, %parallel_loop3A_522 : vector<16xf32>
      %parallel_loop3A_527 = arith.maximumf %parallel_loop3A_523, %parallel_loop3A_524 : vector<16xf32>
      %parallel_loop3A_528 = arith.maximumf %parallel_loop3A_525, %parallel_loop3A_526 : vector<16xf32>
      %parallel_loop3A_529 = arith.maximumf %parallel_loop3A_527, %parallel_loop3A_528 : vector<16xf32>
      %parallel_loop3A_530 = arith.constant 16 : i32
      %parallel_loop3A_531 = arith.muli %parallel_loop3A_447, %parallel_loop3A_530 : i32
      %parallel_loop3A_532 = arith.index_cast %parallel_loop3A_531 : i32 to index
      %parallel_loop3A_533 = tpu.vector_load %arg6[%parallel_loop3A_532] {strides = array<i32>} : memref<2048xf32, #tpu.memory_space<vmem>>, vector<16xf32>,
      tpu.vector_store %arg6[%parallel_loop3A_532], %parallel_loop3A_529 {strides = array<i32>} : memref<2048xf32, #tpu.memory_space<vmem>>, vector<16xf32>,
      %parallel_loop3A_534 = arith.maximumf %parallel_loop3A_448, %parallel_loop3A_529 : vector<16xf32>
      scf.yield %parallel_loop3A_534 : vector<16xf32>
    } {sc.loop_unroll_factor = 2 : i64, sc.parallel_access}
    %parallel_loop3A_216 = arith.constant 32 : i32
    %parallel_loop3A_217 = arith.constant 64 : i32
    %parallel_loop3A_218 = arith.constant 1 : i32
    %parallel_loop3A_219 = scf.for %parallel_loop3A_447 = %parallel_loop3A_216 to %parallel_loop3A_217 step %parallel_loop3A_218 iter_args(%parallel_loop3A_448 = %parallel_loop3A_215) -> (vector<16xf32>)  : i32 {
      %parallel_loop3A_449 = arith.constant 256 : i32
      %parallel_loop3A_450 = arith.muli %parallel_loop3A_447, %parallel_loop3A_449 : i32
      %parallel_loop3A_451 = arith.constant 0 : i32
      %parallel_loop3A_452 = arith.addi %parallel_loop3A_450, %parallel_loop3A_451 : i32
      %parallel_loop3A_453 = arith.index_cast %parallel_loop3A_452 : i32 to index
      %parallel_loop3A_454 = tpu.vector_load %arg5[%parallel_loop3A_453] {strides = array<i32>} : memref<32768xf32, #tpu.memory_space<vmem>>, vector<16xf32>,
      %parallel_loop3A_455 = arith.constant 16 : i32
      %parallel_loop3A_456 = arith.addi %parallel_loop3A_450, %parallel_loop3A_455 : i32
      %parallel_loop3A_457 = arith.index_cast %parallel_loop3A_456 : i32 to index
      %parallel_loop3A_458 = tpu.vector_load %arg5[%parallel_loop3A_457] {strides = array<i32>} : memref<32768xf32, #tpu.memory_space<vmem>>, vector<16xf32>,
      %parallel_loop3A_459 = arith.constant 32 : i32
      %parallel_loop3A_460 = arith.addi %parallel_loop3A_450, %parallel_loop3A_459 : i32
      %parallel_loop3A_461 = arith.index_cast %parallel_loop3A_460 : i32 to index
      %parallel_loop3A_462 = tpu.vector_load %arg5[%parallel_loop3A_461] {strides = array<i32>} : memref<32768xf32, #tpu.memory_space<vmem>>, vector<16xf32>,
      %parallel_loop3A_463 = arith.constant 48 : i32
      %parallel_loop3A_464 = arith.addi %parallel_loop3A_450, %parallel_loop3A_463 : i32
      %parallel_loop3A_465 = arith.index_cast %parallel_loop3A_464 : i32 to index
      %parallel_loop3A_466 = tpu.vector_load %arg5[%parallel_loop3A_465] {strides = array<i32>} : memref<32768xf32, #tpu.memory_space<vmem>>, vector<16xf32>,
      %parallel_loop3A_467 = arith.constant 64 : i32
      %parallel_loop3A_468 = arith.addi %parallel_loop3A_450, %parallel_loop3A_467 : i32
      %parallel_loop3A_469 = arith.index_cast %parallel_loop3A_468 : i32 to index
      %parallel_loop3A_470 = tpu.vector_load %arg5[%parallel_loop3A_469] {strides = array<i32>} : memref<32768xf32, #tpu.memory_space<vmem>>, vector<16xf32>,
      %parallel_loop3A_471 = arith.constant 80 : i32
      %parallel_loop3A_472 = arith.addi %parallel_loop3A_450, %parallel_loop3A_471 : i32
      %parallel_loop3A_473 = arith.index_cast %parallel_loop3A_472 : i32 to index
      %parallel_loop3A_474 = tpu.vector_load %arg5[%parallel_loop3A_473] {strides = array<i32>} : memref<32768xf32, #tpu.memory_space<vmem>>, vector<16xf32>,
      %parallel_loop3A_475 = arith.constant 96 : i32
      %parallel_loop3A_476 = arith.addi %parallel_loop3A_450, %parallel_loop3A_475 : i32
      %parallel_loop3A_477 = arith.index_cast %parallel_loop3A_476 : i32 to index
      %parallel_loop3A_478 = tpu.vector_load %arg5[%parallel_loop3A_477] {strides = array<i32>} : memref<32768xf32, #tpu.memory_space<vmem>>, vector<16xf32>,
      %parallel_loop3A_479 = arith.constant 112 : i32
      %parallel_loop3A_480 = arith.addi %parallel_loop3A_450, %parallel_loop3A_479 : i32
      %parallel_loop3A_481 = arith.index_cast %parallel_loop3A_480 : i32 to index
      %parallel_loop3A_482 = tpu.vector_load %arg5[%parallel_loop3A_481] {strides = array<i32>} : memref<32768xf32, #tpu.memory_space<vmem>>, vector<16xf32>,
      %parallel_loop3A_483 = arith.constant 128 : i32
      %parallel_loop3A_484 = arith.addi %parallel_loop3A_450, %parallel_loop3A_483 : i32
      %parallel_loop3A_485 = arith.index_cast %parallel_loop3A_484 : i32 to index
      %parallel_loop3A_486 = tpu.vector_load %arg5[%parallel_loop3A_485] {strides = array<i32>} : memref<32768xf32, #tpu.memory_space<vmem>>, vector<16xf32>,
      %parallel_loop3A_487 = arith.constant 144 : i32
      %parallel_loop3A_488 = arith.addi %parallel_loop3A_450, %parallel_loop3A_487 : i32
      %parallel_loop3A_489 = arith.index_cast %parallel_loop3A_488 : i32 to index
      %parallel_loop3A_490 = tpu.vector_load %arg5[%parallel_loop3A_489] {strides = array<i32>} : memref<32768xf32, #tpu.memory_space<vmem>>, vector<16xf32>,
      %parallel_loop3A_491 = arith.constant 160 : i32
      %parallel_loop3A_492 = arith.addi %parallel_loop3A_450, %parallel_loop3A_491 : i32
      %parallel_loop3A_493 = arith.index_cast %parallel_loop3A_492 : i32 to index
      %parallel_loop3A_494 = tpu.vector_load %arg5[%parallel_loop3A_493] {strides = array<i32>} : memref<32768xf32, #tpu.memory_space<vmem>>, vector<16xf32>,
      %parallel_loop3A_495 = arith.constant 176 : i32
      %parallel_loop3A_496 = arith.addi %parallel_loop3A_450, %parallel_loop3A_495 : i32
      %parallel_loop3A_497 = arith.index_cast %parallel_loop3A_496 : i32 to index
      %parallel_loop3A_498 = tpu.vector_load %arg5[%parallel_loop3A_497] {strides = array<i32>} : memref<32768xf32, #tpu.memory_space<vmem>>, vector<16xf32>,
      %parallel_loop3A_499 = arith.constant 192 : i32
      %parallel_loop3A_500 = arith.addi %parallel_loop3A_450, %parallel_loop3A_499 : i32
      %parallel_loop3A_501 = arith.index_cast %parallel_loop3A_500 : i32 to index
      %parallel_loop3A_502 = tpu.vector_load %arg5[%parallel_loop3A_501] {strides = array<i32>} : memref<32768xf32, #tpu.memory_space<vmem>>, vector<16xf32>,
      %parallel_loop3A_503 = arith.constant 208 : i32
      %parallel_loop3A_504 = arith.addi %parallel_loop3A_450, %parallel_loop3A_503 : i32
      %parallel_loop3A_505 = arith.index_cast %parallel_loop3A_504 : i32 to index
      %parallel_loop3A_506 = tpu.vector_load %arg5[%parallel_loop3A_505] {strides = array<i32>} : memref<32768xf32, #tpu.memory_space<vmem>>, vector<16xf32>,
      %parallel_loop3A_507 = arith.constant 224 : i32
      %parallel_loop3A_508 = arith.addi %parallel_loop3A_450, %parallel_loop3A_507 : i32
      %parallel_loop3A_509 = arith.index_cast %parallel_loop3A_508 : i32 to index
      %parallel_loop3A_510 = tpu.vector_load %arg5[%parallel_loop3A_509] {strides = array<i32>} : memref<32768xf32, #tpu.memory_space<vmem>>, vector<16xf32>,
      %parallel_loop3A_511 = arith.constant 240 : i32
      %parallel_loop3A_512 = arith.addi %parallel_loop3A_450, %parallel_loop3A_511 : i32
      %parallel_loop3A_513 = arith.index_cast %parallel_loop3A_512 : i32 to index
      %parallel_loop3A_514 = tpu.vector_load %arg5[%parallel_loop3A_513] {strides = array<i32>} : memref<32768xf32, #tpu.memory_space<vmem>>, vector<16xf32>,
      %parallel_loop3A_515 = arith.maximumf %parallel_loop3A_454, %parallel_loop3A_458 : vector<16xf32>
      %parallel_loop3A_516 = arith.maximumf %parallel_loop3A_462, %parallel_loop3A_466 : vector<16xf32>
      %parallel_loop3A_517 = arith.maximumf %parallel_loop3A_470, %parallel_loop3A_474 : vector<16xf32>
      %parallel_loop3A_518 = arith.maximumf %parallel_loop3A_478, %parallel_loop3A_482 : vector<16xf32>
      %parallel_loop3A_519 = arith.maximumf %parallel_loop3A_486, %parallel_loop3A_490 : vector<16xf32>
      %parallel_loop3A_520 = arith.maximumf %parallel_loop3A_494, %parallel_loop3A_498 : vector<16xf32>
      %parallel_loop3A_521 = arith.maximumf %parallel_loop3A_502, %parallel_loop3A_506 : vector<16xf32>
      %parallel_loop3A_522 = arith.maximumf %parallel_loop3A_510, %parallel_loop3A_514 : vector<16xf32>
      %parallel_loop3A_523 = arith.maximumf %parallel_loop3A_515, %parallel_loop3A_516 : vector<16xf32>
      %parallel_loop3A_524 = arith.maximumf %parallel_loop3A_517, %parallel_loop3A_518 : vector<16xf32>
      %parallel_loop3A_525 = arith.maximumf %parallel_loop3A_519, %parallel_loop3A_520 : vector<16xf32>
      %parallel_loop3A_526 = arith.maximumf %parallel_loop3A_521, %parallel_loop3A_522 : vector<16xf32>
      %parallel_loop3A_527 = arith.maximumf %parallel_loop3A_523, %parallel_loop3A_524 : vector<16xf32>
      %parallel_loop3A_528 = arith.maximumf %parallel_loop3A_525, %parallel_loop3A_526 : vector<16xf32>
      %parallel_loop3A_529 = arith.maximumf %parallel_loop3A_527, %parallel_loop3A_528 : vector<16xf32>
      %parallel_loop3A_530 = arith.constant 16 : i32
      %parallel_loop3A_531 = arith.muli %parallel_loop3A_447, %parallel_loop3A_530 : i32
      %parallel_loop3A_532 = arith.index_cast %parallel_loop3A_531 : i32 to index
      %parallel_loop3A_533 = tpu.vector_load %arg6[%parallel_loop3A_532] {strides = array<i32>} : memref<2048xf32, #tpu.memory_space<vmem>>, vector<16xf32>,
      tpu.vector_store %arg6[%parallel_loop3A_532], %parallel_loop3A_529 {strides = array<i32>} : memref<2048xf32, #tpu.memory_space<vmem>>, vector<16xf32>,
      %parallel_loop3A_534 = arith.maximumf %parallel_loop3A_448, %parallel_loop3A_529 : vector<16xf32>
      scf.yield %parallel_loop3A_534 : vector<16xf32>
    } {sc.loop_unroll_factor = 2 : i64, sc.parallel_access}
    %parallel_loop3A_220 = arith.constant 64 : i32
    %parallel_loop3A_221 = arith.constant 96 : i32
    %parallel_loop3A_222 = arith.constant 1 : i32
    %parallel_loop3A_223 = scf.for %parallel_loop3A_447 = %parallel_loop3A_220 to %parallel_loop3A_221 step %parallel_loop3A_222 iter_args(%parallel_loop3A_448 = %parallel_loop3A_219) -> (vector<16xf32>)  : i32 {
      %parallel_loop3A_449 = arith.constant 256 : i32
      %parallel_loop3A_450 = arith.muli %parallel_loop3A_447, %parallel_loop3A_449 : i32
      %parallel_loop3A_451 = arith.constant 0 : i32
      %parallel_loop3A_452 = arith.addi %parallel_loop3A_450, %parallel_loop3A_451 : i32
      %parallel_loop3A_453 = arith.index_cast %parallel_loop3A_452 : i32 to index
      %parallel_loop3A_454 = tpu.vector_load %arg5[%parallel_loop3A_453] {strides = array<i32>} : memref<32768xf32, #tpu.memory_space<vmem>>, vector<16xf32>,
      %parallel_loop3A_455 = arith.constant 16 : i32
      %parallel_loop3A_456 = arith.addi %parallel_loop3A_450, %parallel_loop3A_455 : i32
      %parallel_loop3A_457 = arith.index_cast %parallel_loop3A_456 : i32 to index
      %parallel_loop3A_458 = tpu.vector_load %arg5[%parallel_loop3A_457] {strides = array<i32>} : memref<32768xf32, #tpu.memory_space<vmem>>, vector<16xf32>,
      %parallel_loop3A_459 = arith.constant 32 : i32
      %parallel_loop3A_460 = arith.addi %parallel_loop3A_450, %parallel_loop3A_459 : i32
      %parallel_loop3A_461 = arith.index_cast %parallel_loop3A_460 : i32 to index
      %parallel_loop3A_462 = tpu.vector_load %arg5[%parallel_loop3A_461] {strides = array<i32>} : memref<32768xf32, #tpu.memory_space<vmem>>, vector<16xf32>,
      %parallel_loop3A_463 = arith.constant 48 : i32
      %parallel_loop3A_464 = arith.addi %parallel_loop3A_450, %parallel_loop3A_463 : i32
      %parallel_loop3A_465 = arith.index_cast %parallel_loop3A_464 : i32 to index
      %parallel_loop3A_466 = tpu.vector_load %arg5[%parallel_loop3A_465] {strides = array<i32>} : memref<32768xf32, #tpu.memory_space<vmem>>, vector<16xf32>,
      %parallel_loop3A_467 = arith.constant 64 : i32
      %parallel_loop3A_468 = arith.addi %parallel_loop3A_450, %parallel_loop3A_467 : i32
      %parallel_loop3A_469 = arith.index_cast %parallel_loop3A_468 : i32 to index
      %parallel_loop3A_470 = tpu.vector_load %arg5[%parallel_loop3A_469] {strides = array<i32>} : memref<32768xf32, #tpu.memory_space<vmem>>, vector<16xf32>,
      %parallel_loop3A_471 = arith.constant 80 : i32
      %parallel_loop3A_472 = arith.addi %parallel_loop3A_450, %parallel_loop3A_471 : i32
      %parallel_loop3A_473 = arith.index_cast %parallel_loop3A_472 : i32 to index
      %parallel_loop3A_474 = tpu.vector_load %arg5[%parallel_loop3A_473] {strides = array<i32>} : memref<32768xf32, #tpu.memory_space<vmem>>, vector<16xf32>,
      %parallel_loop3A_475 = arith.constant 96 : i32
      %parallel_loop3A_476 = arith.addi %parallel_loop3A_450, %parallel_loop3A_475 : i32
      %parallel_loop3A_477 = arith.index_cast %parallel_loop3A_476 : i32 to index
      %parallel_loop3A_478 = tpu.vector_load %arg5[%parallel_loop3A_477] {strides = array<i32>} : memref<32768xf32, #tpu.memory_space<vmem>>, vector<16xf32>,
      %parallel_loop3A_479 = arith.constant 112 : i32
      %parallel_loop3A_480 = arith.addi %parallel_loop3A_450, %parallel_loop3A_479 : i32
      %parallel_loop3A_481 = arith.index_cast %parallel_loop3A_480 : i32 to index
      %parallel_loop3A_482 = tpu.vector_load %arg5[%parallel_loop3A_481] {strides = array<i32>} : memref<32768xf32, #tpu.memory_space<vmem>>, vector<16xf32>,
      %parallel_loop3A_483 = arith.constant 128 : i32
      %parallel_loop3A_484 = arith.addi %parallel_loop3A_450, %parallel_loop3A_483 : i32
      %parallel_loop3A_485 = arith.index_cast %parallel_loop3A_484 : i32 to index
      %parallel_loop3A_486 = tpu.vector_load %arg5[%parallel_loop3A_485] {strides = array<i32>} : memref<32768xf32, #tpu.memory_space<vmem>>, vector<16xf32>,
      %parallel_loop3A_487 = arith.constant 144 : i32
      %parallel_loop3A_488 = arith.addi %parallel_loop3A_450, %parallel_loop3A_487 : i32
      %parallel_loop3A_489 = arith.index_cast %parallel_loop3A_488 : i32 to index
      %parallel_loop3A_490 = tpu.vector_load %arg5[%parallel_loop3A_489] {strides = array<i32>} : memref<32768xf32, #tpu.memory_space<vmem>>, vector<16xf32>,
      %parallel_loop3A_491 = arith.constant 160 : i32
      %parallel_loop3A_492 = arith.addi %parallel_loop3A_450, %parallel_loop3A_491 : i32
      %parallel_loop3A_493 = arith.index_cast %parallel_loop3A_492 : i32 to index
      %parallel_loop3A_494 = tpu.vector_load %arg5[%parallel_loop3A_493] {strides = array<i32>} : memref<32768xf32, #tpu.memory_space<vmem>>, vector<16xf32>,
      %parallel_loop3A_495 = arith.constant 176 : i32
      %parallel_loop3A_496 = arith.addi %parallel_loop3A_450, %parallel_loop3A_495 : i32
      %parallel_loop3A_497 = arith.index_cast %parallel_loop3A_496 : i32 to index
      %parallel_loop3A_498 = tpu.vector_load %arg5[%parallel_loop3A_497] {strides = array<i32>} : memref<32768xf32, #tpu.memory_space<vmem>>, vector<16xf32>,
      %parallel_loop3A_499 = arith.constant 192 : i32
      %parallel_loop3A_500 = arith.addi %parallel_loop3A_450, %parallel_loop3A_499 : i32
      %parallel_loop3A_501 = arith.index_cast %parallel_loop3A_500 : i32 to index
      %parallel_loop3A_502 = tpu.vector_load %arg5[%parallel_loop3A_501] {strides = array<i32>} : memref<32768xf32, #tpu.memory_space<vmem>>, vector<16xf32>,
      %parallel_loop3A_503 = arith.constant 208 : i32
      %parallel_loop3A_504 = arith.addi %parallel_loop3A_450, %parallel_loop3A_503 : i32
      %parallel_loop3A_505 = arith.index_cast %parallel_loop3A_504 : i32 to index
      %parallel_loop3A_506 = tpu.vector_load %arg5[%parallel_loop3A_505] {strides = array<i32>} : memref<32768xf32, #tpu.memory_space<vmem>>, vector<16xf32>,
      %parallel_loop3A_507 = arith.constant 224 : i32
      %parallel_loop3A_508 = arith.addi %parallel_loop3A_450, %parallel_loop3A_507 : i32
      %parallel_loop3A_509 = arith.index_cast %parallel_loop3A_508 : i32 to index
      %parallel_loop3A_510 = tpu.vector_load %arg5[%parallel_loop3A_509] {strides = array<i32>} : memref<32768xf32, #tpu.memory_space<vmem>>, vector<16xf32>,
      %parallel_loop3A_511 = arith.constant 240 : i32
      %parallel_loop3A_512 = arith.addi %parallel_loop3A_450, %parallel_loop3A_511 : i32
      %parallel_loop3A_513 = arith.index_cast %parallel_loop3A_512 : i32 to index
      %parallel_loop3A_514 = tpu.vector_load %arg5[%parallel_loop3A_513] {strides = array<i32>} : memref<32768xf32, #tpu.memory_space<vmem>>, vector<16xf32>,
      %parallel_loop3A_515 = arith.maximumf %parallel_loop3A_454, %parallel_loop3A_458 : vector<16xf32>
      %parallel_loop3A_516 = arith.maximumf %parallel_loop3A_462, %parallel_loop3A_466 : vector<16xf32>
      %parallel_loop3A_517 = arith.maximumf %parallel_loop3A_470, %parallel_loop3A_474 : vector<16xf32>
      %parallel_loop3A_518 = arith.maximumf %parallel_loop3A_478, %parallel_loop3A_482 : vector<16xf32>
      %parallel_loop3A_519 = arith.maximumf %parallel_loop3A_486, %parallel_loop3A_490 : vector<16xf32>
      %parallel_loop3A_520 = arith.maximumf %parallel_loop3A_494, %parallel_loop3A_498 : vector<16xf32>
      %parallel_loop3A_521 = arith.maximumf %parallel_loop3A_502, %parallel_loop3A_506 : vector<16xf32>
      %parallel_loop3A_522 = arith.maximumf %parallel_loop3A_510, %parallel_loop3A_514 : vector<16xf32>
      %parallel_loop3A_523 = arith.maximumf %parallel_loop3A_515, %parallel_loop3A_516 : vector<16xf32>
      %parallel_loop3A_524 = arith.maximumf %parallel_loop3A_517, %parallel_loop3A_518 : vector<16xf32>
      %parallel_loop3A_525 = arith.maximumf %parallel_loop3A_519, %parallel_loop3A_520 : vector<16xf32>
      %parallel_loop3A_526 = arith.maximumf %parallel_loop3A_521, %parallel_loop3A_522 : vector<16xf32>
      %parallel_loop3A_527 = arith.maximumf %parallel_loop3A_523, %parallel_loop3A_524 : vector<16xf32>
      %parallel_loop3A_528 = arith.maximumf %parallel_loop3A_525, %parallel_loop3A_526 : vector<16xf32>
      %parallel_loop3A_529 = arith.maximumf %parallel_loop3A_527, %parallel_loop3A_528 : vector<16xf32>
      %parallel_loop3A_530 = arith.constant 16 : i32
      %parallel_loop3A_531 = arith.muli %parallel_loop3A_447, %parallel_loop3A_530 : i32
      %parallel_loop3A_532 = arith.index_cast %parallel_loop3A_531 : i32 to index
      %parallel_loop3A_533 = tpu.vector_load %arg6[%parallel_loop3A_532] {strides = array<i32>} : memref<2048xf32, #tpu.memory_space<vmem>>, vector<16xf32>,
      tpu.vector_store %arg6[%parallel_loop3A_532], %parallel_loop3A_529 {strides = array<i32>} : memref<2048xf32, #tpu.memory_space<vmem>>, vector<16xf32>,
      %parallel_loop3A_534 = arith.maximumf %parallel_loop3A_448, %parallel_loop3A_529 : vector<16xf32>
      scf.yield %parallel_loop3A_534 : vector<16xf32>
    } {sc.loop_unroll_factor = 2 : i64, sc.parallel_access}
    %parallel_loop3A_224 = arith.constant 96 : i32
    %parallel_loop3A_225 = arith.constant 128 : i32
    %parallel_loop3A_226 = arith.constant 1 : i32
    %parallel_loop3A_227 = scf.for %parallel_loop3A_447 = %parallel_loop3A_224 to %parallel_loop3A_225 step %parallel_loop3A_226 iter_args(%parallel_loop3A_448 = %parallel_loop3A_223) -> (vector<16xf32>)  : i32 {
      %parallel_loop3A_449 = arith.constant 256 : i32
      %parallel_loop3A_450 = arith.muli %parallel_loop3A_447, %parallel_loop3A_449 : i32
      %parallel_loop3A_451 = arith.constant 0 : i32
      %parallel_loop3A_452 = arith.addi %parallel_loop3A_450, %parallel_loop3A_451 : i32
      %parallel_loop3A_453 = arith.index_cast %parallel_loop3A_452 : i32 to index
      %parallel_loop3A_454 = tpu.vector_load %arg5[%parallel_loop3A_453] {strides = array<i32>} : memref<32768xf32, #tpu.memory_space<vmem>>, vector<16xf32>,
      %parallel_loop3A_455 = arith.constant 16 : i32
      %parallel_loop3A_456 = arith.addi %parallel_loop3A_450, %parallel_loop3A_455 : i32
      %parallel_loop3A_457 = arith.index_cast %parallel_loop3A_456 : i32 to index
      %parallel_loop3A_458 = tpu.vector_load %arg5[%parallel_loop3A_457] {strides = array<i32>} : memref<32768xf32, #tpu.memory_space<vmem>>, vector<16xf32>,
      %parallel_loop3A_459 = arith.constant 32 : i32
      %parallel_loop3A_460 = arith.addi %parallel_loop3A_450, %parallel_loop3A_459 : i32
      %parallel_loop3A_461 = arith.index_cast %parallel_loop3A_460 : i32 to index
      %parallel_loop3A_462 = tpu.vector_load %arg5[%parallel_loop3A_461] {strides = array<i32>} : memref<32768xf32, #tpu.memory_space<vmem>>, vector<16xf32>,
      %parallel_loop3A_463 = arith.constant 48 : i32
      %parallel_loop3A_464 = arith.addi %parallel_loop3A_450, %parallel_loop3A_463 : i32
      %parallel_loop3A_465 = arith.index_cast %parallel_loop3A_464 : i32 to index
      %parallel_loop3A_466 = tpu.vector_load %arg5[%parallel_loop3A_465] {strides = array<i32>} : memref<32768xf32, #tpu.memory_space<vmem>>, vector<16xf32>,
      %parallel_loop3A_467 = arith.constant 64 : i32
      %parallel_loop3A_468 = arith.addi %parallel_loop3A_450, %parallel_loop3A_467 : i32
      %parallel_loop3A_469 = arith.index_cast %parallel_loop3A_468 : i32 to index
      %parallel_loop3A_470 = tpu.vector_load %arg5[%parallel_loop3A_469] {strides = array<i32>} : memref<32768xf32, #tpu.memory_space<vmem>>, vector<16xf32>,
      %parallel_loop3A_471 = arith.constant 80 : i32
      %parallel_loop3A_472 = arith.addi %parallel_loop3A_450, %parallel_loop3A_471 : i32
      %parallel_loop3A_473 = arith.index_cast %parallel_loop3A_472 : i32 to index
      %parallel_loop3A_474 = tpu.vector_load %arg5[%parallel_loop3A_473] {strides = array<i32>} : memref<32768xf32, #tpu.memory_space<vmem>>, vector<16xf32>,
      %parallel_loop3A_475 = arith.constant 96 : i32
      %parallel_loop3A_476 = arith.addi %parallel_loop3A_450, %parallel_loop3A_475 : i32
      %parallel_loop3A_477 = arith.index_cast %parallel_loop3A_476 : i32 to index
      %parallel_loop3A_478 = tpu.vector_load %arg5[%parallel_loop3A_477] {strides = array<i32>} : memref<32768xf32, #tpu.memory_space<vmem>>, vector<16xf32>,
      %parallel_loop3A_479 = arith.constant 112 : i32
      %parallel_loop3A_480 = arith.addi %parallel_loop3A_450, %parallel_loop3A_479 : i32
      %parallel_loop3A_481 = arith.index_cast %parallel_loop3A_480 : i32 to index
      %parallel_loop3A_482 = tpu.vector_load %arg5[%parallel_loop3A_481] {strides = array<i32>} : memref<32768xf32, #tpu.memory_space<vmem>>, vector<16xf32>,
      %parallel_loop3A_483 = arith.constant 128 : i32
      %parallel_loop3A_484 = arith.addi %parallel_loop3A_450, %parallel_loop3A_483 : i32
      %parallel_loop3A_485 = arith.index_cast %parallel_loop3A_484 : i32 to index
      %parallel_loop3A_486 = tpu.vector_load %arg5[%parallel_loop3A_485] {strides = array<i32>} : memref<32768xf32, #tpu.memory_space<vmem>>, vector<16xf32>,
      %parallel_loop3A_487 = arith.constant 144 : i32
      %parallel_loop3A_488 = arith.addi %parallel_loop3A_450, %parallel_loop3A_487 : i32
      %parallel_loop3A_489 = arith.index_cast %parallel_loop3A_488 : i32 to index
      %parallel_loop3A_490 = tpu.vector_load %arg5[%parallel_loop3A_489] {strides = array<i32>} : memref<32768xf32, #tpu.memory_space<vmem>>, vector<16xf32>,
      %parallel_loop3A_491 = arith.constant 160 : i32
      %parallel_loop3A_492 = arith.addi %parallel_loop3A_450, %parallel_loop3A_491 : i32
      %parallel_loop3A_493 = arith.index_cast %parallel_loop3A_492 : i32 to index
      %parallel_loop3A_494 = tpu.vector_load %arg5[%parallel_loop3A_493] {strides = array<i32>} : memref<32768xf32, #tpu.memory_space<vmem>>, vector<16xf32>,
      %parallel_loop3A_495 = arith.constant 176 : i32
      %parallel_loop3A_496 = arith.addi %parallel_loop3A_450, %parallel_loop3A_495 : i32
      %parallel_loop3A_497 = arith.index_cast %parallel_loop3A_496 : i32 to index
      %parallel_loop3A_498 = tpu.vector_load %arg5[%parallel_loop3A_497] {strides = array<i32>} : memref<32768xf32, #tpu.memory_space<vmem>>, vector<16xf32>,
      %parallel_loop3A_499 = arith.constant 192 : i32
      %parallel_loop3A_500 = arith.addi %parallel_loop3A_450, %parallel_loop3A_499 : i32
      %parallel_loop3A_501 = arith.index_cast %parallel_loop3A_500 : i32 to index
      %parallel_loop3A_502 = tpu.vector_load %arg5[%parallel_loop3A_501] {strides = array<i32>} : memref<32768xf32, #tpu.memory_space<vmem>>, vector<16xf32>,
      %parallel_loop3A_503 = arith.constant 208 : i32
      %parallel_loop3A_504 = arith.addi %parallel_loop3A_450, %parallel_loop3A_503 : i32
      %parallel_loop3A_505 = arith.index_cast %parallel_loop3A_504 : i32 to index
      %parallel_loop3A_506 = tpu.vector_load %arg5[%parallel_loop3A_505] {strides = array<i32>} : memref<32768xf32, #tpu.memory_space<vmem>>, vector<16xf32>,
      %parallel_loop3A_507 = arith.constant 224 : i32
      %parallel_loop3A_508 = arith.addi %parallel_loop3A_450, %parallel_loop3A_507 : i32
      %parallel_loop3A_509 = arith.index_cast %parallel_loop3A_508 : i32 to index
      %parallel_loop3A_510 = tpu.vector_load %arg5[%parallel_loop3A_509] {strides = array<i32>} : memref<32768xf32, #tpu.memory_space<vmem>>, vector<16xf32>,
      %parallel_loop3A_511 = arith.constant 240 : i32
      %parallel_loop3A_512 = arith.addi %parallel_loop3A_450, %parallel_loop3A_511 : i32
      %parallel_loop3A_513 = arith.index_cast %parallel_loop3A_512 : i32 to index
      %parallel_loop3A_514 = tpu.vector_load %arg5[%parallel_loop3A_513] {strides = array<i32>} : memref<32768xf32, #tpu.memory_space<vmem>>, vector<16xf32>,
      %parallel_loop3A_515 = arith.maximumf %parallel_loop3A_454, %parallel_loop3A_458 : vector<16xf32>
      %parallel_loop3A_516 = arith.maximumf %parallel_loop3A_462, %parallel_loop3A_466 : vector<16xf32>
      %parallel_loop3A_517 = arith.maximumf %parallel_loop3A_470, %parallel_loop3A_474 : vector<16xf32>
      %parallel_loop3A_518 = arith.maximumf %parallel_loop3A_478, %parallel_loop3A_482 : vector<16xf32>
      %parallel_loop3A_519 = arith.maximumf %parallel_loop3A_486, %parallel_loop3A_490 : vector<16xf32>
      %parallel_loop3A_520 = arith.maximumf %parallel_loop3A_494, %parallel_loop3A_498 : vector<16xf32>
      %parallel_loop3A_521 = arith.maximumf %parallel_loop3A_502, %parallel_loop3A_506 : vector<16xf32>
      %parallel_loop3A_522 = arith.maximumf %parallel_loop3A_510, %parallel_loop3A_514 : vector<16xf32>
      %parallel_loop3A_523 = arith.maximumf %parallel_loop3A_515, %parallel_loop3A_516 : vector<16xf32>
      %parallel_loop3A_524 = arith.maximumf %parallel_loop3A_517, %parallel_loop3A_518 : vector<16xf32>
      %parallel_loop3A_525 = arith.maximumf %parallel_loop3A_519, %parallel_loop3A_520 : vector<16xf32>
      %parallel_loop3A_526 = arith.maximumf %parallel_loop3A_521, %parallel_loop3A_522 : vector<16xf32>
      %parallel_loop3A_527 = arith.maximumf %parallel_loop3A_523, %parallel_loop3A_524 : vector<16xf32>
      %parallel_loop3A_528 = arith.maximumf %parallel_loop3A_525, %parallel_loop3A_526 : vector<16xf32>
      %parallel_loop3A_529 = arith.maximumf %parallel_loop3A_527, %parallel_loop3A_528 : vector<16xf32>
      %parallel_loop3A_530 = arith.constant 16 : i32
      %parallel_loop3A_531 = arith.muli %parallel_loop3A_447, %parallel_loop3A_530 : i32
      %parallel_loop3A_532 = arith.index_cast %parallel_loop3A_531 : i32 to index
      %parallel_loop3A_533 = tpu.vector_load %arg6[%parallel_loop3A_532] {strides = array<i32>} : memref<2048xf32, #tpu.memory_space<vmem>>, vector<16xf32>,
      tpu.vector_store %arg6[%parallel_loop3A_532], %parallel_loop3A_529 {strides = array<i32>} : memref<2048xf32, #tpu.memory_space<vmem>>, vector<16xf32>,
      %parallel_loop3A_534 = arith.maximumf %parallel_loop3A_448, %parallel_loop3A_529 : vector<16xf32>
      scf.yield %parallel_loop3A_534 : vector<16xf32>
    } {sc.loop_unroll_factor = 2 : i64, sc.parallel_access}
    %reduce_max3A_228 = arith.constant true
    %reduce_max3A_229 = vector.broadcast %reduce_max3A_228 : i1 to vector<16xi1>
    %reduce_max3A_230 = tpu.scan <max>, %parallel_loop3A_227 masked %reduce_max3A_229 : vector<16xf32>, vector<16xi1> -> vector<16xf32>
    %reduce_max3A_231 = vector.extract %reduce_max3A_230[15] : f32 from vector<16xf32>
    %sub3A_232 = arith.constant 1.000000e+00 : f32
    %sub3A_233 = arith.subf %reduce_max3A_231, %sub3A_232 : f32
    %iota3A_234 = tpu.iota {dimensions = array<i32: 0>} : vector<16xi32>
    %eq3A_235 = arith.constant 0 : i32
    %eq3A_236 = vector.broadcast %eq3A_235 : i32 to vector<16xi32>
    %eq3A_237 = arith.cmpi eq, %iota3A_234, %eq3A_236 : vector<16xi32>
    %parallel_loop3A_238 = arith.constant 0 : i32
    %parallel_loop3A_239 = arith.constant 128 : i32
    %parallel_loop3A_240 = arith.constant 1 : i32
    scf.for %parallel_loop3A_447 = %parallel_loop3A_238 to %parallel_loop3A_239 step %parallel_loop3A_240  : i32 {
      %parallel_loop3A_448 = arith.constant 16 : i32
      %parallel_loop3A_449 = arith.muli %parallel_loop3A_447, %parallel_loop3A_448 : i32
      %parallel_loop3A_450 = arith.index_cast %parallel_loop3A_449 : i32 to index
      %parallel_loop3A_451 = tpu.vector_load %arg6[%parallel_loop3A_450] {strides = array<i32>} : memref<2048xf32, #tpu.memory_space<vmem>>, vector<16xf32>,
      %parallel_loop3A_452 = vector.broadcast %sub3A_233 : f32 to vector<16xf32>
      %parallel_loop3A_453 = arith.cmpf ogt, %parallel_loop3A_451, %parallel_loop3A_452 : vector<16xf32>
      %parallel_loop3A_454 = tpu.all_reduce %parallel_loop3A_453 {dim = 0 : i64, kind = #tpu.reduction_kind<sum>} : vector<16xi1> -> vector<16xi32>
      %parallel_loop3A_455 = vector.broadcast %parallel_loop3A_447 : i32 to vector<16xi32>
      tpu.vector_store_idx %arg7[%parallel_loop3A_455], %parallel_loop3A_454 masked %eq3A_237 : memref<128xi32, #tpu.memory_space<vmem>>[vector<16xi32>], vector<16xi32>, vector<16xi1>
    } {sc.loop_unroll_factor = 2 : i64, sc.parallel_access}
    %scan3A_241 = arith.constant 0 : i32
    %scan3A_242 = arith.constant 0 : i32
    %scan3A_243 = arith.constant 8 : i32
    %scan3A_244 = arith.addi %scan3A_242, %scan3A_243 : i32
    %scan3A_245 = arith.constant 1 : i32
    %scan3A_246 = scf.for %scan3A_447 = %scan3A_242 to %scan3A_244 step %scan3A_245 iter_args(%scan3A_448 = %scan3A_241) -> (i32)  : i32 {
      %mul3A_449 = arith.constant 16 : i32
      %mul3A_450 = arith.muli %scan3A_447, %mul3A_449 : i32
      %get3A = arith.index_cast %mul3A_450 : i32 to index
      %get3A_451 = tpu.vector_load %arg7[%get3A] {strides = array<i32>} : memref<128xi32, #tpu.memory_space<vmem>>, vector<16xi32>,
      %broadcast_in_dim3A_452 = arith.constant true
      %broadcast_in_dim3A_453 = vector.broadcast %broadcast_in_dim3A_452 : i1 to vector<16xi1>
      %masked_cumsum3A = tpu.scan <sum>, %get3A_451 masked %broadcast_in_dim3A_453 : vector<16xi32>, vector<16xi1> -> vector<16xi32>
      %sub3A_454 = arith.subi %masked_cumsum3A, %get3A_451 : vector<16xi32>
      %add3A_455 = vector.broadcast %scan3A_448 : i32 to vector<16xi32>
      %add3A_456 = arith.addi %sub3A_454, %add3A_455 : vector<16xi32>
      %mul3A_457 = arith.constant 16 : i32
      %mul3A_458 = arith.muli %scan3A_447, %mul3A_457 : i32
      %swap3A_459 = arith.index_cast %mul3A_458 : i32 to index
      %swap3A_460 = tpu.vector_load %arg8[%swap3A_459] {strides = array<i32>} : memref<144xi32, #tpu.memory_space<vmem>>, vector<16xi32>,
      tpu.vector_store %arg8[%swap3A_459], %add3A_456 {strides = array<i32>} : memref<144xi32, #tpu.memory_space<vmem>>, vector<16xi32>,
      %slice3A = vector.extract_strided_slice %masked_cumsum3A {offsets = [15], sizes = [1], strides = [1]} : vector<16xi32> to vector<1xi32>
      %squeeze3A = vector.extract %slice3A[0] : i32 from vector<1xi32>
      %add3A_461 = arith.addi %scan3A_448, %squeeze3A : i32
      scf.yield %add3A_461 : i32
    }
    %scan3A_247 = arith.constant 8 : i32
    %parallel_loop3A_248 = arith.constant 0 : i32
    %parallel_loop3A_249 = arith.constant 128 : i32
    %parallel_loop3A_250 = arith.constant 1 : i32
    scf.for %parallel_loop3A_447 = %parallel_loop3A_248 to %parallel_loop3A_249 step %parallel_loop3A_250  : i32 {
      %parallel_loop3A_448 = arith.constant 16 : i32
      %parallel_loop3A_449 = arith.muli %parallel_loop3A_447, %parallel_loop3A_448 : i32
      %parallel_loop3A_450 = arith.index_cast %parallel_loop3A_449 : i32 to index
      %parallel_loop3A_451 = tpu.vector_load %arg6[%parallel_loop3A_450] {strides = array<i32>} : memref<2048xf32, #tpu.memory_space<vmem>>, vector<16xf32>,
      %parallel_loop3A_452 = vector.broadcast %sub3A_233 : f32 to vector<16xf32>
      %parallel_loop3A_453 = arith.cmpf ogt, %parallel_loop3A_451, %parallel_loop3A_452 : vector<16xf32>
      %parallel_loop3A_454 = arith.index_cast %parallel_loop3A_447 : i32 to index
      %parallel_loop3A_455 = tpu.vector_load %arg8[%parallel_loop3A_454] {strides = array<i32>} : memref<144xi32, #tpu.memory_space<vmem>>, vector<16xi32>,
      %parallel_loop3A_456 = vector.extract_strided_slice %parallel_loop3A_455 {offsets = [0], sizes = [1], strides = [1]} : vector<16xi32> to vector<1xi32>
      %parallel_loop3A_457 = vector.extract %parallel_loop3A_456[0] : i32 from vector<1xi32>
      %parallel_loop3A_458 = tpu.iota {dimensions = array<i32: 0>} : vector<16xi32>
      %parallel_loop3A_459 = arith.constant 16 : i32
      %parallel_loop3A_460 = arith.muli %parallel_loop3A_447, %parallel_loop3A_459 : i32
      %parallel_loop3A_461 = vector.broadcast %parallel_loop3A_460 : i32 to vector<16xi32>
      %parallel_loop3A_462 = arith.addi %parallel_loop3A_458, %parallel_loop3A_461 : vector<16xi32>
      %parallel_loop3A_463 = arith.index_cast %parallel_loop3A_457 : i32 to index
      %parallel_loop3A_464 = tpu.vector_load %arg9[%parallel_loop3A_463] masked %parallel_loop3A_453 {strides = array<i32>} : memref<2064xi32, #tpu.memory_space<vmem>>, vector<16xi32>, vector<16xi1>
      tpu.vector_store %arg9[%parallel_loop3A_463], %parallel_loop3A_462 masked %parallel_loop3A_453 {strides = array<i32>} : memref<2064xi32, #tpu.memory_space<vmem>>, vector<16xi32>, vector<16xi1>
    } {sc.loop_unroll_factor = 2 : i64, sc.parallel_access}
    %parallel_loop3A_251 = arith.constant 0 : i32
    %parallel_loop3A_252 = arith.constant 1 : i32
    scf.for %parallel_loop3A_447 = %parallel_loop3A_251 to %scan3A_246 step %parallel_loop3A_252  : i32 {
      %parallel_loop3A_448 = arith.index_cast %parallel_loop3A_447 : i32 to index
      %parallel_loop3A_449 = tpu.vector_load %arg9[%parallel_loop3A_448] {strides = array<i32>} : memref<2064xi32, #tpu.memory_space<vmem>>, vector<16xi32>,
      %parallel_loop3A_450 = vector.extract_strided_slice %parallel_loop3A_449 {offsets = [0], sizes = [1], strides = [1]} : vector<16xi32> to vector<1xi32>
      %parallel_loop3A_451 = vector.extract %parallel_loop3A_450[0] : i32 from vector<1xi32>
      %parallel_loop3A_452 = arith.constant 4 : i32
      %parallel_loop3A_453 = arith.shrsi %parallel_loop3A_451, %parallel_loop3A_452 : i32
      %parallel_loop3A_454 = arith.constant 256 : i32
      %parallel_loop3A_455 = arith.muli %parallel_loop3A_453, %parallel_loop3A_454 : i32
      %parallel_loop3A_456 = arith.constant 15 : i32
      %parallel_loop3A_457 = arith.andi %parallel_loop3A_451, %parallel_loop3A_456 : i32
      %parallel_loop3A_458 = arith.addi %parallel_loop3A_455, %parallel_loop3A_457 : i32
      %parallel_loop3A_459 = tpu.iota {dimensions = array<i32: 0>} : vector<16xi32>
      %parallel_loop3A_460 = arith.constant 16 : i32
      %parallel_loop3A_461 = vector.broadcast %parallel_loop3A_460 : i32 to vector<16xi32>
      %parallel_loop3A_462 = arith.muli %parallel_loop3A_459, %parallel_loop3A_461 : vector<16xi32>
      %parallel_loop3A_463 = vector.broadcast %parallel_loop3A_458 : i32 to vector<16xi32>
      %parallel_loop3A_464 = arith.addi %parallel_loop3A_463, %parallel_loop3A_462 : vector<16xi32>
      %parallel_loop3A_465 = tpu.vector_load_idx %arg5[%parallel_loop3A_464] : memref<32768xf32, #tpu.memory_space<vmem>>[vector<16xi32>], vector<16xf32>,
      %parallel_loop3A_466 = arith.constant 16 : i32
      %parallel_loop3A_467 = arith.muli %parallel_loop3A_447, %parallel_loop3A_466 : i32
      %parallel_loop3A_468 = arith.index_cast %parallel_loop3A_467 : i32 to index
      %parallel_loop3A_469 = tpu.vector_load %arg10[%parallel_loop3A_468] {strides = array<i32>} : memref<32800xf32, #tpu.memory_space<vmem>>, vector<16xf32>,
      tpu.vector_store %arg10[%parallel_loop3A_468], %parallel_loop3A_465 {strides = array<i32>} : memref<32800xf32, #tpu.memory_space<vmem>>, vector<16xf32>,
    } {sc.loop_unroll_factor = 2 : i64, sc.parallel_access}
    %broadcast_in_dim3A_253 = arith.constant -3.000000e+38 : f32
    %broadcast_in_dim3A_254 = vector.broadcast %broadcast_in_dim3A_253 : f32 to vector<16xf32>
    %mul3A_255 = arith.constant 16 : i32
    %mul3A_256 = arith.muli %scan3A_246, %mul3A_255 : i32
    %swap3A_257 = arith.index_cast %mul3A_256 : i32 to index
    %swap3A_258 = tpu.vector_load %arg10[%swap3A_257] {strides = array<i32>} : memref<32800xf32, #tpu.memory_space<vmem>>, vector<16xf32>,
    tpu.vector_store %arg10[%swap3A_257], %broadcast_in_dim3A_254 {strides = array<i32>} : memref<32800xf32, #tpu.memory_space<vmem>>, vector<16xf32>,
    %add3A_259 = arith.constant 1 : i32
    %add3A_260 = arith.addi %scan3A_246, %add3A_259 : i32
    %shift_right_arithmetic3A_261 = arith.constant 1 : i32
    %shift_right_arithmetic3A_262 = arith.shrsi %add3A_260, %shift_right_arithmetic3A_261 : i32
    %sub3A_263 = arith.constant 1.000000e+00 : f32
    %sub3A_264 = arith.subf %sub3A_233, %sub3A_263 : f32
    %while3A_265 = arith.constant 0 : i32
    %while3A_266:3 = scf.while (%while3A_447 = %sub3A_233, %while3A_448 = %sub3A_264, %while3A_449 = %while3A_265) : (f32, f32, i32) -> (f32, f32, i32) {
      %gt3A = arith.cmpf ogt, %while3A_447, %while3A_448 : f32
      %lt3A = arith.constant 64 : i32
      %lt3A_450 = arith.cmpi slt, %while3A_449, %lt3A : i32
      %and3A = arith.andi %gt3A, %lt3A_450 : i1
      scf.condition(%and3A) %while3A_447, %while3A_448, %while3A_449 : f32, f32, i32
    } do {
    ^bb0(%while3A_447: f32, %while3A_448: f32, %while3A_449: i32):
      %broadcast_in_dim3A_450 = arith.constant 0.000000e+00 : f32
      %broadcast_in_dim3A_451 = vector.broadcast %broadcast_in_dim3A_450 : f32 to vector<16xf32>
      %broadcast_in_dim3A_452 = arith.constant 0 : i32
      %broadcast_in_dim3A_453 = vector.broadcast %broadcast_in_dim3A_452 : i32 to vector<16xi32>
      %while3A_454 = arith.constant 0 : i32
      %while3A_455 = arith.subi %shift_right_arithmetic3A_262, %while3A_454 : i32
      %while3A_456 = arith.addi %while3A_454, %while3A_455 : i32
      %while3A_457 = arith.constant 1 : i32
      %while3A_458 = arith.divsi %while3A_455, %while3A_457 : i32
      %while3A_459 = arith.muli %while3A_458, %while3A_457 : i32
      %while3A_460 = arith.addi %while3A_454, %while3A_459 : i32
      %while3A_461 = arith.constant 1 : i32
      %while3A_462:4 = scf.for %while3A_485 = %while3A_454 to %while3A_460 step %while3A_461 iter_args(%while3A_486 = %broadcast_in_dim3A_451, %while3A_487 = %broadcast_in_dim3A_453, %while3A_488 = %broadcast_in_dim3A_451, %while3A_489 = %broadcast_in_dim3A_453) -> (vector<16xf32>, vector<16xi32>, vector<16xf32>, vector<16xi32>)  : i32 {
        %mul3A_490 = arith.constant 32 : i32
        %mul3A_491 = arith.muli %while3A_485, %mul3A_490 : i32
        %get3A = arith.index_cast %mul3A_491 : i32 to index
        %get3A_492 = tpu.vector_load %arg10[%get3A] {strides = array<i32>} : memref<32800xf32, #tpu.memory_space<vmem>>, vector<16xf32>,
        %mul3A_493 = arith.constant 32 : i32
        %mul3A_494 = arith.muli %while3A_485, %mul3A_493 : i32
        %add3A_495 = arith.constant 16 : i32
        %add3A_496 = arith.addi %mul3A_494, %add3A_495 : i32
        %get3A_497 = arith.index_cast %add3A_496 : i32 to index
        %get3A_498 = tpu.vector_load %arg10[%get3A_497] {strides = array<i32>} : memref<32800xf32, #tpu.memory_space<vmem>>, vector<16xf32>,
        %gt3A = vector.broadcast %while3A_447 : f32 to vector<16xf32>
        %gt3A_499 = arith.cmpf ogt, %get3A_492, %gt3A : vector<16xf32>
        %gt3A_500 = vector.broadcast %while3A_447 : f32 to vector<16xf32>
        %gt3A_501 = arith.cmpf ogt, %get3A_498, %gt3A_500 : vector<16xf32>
        %jit3A = arith.constant 0.000000e+00 : f32
        %broadcast_in_dim3A_502 = vector.broadcast %jit3A : f32 to vector<16xf32>
        %select_n3A = arith.select %gt3A_499, %get3A_492, %broadcast_in_dim3A_502 : vector<16xi1>, vector<16xf32>
        %add3A_503 = arith.addf %while3A_486, %select_n3A : vector<16xf32>
        %jit3A_504 = arith.constant 1 : i32
        %jit3A_505 = arith.constant 0 : i32
        %broadcast_in_dim3A_506 = vector.broadcast %jit3A_504 : i32 to vector<16xi32>
        %broadcast_in_dim3A_507 = vector.broadcast %jit3A_505 : i32 to vector<16xi32>
        %select_n3A_508 = arith.select %gt3A_499, %broadcast_in_dim3A_506, %broadcast_in_dim3A_507 : vector<16xi1>, vector<16xi32>
        %add3A_509 = arith.addi %while3A_487, %select_n3A_508 : vector<16xi32>
        %jit3A_510 = arith.constant 0.000000e+00 : f32
        %broadcast_in_dim3A_511 = vector.broadcast %jit3A_510 : f32 to vector<16xf32>
        %select_n3A_512 = arith.select %gt3A_501, %get3A_498, %broadcast_in_dim3A_511 : vector<16xi1>, vector<16xf32>
        %add3A_513 = arith.addf %while3A_488, %select_n3A_512 : vector<16xf32>
        %jit3A_514 = arith.constant 1 : i32
        %jit3A_515 = arith.constant 0 : i32
        %broadcast_in_dim3A_516 = vector.broadcast %jit3A_514 : i32 to vector<16xi32>
        %broadcast_in_dim3A_517 = vector.broadcast %jit3A_515 : i32 to vector<16xi32>
        %select_n3A_518 = arith.select %gt3A_501, %broadcast_in_dim3A_516, %broadcast_in_dim3A_517 : vector<16xi1>, vector<16xi32>
        %add3A_519 = arith.addi %while3A_489, %select_n3A_518 : vector<16xi32>
        scf.yield %add3A_503, %add3A_509, %add3A_513, %add3A_519 : vector<16xf32>, vector<16xi32>, vector<16xf32>, vector<16xi32>
      }
      %while3A_463 = arith.constant 1 : i32
      %while3A_464:4 = scf.for %while3A_485 = %while3A_460 to %while3A_456 step %while3A_463 iter_args(%while3A_486 = %while3A_462#0, %while3A_487 = %while3A_462#1, %while3A_488 = %while3A_462#2, %while3A_489 = %while3A_462#3) -> (vector<16xf32>, vector<16xi32>, vector<16xf32>, vector<16xi32>)  : i32 {
        %mul3A_490 = arith.constant 32 : i32
        %mul3A_491 = arith.muli %while3A_485, %mul3A_490 : i32
        %get3A = arith.index_cast %mul3A_491 : i32 to index
        %get3A_492 = tpu.vector_load %arg10[%get3A] {strides = array<i32>} : memref<32800xf32, #tpu.memory_space<vmem>>, vector<16xf32>,
        %mul3A_493 = arith.constant 32 : i32
        %mul3A_494 = arith.muli %while3A_485, %mul3A_493 : i32
        %add3A_495 = arith.constant 16 : i32
        %add3A_496 = arith.addi %mul3A_494, %add3A_495 : i32
        %get3A_497 = arith.index_cast %add3A_496 : i32 to index
        %get3A_498 = tpu.vector_load %arg10[%get3A_497] {strides = array<i32>} : memref<32800xf32, #tpu.memory_space<vmem>>, vector<16xf32>,
        %gt3A = vector.broadcast %while3A_447 : f32 to vector<16xf32>
        %gt3A_499 = arith.cmpf ogt, %get3A_492, %gt3A : vector<16xf32>
        %gt3A_500 = vector.broadcast %while3A_447 : f32 to vector<16xf32>
        %gt3A_501 = arith.cmpf ogt, %get3A_498, %gt3A_500 : vector<16xf32>
        %jit3A = arith.constant 0.000000e+00 : f32
        %broadcast_in_dim3A_502 = vector.broadcast %jit3A : f32 to vector<16xf32>
        %select_n3A = arith.select %gt3A_499, %get3A_492, %broadcast_in_dim3A_502 : vector<16xi1>, vector<16xf32>
        %add3A_503 = arith.addf %while3A_486, %select_n3A : vector<16xf32>
        %jit3A_504 = arith.constant 1 : i32
        %jit3A_505 = arith.constant 0 : i32
        %broadcast_in_dim3A_506 = vector.broadcast %jit3A_504 : i32 to vector<16xi32>
        %broadcast_in_dim3A_507 = vector.broadcast %jit3A_505 : i32 to vector<16xi32>
        %select_n3A_508 = arith.select %gt3A_499, %broadcast_in_dim3A_506, %broadcast_in_dim3A_507 : vector<16xi1>, vector<16xi32>
        %add3A_509 = arith.addi %while3A_487, %select_n3A_508 : vector<16xi32>
        %jit3A_510 = arith.constant 0.000000e+00 : f32
        %broadcast_in_dim3A_511 = vector.broadcast %jit3A_510 : f32 to vector<16xf32>
        %select_n3A_512 = arith.select %gt3A_501, %get3A_498, %broadcast_in_dim3A_511 : vector<16xi1>, vector<16xf32>
        %add3A_513 = arith.addf %while3A_488, %select_n3A_512 : vector<16xf32>
        %jit3A_514 = arith.constant 1 : i32
        %jit3A_515 = arith.constant 0 : i32
        %broadcast_in_dim3A_516 = vector.broadcast %jit3A_514 : i32 to vector<16xi32>
        %broadcast_in_dim3A_517 = vector.broadcast %jit3A_515 : i32 to vector<16xi32>
        %select_n3A_518 = arith.select %gt3A_501, %broadcast_in_dim3A_516, %broadcast_in_dim3A_517 : vector<16xi1>, vector<16xi32>
        %add3A_519 = arith.addi %while3A_489, %select_n3A_518 : vector<16xi32>
        scf.yield %add3A_503, %add3A_509, %add3A_513, %add3A_519 : vector<16xf32>, vector<16xi32>, vector<16xf32>, vector<16xi32>
      }
      %add3A_465 = arith.addf %while3A_464#0, %while3A_464#2 : vector<16xf32>
      %reduce_sum3A = arith.constant true
      %reduce_sum3A_466 = vector.broadcast %reduce_sum3A : i1 to vector<16xi1>
      %reduce_sum3A_467 = tpu.scan <sum>, %add3A_465 masked %reduce_sum3A_466 : vector<16xf32>, vector<16xi1> -> vector<16xf32>
      %reduce_sum3A_468 = vector.extract %reduce_sum3A_467[15] : f32 from vector<16xf32>
      %add3A_469 = arith.addi %while3A_464#1, %while3A_464#3 : vector<16xi32>
      %reduce_sum3A_470 = arith.constant true
      %reduce_sum3A_471 = vector.broadcast %reduce_sum3A_470 : i1 to vector<16xi1>
      %reduce_sum3A_472 = tpu.scan <sum>, %add3A_469 masked %reduce_sum3A_471 : vector<16xi32>, vector<16xi1> -> vector<16xi32>
      %reduce_sum3A_473 = vector.extract %reduce_sum3A_472[15] : i32 from vector<16xi32>
      %sub3A_474 = arith.constant 1.000000e+00 : f32
      %sub3A_475 = arith.subf %reduce_sum3A_468, %sub3A_474 : f32
      %broadcast_in_dim3A_476 = vector.broadcast %sub3A_475 : f32 to vector<16xf32>
      %max3A = arith.constant 1 : i32
      %max3A_477 = arith.maxsi %reduce_sum3A_473, %max3A : i32
      %broadcast_in_dim3A_478 = vector.broadcast %max3A_477 : i32 to vector<16xi32>
      %convert_element_type3A = arith.sitofp %broadcast_in_dim3A_478 : vector<16xi32> to vector<16xf32>
      %div3A = arith.divf %broadcast_in_dim3A_476, %convert_element_type3A : vector<16xf32>
      %reduce_max3A_479 = arith.constant true
      %reduce_max3A_480 = vector.broadcast %reduce_max3A_479 : i1 to vector<16xi1>
      %reduce_max3A_481 = tpu.scan <max>, %div3A masked %reduce_max3A_480 : vector<16xf32>, vector<16xi1> -> vector<16xf32>
      %reduce_max3A_482 = vector.extract %reduce_max3A_481[15] : f32 from vector<16xf32>
      %add3A_483 = arith.constant 1 : i32
      %add3A_484 = arith.addi %while3A_449, %add3A_483 : i32
      scf.yield %reduce_max3A_482, %while3A_447, %add3A_484 : f32, f32, i32
    }
    %parallel_loop3A_267 = arith.constant 0 : i32
    %parallel_loop3A_268 = arith.constant 32 : i32
    %parallel_loop3A_269 = arith.constant 1 : i32
    scf.for %parallel_loop3A_447 = %parallel_loop3A_267 to %parallel_loop3A_268 step %parallel_loop3A_269  : i32 {
      %parallel_loop3A_448 = arith.constant 256 : i32
      %parallel_loop3A_449 = arith.muli %parallel_loop3A_447, %parallel_loop3A_448 : i32
      %parallel_loop3A_450 = arith.constant 0 : i32
      %parallel_loop3A_451 = arith.addi %parallel_loop3A_449, %parallel_loop3A_450 : i32
      %parallel_loop3A_452 = arith.index_cast %parallel_loop3A_451 : i32 to index
      %parallel_loop3A_453 = tpu.vector_load %arg5[%parallel_loop3A_452] {strides = array<i32>} : memref<32768xf32, #tpu.memory_space<vmem>>, vector<16xf32>,
      %parallel_loop3A_454 = vector.broadcast %while3A_266#0 : f32 to vector<16xf32>
      %parallel_loop3A_455 = arith.subf %parallel_loop3A_453, %parallel_loop3A_454 : vector<16xf32>
      %parallel_loop3A_456 = arith.constant 0.000000e+00 : f32
      %parallel_loop3A_457 = vector.broadcast %parallel_loop3A_456 : f32 to vector<16xf32>
      %parallel_loop3A_458 = arith.maximumf %parallel_loop3A_455, %parallel_loop3A_457 : vector<16xf32>
      %parallel_loop3A_459 = arith.index_cast %parallel_loop3A_451 : i32 to index
      %parallel_loop3A_460 = tpu.vector_load %arg5[%parallel_loop3A_459] {strides = array<i32>} : memref<32768xf32, #tpu.memory_space<vmem>>, vector<16xf32>,
      tpu.vector_store %arg5[%parallel_loop3A_459], %parallel_loop3A_458 {strides = array<i32>} : memref<32768xf32, #tpu.memory_space<vmem>>, vector<16xf32>,
      %parallel_loop3A_461 = arith.constant 16 : i32
      %parallel_loop3A_462 = arith.addi %parallel_loop3A_449, %parallel_loop3A_461 : i32
      %parallel_loop3A_463 = arith.index_cast %parallel_loop3A_462 : i32 to index
      %parallel_loop3A_464 = tpu.vector_load %arg5[%parallel_loop3A_463] {strides = array<i32>} : memref<32768xf32, #tpu.memory_space<vmem>>, vector<16xf32>,
      %parallel_loop3A_465 = vector.broadcast %while3A_266#0 : f32 to vector<16xf32>
      %parallel_loop3A_466 = arith.subf %parallel_loop3A_464, %parallel_loop3A_465 : vector<16xf32>
      %parallel_loop3A_467 = arith.constant 0.000000e+00 : f32
      %parallel_loop3A_468 = vector.broadcast %parallel_loop3A_467 : f32 to vector<16xf32>
      %parallel_loop3A_469 = arith.maximumf %parallel_loop3A_466, %parallel_loop3A_468 : vector<16xf32>
      %parallel_loop3A_470 = arith.index_cast %parallel_loop3A_462 : i32 to index
      %parallel_loop3A_471 = tpu.vector_load %arg5[%parallel_loop3A_470] {strides = array<i32>} : memref<32768xf32, #tpu.memory_space<vmem>>, vector<16xf32>,
      tpu.vector_store %arg5[%parallel_loop3A_470], %parallel_loop3A_469 {strides = array<i32>} : memref<32768xf32, #tpu.memory_space<vmem>>, vector<16xf32>,
      %parallel_loop3A_472 = arith.constant 32 : i32
      %parallel_loop3A_473 = arith.addi %parallel_loop3A_449, %parallel_loop3A_472 : i32
      %parallel_loop3A_474 = arith.index_cast %parallel_loop3A_473 : i32 to index
      %parallel_loop3A_475 = tpu.vector_load %arg5[%parallel_loop3A_474] {strides = array<i32>} : memref<32768xf32, #tpu.memory_space<vmem>>, vector<16xf32>,
      %parallel_loop3A_476 = vector.broadcast %while3A_266#0 : f32 to vector<16xf32>
      %parallel_loop3A_477 = arith.subf %parallel_loop3A_475, %parallel_loop3A_476 : vector<16xf32>
      %parallel_loop3A_478 = arith.constant 0.000000e+00 : f32
      %parallel_loop3A_479 = vector.broadcast %parallel_loop3A_478 : f32 to vector<16xf32>
      %parallel_loop3A_480 = arith.maximumf %parallel_loop3A_477, %parallel_loop3A_479 : vector<16xf32>
      %parallel_loop3A_481 = arith.index_cast %parallel_loop3A_473 : i32 to index
      %parallel_loop3A_482 = tpu.vector_load %arg5[%parallel_loop3A_481] {strides = array<i32>} : memref<32768xf32, #tpu.memory_space<vmem>>, vector<16xf32>,
      tpu.vector_store %arg5[%parallel_loop3A_481], %parallel_loop3A_480 {strides = array<i32>} : memref<32768xf32, #tpu.memory_space<vmem>>, vector<16xf32>,
      %parallel_loop3A_483 = arith.constant 48 : i32
      %parallel_loop3A_484 = arith.addi %parallel_loop3A_449, %parallel_loop3A_483 : i32
      %parallel_loop3A_485 = arith.index_cast %parallel_loop3A_484 : i32 to index
      %parallel_loop3A_486 = tpu.vector_load %arg5[%parallel_loop3A_485] {strides = array<i32>} : memref<32768xf32, #tpu.memory_space<vmem>>, vector<16xf32>,
      %parallel_loop3A_487 = vector.broadcast %while3A_266#0 : f32 to vector<16xf32>
      %parallel_loop3A_488 = arith.subf %parallel_loop3A_486, %parallel_loop3A_487 : vector<16xf32>
      %parallel_loop3A_489 = arith.constant 0.000000e+00 : f32
      %parallel_loop3A_490 = vector.broadcast %parallel_loop3A_489 : f32 to vector<16xf32>
      %parallel_loop3A_491 = arith.maximumf %parallel_loop3A_488, %parallel_loop3A_490 : vector<16xf32>
      %parallel_loop3A_492 = arith.index_cast %parallel_loop3A_484 : i32 to index
      %parallel_loop3A_493 = tpu.vector_load %arg5[%parallel_loop3A_492] {strides = array<i32>} : memref<32768xf32, #tpu.memory_space<vmem>>, vector<16xf32>,
      tpu.vector_store %arg5[%parallel_loop3A_492], %parallel_loop3A_491 {strides = array<i32>} : memref<32768xf32, #tpu.memory_space<vmem>>, vector<16xf32>,
      %parallel_loop3A_494 = arith.constant 64 : i32
      %parallel_loop3A_495 = arith.addi %parallel_loop3A_449, %parallel_loop3A_494 : i32
      %parallel_loop3A_496 = arith.index_cast %parallel_loop3A_495 : i32 to index
      %parallel_loop3A_497 = tpu.vector_load %arg5[%parallel_loop3A_496] {strides = array<i32>} : memref<32768xf32, #tpu.memory_space<vmem>>, vector<16xf32>,
      %parallel_loop3A_498 = vector.broadcast %while3A_266#0 : f32 to vector<16xf32>
      %parallel_loop3A_499 = arith.subf %parallel_loop3A_497, %parallel_loop3A_498 : vector<16xf32>
      %parallel_loop3A_500 = arith.constant 0.000000e+00 : f32
      %parallel_loop3A_501 = vector.broadcast %parallel_loop3A_500 : f32 to vector<16xf32>
      %parallel_loop3A_502 = arith.maximumf %parallel_loop3A_499, %parallel_loop3A_501 : vector<16xf32>
      %parallel_loop3A_503 = arith.index_cast %parallel_loop3A_495 : i32 to index
      %parallel_loop3A_504 = tpu.vector_load %arg5[%parallel_loop3A_503] {strides = array<i32>} : memref<32768xf32, #tpu.memory_space<vmem>>, vector<16xf32>,
      tpu.vector_store %arg5[%parallel_loop3A_503], %parallel_loop3A_502 {strides = array<i32>} : memref<32768xf32, #tpu.memory_space<vmem>>, vector<16xf32>,
      %parallel_loop3A_505 = arith.constant 80 : i32
      %parallel_loop3A_506 = arith.addi %parallel_loop3A_449, %parallel_loop3A_505 : i32
      %parallel_loop3A_507 = arith.index_cast %parallel_loop3A_506 : i32 to index
      %parallel_loop3A_508 = tpu.vector_load %arg5[%parallel_loop3A_507] {strides = array<i32>} : memref<32768xf32, #tpu.memory_space<vmem>>, vector<16xf32>,
      %parallel_loop3A_509 = vector.broadcast %while3A_266#0 : f32 to vector<16xf32>
      %parallel_loop3A_510 = arith.subf %parallel_loop3A_508, %parallel_loop3A_509 : vector<16xf32>
      %parallel_loop3A_511 = arith.constant 0.000000e+00 : f32
      %parallel_loop3A_512 = vector.broadcast %parallel_loop3A_511 : f32 to vector<16xf32>
      %parallel_loop3A_513 = arith.maximumf %parallel_loop3A_510, %parallel_loop3A_512 : vector<16xf32>
      %parallel_loop3A_514 = arith.index_cast %parallel_loop3A_506 : i32 to index
      %parallel_loop3A_515 = tpu.vector_load %arg5[%parallel_loop3A_514] {strides = array<i32>} : memref<32768xf32, #tpu.memory_space<vmem>>, vector<16xf32>,
      tpu.vector_store %arg5[%parallel_loop3A_514], %parallel_loop3A_513 {strides = array<i32>} : memref<32768xf32, #tpu.memory_space<vmem>>, vector<16xf32>,
      %parallel_loop3A_516 = arith.constant 96 : i32
      %parallel_loop3A_517 = arith.addi %parallel_loop3A_449, %parallel_loop3A_516 : i32
      %parallel_loop3A_518 = arith.index_cast %parallel_loop3A_517 : i32 to index
      %parallel_loop3A_519 = tpu.vector_load %arg5[%parallel_loop3A_518] {strides = array<i32>} : memref<32768xf32, #tpu.memory_space<vmem>>, vector<16xf32>,
      %parallel_loop3A_520 = vector.broadcast %while3A_266#0 : f32 to vector<16xf32>
      %parallel_loop3A_521 = arith.subf %parallel_loop3A_519, %parallel_loop3A_520 : vector<16xf32>
      %parallel_loop3A_522 = arith.constant 0.000000e+00 : f32
      %parallel_loop3A_523 = vector.broadcast %parallel_loop3A_522 : f32 to vector<16xf32>
      %parallel_loop3A_524 = arith.maximumf %parallel_loop3A_521, %parallel_loop3A_523 : vector<16xf32>
      %parallel_loop3A_525 = arith.index_cast %parallel_loop3A_517 : i32 to index
      %parallel_loop3A_526 = tpu.vector_load %arg5[%parallel_loop3A_525] {strides = array<i32>} : memref<32768xf32, #tpu.memory_space<vmem>>, vector<16xf32>,
      tpu.vector_store %arg5[%parallel_loop3A_525], %parallel_loop3A_524 {strides = array<i32>} : memref<32768xf32, #tpu.memory_space<vmem>>, vector<16xf32>,
      %parallel_loop3A_527 = arith.constant 112 : i32
      %parallel_loop3A_528 = arith.addi %parallel_loop3A_449, %parallel_loop3A_527 : i32
      %parallel_loop3A_529 = arith.index_cast %parallel_loop3A_528 : i32 to index
      %parallel_loop3A_530 = tpu.vector_load %arg5[%parallel_loop3A_529] {strides = array<i32>} : memref<32768xf32, #tpu.memory_space<vmem>>, vector<16xf32>,
      %parallel_loop3A_531 = vector.broadcast %while3A_266#0 : f32 to vector<16xf32>
      %parallel_loop3A_532 = arith.subf %parallel_loop3A_530, %parallel_loop3A_531 : vector<16xf32>
      %parallel_loop3A_533 = arith.constant 0.000000e+00 : f32
      %parallel_loop3A_534 = vector.broadcast %parallel_loop3A_533 : f32 to vector<16xf32>
      %parallel_loop3A_535 = arith.maximumf %parallel_loop3A_532, %parallel_loop3A_534 : vector<16xf32>
      %parallel_loop3A_536 = arith.index_cast %parallel_loop3A_528 : i32 to index
      %parallel_loop3A_537 = tpu.vector_load %arg5[%parallel_loop3A_536] {strides = array<i32>} : memref<32768xf32, #tpu.memory_space<vmem>>, vector<16xf32>,
      tpu.vector_store %arg5[%parallel_loop3A_536], %parallel_loop3A_535 {strides = array<i32>} : memref<32768xf32, #tpu.memory_space<vmem>>, vector<16xf32>,
      %parallel_loop3A_538 = arith.constant 128 : i32
      %parallel_loop3A_539 = arith.addi %parallel_loop3A_449, %parallel_loop3A_538 : i32
      %parallel_loop3A_540 = arith.index_cast %parallel_loop3A_539 : i32 to index
      %parallel_loop3A_541 = tpu.vector_load %arg5[%parallel_loop3A_540] {strides = array<i32>} : memref<32768xf32, #tpu.memory_space<vmem>>, vector<16xf32>,
      %parallel_loop3A_542 = vector.broadcast %while3A_266#0 : f32 to vector<16xf32>
      %parallel_loop3A_543 = arith.subf %parallel_loop3A_541, %parallel_loop3A_542 : vector<16xf32>
      %parallel_loop3A_544 = arith.constant 0.000000e+00 : f32
      %parallel_loop3A_545 = vector.broadcast %parallel_loop3A_544 : f32 to vector<16xf32>
      %parallel_loop3A_546 = arith.maximumf %parallel_loop3A_543, %parallel_loop3A_545 : vector<16xf32>
      %parallel_loop3A_547 = arith.index_cast %parallel_loop3A_539 : i32 to index
      %parallel_loop3A_548 = tpu.vector_load %arg5[%parallel_loop3A_547] {strides = array<i32>} : memref<32768xf32, #tpu.memory_space<vmem>>, vector<16xf32>,
      tpu.vector_store %arg5[%parallel_loop3A_547], %parallel_loop3A_546 {strides = array<i32>} : memref<32768xf32, #tpu.memory_space<vmem>>, vector<16xf32>,
      %parallel_loop3A_549 = arith.constant 144 : i32
      %parallel_loop3A_550 = arith.addi %parallel_loop3A_449, %parallel_loop3A_549 : i32
      %parallel_loop3A_551 = arith.index_cast %parallel_loop3A_550 : i32 to index
      %parallel_loop3A_552 = tpu.vector_load %arg5[%parallel_loop3A_551] {strides = array<i32>} : memref<32768xf32, #tpu.memory_space<vmem>>, vector<16xf32>,
      %parallel_loop3A_553 = vector.broadcast %while3A_266#0 : f32 to vector<16xf32>
      %parallel_loop3A_554 = arith.subf %parallel_loop3A_552, %parallel_loop3A_553 : vector<16xf32>
      %parallel_loop3A_555 = arith.constant 0.000000e+00 : f32
      %parallel_loop3A_556 = vector.broadcast %parallel_loop3A_555 : f32 to vector<16xf32>
      %parallel_loop3A_557 = arith.maximumf %parallel_loop3A_554, %parallel_loop3A_556 : vector<16xf32>
      %parallel_loop3A_558 = arith.index_cast %parallel_loop3A_550 : i32 to index
      %parallel_loop3A_559 = tpu.vector_load %arg5[%parallel_loop3A_558] {strides = array<i32>} : memref<32768xf32, #tpu.memory_space<vmem>>, vector<16xf32>,
      tpu.vector_store %arg5[%parallel_loop3A_558], %parallel_loop3A_557 {strides = array<i32>} : memref<32768xf32, #tpu.memory_space<vmem>>, vector<16xf32>,
      %parallel_loop3A_560 = arith.constant 160 : i32
      %parallel_loop3A_561 = arith.addi %parallel_loop3A_449, %parallel_loop3A_560 : i32
      %parallel_loop3A_562 = arith.index_cast %parallel_loop3A_561 : i32 to index
      %parallel_loop3A_563 = tpu.vector_load %arg5[%parallel_loop3A_562] {strides = array<i32>} : memref<32768xf32, #tpu.memory_space<vmem>>, vector<16xf32>,
      %parallel_loop3A_564 = vector.broadcast %while3A_266#0 : f32 to vector<16xf32>
      %parallel_loop3A_565 = arith.subf %parallel_loop3A_563, %parallel_loop3A_564 : vector<16xf32>
      %parallel_loop3A_566 = arith.constant 0.000000e+00 : f32
      %parallel_loop3A_567 = vector.broadcast %parallel_loop3A_566 : f32 to vector<16xf32>
      %parallel_loop3A_568 = arith.maximumf %parallel_loop3A_565, %parallel_loop3A_567 : vector<16xf32>
      %parallel_loop3A_569 = arith.index_cast %parallel_loop3A_561 : i32 to index
      %parallel_loop3A_570 = tpu.vector_load %arg5[%parallel_loop3A_569] {strides = array<i32>} : memref<32768xf32, #tpu.memory_space<vmem>>, vector<16xf32>,
      tpu.vector_store %arg5[%parallel_loop3A_569], %parallel_loop3A_568 {strides = array<i32>} : memref<32768xf32, #tpu.memory_space<vmem>>, vector<16xf32>,
      %parallel_loop3A_571 = arith.constant 176 : i32
      %parallel_loop3A_572 = arith.addi %parallel_loop3A_449, %parallel_loop3A_571 : i32
      %parallel_loop3A_573 = arith.index_cast %parallel_loop3A_572 : i32 to index
      %parallel_loop3A_574 = tpu.vector_load %arg5[%parallel_loop3A_573] {strides = array<i32>} : memref<32768xf32, #tpu.memory_space<vmem>>, vector<16xf32>,
      %parallel_loop3A_575 = vector.broadcast %while3A_266#0 : f32 to vector<16xf32>
      %parallel_loop3A_576 = arith.subf %parallel_loop3A_574, %parallel_loop3A_575 : vector<16xf32>
      %parallel_loop3A_577 = arith.constant 0.000000e+00 : f32
      %parallel_loop3A_578 = vector.broadcast %parallel_loop3A_577 : f32 to vector<16xf32>
      %parallel_loop3A_579 = arith.maximumf %parallel_loop3A_576, %parallel_loop3A_578 : vector<16xf32>
      %parallel_loop3A_580 = arith.index_cast %parallel_loop3A_572 : i32 to index
      %parallel_loop3A_581 = tpu.vector_load %arg5[%parallel_loop3A_580] {strides = array<i32>} : memref<32768xf32, #tpu.memory_space<vmem>>, vector<16xf32>,
      tpu.vector_store %arg5[%parallel_loop3A_580], %parallel_loop3A_579 {strides = array<i32>} : memref<32768xf32, #tpu.memory_space<vmem>>, vector<16xf32>,
      %parallel_loop3A_582 = arith.constant 192 : i32
      %parallel_loop3A_583 = arith.addi %parallel_loop3A_449, %parallel_loop3A_582 : i32
      %parallel_loop3A_584 = arith.index_cast %parallel_loop3A_583 : i32 to index
      %parallel_loop3A_585 = tpu.vector_load %arg5[%parallel_loop3A_584] {strides = array<i32>} : memref<32768xf32, #tpu.memory_space<vmem>>, vector<16xf32>,
      %parallel_loop3A_586 = vector.broadcast %while3A_266#0 : f32 to vector<16xf32>
      %parallel_loop3A_587 = arith.subf %parallel_loop3A_585, %parallel_loop3A_586 : vector<16xf32>
      %parallel_loop3A_588 = arith.constant 0.000000e+00 : f32
      %parallel_loop3A_589 = vector.broadcast %parallel_loop3A_588 : f32 to vector<16xf32>
      %parallel_loop3A_590 = arith.maximumf %parallel_loop3A_587, %parallel_loop3A_589 : vector<16xf32>
      %parallel_loop3A_591 = arith.index_cast %parallel_loop3A_583 : i32 to index
      %parallel_loop3A_592 = tpu.vector_load %arg5[%parallel_loop3A_591] {strides = array<i32>} : memref<32768xf32, #tpu.memory_space<vmem>>, vector<16xf32>,
      tpu.vector_store %arg5[%parallel_loop3A_591], %parallel_loop3A_590 {strides = array<i32>} : memref<32768xf32, #tpu.memory_space<vmem>>, vector<16xf32>,
      %parallel_loop3A_593 = arith.constant 208 : i32
      %parallel_loop3A_594 = arith.addi %parallel_loop3A_449, %parallel_loop3A_593 : i32
      %parallel_loop3A_595 = arith.index_cast %parallel_loop3A_594 : i32 to index
      %parallel_loop3A_596 = tpu.vector_load %arg5[%parallel_loop3A_595] {strides = array<i32>} : memref<32768xf32, #tpu.memory_space<vmem>>, vector<16xf32>,
      %parallel_loop3A_597 = vector.broadcast %while3A_266#0 : f32 to vector<16xf32>
      %parallel_loop3A_598 = arith.subf %parallel_loop3A_596, %parallel_loop3A_597 : vector<16xf32>
      %parallel_loop3A_599 = arith.constant 0.000000e+00 : f32
      %parallel_loop3A_600 = vector.broadcast %parallel_loop3A_599 : f32 to vector<16xf32>
      %parallel_loop3A_601 = arith.maximumf %parallel_loop3A_598, %parallel_loop3A_600 : vector<16xf32>
      %parallel_loop3A_602 = arith.index_cast %parallel_loop3A_594 : i32 to index
      %parallel_loop3A_603 = tpu.vector_load %arg5[%parallel_loop3A_602] {strides = array<i32>} : memref<32768xf32, #tpu.memory_space<vmem>>, vector<16xf32>,
      tpu.vector_store %arg5[%parallel_loop3A_602], %parallel_loop3A_601 {strides = array<i32>} : memref<32768xf32, #tpu.memory_space<vmem>>, vector<16xf32>,
      %parallel_loop3A_604 = arith.constant 224 : i32
      %parallel_loop3A_605 = arith.addi %parallel_loop3A_449, %parallel_loop3A_604 : i32
      %parallel_loop3A_606 = arith.index_cast %parallel_loop3A_605 : i32 to index
      %parallel_loop3A_607 = tpu.vector_load %arg5[%parallel_loop3A_606] {strides = array<i32>} : memref<32768xf32, #tpu.memory_space<vmem>>, vector<16xf32>,
      %parallel_loop3A_608 = vector.broadcast %while3A_266#0 : f32 to vector<16xf32>
      %parallel_loop3A_609 = arith.subf %parallel_loop3A_607, %parallel_loop3A_608 : vector<16xf32>
      %parallel_loop3A_610 = arith.constant 0.000000e+00 : f32
      %parallel_loop3A_611 = vector.broadcast %parallel_loop3A_610 : f32 to vector<16xf32>
      %parallel_loop3A_612 = arith.maximumf %parallel_loop3A_609, %parallel_loop3A_611 : vector<16xf32>
      %parallel_loop3A_613 = arith.index_cast %parallel_loop3A_605 : i32 to index
      %parallel_loop3A_614 = tpu.vector_load %arg5[%parallel_loop3A_613] {strides = array<i32>} : memref<32768xf32, #tpu.memory_space<vmem>>, vector<16xf32>,
      tpu.vector_store %arg5[%parallel_loop3A_613], %parallel_loop3A_612 {strides = array<i32>} : memref<32768xf32, #tpu.memory_space<vmem>>, vector<16xf32>,
      %parallel_loop3A_615 = arith.constant 240 : i32
      %parallel_loop3A_616 = arith.addi %parallel_loop3A_449, %parallel_loop3A_615 : i32
      %parallel_loop3A_617 = arith.index_cast %parallel_loop3A_616 : i32 to index
      %parallel_loop3A_618 = tpu.vector_load %arg5[%parallel_loop3A_617] {strides = array<i32>} : memref<32768xf32, #tpu.memory_space<vmem>>, vector<16xf32>,
      %parallel_loop3A_619 = vector.broadcast %while3A_266#0 : f32 to vector<16xf32>
      %parallel_loop3A_620 = arith.subf %parallel_loop3A_618, %parallel_loop3A_619 : vector<16xf32>
      %parallel_loop3A_621 = arith.constant 0.000000e+00 : f32
      %parallel_loop3A_622 = vector.broadcast %parallel_loop3A_621 : f32 to vector<16xf32>
      %parallel_loop3A_623 = arith.maximumf %parallel_loop3A_620, %parallel_loop3A_622 : vector<16xf32>
      %parallel_loop3A_624 = arith.index_cast %parallel_loop3A_616 : i32 to index
      %parallel_loop3A_625 = tpu.vector_load %arg5[%parallel_loop3A_624] {strides = array<i32>} : memref<32768xf32, #tpu.memory_space<vmem>>, vector<16xf32>,
      tpu.vector_store %arg5[%parallel_loop3A_624], %parallel_loop3A_623 {strides = array<i32>} : memref<32768xf32, #tpu.memory_space<vmem>>, vector<16xf32>,
    } {sc.loop_unroll_factor = 2 : i64, sc.parallel_access}
    %dma_start3A_270 = arith.constant 0 : i32
    %dma_start3A_271 = tpu.memref_slice %arg5[%dma_start3A_270] : memref<32768xf32, #tpu.memory_space<vmem>> -> memref<8192xf32, #tpu.memory_space<vmem>>
    %dma_start3A_272 = arith.constant 0 : i32
    %dma_start3A_273 = tpu.memref_slice %arg3[%add3A_4, %dma_start3A_272] : memref<64x32768xf32, #tpu.memory_space<hbm>> -> memref<1x32768xf32, #tpu.memory_space<hbm>>
    %dma_start3A_274 = tpu.memref_squeeze %dma_start3A_273 : memref<1x32768xf32, #tpu.memory_space<hbm>> -> memref<32768xf32, #tpu.memory_space<hbm>>
    %dma_start3A_275 = arith.constant 0 : i32
    %dma_start3A_276 = tpu.memref_slice %dma_start3A_274[%dma_start3A_275] : memref<32768xf32, #tpu.memory_space<hbm>> -> memref<8192xf32, #tpu.memory_space<hbm>>
    %dma_start3A_277 = arith.constant 0 : i32
    %dma_start3A_278 = tpu.memref_slice %arg3[%add3A_4, %dma_start3A_277] : memref<64x32768xf32, #tpu.memory_space<hbm>> -> memref<1x32768xf32, #tpu.memory_space<hbm>>
    %dma_start3A_279 = tpu.memref_squeeze %dma_start3A_278 : memref<1x32768xf32, #tpu.memory_space<hbm>> -> memref<32768xf32, #tpu.memory_space<hbm>>
    %dma_start3A_280 = arith.constant 0 : i32
    %dma_start3A_281 = tpu.memref_slice %dma_start3A_279[%dma_start3A_280] : memref<32768xf32, #tpu.memory_space<hbm>> -> memref<8192xf32, #tpu.memory_space<hbm>>
    %dma_start3A_282 = arith.constant 0 : i32
    %dma_start3A_283 = tpu.memref_slice %arg5[%dma_start3A_282] : memref<32768xf32, #tpu.memory_space<vmem>> -> memref<8192xf32, #tpu.memory_space<vmem>>
    tpu.enqueue_dma source(%dma_start3A_283 : memref<8192xf32, #tpu.memory_space<vmem>>) target(%dma_start3A_281 : memref<8192xf32, #tpu.memory_space<hbm>>) target_semaphore(%arg14 : memref<!tpu.dma_semaphore, #tpu.memory_space<semaphore_mem>>)
    %parallel_loop3A_284 = arith.constant 32 : i32
    %parallel_loop3A_285 = arith.constant 64 : i32
    %parallel_loop3A_286 = arith.constant 1 : i32
    scf.for %parallel_loop3A_447 = %parallel_loop3A_284 to %parallel_loop3A_285 step %parallel_loop3A_286  : i32 {
      %parallel_loop3A_448 = arith.constant 256 : i32
      %parallel_loop3A_449 = arith.muli %parallel_loop3A_447, %parallel_loop3A_448 : i32
      %parallel_loop3A_450 = arith.constant 0 : i32
      %parallel_loop3A_451 = arith.addi %parallel_loop3A_449, %parallel_loop3A_450 : i32
      %parallel_loop3A_452 = arith.index_cast %parallel_loop3A_451 : i32 to index
      %parallel_loop3A_453 = tpu.vector_load %arg5[%parallel_loop3A_452] {strides = array<i32>} : memref<32768xf32, #tpu.memory_space<vmem>>, vector<16xf32>,
      %parallel_loop3A_454 = vector.broadcast %while3A_266#0 : f32 to vector<16xf32>
      %parallel_loop3A_455 = arith.subf %parallel_loop3A_453, %parallel_loop3A_454 : vector<16xf32>
      %parallel_loop3A_456 = arith.constant 0.000000e+00 : f32
      %parallel_loop3A_457 = vector.broadcast %parallel_loop3A_456 : f32 to vector<16xf32>
      %parallel_loop3A_458 = arith.maximumf %parallel_loop3A_455, %parallel_loop3A_457 : vector<16xf32>
      %parallel_loop3A_459 = arith.index_cast %parallel_loop3A_451 : i32 to index
      %parallel_loop3A_460 = tpu.vector_load %arg5[%parallel_loop3A_459] {strides = array<i32>} : memref<32768xf32, #tpu.memory_space<vmem>>, vector<16xf32>,
      tpu.vector_store %arg5[%parallel_loop3A_459], %parallel_loop3A_458 {strides = array<i32>} : memref<32768xf32, #tpu.memory_space<vmem>>, vector<16xf32>,
      %parallel_loop3A_461 = arith.constant 16 : i32
      %parallel_loop3A_462 = arith.addi %parallel_loop3A_449, %parallel_loop3A_461 : i32
      %parallel_loop3A_463 = arith.index_cast %parallel_loop3A_462 : i32 to index
      %parallel_loop3A_464 = tpu.vector_load %arg5[%parallel_loop3A_463] {strides = array<i32>} : memref<32768xf32, #tpu.memory_space<vmem>>, vector<16xf32>,
      %parallel_loop3A_465 = vector.broadcast %while3A_266#0 : f32 to vector<16xf32>
      %parallel_loop3A_466 = arith.subf %parallel_loop3A_464, %parallel_loop3A_465 : vector<16xf32>
      %parallel_loop3A_467 = arith.constant 0.000000e+00 : f32
      %parallel_loop3A_468 = vector.broadcast %parallel_loop3A_467 : f32 to vector<16xf32>
      %parallel_loop3A_469 = arith.maximumf %parallel_loop3A_466, %parallel_loop3A_468 : vector<16xf32>
      %parallel_loop3A_470 = arith.index_cast %parallel_loop3A_462 : i32 to index
      %parallel_loop3A_471 = tpu.vector_load %arg5[%parallel_loop3A_470] {strides = array<i32>} : memref<32768xf32, #tpu.memory_space<vmem>>, vector<16xf32>,
      tpu.vector_store %arg5[%parallel_loop3A_470], %parallel_loop3A_469 {strides = array<i32>} : memref<32768xf32, #tpu.memory_space<vmem>>, vector<16xf32>,
      %parallel_loop3A_472 = arith.constant 32 : i32
      %parallel_loop3A_473 = arith.addi %parallel_loop3A_449, %parallel_loop3A_472 : i32
      %parallel_loop3A_474 = arith.index_cast %parallel_loop3A_473 : i32 to index
      %parallel_loop3A_475 = tpu.vector_load %arg5[%parallel_loop3A_474] {strides = array<i32>} : memref<32768xf32, #tpu.memory_space<vmem>>, vector<16xf32>,
      %parallel_loop3A_476 = vector.broadcast %while3A_266#0 : f32 to vector<16xf32>
      %parallel_loop3A_477 = arith.subf %parallel_loop3A_475, %parallel_loop3A_476 : vector<16xf32>
      %parallel_loop3A_478 = arith.constant 0.000000e+00 : f32
      %parallel_loop3A_479 = vector.broadcast %parallel_loop3A_478 : f32 to vector<16xf32>
      %parallel_loop3A_480 = arith.maximumf %parallel_loop3A_477, %parallel_loop3A_479 : vector<16xf32>
      %parallel_loop3A_481 = arith.index_cast %parallel_loop3A_473 : i32 to index
      %parallel_loop3A_482 = tpu.vector_load %arg5[%parallel_loop3A_481] {strides = array<i32>} : memref<32768xf32, #tpu.memory_space<vmem>>, vector<16xf32>,
      tpu.vector_store %arg5[%parallel_loop3A_481], %parallel_loop3A_480 {strides = array<i32>} : memref<32768xf32, #tpu.memory_space<vmem>>, vector<16xf32>,
      %parallel_loop3A_483 = arith.constant 48 : i32
      %parallel_loop3A_484 = arith.addi %parallel_loop3A_449, %parallel_loop3A_483 : i32
      %parallel_loop3A_485 = arith.index_cast %parallel_loop3A_484 : i32 to index
      %parallel_loop3A_486 = tpu.vector_load %arg5[%parallel_loop3A_485] {strides = array<i32>} : memref<32768xf32, #tpu.memory_space<vmem>>, vector<16xf32>,
      %parallel_loop3A_487 = vector.broadcast %while3A_266#0 : f32 to vector<16xf32>
      %parallel_loop3A_488 = arith.subf %parallel_loop3A_486, %parallel_loop3A_487 : vector<16xf32>
      %parallel_loop3A_489 = arith.constant 0.000000e+00 : f32
      %parallel_loop3A_490 = vector.broadcast %parallel_loop3A_489 : f32 to vector<16xf32>
      %parallel_loop3A_491 = arith.maximumf %parallel_loop3A_488, %parallel_loop3A_490 : vector<16xf32>
      %parallel_loop3A_492 = arith.index_cast %parallel_loop3A_484 : i32 to index
      %parallel_loop3A_493 = tpu.vector_load %arg5[%parallel_loop3A_492] {strides = array<i32>} : memref<32768xf32, #tpu.memory_space<vmem>>, vector<16xf32>,
      tpu.vector_store %arg5[%parallel_loop3A_492], %parallel_loop3A_491 {strides = array<i32>} : memref<32768xf32, #tpu.memory_space<vmem>>, vector<16xf32>,
      %parallel_loop3A_494 = arith.constant 64 : i32
      %parallel_loop3A_495 = arith.addi %parallel_loop3A_449, %parallel_loop3A_494 : i32
      %parallel_loop3A_496 = arith.index_cast %parallel_loop3A_495 : i32 to index
      %parallel_loop3A_497 = tpu.vector_load %arg5[%parallel_loop3A_496] {strides = array<i32>} : memref<32768xf32, #tpu.memory_space<vmem>>, vector<16xf32>,
      %parallel_loop3A_498 = vector.broadcast %while3A_266#0 : f32 to vector<16xf32>
      %parallel_loop3A_499 = arith.subf %parallel_loop3A_497, %parallel_loop3A_498 : vector<16xf32>
      %parallel_loop3A_500 = arith.constant 0.000000e+00 : f32
      %parallel_loop3A_501 = vector.broadcast %parallel_loop3A_500 : f32 to vector<16xf32>
      %parallel_loop3A_502 = arith.maximumf %parallel_loop3A_499, %parallel_loop3A_501 : vector<16xf32>
      %parallel_loop3A_503 = arith.index_cast %parallel_loop3A_495 : i32 to index
      %parallel_loop3A_504 = tpu.vector_load %arg5[%parallel_loop3A_503] {strides = array<i32>} : memref<32768xf32, #tpu.memory_space<vmem>>, vector<16xf32>,
      tpu.vector_store %arg5[%parallel_loop3A_503], %parallel_loop3A_502 {strides = array<i32>} : memref<32768xf32, #tpu.memory_space<vmem>>, vector<16xf32>,
      %parallel_loop3A_505 = arith.constant 80 : i32
      %parallel_loop3A_506 = arith.addi %parallel_loop3A_449, %parallel_loop3A_505 : i32
      %parallel_loop3A_507 = arith.index_cast %parallel_loop3A_506 : i32 to index
      %parallel_loop3A_508 = tpu.vector_load %arg5[%parallel_loop3A_507] {strides = array<i32>} : memref<32768xf32, #tpu.memory_space<vmem>>, vector<16xf32>,
      %parallel_loop3A_509 = vector.broadcast %while3A_266#0 : f32 to vector<16xf32>
      %parallel_loop3A_510 = arith.subf %parallel_loop3A_508, %parallel_loop3A_509 : vector<16xf32>
      %parallel_loop3A_511 = arith.constant 0.000000e+00 : f32
      %parallel_loop3A_512 = vector.broadcast %parallel_loop3A_511 : f32 to vector<16xf32>
      %parallel_loop3A_513 = arith.maximumf %parallel_loop3A_510, %parallel_loop3A_512 : vector<16xf32>
      %parallel_loop3A_514 = arith.index_cast %parallel_loop3A_506 : i32 to index
      %parallel_loop3A_515 = tpu.vector_load %arg5[%parallel_loop3A_514] {strides = array<i32>} : memref<32768xf32, #tpu.memory_space<vmem>>, vector<16xf32>,
      tpu.vector_store %arg5[%parallel_loop3A_514], %parallel_loop3A_513 {strides = array<i32>} : memref<32768xf32, #tpu.memory_space<vmem>>, vector<16xf32>,
      %parallel_loop3A_516 = arith.constant 96 : i32
      %parallel_loop3A_517 = arith.addi %parallel_loop3A_449, %parallel_loop3A_516 : i32
      %parallel_loop3A_518 = arith.index_cast %parallel_loop3A_517 : i32 to index
      %parallel_loop3A_519 = tpu.vector_load %arg5[%parallel_loop3A_518] {strides = array<i32>} : memref<32768xf32, #tpu.memory_space<vmem>>, vector<16xf32>,
      %parallel_loop3A_520 = vector.broadcast %while3A_266#0 : f32 to vector<16xf32>
      %parallel_loop3A_521 = arith.subf %parallel_loop3A_519, %parallel_loop3A_520 : vector<16xf32>
      %parallel_loop3A_522 = arith.constant 0.000000e+00 : f32
      %parallel_loop3A_523 = vector.broadcast %parallel_loop3A_522 : f32 to vector<16xf32>
      %parallel_loop3A_524 = arith.maximumf %parallel_loop3A_521, %parallel_loop3A_523 : vector<16xf32>
      %parallel_loop3A_525 = arith.index_cast %parallel_loop3A_517 : i32 to index
      %parallel_loop3A_526 = tpu.vector_load %arg5[%parallel_loop3A_525] {strides = array<i32>} : memref<32768xf32, #tpu.memory_space<vmem>>, vector<16xf32>,
      tpu.vector_store %arg5[%parallel_loop3A_525], %parallel_loop3A_524 {strides = array<i32>} : memref<32768xf32, #tpu.memory_space<vmem>>, vector<16xf32>,
      %parallel_loop3A_527 = arith.constant 112 : i32
      %parallel_loop3A_528 = arith.addi %parallel_loop3A_449, %parallel_loop3A_527 : i32
      %parallel_loop3A_529 = arith.index_cast %parallel_loop3A_528 : i32 to index
      %parallel_loop3A_530 = tpu.vector_load %arg5[%parallel_loop3A_529] {strides = array<i32>} : memref<32768xf32, #tpu.memory_space<vmem>>, vector<16xf32>,
      %parallel_loop3A_531 = vector.broadcast %while3A_266#0 : f32 to vector<16xf32>
      %parallel_loop3A_532 = arith.subf %parallel_loop3A_530, %parallel_loop3A_531 : vector<16xf32>
      %parallel_loop3A_533 = arith.constant 0.000000e+00 : f32
      %parallel_loop3A_534 = vector.broadcast %parallel_loop3A_533 : f32 to vector<16xf32>
      %parallel_loop3A_535 = arith.maximumf %parallel_loop3A_532, %parallel_loop3A_534 : vector<16xf32>
      %parallel_loop3A_536 = arith.index_cast %parallel_loop3A_528 : i32 to index
      %parallel_loop3A_537 = tpu.vector_load %arg5[%parallel_loop3A_536] {strides = array<i32>} : memref<32768xf32, #tpu.memory_space<vmem>>, vector<16xf32>,
      tpu.vector_store %arg5[%parallel_loop3A_536], %parallel_loop3A_535 {strides = array<i32>} : memref<32768xf32, #tpu.memory_space<vmem>>, vector<16xf32>,
      %parallel_loop3A_538 = arith.constant 128 : i32
      %parallel_loop3A_539 = arith.addi %parallel_loop3A_449, %parallel_loop3A_538 : i32
      %parallel_loop3A_540 = arith.index_cast %parallel_loop3A_539 : i32 to index
      %parallel_loop3A_541 = tpu.vector_load %arg5[%parallel_loop3A_540] {strides = array<i32>} : memref<32768xf32, #tpu.memory_space<vmem>>, vector<16xf32>,
      %parallel_loop3A_542 = vector.broadcast %while3A_266#0 : f32 to vector<16xf32>
      %parallel_loop3A_543 = arith.subf %parallel_loop3A_541, %parallel_loop3A_542 : vector<16xf32>
      %parallel_loop3A_544 = arith.constant 0.000000e+00 : f32
      %parallel_loop3A_545 = vector.broadcast %parallel_loop3A_544 : f32 to vector<16xf32>
      %parallel_loop3A_546 = arith.maximumf %parallel_loop3A_543, %parallel_loop3A_545 : vector<16xf32>
      %parallel_loop3A_547 = arith.index_cast %parallel_loop3A_539 : i32 to index
      %parallel_loop3A_548 = tpu.vector_load %arg5[%parallel_loop3A_547] {strides = array<i32>} : memref<32768xf32, #tpu.memory_space<vmem>>, vector<16xf32>,
      tpu.vector_store %arg5[%parallel_loop3A_547], %parallel_loop3A_546 {strides = array<i32>} : memref<32768xf32, #tpu.memory_space<vmem>>, vector<16xf32>,
      %parallel_loop3A_549 = arith.constant 144 : i32
      %parallel_loop3A_550 = arith.addi %parallel_loop3A_449, %parallel_loop3A_549 : i32
      %parallel_loop3A_551 = arith.index_cast %parallel_loop3A_550 : i32 to index
      %parallel_loop3A_552 = tpu.vector_load %arg5[%parallel_loop3A_551] {strides = array<i32>} : memref<32768xf32, #tpu.memory_space<vmem>>, vector<16xf32>,
      %parallel_loop3A_553 = vector.broadcast %while3A_266#0 : f32 to vector<16xf32>
      %parallel_loop3A_554 = arith.subf %parallel_loop3A_552, %parallel_loop3A_553 : vector<16xf32>
      %parallel_loop3A_555 = arith.constant 0.000000e+00 : f32
      %parallel_loop3A_556 = vector.broadcast %parallel_loop3A_555 : f32 to vector<16xf32>
      %parallel_loop3A_557 = arith.maximumf %parallel_loop3A_554, %parallel_loop3A_556 : vector<16xf32>
      %parallel_loop3A_558 = arith.index_cast %parallel_loop3A_550 : i32 to index
      %parallel_loop3A_559 = tpu.vector_load %arg5[%parallel_loop3A_558] {strides = array<i32>} : memref<32768xf32, #tpu.memory_space<vmem>>, vector<16xf32>,
      tpu.vector_store %arg5[%parallel_loop3A_558], %parallel_loop3A_557 {strides = array<i32>} : memref<32768xf32, #tpu.memory_space<vmem>>, vector<16xf32>,
      %parallel_loop3A_560 = arith.constant 160 : i32
      %parallel_loop3A_561 = arith.addi %parallel_loop3A_449, %parallel_loop3A_560 : i32
      %parallel_loop3A_562 = arith.index_cast %parallel_loop3A_561 : i32 to index
      %parallel_loop3A_563 = tpu.vector_load %arg5[%parallel_loop3A_562] {strides = array<i32>} : memref<32768xf32, #tpu.memory_space<vmem>>, vector<16xf32>,
      %parallel_loop3A_564 = vector.broadcast %while3A_266#0 : f32 to vector<16xf32>
      %parallel_loop3A_565 = arith.subf %parallel_loop3A_563, %parallel_loop3A_564 : vector<16xf32>
      %parallel_loop3A_566 = arith.constant 0.000000e+00 : f32
      %parallel_loop3A_567 = vector.broadcast %parallel_loop3A_566 : f32 to vector<16xf32>
      %parallel_loop3A_568 = arith.maximumf %parallel_loop3A_565, %parallel_loop3A_567 : vector<16xf32>
      %parallel_loop3A_569 = arith.index_cast %parallel_loop3A_561 : i32 to index
      %parallel_loop3A_570 = tpu.vector_load %arg5[%parallel_loop3A_569] {strides = array<i32>} : memref<32768xf32, #tpu.memory_space<vmem>>, vector<16xf32>,
      tpu.vector_store %arg5[%parallel_loop3A_569], %parallel_loop3A_568 {strides = array<i32>} : memref<32768xf32, #tpu.memory_space<vmem>>, vector<16xf32>,
      %parallel_loop3A_571 = arith.constant 176 : i32
      %parallel_loop3A_572 = arith.addi %parallel_loop3A_449, %parallel_loop3A_571 : i32
      %parallel_loop3A_573 = arith.index_cast %parallel_loop3A_572 : i32 to index
      %parallel_loop3A_574 = tpu.vector_load %arg5[%parallel_loop3A_573] {strides = array<i32>} : memref<32768xf32, #tpu.memory_space<vmem>>, vector<16xf32>,
      %parallel_loop3A_575 = vector.broadcast %while3A_266#0 : f32 to vector<16xf32>
      %parallel_loop3A_576 = arith.subf %parallel_loop3A_574, %parallel_loop3A_575 : vector<16xf32>
      %parallel_loop3A_577 = arith.constant 0.000000e+00 : f32
      %parallel_loop3A_578 = vector.broadcast %parallel_loop3A_577 : f32 to vector<16xf32>
      %parallel_loop3A_579 = arith.maximumf %parallel_loop3A_576, %parallel_loop3A_578 : vector<16xf32>
      %parallel_loop3A_580 = arith.index_cast %parallel_loop3A_572 : i32 to index
      %parallel_loop3A_581 = tpu.vector_load %arg5[%parallel_loop3A_580] {strides = array<i32>} : memref<32768xf32, #tpu.memory_space<vmem>>, vector<16xf32>,
      tpu.vector_store %arg5[%parallel_loop3A_580], %parallel_loop3A_579 {strides = array<i32>} : memref<32768xf32, #tpu.memory_space<vmem>>, vector<16xf32>,
      %parallel_loop3A_582 = arith.constant 192 : i32
      %parallel_loop3A_583 = arith.addi %parallel_loop3A_449, %parallel_loop3A_582 : i32
      %parallel_loop3A_584 = arith.index_cast %parallel_loop3A_583 : i32 to index
      %parallel_loop3A_585 = tpu.vector_load %arg5[%parallel_loop3A_584] {strides = array<i32>} : memref<32768xf32, #tpu.memory_space<vmem>>, vector<16xf32>,
      %parallel_loop3A_586 = vector.broadcast %while3A_266#0 : f32 to vector<16xf32>
      %parallel_loop3A_587 = arith.subf %parallel_loop3A_585, %parallel_loop3A_586 : vector<16xf32>
      %parallel_loop3A_588 = arith.constant 0.000000e+00 : f32
      %parallel_loop3A_589 = vector.broadcast %parallel_loop3A_588 : f32 to vector<16xf32>
      %parallel_loop3A_590 = arith.maximumf %parallel_loop3A_587, %parallel_loop3A_589 : vector<16xf32>
      %parallel_loop3A_591 = arith.index_cast %parallel_loop3A_583 : i32 to index
      %parallel_loop3A_592 = tpu.vector_load %arg5[%parallel_loop3A_591] {strides = array<i32>} : memref<32768xf32, #tpu.memory_space<vmem>>, vector<16xf32>,
      tpu.vector_store %arg5[%parallel_loop3A_591], %parallel_loop3A_590 {strides = array<i32>} : memref<32768xf32, #tpu.memory_space<vmem>>, vector<16xf32>,
      %parallel_loop3A_593 = arith.constant 208 : i32
      %parallel_loop3A_594 = arith.addi %parallel_loop3A_449, %parallel_loop3A_593 : i32
      %parallel_loop3A_595 = arith.index_cast %parallel_loop3A_594 : i32 to index
      %parallel_loop3A_596 = tpu.vector_load %arg5[%parallel_loop3A_595] {strides = array<i32>} : memref<32768xf32, #tpu.memory_space<vmem>>, vector<16xf32>,
      %parallel_loop3A_597 = vector.broadcast %while3A_266#0 : f32 to vector<16xf32>
      %parallel_loop3A_598 = arith.subf %parallel_loop3A_596, %parallel_loop3A_597 : vector<16xf32>
      %parallel_loop3A_599 = arith.constant 0.000000e+00 : f32
      %parallel_loop3A_600 = vector.broadcast %parallel_loop3A_599 : f32 to vector<16xf32>
      %parallel_loop3A_601 = arith.maximumf %parallel_loop3A_598, %parallel_loop3A_600 : vector<16xf32>
      %parallel_loop3A_602 = arith.index_cast %parallel_loop3A_594 : i32 to index
      %parallel_loop3A_603 = tpu.vector_load %arg5[%parallel_loop3A_602] {strides = array<i32>} : memref<32768xf32, #tpu.memory_space<vmem>>, vector<16xf32>,
      tpu.vector_store %arg5[%parallel_loop3A_602], %parallel_loop3A_601 {strides = array<i32>} : memref<32768xf32, #tpu.memory_space<vmem>>, vector<16xf32>,
      %parallel_loop3A_604 = arith.constant 224 : i32
      %parallel_loop3A_605 = arith.addi %parallel_loop3A_449, %parallel_loop3A_604 : i32
      %parallel_loop3A_606 = arith.index_cast %parallel_loop3A_605 : i32 to index
      %parallel_loop3A_607 = tpu.vector_load %arg5[%parallel_loop3A_606] {strides = array<i32>} : memref<32768xf32, #tpu.memory_space<vmem>>, vector<16xf32>,
      %parallel_loop3A_608 = vector.broadcast %while3A_266#0 : f32 to vector<16xf32>
      %parallel_loop3A_609 = arith.subf %parallel_loop3A_607, %parallel_loop3A_608 : vector<16xf32>
      %parallel_loop3A_610 = arith.constant 0.000000e+00 : f32
      %parallel_loop3A_611 = vector.broadcast %parallel_loop3A_610 : f32 to vector<16xf32>
      %parallel_loop3A_612 = arith.maximumf %parallel_loop3A_609, %parallel_loop3A_611 : vector<16xf32>
      %parallel_loop3A_613 = arith.index_cast %parallel_loop3A_605 : i32 to index
      %parallel_loop3A_614 = tpu.vector_load %arg5[%parallel_loop3A_613] {strides = array<i32>} : memref<32768xf32, #tpu.memory_space<vmem>>, vector<16xf32>,
      tpu.vector_store %arg5[%parallel_loop3A_613], %parallel_loop3A_612 {strides = array<i32>} : memref<32768xf32, #tpu.memory_space<vmem>>, vector<16xf32>,
      %parallel_loop3A_615 = arith.constant 240 : i32
      %parallel_loop3A_616 = arith.addi %parallel_loop3A_449, %parallel_loop3A_615 : i32
      %parallel_loop3A_617 = arith.index_cast %parallel_loop3A_616 : i32 to index
      %parallel_loop3A_618 = tpu.vector_load %arg5[%parallel_loop3A_617] {strides = array<i32>} : memref<32768xf32, #tpu.memory_space<vmem>>, vector<16xf32>,
      %parallel_loop3A_619 = vector.broadcast %while3A_266#0 : f32 to vector<16xf32>
      %parallel_loop3A_620 = arith.subf %parallel_loop3A_618, %parallel_loop3A_619 : vector<16xf32>
      %parallel_loop3A_621 = arith.constant 0.000000e+00 : f32
      %parallel_loop3A_622 = vector.broadcast %parallel_loop3A_621 : f32 to vector<16xf32>
      %parallel_loop3A_623 = arith.maximumf %parallel_loop3A_620, %parallel_loop3A_622 : vector<16xf32>
      %parallel_loop3A_624 = arith.index_cast %parallel_loop3A_616 : i32 to index
      %parallel_loop3A_625 = tpu.vector_load %arg5[%parallel_loop3A_624] {strides = array<i32>} : memref<32768xf32, #tpu.memory_space<vmem>>, vector<16xf32>,
      tpu.vector_store %arg5[%parallel_loop3A_624], %parallel_loop3A_623 {strides = array<i32>} : memref<32768xf32, #tpu.memory_space<vmem>>, vector<16xf32>,
    } {sc.loop_unroll_factor = 2 : i64, sc.parallel_access}
    %dma_start3A_287 = arith.constant 8192 : i32
    %dma_start3A_288 = tpu.memref_slice %arg5[%dma_start3A_287] : memref<32768xf32, #tpu.memory_space<vmem>> -> memref<8192xf32, #tpu.memory_space<vmem>>
    %dma_start3A_289 = arith.constant 0 : i32
    %dma_start3A_290 = tpu.memref_slice %arg3[%add3A_4, %dma_start3A_289] : memref<64x32768xf32, #tpu.memory_space<hbm>> -> memref<1x32768xf32, #tpu.memory_space<hbm>>
    %dma_start3A_291 = tpu.memref_squeeze %dma_start3A_290 : memref<1x32768xf32, #tpu.memory_space<hbm>> -> memref<32768xf32, #tpu.memory_space<hbm>>
    %dma_start3A_292 = arith.constant 8192 : i32
    %dma_start3A_293 = tpu.memref_slice %dma_start3A_291[%dma_start3A_292] : memref<32768xf32, #tpu.memory_space<hbm>> -> memref<8192xf32, #tpu.memory_space<hbm>>
    %dma_start3A_294 = arith.constant 0 : i32
    %dma_start3A_295 = tpu.memref_slice %arg3[%add3A_4, %dma_start3A_294] : memref<64x32768xf32, #tpu.memory_space<hbm>> -> memref<1x32768xf32, #tpu.memory_space<hbm>>
    %dma_start3A_296 = tpu.memref_squeeze %dma_start3A_295 : memref<1x32768xf32, #tpu.memory_space<hbm>> -> memref<32768xf32, #tpu.memory_space<hbm>>
    %dma_start3A_297 = arith.constant 8192 : i32
    %dma_start3A_298 = tpu.memref_slice %dma_start3A_296[%dma_start3A_297] : memref<32768xf32, #tpu.memory_space<hbm>> -> memref<8192xf32, #tpu.memory_space<hbm>>
    %dma_start3A_299 = arith.constant 8192 : i32
    %dma_start3A_300 = tpu.memref_slice %arg5[%dma_start3A_299] : memref<32768xf32, #tpu.memory_space<vmem>> -> memref<8192xf32, #tpu.memory_space<vmem>>
    tpu.enqueue_dma source(%dma_start3A_300 : memref<8192xf32, #tpu.memory_space<vmem>>) target(%dma_start3A_298 : memref<8192xf32, #tpu.memory_space<hbm>>) target_semaphore(%arg14 : memref<!tpu.dma_semaphore, #tpu.memory_space<semaphore_mem>>)
    %parallel_loop3A_301 = arith.constant 64 : i32
    %parallel_loop3A_302 = arith.constant 96 : i32
    %parallel_loop3A_303 = arith.constant 1 : i32
    scf.for %parallel_loop3A_447 = %parallel_loop3A_301 to %parallel_loop3A_302 step %parallel_loop3A_303  : i32 {
      %parallel_loop3A_448 = arith.constant 256 : i32
      %parallel_loop3A_449 = arith.muli %parallel_loop3A_447, %parallel_loop3A_448 : i32
      %parallel_loop3A_450 = arith.constant 0 : i32
      %parallel_loop3A_451 = arith.addi %parallel_loop3A_449, %parallel_loop3A_450 : i32
      %parallel_loop3A_452 = arith.index_cast %parallel_loop3A_451 : i32 to index
      %parallel_loop3A_453 = tpu.vector_load %arg5[%parallel_loop3A_452] {strides = array<i32>} : memref<32768xf32, #tpu.memory_space<vmem>>, vector<16xf32>,
      %parallel_loop3A_454 = vector.broadcast %while3A_266#0 : f32 to vector<16xf32>
      %parallel_loop3A_455 = arith.subf %parallel_loop3A_453, %parallel_loop3A_454 : vector<16xf32>
      %parallel_loop3A_456 = arith.constant 0.000000e+00 : f32
      %parallel_loop3A_457 = vector.broadcast %parallel_loop3A_456 : f32 to vector<16xf32>
      %parallel_loop3A_458 = arith.maximumf %parallel_loop3A_455, %parallel_loop3A_457 : vector<16xf32>
      %parallel_loop3A_459 = arith.index_cast %parallel_loop3A_451 : i32 to index
      %parallel_loop3A_460 = tpu.vector_load %arg5[%parallel_loop3A_459] {strides = array<i32>} : memref<32768xf32, #tpu.memory_space<vmem>>, vector<16xf32>,
      tpu.vector_store %arg5[%parallel_loop3A_459], %parallel_loop3A_458 {strides = array<i32>} : memref<32768xf32, #tpu.memory_space<vmem>>, vector<16xf32>,
      %parallel_loop3A_461 = arith.constant 16 : i32
      %parallel_loop3A_462 = arith.addi %parallel_loop3A_449, %parallel_loop3A_461 : i32
      %parallel_loop3A_463 = arith.index_cast %parallel_loop3A_462 : i32 to index
      %parallel_loop3A_464 = tpu.vector_load %arg5[%parallel_loop3A_463] {strides = array<i32>} : memref<32768xf32, #tpu.memory_space<vmem>>, vector<16xf32>,
      %parallel_loop3A_465 = vector.broadcast %while3A_266#0 : f32 to vector<16xf32>
      %parallel_loop3A_466 = arith.subf %parallel_loop3A_464, %parallel_loop3A_465 : vector<16xf32>
      %parallel_loop3A_467 = arith.constant 0.000000e+00 : f32
      %parallel_loop3A_468 = vector.broadcast %parallel_loop3A_467 : f32 to vector<16xf32>
      %parallel_loop3A_469 = arith.maximumf %parallel_loop3A_466, %parallel_loop3A_468 : vector<16xf32>
      %parallel_loop3A_470 = arith.index_cast %parallel_loop3A_462 : i32 to index
      %parallel_loop3A_471 = tpu.vector_load %arg5[%parallel_loop3A_470] {strides = array<i32>} : memref<32768xf32, #tpu.memory_space<vmem>>, vector<16xf32>,
      tpu.vector_store %arg5[%parallel_loop3A_470], %parallel_loop3A_469 {strides = array<i32>} : memref<32768xf32, #tpu.memory_space<vmem>>, vector<16xf32>,
      %parallel_loop3A_472 = arith.constant 32 : i32
      %parallel_loop3A_473 = arith.addi %parallel_loop3A_449, %parallel_loop3A_472 : i32
      %parallel_loop3A_474 = arith.index_cast %parallel_loop3A_473 : i32 to index
      %parallel_loop3A_475 = tpu.vector_load %arg5[%parallel_loop3A_474] {strides = array<i32>} : memref<32768xf32, #tpu.memory_space<vmem>>, vector<16xf32>,
      %parallel_loop3A_476 = vector.broadcast %while3A_266#0 : f32 to vector<16xf32>
      %parallel_loop3A_477 = arith.subf %parallel_loop3A_475, %parallel_loop3A_476 : vector<16xf32>
      %parallel_loop3A_478 = arith.constant 0.000000e+00 : f32
      %parallel_loop3A_479 = vector.broadcast %parallel_loop3A_478 : f32 to vector<16xf32>
      %parallel_loop3A_480 = arith.maximumf %parallel_loop3A_477, %parallel_loop3A_479 : vector<16xf32>
      %parallel_loop3A_481 = arith.index_cast %parallel_loop3A_473 : i32 to index
      %parallel_loop3A_482 = tpu.vector_load %arg5[%parallel_loop3A_481] {strides = array<i32>} : memref<32768xf32, #tpu.memory_space<vmem>>, vector<16xf32>,
      tpu.vector_store %arg5[%parallel_loop3A_481], %parallel_loop3A_480 {strides = array<i32>} : memref<32768xf32, #tpu.memory_space<vmem>>, vector<16xf32>,
      %parallel_loop3A_483 = arith.constant 48 : i32
      %parallel_loop3A_484 = arith.addi %parallel_loop3A_449, %parallel_loop3A_483 : i32
      %parallel_loop3A_485 = arith.index_cast %parallel_loop3A_484 : i32 to index
      %parallel_loop3A_486 = tpu.vector_load %arg5[%parallel_loop3A_485] {strides = array<i32>} : memref<32768xf32, #tpu.memory_space<vmem>>, vector<16xf32>,
      %parallel_loop3A_487 = vector.broadcast %while3A_266#0 : f32 to vector<16xf32>
      %parallel_loop3A_488 = arith.subf %parallel_loop3A_486, %parallel_loop3A_487 : vector<16xf32>
      %parallel_loop3A_489 = arith.constant 0.000000e+00 : f32
      %parallel_loop3A_490 = vector.broadcast %parallel_loop3A_489 : f32 to vector<16xf32>
      %parallel_loop3A_491 = arith.maximumf %parallel_loop3A_488, %parallel_loop3A_490 : vector<16xf32>
      %parallel_loop3A_492 = arith.index_cast %parallel_loop3A_484 : i32 to index
      %parallel_loop3A_493 = tpu.vector_load %arg5[%parallel_loop3A_492] {strides = array<i32>} : memref<32768xf32, #tpu.memory_space<vmem>>, vector<16xf32>,
      tpu.vector_store %arg5[%parallel_loop3A_492], %parallel_loop3A_491 {strides = array<i32>} : memref<32768xf32, #tpu.memory_space<vmem>>, vector<16xf32>,
      %parallel_loop3A_494 = arith.constant 64 : i32
      %parallel_loop3A_495 = arith.addi %parallel_loop3A_449, %parallel_loop3A_494 : i32
      %parallel_loop3A_496 = arith.index_cast %parallel_loop3A_495 : i32 to index
      %parallel_loop3A_497 = tpu.vector_load %arg5[%parallel_loop3A_496] {strides = array<i32>} : memref<32768xf32, #tpu.memory_space<vmem>>, vector<16xf32>,
      %parallel_loop3A_498 = vector.broadcast %while3A_266#0 : f32 to vector<16xf32>
      %parallel_loop3A_499 = arith.subf %parallel_loop3A_497, %parallel_loop3A_498 : vector<16xf32>
      %parallel_loop3A_500 = arith.constant 0.000000e+00 : f32
      %parallel_loop3A_501 = vector.broadcast %parallel_loop3A_500 : f32 to vector<16xf32>
      %parallel_loop3A_502 = arith.maximumf %parallel_loop3A_499, %parallel_loop3A_501 : vector<16xf32>
      %parallel_loop3A_503 = arith.index_cast %parallel_loop3A_495 : i32 to index
      %parallel_loop3A_504 = tpu.vector_load %arg5[%parallel_loop3A_503] {strides = array<i32>} : memref<32768xf32, #tpu.memory_space<vmem>>, vector<16xf32>,
      tpu.vector_store %arg5[%parallel_loop3A_503], %parallel_loop3A_502 {strides = array<i32>} : memref<32768xf32, #tpu.memory_space<vmem>>, vector<16xf32>,
      %parallel_loop3A_505 = arith.constant 80 : i32
      %parallel_loop3A_506 = arith.addi %parallel_loop3A_449, %parallel_loop3A_505 : i32
      %parallel_loop3A_507 = arith.index_cast %parallel_loop3A_506 : i32 to index
      %parallel_loop3A_508 = tpu.vector_load %arg5[%parallel_loop3A_507] {strides = array<i32>} : memref<32768xf32, #tpu.memory_space<vmem>>, vector<16xf32>,
      %parallel_loop3A_509 = vector.broadcast %while3A_266#0 : f32 to vector<16xf32>
      %parallel_loop3A_510 = arith.subf %parallel_loop3A_508, %parallel_loop3A_509 : vector<16xf32>
      %parallel_loop3A_511 = arith.constant 0.000000e+00 : f32
      %parallel_loop3A_512 = vector.broadcast %parallel_loop3A_511 : f32 to vector<16xf32>
      %parallel_loop3A_513 = arith.maximumf %parallel_loop3A_510, %parallel_loop3A_512 : vector<16xf32>
      %parallel_loop3A_514 = arith.index_cast %parallel_loop3A_506 : i32 to index
      %parallel_loop3A_515 = tpu.vector_load %arg5[%parallel_loop3A_514] {strides = array<i32>} : memref<32768xf32, #tpu.memory_space<vmem>>, vector<16xf32>,
      tpu.vector_store %arg5[%parallel_loop3A_514], %parallel_loop3A_513 {strides = array<i32>} : memref<32768xf32, #tpu.memory_space<vmem>>, vector<16xf32>,
      %parallel_loop3A_516 = arith.constant 96 : i32
      %parallel_loop3A_517 = arith.addi %parallel_loop3A_449, %parallel_loop3A_516 : i32
      %parallel_loop3A_518 = arith.index_cast %parallel_loop3A_517 : i32 to index
      %parallel_loop3A_519 = tpu.vector_load %arg5[%parallel_loop3A_518] {strides = array<i32>} : memref<32768xf32, #tpu.memory_space<vmem>>, vector<16xf32>,
      %parallel_loop3A_520 = vector.broadcast %while3A_266#0 : f32 to vector<16xf32>
      %parallel_loop3A_521 = arith.subf %parallel_loop3A_519, %parallel_loop3A_520 : vector<16xf32>
      %parallel_loop3A_522 = arith.constant 0.000000e+00 : f32
      %parallel_loop3A_523 = vector.broadcast %parallel_loop3A_522 : f32 to vector<16xf32>
      %parallel_loop3A_524 = arith.maximumf %parallel_loop3A_521, %parallel_loop3A_523 : vector<16xf32>
      %parallel_loop3A_525 = arith.index_cast %parallel_loop3A_517 : i32 to index
      %parallel_loop3A_526 = tpu.vector_load %arg5[%parallel_loop3A_525] {strides = array<i32>} : memref<32768xf32, #tpu.memory_space<vmem>>, vector<16xf32>,
      tpu.vector_store %arg5[%parallel_loop3A_525], %parallel_loop3A_524 {strides = array<i32>} : memref<32768xf32, #tpu.memory_space<vmem>>, vector<16xf32>,
      %parallel_loop3A_527 = arith.constant 112 : i32
      %parallel_loop3A_528 = arith.addi %parallel_loop3A_449, %parallel_loop3A_527 : i32
      %parallel_loop3A_529 = arith.index_cast %parallel_loop3A_528 : i32 to index
      %parallel_loop3A_530 = tpu.vector_load %arg5[%parallel_loop3A_529] {strides = array<i32>} : memref<32768xf32, #tpu.memory_space<vmem>>, vector<16xf32>,
      %parallel_loop3A_531 = vector.broadcast %while3A_266#0 : f32 to vector<16xf32>
      %parallel_loop3A_532 = arith.subf %parallel_loop3A_530, %parallel_loop3A_531 : vector<16xf32>
      %parallel_loop3A_533 = arith.constant 0.000000e+00 : f32
      %parallel_loop3A_534 = vector.broadcast %parallel_loop3A_533 : f32 to vector<16xf32>
      %parallel_loop3A_535 = arith.maximumf %parallel_loop3A_532, %parallel_loop3A_534 : vector<16xf32>
      %parallel_loop3A_536 = arith.index_cast %parallel_loop3A_528 : i32 to index
      %parallel_loop3A_537 = tpu.vector_load %arg5[%parallel_loop3A_536] {strides = array<i32>} : memref<32768xf32, #tpu.memory_space<vmem>>, vector<16xf32>,
      tpu.vector_store %arg5[%parallel_loop3A_536], %parallel_loop3A_535 {strides = array<i32>} : memref<32768xf32, #tpu.memory_space<vmem>>, vector<16xf32>,
      %parallel_loop3A_538 = arith.constant 128 : i32
      %parallel_loop3A_539 = arith.addi %parallel_loop3A_449, %parallel_loop3A_538 : i32
      %parallel_loop3A_540 = arith.index_cast %parallel_loop3A_539 : i32 to index
      %parallel_loop3A_541 = tpu.vector_load %arg5[%parallel_loop3A_540] {strides = array<i32>} : memref<32768xf32, #tpu.memory_space<vmem>>, vector<16xf32>,
      %parallel_loop3A_542 = vector.broadcast %while3A_266#0 : f32 to vector<16xf32>
      %parallel_loop3A_543 = arith.subf %parallel_loop3A_541, %parallel_loop3A_542 : vector<16xf32>
      %parallel_loop3A_544 = arith.constant 0.000000e+00 : f32
      %parallel_loop3A_545 = vector.broadcast %parallel_loop3A_544 : f32 to vector<16xf32>
      %parallel_loop3A_546 = arith.maximumf %parallel_loop3A_543, %parallel_loop3A_545 : vector<16xf32>
      %parallel_loop3A_547 = arith.index_cast %parallel_loop3A_539 : i32 to index
      %parallel_loop3A_548 = tpu.vector_load %arg5[%parallel_loop3A_547] {strides = array<i32>} : memref<32768xf32, #tpu.memory_space<vmem>>, vector<16xf32>,
      tpu.vector_store %arg5[%parallel_loop3A_547], %parallel_loop3A_546 {strides = array<i32>} : memref<32768xf32, #tpu.memory_space<vmem>>, vector<16xf32>,
      %parallel_loop3A_549 = arith.constant 144 : i32
      %parallel_loop3A_550 = arith.addi %parallel_loop3A_449, %parallel_loop3A_549 : i32
      %parallel_loop3A_551 = arith.index_cast %parallel_loop3A_550 : i32 to index
      %parallel_loop3A_552 = tpu.vector_load %arg5[%parallel_loop3A_551] {strides = array<i32>} : memref<32768xf32, #tpu.memory_space<vmem>>, vector<16xf32>,
      %parallel_loop3A_553 = vector.broadcast %while3A_266#0 : f32 to vector<16xf32>
      %parallel_loop3A_554 = arith.subf %parallel_loop3A_552, %parallel_loop3A_553 : vector<16xf32>
      %parallel_loop3A_555 = arith.constant 0.000000e+00 : f32
      %parallel_loop3A_556 = vector.broadcast %parallel_loop3A_555 : f32 to vector<16xf32>
      %parallel_loop3A_557 = arith.maximumf %parallel_loop3A_554, %parallel_loop3A_556 : vector<16xf32>
      %parallel_loop3A_558 = arith.index_cast %parallel_loop3A_550 : i32 to index
      %parallel_loop3A_559 = tpu.vector_load %arg5[%parallel_loop3A_558] {strides = array<i32>} : memref<32768xf32, #tpu.memory_space<vmem>>, vector<16xf32>,
      tpu.vector_store %arg5[%parallel_loop3A_558], %parallel_loop3A_557 {strides = array<i32>} : memref<32768xf32, #tpu.memory_space<vmem>>, vector<16xf32>,
      %parallel_loop3A_560 = arith.constant 160 : i32
      %parallel_loop3A_561 = arith.addi %parallel_loop3A_449, %parallel_loop3A_560 : i32
      %parallel_loop3A_562 = arith.index_cast %parallel_loop3A_561 : i32 to index
      %parallel_loop3A_563 = tpu.vector_load %arg5[%parallel_loop3A_562] {strides = array<i32>} : memref<32768xf32, #tpu.memory_space<vmem>>, vector<16xf32>,
      %parallel_loop3A_564 = vector.broadcast %while3A_266#0 : f32 to vector<16xf32>
      %parallel_loop3A_565 = arith.subf %parallel_loop3A_563, %parallel_loop3A_564 : vector<16xf32>
      %parallel_loop3A_566 = arith.constant 0.000000e+00 : f32
      %parallel_loop3A_567 = vector.broadcast %parallel_loop3A_566 : f32 to vector<16xf32>
      %parallel_loop3A_568 = arith.maximumf %parallel_loop3A_565, %parallel_loop3A_567 : vector<16xf32>
      %parallel_loop3A_569 = arith.index_cast %parallel_loop3A_561 : i32 to index
      %parallel_loop3A_570 = tpu.vector_load %arg5[%parallel_loop3A_569] {strides = array<i32>} : memref<32768xf32, #tpu.memory_space<vmem>>, vector<16xf32>,
      tpu.vector_store %arg5[%parallel_loop3A_569], %parallel_loop3A_568 {strides = array<i32>} : memref<32768xf32, #tpu.memory_space<vmem>>, vector<16xf32>,
      %parallel_loop3A_571 = arith.constant 176 : i32
      %parallel_loop3A_572 = arith.addi %parallel_loop3A_449, %parallel_loop3A_571 : i32
      %parallel_loop3A_573 = arith.index_cast %parallel_loop3A_572 : i32 to index
      %parallel_loop3A_574 = tpu.vector_load %arg5[%parallel_loop3A_573] {strides = array<i32>} : memref<32768xf32, #tpu.memory_space<vmem>>, vector<16xf32>,
      %parallel_loop3A_575 = vector.broadcast %while3A_266#0 : f32 to vector<16xf32>
      %parallel_loop3A_576 = arith.subf %parallel_loop3A_574, %parallel_loop3A_575 : vector<16xf32>
      %parallel_loop3A_577 = arith.constant 0.000000e+00 : f32
      %parallel_loop3A_578 = vector.broadcast %parallel_loop3A_577 : f32 to vector<16xf32>
      %parallel_loop3A_579 = arith.maximumf %parallel_loop3A_576, %parallel_loop3A_578 : vector<16xf32>
      %parallel_loop3A_580 = arith.index_cast %parallel_loop3A_572 : i32 to index
      %parallel_loop3A_581 = tpu.vector_load %arg5[%parallel_loop3A_580] {strides = array<i32>} : memref<32768xf32, #tpu.memory_space<vmem>>, vector<16xf32>,
      tpu.vector_store %arg5[%parallel_loop3A_580], %parallel_loop3A_579 {strides = array<i32>} : memref<32768xf32, #tpu.memory_space<vmem>>, vector<16xf32>,
      %parallel_loop3A_582 = arith.constant 192 : i32
      %parallel_loop3A_583 = arith.addi %parallel_loop3A_449, %parallel_loop3A_582 : i32
      %parallel_loop3A_584 = arith.index_cast %parallel_loop3A_583 : i32 to index
      %parallel_loop3A_585 = tpu.vector_load %arg5[%parallel_loop3A_584] {strides = array<i32>} : memref<32768xf32, #tpu.memory_space<vmem>>, vector<16xf32>,
      %parallel_loop3A_586 = vector.broadcast %while3A_266#0 : f32 to vector<16xf32>
      %parallel_loop3A_587 = arith.subf %parallel_loop3A_585, %parallel_loop3A_586 : vector<16xf32>
      %parallel_loop3A_588 = arith.constant 0.000000e+00 : f32
      %parallel_loop3A_589 = vector.broadcast %parallel_loop3A_588 : f32 to vector<16xf32>
      %parallel_loop3A_590 = arith.maximumf %parallel_loop3A_587, %parallel_loop3A_589 : vector<16xf32>
      %parallel_loop3A_591 = arith.index_cast %parallel_loop3A_583 : i32 to index
      %parallel_loop3A_592 = tpu.vector_load %arg5[%parallel_loop3A_591] {strides = array<i32>} : memref<32768xf32, #tpu.memory_space<vmem>>, vector<16xf32>,
      tpu.vector_store %arg5[%parallel_loop3A_591], %parallel_loop3A_590 {strides = array<i32>} : memref<32768xf32, #tpu.memory_space<vmem>>, vector<16xf32>,
      %parallel_loop3A_593 = arith.constant 208 : i32
      %parallel_loop3A_594 = arith.addi %parallel_loop3A_449, %parallel_loop3A_593 : i32
      %parallel_loop3A_595 = arith.index_cast %parallel_loop3A_594 : i32 to index
      %parallel_loop3A_596 = tpu.vector_load %arg5[%parallel_loop3A_595] {strides = array<i32>} : memref<32768xf32, #tpu.memory_space<vmem>>, vector<16xf32>,
      %parallel_loop3A_597 = vector.broadcast %while3A_266#0 : f32 to vector<16xf32>
      %parallel_loop3A_598 = arith.subf %parallel_loop3A_596, %parallel_loop3A_597 : vector<16xf32>
      %parallel_loop3A_599 = arith.constant 0.000000e+00 : f32
      %parallel_loop3A_600 = vector.broadcast %parallel_loop3A_599 : f32 to vector<16xf32>
      %parallel_loop3A_601 = arith.maximumf %parallel_loop3A_598, %parallel_loop3A_600 : vector<16xf32>
      %parallel_loop3A_602 = arith.index_cast %parallel_loop3A_594 : i32 to index
      %parallel_loop3A_603 = tpu.vector_load %arg5[%parallel_loop3A_602] {strides = array<i32>} : memref<32768xf32, #tpu.memory_space<vmem>>, vector<16xf32>,
      tpu.vector_store %arg5[%parallel_loop3A_602], %parallel_loop3A_601 {strides = array<i32>} : memref<32768xf32, #tpu.memory_space<vmem>>, vector<16xf32>,
      %parallel_loop3A_604 = arith.constant 224 : i32
      %parallel_loop3A_605 = arith.addi %parallel_loop3A_449, %parallel_loop3A_604 : i32
      %parallel_loop3A_606 = arith.index_cast %parallel_loop3A_605 : i32 to index
      %parallel_loop3A_607 = tpu.vector_load %arg5[%parallel_loop3A_606] {strides = array<i32>} : memref<32768xf32, #tpu.memory_space<vmem>>, vector<16xf32>,
      %parallel_loop3A_608 = vector.broadcast %while3A_266#0 : f32 to vector<16xf32>
      %parallel_loop3A_609 = arith.subf %parallel_loop3A_607, %parallel_loop3A_608 : vector<16xf32>
      %parallel_loop3A_610 = arith.constant 0.000000e+00 : f32
      %parallel_loop3A_611 = vector.broadcast %parallel_loop3A_610 : f32 to vector<16xf32>
      %parallel_loop3A_612 = arith.maximumf %parallel_loop3A_609, %parallel_loop3A_611 : vector<16xf32>
      %parallel_loop3A_613 = arith.index_cast %parallel_loop3A_605 : i32 to index
      %parallel_loop3A_614 = tpu.vector_load %arg5[%parallel_loop3A_613] {strides = array<i32>} : memref<32768xf32, #tpu.memory_space<vmem>>, vector<16xf32>,
      tpu.vector_store %arg5[%parallel_loop3A_613], %parallel_loop3A_612 {strides = array<i32>} : memref<32768xf32, #tpu.memory_space<vmem>>, vector<16xf32>,
      %parallel_loop3A_615 = arith.constant 240 : i32
      %parallel_loop3A_616 = arith.addi %parallel_loop3A_449, %parallel_loop3A_615 : i32
      %parallel_loop3A_617 = arith.index_cast %parallel_loop3A_616 : i32 to index
      %parallel_loop3A_618 = tpu.vector_load %arg5[%parallel_loop3A_617] {strides = array<i32>} : memref<32768xf32, #tpu.memory_space<vmem>>, vector<16xf32>,
      %parallel_loop3A_619 = vector.broadcast %while3A_266#0 : f32 to vector<16xf32>
      %parallel_loop3A_620 = arith.subf %parallel_loop3A_618, %parallel_loop3A_619 : vector<16xf32>
      %parallel_loop3A_621 = arith.constant 0.000000e+00 : f32
      %parallel_loop3A_622 = vector.broadcast %parallel_loop3A_621 : f32 to vector<16xf32>
      %parallel_loop3A_623 = arith.maximumf %parallel_loop3A_620, %parallel_loop3A_622 : vector<16xf32>
      %parallel_loop3A_624 = arith.index_cast %parallel_loop3A_616 : i32 to index
      %parallel_loop3A_625 = tpu.vector_load %arg5[%parallel_loop3A_624] {strides = array<i32>} : memref<32768xf32, #tpu.memory_space<vmem>>, vector<16xf32>,
      tpu.vector_store %arg5[%parallel_loop3A_624], %parallel_loop3A_623 {strides = array<i32>} : memref<32768xf32, #tpu.memory_space<vmem>>, vector<16xf32>,
    } {sc.loop_unroll_factor = 2 : i64, sc.parallel_access}
    %dma_start3A_304 = arith.constant 16384 : i32
    %dma_start3A_305 = tpu.memref_slice %arg5[%dma_start3A_304] : memref<32768xf32, #tpu.memory_space<vmem>> -> memref<8192xf32, #tpu.memory_space<vmem>>
    %dma_start3A_306 = arith.constant 0 : i32
    %dma_start3A_307 = tpu.memref_slice %arg3[%add3A_4, %dma_start3A_306] : memref<64x32768xf32, #tpu.memory_space<hbm>> -> memref<1x32768xf32, #tpu.memory_space<hbm>>
    %dma_start3A_308 = tpu.memref_squeeze %dma_start3A_307 : memref<1x32768xf32, #tpu.memory_space<hbm>> -> memref<32768xf32, #tpu.memory_space<hbm>>
    %dma_start3A_309 = arith.constant 16384 : i32
    %dma_start3A_310 = tpu.memref_slice %dma_start3A_308[%dma_start3A_309] : memref<32768xf32, #tpu.memory_space<hbm>> -> memref<8192xf32, #tpu.memory_space<hbm>>
    %dma_start3A_311 = arith.constant 0 : i32
    %dma_start3A_312 = tpu.memref_slice %arg3[%add3A_4, %dma_start3A_311] : memref<64x32768xf32, #tpu.memory_space<hbm>> -> memref<1x32768xf32, #tpu.memory_space<hbm>>
    %dma_start3A_313 = tpu.memref_squeeze %dma_start3A_312 : memref<1x32768xf32, #tpu.memory_space<hbm>> -> memref<32768xf32, #tpu.memory_space<hbm>>
    %dma_start3A_314 = arith.constant 16384 : i32
    %dma_start3A_315 = tpu.memref_slice %dma_start3A_313[%dma_start3A_314] : memref<32768xf32, #tpu.memory_space<hbm>> -> memref<8192xf32, #tpu.memory_space<hbm>>
    %dma_start3A_316 = arith.constant 16384 : i32
    %dma_start3A_317 = tpu.memref_slice %arg5[%dma_start3A_316] : memref<32768xf32, #tpu.memory_space<vmem>> -> memref<8192xf32, #tpu.memory_space<vmem>>
    tpu.enqueue_dma source(%dma_start3A_317 : memref<8192xf32, #tpu.memory_space<vmem>>) target(%dma_start3A_315 : memref<8192xf32, #tpu.memory_space<hbm>>) target_semaphore(%arg14 : memref<!tpu.dma_semaphore, #tpu.memory_space<semaphore_mem>>)
    %parallel_loop3A_318 = arith.constant 96 : i32
    %parallel_loop3A_319 = arith.constant 128 : i32
    %parallel_loop3A_320 = arith.constant 1 : i32
    scf.for %parallel_loop3A_447 = %parallel_loop3A_318 to %parallel_loop3A_319 step %parallel_loop3A_320  : i32 {
      %parallel_loop3A_448 = arith.constant 256 : i32
      %parallel_loop3A_449 = arith.muli %parallel_loop3A_447, %parallel_loop3A_448 : i32
      %parallel_loop3A_450 = arith.constant 0 : i32
      %parallel_loop3A_451 = arith.addi %parallel_loop3A_449, %parallel_loop3A_450 : i32
      %parallel_loop3A_452 = arith.index_cast %parallel_loop3A_451 : i32 to index
      %parallel_loop3A_453 = tpu.vector_load %arg5[%parallel_loop3A_452] {strides = array<i32>} : memref<32768xf32, #tpu.memory_space<vmem>>, vector<16xf32>,
      %parallel_loop3A_454 = vector.broadcast %while3A_266#0 : f32 to vector<16xf32>
      %parallel_loop3A_455 = arith.subf %parallel_loop3A_453, %parallel_loop3A_454 : vector<16xf32>
      %parallel_loop3A_456 = arith.constant 0.000000e+00 : f32
      %parallel_loop3A_457 = vector.broadcast %parallel_loop3A_456 : f32 to vector<16xf32>
      %parallel_loop3A_458 = arith.maximumf %parallel_loop3A_455, %parallel_loop3A_457 : vector<16xf32>
      %parallel_loop3A_459 = arith.index_cast %parallel_loop3A_451 : i32 to index
      %parallel_loop3A_460 = tpu.vector_load %arg5[%parallel_loop3A_459] {strides = array<i32>} : memref<32768xf32, #tpu.memory_space<vmem>>, vector<16xf32>,
      tpu.vector_store %arg5[%parallel_loop3A_459], %parallel_loop3A_458 {strides = array<i32>} : memref<32768xf32, #tpu.memory_space<vmem>>, vector<16xf32>,
      %parallel_loop3A_461 = arith.constant 16 : i32
      %parallel_loop3A_462 = arith.addi %parallel_loop3A_449, %parallel_loop3A_461 : i32
      %parallel_loop3A_463 = arith.index_cast %parallel_loop3A_462 : i32 to index
      %parallel_loop3A_464 = tpu.vector_load %arg5[%parallel_loop3A_463] {strides = array<i32>} : memref<32768xf32, #tpu.memory_space<vmem>>, vector<16xf32>,
      %parallel_loop3A_465 = vector.broadcast %while3A_266#0 : f32 to vector<16xf32>
      %parallel_loop3A_466 = arith.subf %parallel_loop3A_464, %parallel_loop3A_465 : vector<16xf32>
      %parallel_loop3A_467 = arith.constant 0.000000e+00 : f32
      %parallel_loop3A_468 = vector.broadcast %parallel_loop3A_467 : f32 to vector<16xf32>
      %parallel_loop3A_469 = arith.maximumf %parallel_loop3A_466, %parallel_loop3A_468 : vector<16xf32>
      %parallel_loop3A_470 = arith.index_cast %parallel_loop3A_462 : i32 to index
      %parallel_loop3A_471 = tpu.vector_load %arg5[%parallel_loop3A_470] {strides = array<i32>} : memref<32768xf32, #tpu.memory_space<vmem>>, vector<16xf32>,
      tpu.vector_store %arg5[%parallel_loop3A_470], %parallel_loop3A_469 {strides = array<i32>} : memref<32768xf32, #tpu.memory_space<vmem>>, vector<16xf32>,
      %parallel_loop3A_472 = arith.constant 32 : i32
      %parallel_loop3A_473 = arith.addi %parallel_loop3A_449, %parallel_loop3A_472 : i32
      %parallel_loop3A_474 = arith.index_cast %parallel_loop3A_473 : i32 to index
      %parallel_loop3A_475 = tpu.vector_load %arg5[%parallel_loop3A_474] {strides = array<i32>} : memref<32768xf32, #tpu.memory_space<vmem>>, vector<16xf32>,
      %parallel_loop3A_476 = vector.broadcast %while3A_266#0 : f32 to vector<16xf32>
      %parallel_loop3A_477 = arith.subf %parallel_loop3A_475, %parallel_loop3A_476 : vector<16xf32>
      %parallel_loop3A_478 = arith.constant 0.000000e+00 : f32
      %parallel_loop3A_479 = vector.broadcast %parallel_loop3A_478 : f32 to vector<16xf32>
      %parallel_loop3A_480 = arith.maximumf %parallel_loop3A_477, %parallel_loop3A_479 : vector<16xf32>
      %parallel_loop3A_481 = arith.index_cast %parallel_loop3A_473 : i32 to index
      %parallel_loop3A_482 = tpu.vector_load %arg5[%parallel_loop3A_481] {strides = array<i32>} : memref<32768xf32, #tpu.memory_space<vmem>>, vector<16xf32>,
      tpu.vector_store %arg5[%parallel_loop3A_481], %parallel_loop3A_480 {strides = array<i32>} : memref<32768xf32, #tpu.memory_space<vmem>>, vector<16xf32>,
      %parallel_loop3A_483 = arith.constant 48 : i32
      %parallel_loop3A_484 = arith.addi %parallel_loop3A_449, %parallel_loop3A_483 : i32
      %parallel_loop3A_485 = arith.index_cast %parallel_loop3A_484 : i32 to index
      %parallel_loop3A_486 = tpu.vector_load %arg5[%parallel_loop3A_485] {strides = array<i32>} : memref<32768xf32, #tpu.memory_space<vmem>>, vector<16xf32>,
      %parallel_loop3A_487 = vector.broadcast %while3A_266#0 : f32 to vector<16xf32>
      %parallel_loop3A_488 = arith.subf %parallel_loop3A_486, %parallel_loop3A_487 : vector<16xf32>
      %parallel_loop3A_489 = arith.constant 0.000000e+00 : f32
      %parallel_loop3A_490 = vector.broadcast %parallel_loop3A_489 : f32 to vector<16xf32>
      %parallel_loop3A_491 = arith.maximumf %parallel_loop3A_488, %parallel_loop3A_490 : vector<16xf32>
      %parallel_loop3A_492 = arith.index_cast %parallel_loop3A_484 : i32 to index
      %parallel_loop3A_493 = tpu.vector_load %arg5[%parallel_loop3A_492] {strides = array<i32>} : memref<32768xf32, #tpu.memory_space<vmem>>, vector<16xf32>,
      tpu.vector_store %arg5[%parallel_loop3A_492], %parallel_loop3A_491 {strides = array<i32>} : memref<32768xf32, #tpu.memory_space<vmem>>, vector<16xf32>,
      %parallel_loop3A_494 = arith.constant 64 : i32
      %parallel_loop3A_495 = arith.addi %parallel_loop3A_449, %parallel_loop3A_494 : i32
      %parallel_loop3A_496 = arith.index_cast %parallel_loop3A_495 : i32 to index
      %parallel_loop3A_497 = tpu.vector_load %arg5[%parallel_loop3A_496] {strides = array<i32>} : memref<32768xf32, #tpu.memory_space<vmem>>, vector<16xf32>,
      %parallel_loop3A_498 = vector.broadcast %while3A_266#0 : f32 to vector<16xf32>
      %parallel_loop3A_499 = arith.subf %parallel_loop3A_497, %parallel_loop3A_498 : vector<16xf32>
      %parallel_loop3A_500 = arith.constant 0.000000e+00 : f32
      %parallel_loop3A_501 = vector.broadcast %parallel_loop3A_500 : f32 to vector<16xf32>
      %parallel_loop3A_502 = arith.maximumf %parallel_loop3A_499, %parallel_loop3A_501 : vector<16xf32>
      %parallel_loop3A_503 = arith.index_cast %parallel_loop3A_495 : i32 to index
      %parallel_loop3A_504 = tpu.vector_load %arg5[%parallel_loop3A_503] {strides = array<i32>} : memref<32768xf32, #tpu.memory_space<vmem>>, vector<16xf32>,
      tpu.vector_store %arg5[%parallel_loop3A_503], %parallel_loop3A_502 {strides = array<i32>} : memref<32768xf32, #tpu.memory_space<vmem>>, vector<16xf32>,
      %parallel_loop3A_505 = arith.constant 80 : i32
      %parallel_loop3A_506 = arith.addi %parallel_loop3A_449, %parallel_loop3A_505 : i32
      %parallel_loop3A_507 = arith.index_cast %parallel_loop3A_506 : i32 to index
      %parallel_loop3A_508 = tpu.vector_load %arg5[%parallel_loop3A_507] {strides = array<i32>} : memref<32768xf32, #tpu.memory_space<vmem>>, vector<16xf32>,
      %parallel_loop3A_509 = vector.broadcast %while3A_266#0 : f32 to vector<16xf32>
      %parallel_loop3A_510 = arith.subf %parallel_loop3A_508, %parallel_loop3A_509 : vector<16xf32>
      %parallel_loop3A_511 = arith.constant 0.000000e+00 : f32
      %parallel_loop3A_512 = vector.broadcast %parallel_loop3A_511 : f32 to vector<16xf32>
      %parallel_loop3A_513 = arith.maximumf %parallel_loop3A_510, %parallel_loop3A_512 : vector<16xf32>
      %parallel_loop3A_514 = arith.index_cast %parallel_loop3A_506 : i32 to index
      %parallel_loop3A_515 = tpu.vector_load %arg5[%parallel_loop3A_514] {strides = array<i32>} : memref<32768xf32, #tpu.memory_space<vmem>>, vector<16xf32>,
      tpu.vector_store %arg5[%parallel_loop3A_514], %parallel_loop3A_513 {strides = array<i32>} : memref<32768xf32, #tpu.memory_space<vmem>>, vector<16xf32>,
      %parallel_loop3A_516 = arith.constant 96 : i32
      %parallel_loop3A_517 = arith.addi %parallel_loop3A_449, %parallel_loop3A_516 : i32
      %parallel_loop3A_518 = arith.index_cast %parallel_loop3A_517 : i32 to index
      %parallel_loop3A_519 = tpu.vector_load %arg5[%parallel_loop3A_518] {strides = array<i32>} : memref<32768xf32, #tpu.memory_space<vmem>>, vector<16xf32>,
      %parallel_loop3A_520 = vector.broadcast %while3A_266#0 : f32 to vector<16xf32>
      %parallel_loop3A_521 = arith.subf %parallel_loop3A_519, %parallel_loop3A_520 : vector<16xf32>
      %parallel_loop3A_522 = arith.constant 0.000000e+00 : f32
      %parallel_loop3A_523 = vector.broadcast %parallel_loop3A_522 : f32 to vector<16xf32>
      %parallel_loop3A_524 = arith.maximumf %parallel_loop3A_521, %parallel_loop3A_523 : vector<16xf32>
      %parallel_loop3A_525 = arith.index_cast %parallel_loop3A_517 : i32 to index
      %parallel_loop3A_526 = tpu.vector_load %arg5[%parallel_loop3A_525] {strides = array<i32>} : memref<32768xf32, #tpu.memory_space<vmem>>, vector<16xf32>,
      tpu.vector_store %arg5[%parallel_loop3A_525], %parallel_loop3A_524 {strides = array<i32>} : memref<32768xf32, #tpu.memory_space<vmem>>, vector<16xf32>,
      %parallel_loop3A_527 = arith.constant 112 : i32
      %parallel_loop3A_528 = arith.addi %parallel_loop3A_449, %parallel_loop3A_527 : i32
      %parallel_loop3A_529 = arith.index_cast %parallel_loop3A_528 : i32 to index
      %parallel_loop3A_530 = tpu.vector_load %arg5[%parallel_loop3A_529] {strides = array<i32>} : memref<32768xf32, #tpu.memory_space<vmem>>, vector<16xf32>,
      %parallel_loop3A_531 = vector.broadcast %while3A_266#0 : f32 to vector<16xf32>
      %parallel_loop3A_532 = arith.subf %parallel_loop3A_530, %parallel_loop3A_531 : vector<16xf32>
      %parallel_loop3A_533 = arith.constant 0.000000e+00 : f32
      %parallel_loop3A_534 = vector.broadcast %parallel_loop3A_533 : f32 to vector<16xf32>
      %parallel_loop3A_535 = arith.maximumf %parallel_loop3A_532, %parallel_loop3A_534 : vector<16xf32>
      %parallel_loop3A_536 = arith.index_cast %parallel_loop3A_528 : i32 to index
      %parallel_loop3A_537 = tpu.vector_load %arg5[%parallel_loop3A_536] {strides = array<i32>} : memref<32768xf32, #tpu.memory_space<vmem>>, vector<16xf32>,
      tpu.vector_store %arg5[%parallel_loop3A_536], %parallel_loop3A_535 {strides = array<i32>} : memref<32768xf32, #tpu.memory_space<vmem>>, vector<16xf32>,
      %parallel_loop3A_538 = arith.constant 128 : i32
      %parallel_loop3A_539 = arith.addi %parallel_loop3A_449, %parallel_loop3A_538 : i32
      %parallel_loop3A_540 = arith.index_cast %parallel_loop3A_539 : i32 to index
      %parallel_loop3A_541 = tpu.vector_load %arg5[%parallel_loop3A_540] {strides = array<i32>} : memref<32768xf32, #tpu.memory_space<vmem>>, vector<16xf32>,
      %parallel_loop3A_542 = vector.broadcast %while3A_266#0 : f32 to vector<16xf32>
      %parallel_loop3A_543 = arith.subf %parallel_loop3A_541, %parallel_loop3A_542 : vector<16xf32>
      %parallel_loop3A_544 = arith.constant 0.000000e+00 : f32
      %parallel_loop3A_545 = vector.broadcast %parallel_loop3A_544 : f32 to vector<16xf32>
      %parallel_loop3A_546 = arith.maximumf %parallel_loop3A_543, %parallel_loop3A_545 : vector<16xf32>
      %parallel_loop3A_547 = arith.index_cast %parallel_loop3A_539 : i32 to index
      %parallel_loop3A_548 = tpu.vector_load %arg5[%parallel_loop3A_547] {strides = array<i32>} : memref<32768xf32, #tpu.memory_space<vmem>>, vector<16xf32>,
      tpu.vector_store %arg5[%parallel_loop3A_547], %parallel_loop3A_546 {strides = array<i32>} : memref<32768xf32, #tpu.memory_space<vmem>>, vector<16xf32>,
      %parallel_loop3A_549 = arith.constant 144 : i32
      %parallel_loop3A_550 = arith.addi %parallel_loop3A_449, %parallel_loop3A_549 : i32
      %parallel_loop3A_551 = arith.index_cast %parallel_loop3A_550 : i32 to index
      %parallel_loop3A_552 = tpu.vector_load %arg5[%parallel_loop3A_551] {strides = array<i32>} : memref<32768xf32, #tpu.memory_space<vmem>>, vector<16xf32>,
      %parallel_loop3A_553 = vector.broadcast %while3A_266#0 : f32 to vector<16xf32>
      %parallel_loop3A_554 = arith.subf %parallel_loop3A_552, %parallel_loop3A_553 : vector<16xf32>
      %parallel_loop3A_555 = arith.constant 0.000000e+00 : f32
      %parallel_loop3A_556 = vector.broadcast %parallel_loop3A_555 : f32 to vector<16xf32>
      %parallel_loop3A_557 = arith.maximumf %parallel_loop3A_554, %parallel_loop3A_556 : vector<16xf32>
      %parallel_loop3A_558 = arith.index_cast %parallel_loop3A_550 : i32 to index
      %parallel_loop3A_559 = tpu.vector_load %arg5[%parallel_loop3A_558] {strides = array<i32>} : memref<32768xf32, #tpu.memory_space<vmem>>, vector<16xf32>,
      tpu.vector_store %arg5[%parallel_loop3A_558], %parallel_loop3A_557 {strides = array<i32>} : memref<32768xf32, #tpu.memory_space<vmem>>, vector<16xf32>,
      %parallel_loop3A_560 = arith.constant 160 : i32
      %parallel_loop3A_561 = arith.addi %parallel_loop3A_449, %parallel_loop3A_560 : i32
      %parallel_loop3A_562 = arith.index_cast %parallel_loop3A_561 : i32 to index
      %parallel_loop3A_563 = tpu.vector_load %arg5[%parallel_loop3A_562] {strides = array<i32>} : memref<32768xf32, #tpu.memory_space<vmem>>, vector<16xf32>,
      %parallel_loop3A_564 = vector.broadcast %while3A_266#0 : f32 to vector<16xf32>
      %parallel_loop3A_565 = arith.subf %parallel_loop3A_563, %parallel_loop3A_564 : vector<16xf32>
      %parallel_loop3A_566 = arith.constant 0.000000e+00 : f32
      %parallel_loop3A_567 = vector.broadcast %parallel_loop3A_566 : f32 to vector<16xf32>
      %parallel_loop3A_568 = arith.maximumf %parallel_loop3A_565, %parallel_loop3A_567 : vector<16xf32>
      %parallel_loop3A_569 = arith.index_cast %parallel_loop3A_561 : i32 to index
      %parallel_loop3A_570 = tpu.vector_load %arg5[%parallel_loop3A_569] {strides = array<i32>} : memref<32768xf32, #tpu.memory_space<vmem>>, vector<16xf32>,
      tpu.vector_store %arg5[%parallel_loop3A_569], %parallel_loop3A_568 {strides = array<i32>} : memref<32768xf32, #tpu.memory_space<vmem>>, vector<16xf32>,
      %parallel_loop3A_571 = arith.constant 176 : i32
      %parallel_loop3A_572 = arith.addi %parallel_loop3A_449, %parallel_loop3A_571 : i32
      %parallel_loop3A_573 = arith.index_cast %parallel_loop3A_572 : i32 to index
      %parallel_loop3A_574 = tpu.vector_load %arg5[%parallel_loop3A_573] {strides = array<i32>} : memref<32768xf32, #tpu.memory_space<vmem>>, vector<16xf32>,
      %parallel_loop3A_575 = vector.broadcast %while3A_266#0 : f32 to vector<16xf32>
      %parallel_loop3A_576 = arith.subf %parallel_loop3A_574, %parallel_loop3A_575 : vector<16xf32>
      %parallel_loop3A_577 = arith.constant 0.000000e+00 : f32
      %parallel_loop3A_578 = vector.broadcast %parallel_loop3A_577 : f32 to vector<16xf32>
      %parallel_loop3A_579 = arith.maximumf %parallel_loop3A_576, %parallel_loop3A_578 : vector<16xf32>
      %parallel_loop3A_580 = arith.index_cast %parallel_loop3A_572 : i32 to index
      %parallel_loop3A_581 = tpu.vector_load %arg5[%parallel_loop3A_580] {strides = array<i32>} : memref<32768xf32, #tpu.memory_space<vmem>>, vector<16xf32>,
      tpu.vector_store %arg5[%parallel_loop3A_580], %parallel_loop3A_579 {strides = array<i32>} : memref<32768xf32, #tpu.memory_space<vmem>>, vector<16xf32>,
      %parallel_loop3A_582 = arith.constant 192 : i32
      %parallel_loop3A_583 = arith.addi %parallel_loop3A_449, %parallel_loop3A_582 : i32
      %parallel_loop3A_584 = arith.index_cast %parallel_loop3A_583 : i32 to index
      %parallel_loop3A_585 = tpu.vector_load %arg5[%parallel_loop3A_584] {strides = array<i32>} : memref<32768xf32, #tpu.memory_space<vmem>>, vector<16xf32>,
      %parallel_loop3A_586 = vector.broadcast %while3A_266#0 : f32 to vector<16xf32>
      %parallel_loop3A_587 = arith.subf %parallel_loop3A_585, %parallel_loop3A_586 : vector<16xf32>
      %parallel_loop3A_588 = arith.constant 0.000000e+00 : f32
      %parallel_loop3A_589 = vector.broadcast %parallel_loop3A_588 : f32 to vector<16xf32>
      %parallel_loop3A_590 = arith.maximumf %parallel_loop3A_587, %parallel_loop3A_589 : vector<16xf32>
      %parallel_loop3A_591 = arith.index_cast %parallel_loop3A_583 : i32 to index
      %parallel_loop3A_592 = tpu.vector_load %arg5[%parallel_loop3A_591] {strides = array<i32>} : memref<32768xf32, #tpu.memory_space<vmem>>, vector<16xf32>,
      tpu.vector_store %arg5[%parallel_loop3A_591], %parallel_loop3A_590 {strides = array<i32>} : memref<32768xf32, #tpu.memory_space<vmem>>, vector<16xf32>,
      %parallel_loop3A_593 = arith.constant 208 : i32
      %parallel_loop3A_594 = arith.addi %parallel_loop3A_449, %parallel_loop3A_593 : i32
      %parallel_loop3A_595 = arith.index_cast %parallel_loop3A_594 : i32 to index
      %parallel_loop3A_596 = tpu.vector_load %arg5[%parallel_loop3A_595] {strides = array<i32>} : memref<32768xf32, #tpu.memory_space<vmem>>, vector<16xf32>,
      %parallel_loop3A_597 = vector.broadcast %while3A_266#0 : f32 to vector<16xf32>
      %parallel_loop3A_598 = arith.subf %parallel_loop3A_596, %parallel_loop3A_597 : vector<16xf32>
      %parallel_loop3A_599 = arith.constant 0.000000e+00 : f32
      %parallel_loop3A_600 = vector.broadcast %parallel_loop3A_599 : f32 to vector<16xf32>
      %parallel_loop3A_601 = arith.maximumf %parallel_loop3A_598, %parallel_loop3A_600 : vector<16xf32>
      %parallel_loop3A_602 = arith.index_cast %parallel_loop3A_594 : i32 to index
      %parallel_loop3A_603 = tpu.vector_load %arg5[%parallel_loop3A_602] {strides = array<i32>} : memref<32768xf32, #tpu.memory_space<vmem>>, vector<16xf32>,
      tpu.vector_store %arg5[%parallel_loop3A_602], %parallel_loop3A_601 {strides = array<i32>} : memref<32768xf32, #tpu.memory_space<vmem>>, vector<16xf32>,
      %parallel_loop3A_604 = arith.constant 224 : i32
      %parallel_loop3A_605 = arith.addi %parallel_loop3A_449, %parallel_loop3A_604 : i32
      %parallel_loop3A_606 = arith.index_cast %parallel_loop3A_605 : i32 to index
      %parallel_loop3A_607 = tpu.vector_load %arg5[%parallel_loop3A_606] {strides = array<i32>} : memref<32768xf32, #tpu.memory_space<vmem>>, vector<16xf32>,
      %parallel_loop3A_608 = vector.broadcast %while3A_266#0 : f32 to vector<16xf32>
      %parallel_loop3A_609 = arith.subf %parallel_loop3A_607, %parallel_loop3A_608 : vector<16xf32>
      %parallel_loop3A_610 = arith.constant 0.000000e+00 : f32
      %parallel_loop3A_611 = vector.broadcast %parallel_loop3A_610 : f32 to vector<16xf32>
      %parallel_loop3A_612 = arith.maximumf %parallel_loop3A_609, %parallel_loop3A_611 : vector<16xf32>
      %parallel_loop3A_613 = arith.index_cast %parallel_loop3A_605 : i32 to index
      %parallel_loop3A_614 = tpu.vector_load %arg5[%parallel_loop3A_613] {strides = array<i32>} : memref<32768xf32, #tpu.memory_space<vmem>>, vector<16xf32>,
      tpu.vector_store %arg5[%parallel_loop3A_613], %parallel_loop3A_612 {strides = array<i32>} : memref<32768xf32, #tpu.memory_space<vmem>>, vector<16xf32>,
      %parallel_loop3A_615 = arith.constant 240 : i32
      %parallel_loop3A_616 = arith.addi %parallel_loop3A_449, %parallel_loop3A_615 : i32
      %parallel_loop3A_617 = arith.index_cast %parallel_loop3A_616 : i32 to index
      %parallel_loop3A_618 = tpu.vector_load %arg5[%parallel_loop3A_617] {strides = array<i32>} : memref<32768xf32, #tpu.memory_space<vmem>>, vector<16xf32>,
      %parallel_loop3A_619 = vector.broadcast %while3A_266#0 : f32 to vector<16xf32>
      %parallel_loop3A_620 = arith.subf %parallel_loop3A_618, %parallel_loop3A_619 : vector<16xf32>
      %parallel_loop3A_621 = arith.constant 0.000000e+00 : f32
      %parallel_loop3A_622 = vector.broadcast %parallel_loop3A_621 : f32 to vector<16xf32>
      %parallel_loop3A_623 = arith.maximumf %parallel_loop3A_620, %parallel_loop3A_622 : vector<16xf32>
      %parallel_loop3A_624 = arith.index_cast %parallel_loop3A_616 : i32 to index
      %parallel_loop3A_625 = tpu.vector_load %arg5[%parallel_loop3A_624] {strides = array<i32>} : memref<32768xf32, #tpu.memory_space<vmem>>, vector<16xf32>,
      tpu.vector_store %arg5[%parallel_loop3A_624], %parallel_loop3A_623 {strides = array<i32>} : memref<32768xf32, #tpu.memory_space<vmem>>, vector<16xf32>,
    } {sc.loop_unroll_factor = 2 : i64, sc.parallel_access}
    %dma_start3A_321 = arith.constant 24576 : i32
    %dma_start3A_322 = tpu.memref_slice %arg5[%dma_start3A_321] : memref<32768xf32, #tpu.memory_space<vmem>> -> memref<8192xf32, #tpu.memory_space<vmem>>
    %dma_start3A_323 = arith.constant 0 : i32
    %dma_start3A_324 = tpu.memref_slice %arg3[%add3A_4, %dma_start3A_323] : memref<64x32768xf32, #tpu.memory_space<hbm>> -> memref<1x32768xf32, #tpu.memory_space<hbm>>
    %dma_start3A_325 = tpu.memref_squeeze %dma_start3A_324 : memref<1x32768xf32, #tpu.memory_space<hbm>> -> memref<32768xf32, #tpu.memory_space<hbm>>
    %dma_start3A_326 = arith.constant 24576 : i32
    %dma_start3A_327 = tpu.memref_slice %dma_start3A_325[%dma_start3A_326] : memref<32768xf32, #tpu.memory_space<hbm>> -> memref<8192xf32, #tpu.memory_space<hbm>>
    %dma_start3A_328 = arith.constant 0 : i32
    %dma_start3A_329 = tpu.memref_slice %arg3[%add3A_4, %dma_start3A_328] : memref<64x32768xf32, #tpu.memory_space<hbm>> -> memref<1x32768xf32, #tpu.memory_space<hbm>>
    %dma_start3A_330 = tpu.memref_squeeze %dma_start3A_329 : memref<1x32768xf32, #tpu.memory_space<hbm>> -> memref<32768xf32, #tpu.memory_space<hbm>>
    %dma_start3A_331 = arith.constant 24576 : i32
    %dma_start3A_332 = tpu.memref_slice %dma_start3A_330[%dma_start3A_331] : memref<32768xf32, #tpu.memory_space<hbm>> -> memref<8192xf32, #tpu.memory_space<hbm>>
    %dma_start3A_333 = arith.constant 24576 : i32
    %dma_start3A_334 = tpu.memref_slice %arg5[%dma_start3A_333] : memref<32768xf32, #tpu.memory_space<vmem>> -> memref<8192xf32, #tpu.memory_space<vmem>>
    tpu.enqueue_dma source(%dma_start3A_334 : memref<8192xf32, #tpu.memory_space<vmem>>) target(%dma_start3A_332 : memref<8192xf32, #tpu.memory_space<hbm>>) target_semaphore(%arg14 : memref<!tpu.dma_semaphore, #tpu.memory_space<semaphore_mem>>)
    %dma_wait3A_335 = arith.constant 0 : i32
    %dma_wait3A_336 = tpu.memref_slice %arg4[%dma_wait3A_335] : memref<32768xf32, #tpu.memory_space<vmem>> -> memref<8192xf32, #tpu.memory_space<vmem>>
    %dma_wait3A_337 = arith.constant 0 : i32
    %dma_wait3A_338 = tpu.memref_slice %arg3[%mul3A_2, %dma_wait3A_337] : memref<64x32768xf32, #tpu.memory_space<hbm>> -> memref<1x32768xf32, #tpu.memory_space<hbm>>
    %dma_wait3A_339 = tpu.memref_squeeze %dma_wait3A_338 : memref<1x32768xf32, #tpu.memory_space<hbm>> -> memref<32768xf32, #tpu.memory_space<hbm>>
    %dma_wait3A_340 = arith.constant 0 : i32
    %dma_wait3A_341 = tpu.memref_slice %dma_wait3A_339[%dma_wait3A_340] : memref<32768xf32, #tpu.memory_space<hbm>> -> memref<8192xf32, #tpu.memory_space<hbm>>
    %dma_wait3A_342 = arith.constant 0 : i32
    %dma_wait3A_343 = tpu.memref_slice %arg3[%mul3A_2, %dma_wait3A_342] : memref<64x32768xf32, #tpu.memory_space<hbm>> -> memref<1x32768xf32, #tpu.memory_space<hbm>>
    %dma_wait3A_344 = tpu.memref_squeeze %dma_wait3A_343 : memref<1x32768xf32, #tpu.memory_space<hbm>> -> memref<32768xf32, #tpu.memory_space<hbm>>
    %dma_wait3A_345 = arith.constant 0 : i32
    %dma_wait3A_346 = tpu.memref_slice %dma_wait3A_344[%dma_wait3A_345] : memref<32768xf32, #tpu.memory_space<hbm>> -> memref<8192xf32, #tpu.memory_space<hbm>>
    %dma_wait3A_347 = arith.constant 0 : i32
    %dma_wait3A_348 = tpu.memref_slice %arg4[%dma_wait3A_347] : memref<32768xf32, #tpu.memory_space<vmem>> -> memref<8192xf32, #tpu.memory_space<vmem>>
    tpu.wait_dma2 semaphore(%arg13 : memref<!tpu.dma_semaphore, #tpu.memory_space<semaphore_mem>>) src(%dma_wait3A_348 : memref<8192xf32, #tpu.memory_space<vmem>>) dst(%dma_wait3A_346 : memref<8192xf32, #tpu.memory_space<hbm>>)
    %dma_wait3A_349 = arith.constant 8192 : i32
    %dma_wait3A_350 = tpu.memref_slice %arg4[%dma_wait3A_349] : memref<32768xf32, #tpu.memory_space<vmem>> -> memref<8192xf32, #tpu.memory_space<vmem>>
    %dma_wait3A_351 = arith.constant 0 : i32
    %dma_wait3A_352 = tpu.memref_slice %arg3[%mul3A_2, %dma_wait3A_351] : memref<64x32768xf32, #tpu.memory_space<hbm>> -> memref<1x32768xf32, #tpu.memory_space<hbm>>
    %dma_wait3A_353 = tpu.memref_squeeze %dma_wait3A_352 : memref<1x32768xf32, #tpu.memory_space<hbm>> -> memref<32768xf32, #tpu.memory_space<hbm>>
    %dma_wait3A_354 = arith.constant 8192 : i32
    %dma_wait3A_355 = tpu.memref_slice %dma_wait3A_353[%dma_wait3A_354] : memref<32768xf32, #tpu.memory_space<hbm>> -> memref<8192xf32, #tpu.memory_space<hbm>>
    %dma_wait3A_356 = arith.constant 0 : i32
    %dma_wait3A_357 = tpu.memref_slice %arg3[%mul3A_2, %dma_wait3A_356] : memref<64x32768xf32, #tpu.memory_space<hbm>> -> memref<1x32768xf32, #tpu.memory_space<hbm>>
    %dma_wait3A_358 = tpu.memref_squeeze %dma_wait3A_357 : memref<1x32768xf32, #tpu.memory_space<hbm>> -> memref<32768xf32, #tpu.memory_space<hbm>>
    %dma_wait3A_359 = arith.constant 8192 : i32
    %dma_wait3A_360 = tpu.memref_slice %dma_wait3A_358[%dma_wait3A_359] : memref<32768xf32, #tpu.memory_space<hbm>> -> memref<8192xf32, #tpu.memory_space<hbm>>
    %dma_wait3A_361 = arith.constant 8192 : i32
    %dma_wait3A_362 = tpu.memref_slice %arg4[%dma_wait3A_361] : memref<32768xf32, #tpu.memory_space<vmem>> -> memref<8192xf32, #tpu.memory_space<vmem>>
    tpu.wait_dma2 semaphore(%arg13 : memref<!tpu.dma_semaphore, #tpu.memory_space<semaphore_mem>>) src(%dma_wait3A_362 : memref<8192xf32, #tpu.memory_space<vmem>>) dst(%dma_wait3A_360 : memref<8192xf32, #tpu.memory_space<hbm>>)
    %dma_wait3A_363 = arith.constant 16384 : i32
    %dma_wait3A_364 = tpu.memref_slice %arg4[%dma_wait3A_363] : memref<32768xf32, #tpu.memory_space<vmem>> -> memref<8192xf32, #tpu.memory_space<vmem>>
    %dma_wait3A_365 = arith.constant 0 : i32
    %dma_wait3A_366 = tpu.memref_slice %arg3[%mul3A_2, %dma_wait3A_365] : memref<64x32768xf32, #tpu.memory_space<hbm>> -> memref<1x32768xf32, #tpu.memory_space<hbm>>
    %dma_wait3A_367 = tpu.memref_squeeze %dma_wait3A_366 : memref<1x32768xf32, #tpu.memory_space<hbm>> -> memref<32768xf32, #tpu.memory_space<hbm>>
    %dma_wait3A_368 = arith.constant 16384 : i32
    %dma_wait3A_369 = tpu.memref_slice %dma_wait3A_367[%dma_wait3A_368] : memref<32768xf32, #tpu.memory_space<hbm>> -> memref<8192xf32, #tpu.memory_space<hbm>>
    %dma_wait3A_370 = arith.constant 0 : i32
    %dma_wait3A_371 = tpu.memref_slice %arg3[%mul3A_2, %dma_wait3A_370] : memref<64x32768xf32, #tpu.memory_space<hbm>> -> memref<1x32768xf32, #tpu.memory_space<hbm>>
    %dma_wait3A_372 = tpu.memref_squeeze %dma_wait3A_371 : memref<1x32768xf32, #tpu.memory_space<hbm>> -> memref<32768xf32, #tpu.memory_space<hbm>>
    %dma_wait3A_373 = arith.constant 16384 : i32
    %dma_wait3A_374 = tpu.memref_slice %dma_wait3A_372[%dma_wait3A_373] : memref<32768xf32, #tpu.memory_space<hbm>> -> memref<8192xf32, #tpu.memory_space<hbm>>
    %dma_wait3A_375 = arith.constant 16384 : i32
    %dma_wait3A_376 = tpu.memref_slice %arg4[%dma_wait3A_375] : memref<32768xf32, #tpu.memory_space<vmem>> -> memref<8192xf32, #tpu.memory_space<vmem>>
    tpu.wait_dma2 semaphore(%arg13 : memref<!tpu.dma_semaphore, #tpu.memory_space<semaphore_mem>>) src(%dma_wait3A_376 : memref<8192xf32, #tpu.memory_space<vmem>>) dst(%dma_wait3A_374 : memref<8192xf32, #tpu.memory_space<hbm>>)
    %dma_wait3A_377 = arith.constant 24576 : i32
    %dma_wait3A_378 = tpu.memref_slice %arg4[%dma_wait3A_377] : memref<32768xf32, #tpu.memory_space<vmem>> -> memref<8192xf32, #tpu.memory_space<vmem>>
    %dma_wait3A_379 = arith.constant 0 : i32
    %dma_wait3A_380 = tpu.memref_slice %arg3[%mul3A_2, %dma_wait3A_379] : memref<64x32768xf32, #tpu.memory_space<hbm>> -> memref<1x32768xf32, #tpu.memory_space<hbm>>
    %dma_wait3A_381 = tpu.memref_squeeze %dma_wait3A_380 : memref<1x32768xf32, #tpu.memory_space<hbm>> -> memref<32768xf32, #tpu.memory_space<hbm>>
    %dma_wait3A_382 = arith.constant 24576 : i32
    %dma_wait3A_383 = tpu.memref_slice %dma_wait3A_381[%dma_wait3A_382] : memref<32768xf32, #tpu.memory_space<hbm>> -> memref<8192xf32, #tpu.memory_space<hbm>>
    %dma_wait3A_384 = arith.constant 0 : i32
    %dma_wait3A_385 = tpu.memref_slice %arg3[%mul3A_2, %dma_wait3A_384] : memref<64x32768xf32, #tpu.memory_space<hbm>> -> memref<1x32768xf32, #tpu.memory_space<hbm>>
    %dma_wait3A_386 = tpu.memref_squeeze %dma_wait3A_385 : memref<1x32768xf32, #tpu.memory_space<hbm>> -> memref<32768xf32, #tpu.memory_space<hbm>>
    %dma_wait3A_387 = arith.constant 24576 : i32
    %dma_wait3A_388 = tpu.memref_slice %dma_wait3A_386[%dma_wait3A_387] : memref<32768xf32, #tpu.memory_space<hbm>> -> memref<8192xf32, #tpu.memory_space<hbm>>
    %dma_wait3A_389 = arith.constant 24576 : i32
    %dma_wait3A_390 = tpu.memref_slice %arg4[%dma_wait3A_389] : memref<32768xf32, #tpu.memory_space<vmem>> -> memref<8192xf32, #tpu.memory_space<vmem>>
    tpu.wait_dma2 semaphore(%arg13 : memref<!tpu.dma_semaphore, #tpu.memory_space<semaphore_mem>>) src(%dma_wait3A_390 : memref<8192xf32, #tpu.memory_space<vmem>>) dst(%dma_wait3A_388 : memref<8192xf32, #tpu.memory_space<hbm>>)
    %dma_wait3A_391 = arith.constant 0 : i32
    %dma_wait3A_392 = tpu.memref_slice %arg5[%dma_wait3A_391] : memref<32768xf32, #tpu.memory_space<vmem>> -> memref<8192xf32, #tpu.memory_space<vmem>>
    %dma_wait3A_393 = arith.constant 0 : i32
    %dma_wait3A_394 = tpu.memref_slice %arg3[%add3A_4, %dma_wait3A_393] : memref<64x32768xf32, #tpu.memory_space<hbm>> -> memref<1x32768xf32, #tpu.memory_space<hbm>>
    %dma_wait3A_395 = tpu.memref_squeeze %dma_wait3A_394 : memref<1x32768xf32, #tpu.memory_space<hbm>> -> memref<32768xf32, #tpu.memory_space<hbm>>
    %dma_wait3A_396 = arith.constant 0 : i32
    %dma_wait3A_397 = tpu.memref_slice %dma_wait3A_395[%dma_wait3A_396] : memref<32768xf32, #tpu.memory_space<hbm>> -> memref<8192xf32, #tpu.memory_space<hbm>>
    %dma_wait3A_398 = arith.constant 0 : i32
    %dma_wait3A_399 = tpu.memref_slice %arg3[%add3A_4, %dma_wait3A_398] : memref<64x32768xf32, #tpu.memory_space<hbm>> -> memref<1x32768xf32, #tpu.memory_space<hbm>>
    %dma_wait3A_400 = tpu.memref_squeeze %dma_wait3A_399 : memref<1x32768xf32, #tpu.memory_space<hbm>> -> memref<32768xf32, #tpu.memory_space<hbm>>
    %dma_wait3A_401 = arith.constant 0 : i32
    %dma_wait3A_402 = tpu.memref_slice %dma_wait3A_400[%dma_wait3A_401] : memref<32768xf32, #tpu.memory_space<hbm>> -> memref<8192xf32, #tpu.memory_space<hbm>>
    %dma_wait3A_403 = arith.constant 0 : i32
    %dma_wait3A_404 = tpu.memref_slice %arg5[%dma_wait3A_403] : memref<32768xf32, #tpu.memory_space<vmem>> -> memref<8192xf32, #tpu.memory_space<vmem>>
    tpu.wait_dma2 semaphore(%arg14 : memref<!tpu.dma_semaphore, #tpu.memory_space<semaphore_mem>>) src(%dma_wait3A_404 : memref<8192xf32, #tpu.memory_space<vmem>>) dst(%dma_wait3A_402 : memref<8192xf32, #tpu.memory_space<hbm>>)
    %dma_wait3A_405 = arith.constant 8192 : i32
    %dma_wait3A_406 = tpu.memref_slice %arg5[%dma_wait3A_405] : memref<32768xf32, #tpu.memory_space<vmem>> -> memref<8192xf32, #tpu.memory_space<vmem>>
    %dma_wait3A_407 = arith.constant 0 : i32
    %dma_wait3A_408 = tpu.memref_slice %arg3[%add3A_4, %dma_wait3A_407] : memref<64x32768xf32, #tpu.memory_space<hbm>> -> memref<1x32768xf32, #tpu.memory_space<hbm>>
    %dma_wait3A_409 = tpu.memref_squeeze %dma_wait3A_408 : memref<1x32768xf32, #tpu.memory_space<hbm>> -> memref<32768xf32, #tpu.memory_space<hbm>>
    %dma_wait3A_410 = arith.constant 8192 : i32
    %dma_wait3A_411 = tpu.memref_slice %dma_wait3A_409[%dma_wait3A_410] : memref<32768xf32, #tpu.memory_space<hbm>> -> memref<8192xf32, #tpu.memory_space<hbm>>
    %dma_wait3A_412 = arith.constant 0 : i32
    %dma_wait3A_413 = tpu.memref_slice %arg3[%add3A_4, %dma_wait3A_412] : memref<64x32768xf32, #tpu.memory_space<hbm>> -> memref<1x32768xf32, #tpu.memory_space<hbm>>
    %dma_wait3A_414 = tpu.memref_squeeze %dma_wait3A_413 : memref<1x32768xf32, #tpu.memory_space<hbm>> -> memref<32768xf32, #tpu.memory_space<hbm>>
    %dma_wait3A_415 = arith.constant 8192 : i32
    %dma_wait3A_416 = tpu.memref_slice %dma_wait3A_414[%dma_wait3A_415] : memref<32768xf32, #tpu.memory_space<hbm>> -> memref<8192xf32, #tpu.memory_space<hbm>>
    %dma_wait3A_417 = arith.constant 8192 : i32
    %dma_wait3A_418 = tpu.memref_slice %arg5[%dma_wait3A_417] : memref<32768xf32, #tpu.memory_space<vmem>> -> memref<8192xf32, #tpu.memory_space<vmem>>
    tpu.wait_dma2 semaphore(%arg14 : memref<!tpu.dma_semaphore, #tpu.memory_space<semaphore_mem>>) src(%dma_wait3A_418 : memref<8192xf32, #tpu.memory_space<vmem>>) dst(%dma_wait3A_416 : memref<8192xf32, #tpu.memory_space<hbm>>)
    %dma_wait3A_419 = arith.constant 16384 : i32
    %dma_wait3A_420 = tpu.memref_slice %arg5[%dma_wait3A_419] : memref<32768xf32, #tpu.memory_space<vmem>> -> memref<8192xf32, #tpu.memory_space<vmem>>
    %dma_wait3A_421 = arith.constant 0 : i32
    %dma_wait3A_422 = tpu.memref_slice %arg3[%add3A_4, %dma_wait3A_421] : memref<64x32768xf32, #tpu.memory_space<hbm>> -> memref<1x32768xf32, #tpu.memory_space<hbm>>
    %dma_wait3A_423 = tpu.memref_squeeze %dma_wait3A_422 : memref<1x32768xf32, #tpu.memory_space<hbm>> -> memref<32768xf32, #tpu.memory_space<hbm>>
    %dma_wait3A_424 = arith.constant 16384 : i32
    %dma_wait3A_425 = tpu.memref_slice %dma_wait3A_423[%dma_wait3A_424] : memref<32768xf32, #tpu.memory_space<hbm>> -> memref<8192xf32, #tpu.memory_space<hbm>>
    %dma_wait3A_426 = arith.constant 0 : i32
    %dma_wait3A_427 = tpu.memref_slice %arg3[%add3A_4, %dma_wait3A_426] : memref<64x32768xf32, #tpu.memory_space<hbm>> -> memref<1x32768xf32, #tpu.memory_space<hbm>>
    %dma_wait3A_428 = tpu.memref_squeeze %dma_wait3A_427 : memref<1x32768xf32, #tpu.memory_space<hbm>> -> memref<32768xf32, #tpu.memory_space<hbm>>
    %dma_wait3A_429 = arith.constant 16384 : i32
    %dma_wait3A_430 = tpu.memref_slice %dma_wait3A_428[%dma_wait3A_429] : memref<32768xf32, #tpu.memory_space<hbm>> -> memref<8192xf32, #tpu.memory_space<hbm>>
    %dma_wait3A_431 = arith.constant 16384 : i32
    %dma_wait3A_432 = tpu.memref_slice %arg5[%dma_wait3A_431] : memref<32768xf32, #tpu.memory_space<vmem>> -> memref<8192xf32, #tpu.memory_space<vmem>>
    tpu.wait_dma2 semaphore(%arg14 : memref<!tpu.dma_semaphore, #tpu.memory_space<semaphore_mem>>) src(%dma_wait3A_432 : memref<8192xf32, #tpu.memory_space<vmem>>) dst(%dma_wait3A_430 : memref<8192xf32, #tpu.memory_space<hbm>>)
    %dma_wait3A_433 = arith.constant 24576 : i32
    %dma_wait3A_434 = tpu.memref_slice %arg5[%dma_wait3A_433] : memref<32768xf32, #tpu.memory_space<vmem>> -> memref<8192xf32, #tpu.memory_space<vmem>>
    %dma_wait3A_435 = arith.constant 0 : i32
    %dma_wait3A_436 = tpu.memref_slice %arg3[%add3A_4, %dma_wait3A_435] : memref<64x32768xf32, #tpu.memory_space<hbm>> -> memref<1x32768xf32, #tpu.memory_space<hbm>>
    %dma_wait3A_437 = tpu.memref_squeeze %dma_wait3A_436 : memref<1x32768xf32, #tpu.memory_space<hbm>> -> memref<32768xf32, #tpu.memory_space<hbm>>
    %dma_wait3A_438 = arith.constant 24576 : i32
    %dma_wait3A_439 = tpu.memref_slice %dma_wait3A_437[%dma_wait3A_438] : memref<32768xf32, #tpu.memory_space<hbm>> -> memref<8192xf32, #tpu.memory_space<hbm>>
    %dma_wait3A_440 = arith.constant 0 : i32
    %dma_wait3A_441 = tpu.memref_slice %arg3[%add3A_4, %dma_wait3A_440] : memref<64x32768xf32, #tpu.memory_space<hbm>> -> memref<1x32768xf32, #tpu.memory_space<hbm>>
    %dma_wait3A_442 = tpu.memref_squeeze %dma_wait3A_441 : memref<1x32768xf32, #tpu.memory_space<hbm>> -> memref<32768xf32, #tpu.memory_space<hbm>>
    %dma_wait3A_443 = arith.constant 24576 : i32
    %dma_wait3A_444 = tpu.memref_slice %dma_wait3A_442[%dma_wait3A_443] : memref<32768xf32, #tpu.memory_space<hbm>> -> memref<8192xf32, #tpu.memory_space<hbm>>
    %dma_wait3A_445 = arith.constant 24576 : i32
    %dma_wait3A_446 = tpu.memref_slice %arg5[%dma_wait3A_445] : memref<32768xf32, #tpu.memory_space<vmem>> -> memref<8192xf32, #tpu.memory_space<vmem>>
    tpu.wait_dma2 semaphore(%arg14 : memref<!tpu.dma_semaphore, #tpu.memory_space<semaphore_mem>>) src(%dma_wait3A_446 : memref<8192xf32, #tpu.memory_space<vmem>>) dst(%dma_wait3A_444 : memref<8192xf32, #tpu.memory_space<hbm>>)
    return
  }
}

</mosaic_0001>

<sc_bundles>
// kernel: kernel.3.cloned.1.call-start
scs
__scs_entry_jumppad:
0x0: {  	(pc) =	sbr.rel $0x88, $3  }
0x1: {  	(tag) =	ssettag $0x0;
	lr =	simm.s32 $0x1  }
0x2: {  	[smem:$0x3FA0] =	sst lr;
	_ =	strace $0xD0000000  }
0x3: {  	_ = 	snop  }
0x4: {  	_ = 	snop  }
0x5: {  	_ = 	snop  }
0x6: {  	_ = 	snop  }
0x7: {  	_ = 	snop  }
__scs_overlays_trampoline_lowered:
0x8: {  	[smem:$0x3FAF] =	sst s0  }
0x9: {  	[smem:$0x3FB0] =	sst s1  }
0xa: {  	[smem:$0x3FB1] =	sst s2  }
0xb: {  	[smem:$0x3FB2] =	sst s3  }
0xc: {  	[smem:$0x3FB3] =	sst s4  }
0xd: {  	[smem:$0x3FB4] =	sst s5  }
0xe: {  	[smem:$0x3FB5] =	sst s6  }
0xf: {  	[smem:$0x3FB6] =	sst s7  }
0x10: {  	[smem:$0x3FB7] =	sst s8  }
0x11: {  	[smem:$0x3FB8] =	sst s9;
	s0 =	simm.s32 @!p0 $0x0  }
0x12: {  	s1 =	sld [smem:$0x3F9E];
	s0 =	simm.s32 @p0 $0x1  }
0x13: {  	[smem:$0x3FB9] =	sst s0;
	s0 =	simm.s32 @!p1 $0x0  }
0x14: {  	s2 =	sld [smem:$0x3F9D];
	s0 =	simm.s32 @p1 $0x1  }
0x15: {  	[smem:$0x3FBA] =	sst s0;
	s0 =	simm.s32 @!p2 $0x0  }
0x16: {  	s3 =	sld [smem:$0x3FDB];
	s0 =	simm.s32 @p2 $0x1  }
0x17: {  	s4 =	simm.s32 $0x1BF5;
	[smem:$0x3FBC] =	sst s0  }
0x18: {  	s0 =	sld [smem:$0x3F9F];
	_ =	swait.ge [sflag:s4], $0x0  }
0x19: {  	s7 =	sld [smem:$0x3FA0]  }
0x1a: {  	s8 =	sadd.s32 $0xFFFFE003, lr  }
0x1b: {  	s9 =	sadd.s32 $0xFFFFFEF7, lr;
	s5 =	simm.s32 $0xFFFFFFFF;
	p2 =	slt.u32 s8, $0xFFFFF086  }
0x1c: {  	p1 =	slt.u32 s9, $0xF7A;
	s5 =	simm.s32 @!p2 $0x0  }
0x1d: {  	s5 =	simm.s32 @p1 $0x1;
	p0 =	seq.s32 s7, s2  }
0x1e: {  	s7 =	smul.u32 @!p0 $0xF7A, s2;
	p2 =	seq.s32 @!p0 s5, $0x0  }
0x1f: {  	s9 =	smul.u32 $0xF7A, s1;
	s8 =	simm.s32 @!p0 $0x1BF5;
	p2 =	por !p2, p0  }
0x20: {  	[sflag:s8] =	ssyncset.s32 @!p0 $0xFFFFF086;
	s6 =	sadd.s32 @!p0 s3, s7;
	s7 =	simm.s32 @!p0 $0x108  }
0x21: {  	s3 =	sadd.s32 s3, s9;
	s6 =	sadd.s32 @!p0 $0x88, s6;
	s7 =	simm.s32 @p2 $0x1082  }
0x22: {  	[simem:s7], [sflag:s8] =	dma.local @!p0 [hbm:s6], $0xF7A  }
0x23: {  	s9 =	sor.u32 $0xD0000000, s2;
	s6 =	simm.s32 $0x108;
	_ =	swait.ge @!p0 [sflag:s8], $0x0  }
0x24: {  	s3 =	sadd.s32 $0x88, s3;
	s6 =	simm.s32 @!p1 $0x1082;
	[sflag:s4] =	ssyncset.s32 $0xFFFFF086  }
0x25: {  	[simem:s6], [sflag:s4] =	dma.local [hbm:s3], $0xF7A  }
0x26: {  	[smem:$0x3FA0] =	sst s1;
	(tag) =	ssettag s2;
	_ =	strace s9  }
0x27: {  	s1 =	sld [smem:$0x3FB0]  }
0x28: {  	s2 =	sld [smem:$0x3FB1]  }
0x29: {  	s4 =	sld [smem:$0x3FB3]  }
0x2a: {  	p0 =	seq.s32 s5, $0x0;
	s5 =	sld [smem:$0x3FB4]  }
0x2b: {  	s6 =	sld [smem:$0x3FB5]  }
0x2c: {  	s7 =	sld [smem:$0x3FB6]  }
0x2d: {  	s3 =	simm.s32 $0x108;
	s8 =	sld [smem:$0x3FB7]  }
0x2e: {  	s3 =	simm.s32 @!p0 $0x1082;
	s9 =	sld [smem:$0x3FB8]  }
0x2f: {  	lr =	sadd.s32 s0, s3;
	s0 =	sld [smem:$0x3FAF]  }
0x30: {  	s3 =	sld [smem:$0x3FB2]  }
0x31: {  	[smem:$0x3FBB] =	sst s10  }
0x32: {  	s10 =	sld [smem:$0x3FB9];
	_ =	sdelay $0x3  }
0x33: {  	p0 =	seq.s32 s10, $0x1;
	s10 =	sld [smem:$0x3FBB];
	_ =	sdelay $0x3  }
0x34: {  	[smem:$0x3FBB] =	sst s10  }
0x35: {  	s10 =	sld [smem:$0x3FBA];
	_ =	sdelay $0x3  }
0x36: {  	p1 =	seq.s32 s10, $0x1;
	s10 =	sld [smem:$0x3FBB];
	_ =	sdelay $0x3  }
0x37: {  	[smem:$0x3FBB] =	sst s10  }
0x38: {  	s10 =	sld [smem:$0x3FBC]  }
0x39: {  	_ = 	snop;
	(pc) =	sbr.ind lr, $3  }
0x3a: {  	_ = 	snop  }
0x3b: {  	_ = 	snop  }
0x3c: {  	p2 =	seq.s32 s10, $0x1;
	s10 =	sld [smem:$0x3FBB]  }
0x3d: {  	_ =	shalt  }
0x3e: {  	_ =	shalt  }
0x3f: {  	_ =	shalt  }
0x40: {  	_ =	shalt  }
0x41: {  	_ =	shalt  }
0x42: {  	_ =	shalt  }
0x43: {  	_ =	shalt  }
0x44: {  	_ =	shalt  }
0x45: {  	_ =	shalt  }
0x46: {  	_ =	shalt  }
0x47: {  	_ =	shalt  }
0x48: {  	_ =	shalt  }
0x49: {  	_ =	shalt  }
0x4a: {  	_ =	shalt  }
0x4b: {  	_ =	shalt  }
0x4c: {  	_ =	shalt  }
0x4d: {  	_ =	shalt  }
0x4e: {  	_ =	shalt  }
0x4f: {  	_ =	shalt  }
0x50: {  	_ =	shalt  }
0x51: {  	_ =	shalt  }
0x52: {  	_ =	shalt  }
0x53: {  	_ =	shalt  }
0x54: {  	_ =	shalt  }
0x55: {  	_ =	shalt  }
0x56: {  	_ =	shalt  }
0x57: {  	_ =	shalt  }
0x58: {  	_ =	shalt  }
0x59: {  	_ =	shalt  }
0x5a: {  	_ =	shalt  }
0x5b: {  	_ =	shalt  }
0x5c: {  	_ =	shalt  }
0x5d: {  	_ =	shalt  }
0x5e: {  	_ =	shalt  }
0x5f: {  	_ =	shalt  }
0x60: {  	_ =	shalt  }
0x61: {  	_ =	shalt  }
0x62: {  	_ =	shalt  }
0x63: {  	_ =	shalt  }
0x64: {  	_ =	shalt  }
0x65: {  	_ =	shalt  }
0x66: {  	_ =	shalt  }
0x67: {  	_ =	shalt  }
0x68: {  	_ =	shalt  }
0x69: {  	_ =	shalt  }
0x6a: {  	_ =	shalt  }
0x6b: {  	_ =	shalt  }
0x6c: {  	_ =	shalt  }
0x6d: {  	_ =	shalt  }
0x6e: {  	_ =	shalt  }
0x6f: {  	_ =	shalt  }
0x70: {  	_ =	shalt  }
0x71: {  	_ =	shalt  }
0x72: {  	_ =	shalt  }
0x73: {  	_ =	shalt  }
0x74: {  	_ =	shalt  }
0x75: {  	_ =	shalt  }
0x76: {  	_ =	shalt  }
0x77: {  	_ =	shalt  }
0x78: {  	_ =	shalt  }
0x79: {  	_ =	shalt  }
0x7a: {  	_ =	shalt  }
0x7b: {  	_ =	shalt  }
0x7c: {  	_ =	shalt  }
0x7d: {  	_ =	shalt  }
0x7e: {  	_ =	shalt  }
0x7f: {  	_ =	shalt  }
0x80: {  	_ =	shalt  }
0x81: {  	_ =	shalt  }
0x82: {  	_ =	shalt  }
0x83: {  	_ =	shalt  }
0x84: {  	_ =	shalt  }
0x85: {  	_ =	shalt  }
0x86: {  	_ =	shalt  }
0x87: {  	_ =	shalt  }
.Lfunc_end0:
.L_simem_size_0:
called_computation_lowered:
.L_overlay_start_0:
0x88: {  	s2 =	sld [smem:$0x3FD9]  }
0x89: {  	s3 =	sld [smem:$0x3FFE];
	_ =	sdelay $0x1  }
0x8a: {  	s1 =	srdreg.scid  }
0x8b: {  	s0 =	sand.u32 $0x1, s1  }
0x8c: {  	s18 =	sshll.u32 s0, $0xA;
	s2 =	sadd.s32 s3, s2  }
0x8d: {  	s2 =	sadd.s32 s2, s18  }
0x8e: {  	[smem:$0x3FC7] =	sst s2  }
0x8f: {  	_ = 	snop  }
0x90: {  	s2 =	sld [smem:$0x3FC9]  }
0x91: {  	s19 =	sld [smem:$0x3FD0];
	(tm) =	ssettm $0x1  }
0x92: {  	s4 =	sld [smem:$0x3FFB];
	_ =	sdelay $0x3  }
0x93: {  	_ =	strace s4  }
0x94: {  	s4 =	sld [smem:$0x3FFC];
	_ =	sdelay $0x3  }
0x95: {  	_ =	strace s4  }
0x96: {  	s4 =	sld [smem:$0x3FFD];
	_ =	sdelay $0x3  }
0x97: {  	_ =	strace s4  }
0x98: {  	_ =	strace $0x8FFFFFFF  }
0x99: {  	s20 =	sld [smem:$0x3FDB];
	_ =	sdelay $0x1  }
0x9a: {  	s5 =	simm.s32 $_scs_section_size  }
0x9b: {  	s6 =	simm.s32 $_size__tile_overlayer_lowered;
	s7 =	simm.s32 $_tile_overlayer_lowered  }
0x9c: {  	s23 =	simm.s32 $0x1BFF;
	s22 =	sshll.u32 s7, $0x1;
	s4 =	sadd.s32 s5, s20  }
0x9d: {  	s8 =	simm.s32 $0x0;
	s21 =	sshll.u32 s6, $0x1;
	s6 =	sadd.s32 s22, s4  }
0x9e: {  	[timem:s8], [sflag:s23] =	dma.local [hbm:s6], s21  }
0x9f: {  	_ =	swait.ge [sflag:s23], s21  }
0xa0: {  	s5 =	ssub.s32 $0x0, s21;
	[sflag:s23] =	ssyncset.done $0x0  }
0xa1: {  	[sflag:s23] =	ssyncadd.s32 s5;
	_ =	sdelay $0x1  }
0xa2: {  	s24 =	simm.s32 $0x1B8B  }
0xa3: {  	_ =	swait.ge [sflag:s24], $0x1  }
0xa4: {  	[sflag:s24] =	ssyncset.done $0x0  }
0xa5: {  	s25 =	simm.s32 $0x1B8E;
	[sflag:s24] =	ssyncadd.s32 $0xFFFFFFFF  }
0xa6: {  	s26 =	simm.s32 $execute0_lowered;
	[smem:$0x3FD2] =	sst s25  }
0xa7: {  	s5 =	sshll.u32 s26, $0x1;
	_ =	strace $0x80000046;
	[dreg:$0x1] =	wrdreg $0xFFFFFFFF  }
0xa8: {  	s28 =	simm.s32 $_size_execute0_lowered;
	s4 =	sadd.s32 s4, s5;
	[dreg:$0x0] =	wrdreg $0x0  }
0xa9: {  	s5 =	sshll.u32 s28, $0x1;
	[dreg:$0x2] =	wrdreg s4  }
0xaa: {  	[dreg:$0x3] =	wrdreg s5  }
0xab: {  	[dreg:$0x4] =	wrdreg $0xC0  }
0xac: {  	_ =	task [dreg:s8], $0x5FFFF  }
0xad: {  	[dreg:$0x1] =	wrdreg $0xFFFFFFFF  }
0xae: {  	[dreg:$0x0] =	wrdreg $0x60  }
0xaf: {  	[dreg:$0x2] =	wrdreg s2  }
0xb0: {  	[dreg:$0x3] =	wrdreg s19  }
0xb1: {  	[dreg:$0x4] =	wrdreg $0x9  }
0xb2: {  	_ =	task.clear_ibuf [dreg:s8], $0x5FFFF;
	_ =	strace $0x90000046  }
0xb3: {  	s29 =	simm.s32 $0x9;
	_ =	strace $0x80000048  }
0xb4: {  	_ =	swait.ge [sflag:s29], $0x1  }
0xb5: {  	[sflag:s29] =	ssyncadd.s32 $0xFFFFFFFF  }
0xb6: {  	_ =	strace $0x90000048  }
0xb7: {  	_ =	sfence  }
0xb8: {  	s30 =	sld [smem:$0x0];
	_ =	sdelay $0x2  }
0xb9: {  	s31 =	sshll.u32 s1, $0xD;
	s1 =	sshrl.u32 s1, $0x2  }
0xba: {  	s3 =	sand.u32 $0x4000, s31;
	s1 =	sadd.s32 s1, s30  }
0xbb: {  	s0 =	sor.u32 s3, s0;
	s1 =	sshll.u32 s1, $0x11  }
0xbc: {  	s0 =	sor.u32 s1, s0  }
0xbd: {  	s0 =	sadd.s32 $0x8F2B, s0  }
0xbe: {  	[sflag:s0] =	ssyncadd.remote.s32 $0x1  }
0xbf: {  	_ =	sfence.sel $0xFFFF  }
0xc0: {  	[dreg:$0x0] =	wrdreg $0xFFFFFFFF;
	(pc) =	sbr.abs _section_cstart, $3  }
0xc1: {  	[dreg:$0x1] =	wrdreg $0xFFFFFFFF  }
0xc2: {  	_ =	task.clear_ibuf [dreg:s8], $0x2FFFF;
	_ =	strace $0x9FFFFFFF  }
0xc3: {  	(tm) =	ssettm $0x7FFFFFFF  }
tec
execute0_lowered:
.L_overlay_start_1:
0x0: {  	(tag) =	ssettag $0x1  }
0x1: {  	s0 =	srdreg.scid  }
0x2: {  	s1 =	rddreg [dreg:$0x0];
	s2 =	stileid.u32  }
0x3: {  	s4 =	rddreg [dreg:$0x1];
	s11 =	simm.s32 $0x80;
	s12 =	simm.s32 $0x400  }
0x4: {  	s16 =	simm.s32 $0x1;
	s17 =	simm.s32 $0x8000;
	s18 =	simm.s32 $0x10800  }
0x5: {  	s19 =	simm.s32 $0x2;
	s23 =	simm.s32 $0x3;
	s0 =	sand.u32 $0x1, s0  }
0x6: {  	s24 =	simm.s32 $0x4;
	s3 =	sshll.u32 s2, $0x2;
	s5 =	sshll.u32 s0, $0x1  }
0x7: {  	s25 =	simm.s32 $0x0;
	s2 =	simm.s32 $0x0;
	s3 =	sor.u32 s5, s3  }
0x8: {  	s0 =	ssub.s32 $0x2, s0;
	s5 =	sshll.u32 s3, $0xF;
	s3 =	sshll.u32 s3, $0x7  }
0x9: {  	[smem:$0x7FF] =	sst s2;
	s7 =	sshrl.u32 s0, $0x1;
	s6 =	sor.u32 s3, s5  }
0xa: {  	_ =	strace $0x80000047;
	s0 =	ssub.s32 s0, s7;
	s6 =	sand.u32 $0x1C0300, s6  }
0xb: {  	s3 =	sand.u32 $0x300, s3;
	s0 =	smax.u32 s0, $0x1;
	s6 =	sshrl.u32 s6, $0x3  }
0xc: {  	s5 =	sor.u32 s5, s3;
	[dreg:$0x8] =	wrdreg s0;
	s28 =	sadd.s32 s1, s6  }
0xd: {  	s5 =	sshrl.u32 s5, $0x3;
	s29 =	sadd.s32 $0x2000, s28;
	[dreg:$0x3] =	wrdreg s28  }
0xe: {  	s5 =	sor.u32 $0x6000, s5;
	s3 =	sadd.s32 $0x4000, s28;
	[dreg:$0x4] =	wrdreg s29  }
0xf: {  	s30 =	sor.u32 $0x10, s6;
	s31 =	sadd.s32 s1, s5;
	[dreg:$0x5] =	wrdreg s3  }
0x10: {  	v0 =	vlaneseq.u32;
	s8 =	sadd.s32 s4, s6;
	s1 =	sadd.s32 s1, s30;
	[dreg:$0x6] =	wrdreg s31  }
0x11: {  	v2 =	vimm.f32 $-3.000000010e+38;
	v3 =	vimm.s32 $0x0;
	v1 =	vmul.u32 $0x10, v0;
	s9 =	sadd.s32 s4, s30;
	[dreg:$0x7] =	wrdreg s1;
	s3 =	simm.s32 $0x2000  }
.LBB2_1:
0x12: {  	s0 =	rddreg [dreg:$0x3]  }
0x13: {  	[tilespmem:s2], [sflag:$0x1] =	stream.strided.gather [hbm4b:s0+s11], $0x2000, s12, s11, $0x38;
	[tilespmem:$0x19280] =	vst v63  }
0x14: {  	s22 =	rddreg [dreg:$0x4]  }
0x15: {  	[tilespmem:s3], [sflag:$0x1] =	stream.strided.gather [hbm4b:s22+s11], $0x2000, s12, s11, $0x38;
	[tilespmem:$0x19280] =	vst v63  }
0x16: {  	s26 =	rddreg [dreg:$0x5];
	s1 =	simm.s32 $0x4000  }
0x17: {  	[tilespmem:s1], [sflag:$0x1] =	stream.strided.gather [hbm4b:s26+s11], $0x2000, s12, s11, $0x38;
	[tilespmem:$0x19280] =	vst v63  }
0x18: {  	s28 =	rddreg [dreg:$0x6];
	s29 =	simm.s32 $0x6000  }
0x19: {  	[tilespmem:s29], [sflag:$0x1] =	stream.strided.gather [hbm4b:s28+s11], $0x2000, s12, s11, $0x38;
	[tilespmem:$0x19280] =	vst v63  }
0x1a: {  	_ =	swait.ge [sflag:s16], $0x2000  }
0x1b: {  	[sflag:s16] =	ssyncset.done $0x0  }
0x1c: {  	s31 =	simm.s32 $0x100;
	s30 =	rddreg [dreg:$0x7];
	[sflag:s16] =	ssyncadd.s32 $0xFFFFE000  }
0x1d: {  	[tilespmem:s17], [sflag:$0x2] =	stream.strided.gather [hbm4b:s30+s11], $0x8000, s12, s11, $0x38;
	[tilespmem:$0x19280] =	vst v63  }
0x1e: {  	v4 =	vld [tilespmem:s31+$0x70]  }
0x1f: {  	v5 =	vld [tilespmem:s31+$0xF0]  }
0x20: {  	v6 =	vld [tilespmem:s31+$0xE0]  }
0x21: {  	v7 =	vld [tilespmem:s31+$0xD0]  }
0x22: {  	v8 =	vld [tilespmem:s31+$0xC0]  }
0x23: {  	v14 =	vld [tilespmem:s31+$0x0]  }
0x24: {  	v9 =	vld [tilespmem:s31+$0xFFFFFF10]  }
0x25: {  	v11 =	vld [tilespmem:s31+$0xFFFFFF20]  }
0x26: {  	v13 =	vld [tilespmem:s31+$0xFFFFFF30]  }
0x27: {  	v12 =	vld [tilespmem:s31+$0xFFFFFF40]  }
0x28: {  	v15 =	vld [tilespmem:s31+$0xFFFFFF50]  }
0x29: {  	v10 =	vld [tilespmem:s31+$0xFFFFFF60]  }
0x2a: {  	v16 =	vld [tilespmem:s31+$0xFFFFFF70]  }
0x2b: {  	v17 =	vld [tilespmem:s31+$0xFFFFFF80]  }
0x2c: {  	v18 =	vld [tilespmem:s31+$0xFFFFFF90]  }
0x2d: {  	v19 =	vld [tilespmem:s31+$0xB0]  }
0x2e: {  	v20 =	vld [tilespmem:s31+$0x40]  }
0x2f: {  	v21 =	vld [tilespmem:s31+$0xA0]  }
0x30: {  	v22 =	vld [tilespmem:s31+$0x50]  }
0x31: {  	v23 =	vld [tilespmem:s31+$0x60]  }
0x32: {  	v24 =	vld [tilespmem:s31+$0xFFFFFFC0]  }
0x33: {  	v25 =	vld [tilespmem:s31+$0xFFFFFFD0]  }
0x34: {  	v26 =	vld [tilespmem:s31+$0xFFFFFFE0]  }
0x35: {  	v27 =	vld [tilespmem:s31+$0xFFFFFFF0]  }
0x36: {  	v28 =	vld [tilespmem:s31+$0xFFFFFF00]  }
0x37: {  	v29 =	vld [tilespmem:s31+$0x10];
	v5 =	vmax.f32 v6, v5  }
0x38: {  	v6 =	vmax.f32 v8, v7;
	v8 =	vmax.f32 v17, v18;
	v16 =	vmax.f32 v10, v16;
	v10 =	vld [tilespmem:s31+$0x20]  }
0x39: {  	v7 =	vmax.f32 v21, v19;
	v17 =	vmax.f32 v20, v22;
	v15 =	vmax.f32 v12, v15;
	v12 =	vld [tilespmem:s31+$0x30]  }
0x3a: {  	v4 =	vmax.f32 v23, v4;
	v18 =	vmax.f32 v15, v16;
	v16 =	vmax.f32 v11, v13;
	v11 =	vld [tilespmem:s31+$0x90]  }
0x3b: {  	v19 =	vmax.f32 v26, v27;
	v20 =	vmax.f32 v28, v9;
	v13 =	vmax.f32 v24, v25;
	v15 =	vld [tilespmem:s31+$0xFFFFFFA0]  }
0x3c: {  	s4 =	simm.s32 $0x0;
	v9 =	vmax.f32 v17, v4;
	v17 =	vld [tilespmem:s31+$0xFFFFFFB0];
	v13 =	vmax.f32 v13, v19;
	v4 =	vmax.f32 v20, v16  }
0x3d: {  	s5 =	simm.s32 $0x300;
	s0 =	simm.s32 $0x10010;
	s1 =	simm.s32 $0x10010;
	v16 =	vmax.f32 v14, v29;
	v14 =	vmax.f32 v4, v18;
	v18 =	vld [tilespmem:s31+$0x80];
	v4 =	vimm.f32 $-3.000000010e+38  }
.LBB2_2:
0x3e: {  	v19 =	vld [tilespmem:s5+$0x70];
	s4 =	sadd.s32 $0x2, s4;
	s1 =	sadd.s32 $0x20, s1  }
0x3f: {  	v20 =	vld [tilespmem:s5+$0xF0];
	p0 =	slt.u32 s4, $0x1E  }
0x40: {  	v21 =	vld [tilespmem:s5+$0xE0]  }
0x41: {  	v10 =	vmax.f32 v10, v12;
	v5 =	vmax.f32 v6, v5;
	v22 =	vld [tilespmem:s5+$0xD0];
	v15 =	vmax.f32 v15, v17  }
0x42: {  	v10 =	vmax.f32 v16, v10;
	v6 =	vld [tilespmem:s5+$0xC0];
	v8 =	vmax.f32 v8, v15;
	v11 =	vmax.f32 v18, v11  }
0x43: {  	v9 =	vmax.f32 v10, v9;
	v16 =	vld [tilespmem:s5+$0x0];
	v8 =	vmax.f32 v8, v13;
	v7 =	vmax.f32 v11, v7  }
0x44: {  	v13 =	vld [tilespmem:s5+$0xFFFFFF10];
	v8 =	vmax.f32 v14, v8;
	v7 =	vmax.f32 v7, v5  }
0x45: {  	v10 =	vld [tilespmem:s5+$0xFFFFFF20];
	v5 =	vmax.f32 v21, v20;
	[tilespmem:s0+$0xFFFFFFF0] =	vst v8;
	v4 =	vmax.f32 v4, v8;
	v7 =	vmax.f32 v9, v7  }
0x46: {  	v11 =	vld [tilespmem:s5+$0xFFFFFF30];
	[tilespmem:s0+$0x0] =	vst v7;
	v4 =	vmax.f32 v4, v7;
	s0 =	smov.u32 s1  }
0x47: {  	v9 =	vld [tilespmem:s5+$0xFFFFFF40];
	v6 =	vmax.f32 v6, v22  }
0x48: {  	v12 =	vld [tilespmem:s5+$0xFFFFFF50]  }
0x49: {  	v7 =	vld [tilespmem:s5+$0xFFFFFF60]  }
0x4a: {  	v14 =	vld [tilespmem:s5+$0xFFFFFF70]  }
0x4b: {  	v8 =	vld [tilespmem:s5+$0xFFFFFF80]  }
0x4c: {  	v15 =	vld [tilespmem:s5+$0xFFFFFF90]  }
0x4d: {  	v17 =	vld [tilespmem:s5+$0xB0]  }
0x4e: {  	v18 =	vld [tilespmem:s5+$0x40]  }
0x4f: {  	v20 =	vld [tilespmem:s5+$0xA0]  }
0x50: {  	v21 =	vld [tilespmem:s5+$0x50]  }
0x51: {  	v22 =	vld [tilespmem:s5+$0x60]  }
0x52: {  	v8 =	vmax.f32 v8, v15;
	v23 =	vld [tilespmem:s5+$0xFFFFFFC0]  }
0x53: {  	v15 =	vld [tilespmem:s5+$0xFFFFFFD0]  }
0x54: {  	v14 =	vmax.f32 v7, v14;
	v24 =	vld [tilespmem:s5+$0xFFFFFFE0];
	v7 =	vmax.f32 v20, v17  }
0x55: {  	v17 =	vld [tilespmem:s5+$0xFFFFFFF0];
	v18 =	vmax.f32 v18, v21  }
0x56: {  	v9 =	vmax.f32 v9, v12;
	v20 =	vld [tilespmem:s5+$0xFFFFFF00];
	v12 =	vmax.f32 v22, v19  }
0x57: {  	v14 =	vmax.f32 v9, v14;
	v19 =	vld [tilespmem:s5+$0x10];
	v9 =	vmax.f32 v18, v12  }
0x58: {  	v18 =	vmax.f32 v10, v11;
	v21 =	vmax.f32 v23, v15;
	v10 =	vld [tilespmem:s5+$0x20]  }
.Ltmp0:
0x59: {  	v12 =	vld [tilespmem:s5+$0x30];
	(pc) =	sbr.rel @p0 .LBB2_2-.Ltmp0, $4  }
0x5a: {  	v17 =	vmax.f32 v24, v17;
	v11 =	vld [tilespmem:s5+$0x90]  }
0x5b: {  	v15 =	vld [tilespmem:s5+$0xFFFFFFA0];
	v20 =	vmax.f32 v20, v13;
	v13 =	vmax.f32 v21, v17  }
0x5c: {  	v17 =	vld [tilespmem:s5+$0xFFFFFFB0];
	v18 =	vmax.f32 v20, v18;
	v16 =	vmax.f32 v16, v19  }
0x5d: {  	v14 =	vmax.f32 v18, v14;
	v18 =	vld [tilespmem:s5+$0x80];
	s5 =	sadd.s32 $0x200, s5  }
0x5e: {  	_ =	sdelay $0x2  }
0x5f: {  	v10 =	vmax.f32 v10, v12;
	v15 =	vmax.f32 v15, v17  }
0x60: {  	v5 =	vmax.f32 v6, v5;
	v6 =	vmax.f32 v8, v15;
	v8 =	vmax.f32 v18, v11  }
0x61: {  	v10 =	vmax.f32 v16, v10;
	v6 =	vmax.f32 v6, v13;
	v7 =	vmax.f32 v8, v7  }
0x62: {  	v8 =	vmax.f32 v10, v9;
	v6 =	vmax.f32 v14, v6;
	v5 =	vmax.f32 v7, v5  }
0x63: {  	[tilespmem:s0+$0xFFFFFFF0] =	vst v6;
	v5 =	vmax.f32 v8, v5  }
0x64: {  	[tilespmem:s0+$0x0] =	vst v5  }
0x65: {  	_ =	swait.ge [sflag:s16], $0x2000  }
0x66: {  	[sflag:s16] =	ssyncset.done $0x0  }
0x67: {  	s31 =	simm.s32 $0x21F0;
	[sflag:s16] =	ssyncadd.s32 $0xFFFFE000  }
0x68: {  	v9 =	vld [tilespmem:s31+$0xFFFFFF80]  }
0x69: {  	v7 =	vld [tilespmem:s31+$0x0]  }
0x6a: {  	v8 =	vld [tilespmem:s31+$0xFFFFFFF0]  }
0x6b: {  	v10 =	vld [tilespmem:s31+$0xFFFFFFE0]  }
0x6c: {  	v11 =	vld [tilespmem:s31+$0xFFFFFFD0]  }
0x6d: {  	v14 =	vld [tilespmem:s31+$0xFFFFFF10]  }
0x6e: {  	v13 =	vld [tilespmem:s31+$0xFFFFFE20]  }
0x6f: {  	v15 =	vld [tilespmem:s31+$0xFFFFFE30]  }
0x70: {  	v16 =	vld [tilespmem:s31+$0xFFFFFE40]  }
0x71: {  	v12 =	vld [tilespmem:s31+$0xFFFFFE50]  }
0x72: {  	v17 =	vld [tilespmem:s31+$0xFFFFFE60]  }
0x73: {  	v18 =	vld [tilespmem:s31+$0xFFFFFE70]  }
0x74: {  	v19 =	vld [tilespmem:s31+$0xFFFFFE80]  }
0x75: {  	v20 =	vld [tilespmem:s31+$0xFFFFFE90]  }
0x76: {  	v21 =	vld [tilespmem:s31+$0xFFFFFEA0]  }
0x77: {  	v22 =	vld [tilespmem:s31+$0xFFFFFFC0]  }
0x78: {  	v23 =	vld [tilespmem:s31+$0xFFFFFF50]  }
0x79: {  	v24 =	vld [tilespmem:s31+$0xFFFFFFB0]  }
0x7a: {  	v25 =	vld [tilespmem:s31+$0xFFFFFF60]  }
0x7b: {  	v26 =	vld [tilespmem:s31+$0xFFFFFF70]  }
0x7c: {  	v27 =	vld [tilespmem:s31+$0xFFFFFED0]  }
0x7d: {  	v28 =	vld [tilespmem:s31+$0xFFFFFEE0]  }
0x7e: {  	v29 =	vld [tilespmem:s31+$0xFFFFFEF0]  }
0x7f: {  	v30 =	vld [tilespmem:s31+$0xFFFFFF00]  }
0x80: {  	v4 =	vmax.f32 v4, v6;
	v31 =	vld [tilespmem:s31+$0xFFFFFE10]  }
0x81: {  	v4 =	vmax.f32 v4, v5;
	v32 =	vld [tilespmem:s31+$0xFFFFFF20]  }
0x82: {  	v5 =	vmax.f32 v8, v7;
	v6 =	vmax.f32 v11, v10;
	v8 =	vmax.f32 v20, v21;
	v10 =	vld [tilespmem:s31+$0xFFFFFF30]  }
0x83: {  	v11 =	vmax.f32 v18, v19;
	v7 =	vmax.f32 v24, v22;
	v17 =	vmax.f32 v12, v17;
	v12 =	vld [tilespmem:s31+$0xFFFFFF40]  }
0x84: {  	v18 =	vmax.f32 v23, v25;
	v9 =	vmax.f32 v26, v9;
	v16 =	vmax.f32 v15, v16;
	v15 =	vld [tilespmem:s31+$0xFFFFFEB0]  }
0x85: {  	v13 =	vmax.f32 v31, v13;
	v20 =	vmax.f32 v29, v30;
	v19 =	vmax.f32 v17, v11;
	v11 =	vld [tilespmem:s31+$0xFFFFFFA0]  }
0x86: {  	s1 =	simm.s32 $0x10210;
	v9 =	vmax.f32 v18, v9;
	v18 =	vmax.f32 v27, v28;
	v17 =	vld [tilespmem:s31+$0xFFFFFEC0];
	v63 =	vmax.f32 v13, v16  }
0x87: {  	s4 =	simm.s32 $0x20;
	s5 =	simm.s32 $0x23F0;
	s0 =	simm.s32 $0x10210;
	v16 =	vmax.f32 v14, v32;
	v13 =	vmax.f32 v18, v20;
	v14 =	vmax.f32 v63, v19;
	v18 =	vld [tilespmem:s31+$0xFFFFFF90]  }
.LBB2_4:
0x88: {  	v19 =	vld [tilespmem:s5+$0xFFFFFF80];
	s4 =	sadd.s32 $0x2, s4;
	s1 =	sadd.s32 $0x20, s1  }
0x89: {  	v20 =	vld [tilespmem:s5+$0x0];
	p0 =	slt.u32 s4, $0x3E  }
0x8a: {  	v21 =	vld [tilespmem:s5+$0xFFFFFFF0]  }
0x8b: {  	v10 =	vmax.f32 v10, v12;
	v5 =	vmax.f32 v6, v5;
	v22 =	vld [tilespmem:s5+$0xFFFFFFE0];
	v15 =	vmax.f32 v15, v17  }
0x8c: {  	v10 =	vmax.f32 v16, v10;
	v6 =	vld [tilespmem:s5+$0xFFFFFFD0];
	v8 =	vmax.f32 v8, v15;
	v11 =	vmax.f32 v18, v11  }
0x8d: {  	v9 =	vmax.f32 v10, v9;
	v16 =	vld [tilespmem:s5+$0xFFFFFF10];
	v8 =	vmax.f32 v8, v13;
	v7 =	vmax.f32 v11, v7  }
0x8e: {  	v13 =	vld [tilespmem:s5+$0xFFFFFE20];
	v8 =	vmax.f32 v14, v8;
	v7 =	vmax.f32 v7, v5  }
0x8f: {  	v10 =	vld [tilespmem:s5+$0xFFFFFE30];
	v5 =	vmax.f32 v21, v20;
	[tilespmem:s0+$0xFFFFFFF0] =	vst v8;
	v4 =	vmax.f32 v4, v8;
	v7 =	vmax.f32 v9, v7  }
0x90: {  	v11 =	vld [tilespmem:s5+$0xFFFFFE40];
	[tilespmem:s0+$0x0] =	vst v7;
	v4 =	vmax.f32 v4, v7;
	s0 =	smov.u32 s1  }
0x91: {  	v9 =	vld [tilespmem:s5+$0xFFFFFE50];
	v6 =	vmax.f32 v6, v22  }
0x92: {  	v12 =	vld [tilespmem:s5+$0xFFFFFE60]  }
0x93: {  	v7 =	vld [tilespmem:s5+$0xFFFFFE70]  }
0x94: {  	v14 =	vld [tilespmem:s5+$0xFFFFFE80]  }
0x95: {  	v8 =	vld [tilespmem:s5+$0xFFFFFE90]  }
0x96: {  	v15 =	vld [tilespmem:s5+$0xFFFFFEA0]  }
0x97: {  	v17 =	vld [tilespmem:s5+$0xFFFFFFC0]  }
0x98: {  	v18 =	vld [tilespmem:s5+$0xFFFFFF50]  }
0x99: {  	v20 =	vld [tilespmem:s5+$0xFFFFFFB0]  }
0x9a: {  	v21 =	vld [tilespmem:s5+$0xFFFFFF60]  }
0x9b: {  	v22 =	vld [tilespmem:s5+$0xFFFFFF70]  }
0x9c: {  	v8 =	vmax.f32 v8, v15;
	v23 =	vld [tilespmem:s5+$0xFFFFFED0]  }
0x9d: {  	v15 =	vld [tilespmem:s5+$0xFFFFFEE0]  }
0x9e: {  	v14 =	vmax.f32 v7, v14;
	v24 =	vld [tilespmem:s5+$0xFFFFFEF0];
	v7 =	vmax.f32 v20, v17  }
0x9f: {  	v17 =	vld [tilespmem:s5+$0xFFFFFF00];
	v18 =	vmax.f32 v18, v21  }
0xa0: {  	v9 =	vmax.f32 v9, v12;
	v20 =	vld [tilespmem:s5+$0xFFFFFE10];
	v12 =	vmax.f32 v22, v19  }
0xa1: {  	v14 =	vmax.f32 v9, v14;
	v19 =	vld [tilespmem:s5+$0xFFFFFF20];
	v9 =	vmax.f32 v18, v12  }
0xa2: {  	v18 =	vmax.f32 v10, v11;
	v21 =	vmax.f32 v23, v15;
	v10 =	vld [tilespmem:s5+$0xFFFFFF30]  }
.Ltmp1:
0xa3: {  	v12 =	vld [tilespmem:s5+$0xFFFFFF40];
	(pc) =	sbr.rel @p0 .LBB2_4-.Ltmp1, $4  }
0xa4: {  	v17 =	vmax.f32 v24, v17;
	v11 =	vld [tilespmem:s5+$0xFFFFFFA0]  }
0xa5: {  	v15 =	vld [tilespmem:s5+$0xFFFFFEB0];
	v20 =	vmax.f32 v20, v13;
	v13 =	vmax.f32 v21, v17  }
0xa6: {  	v17 =	vld [tilespmem:s5+$0xFFFFFEC0];
	v18 =	vmax.f32 v20, v18;
	v16 =	vmax.f32 v16, v19  }
0xa7: {  	v14 =	vmax.f32 v18, v14;
	v18 =	vld [tilespmem:s5+$0xFFFFFF90];
	s5 =	sadd.s32 $0x200, s5  }
0xa8: {  	_ =	sdelay $0x2  }
0xa9: {  	v10 =	vmax.f32 v10, v12;
	v15 =	vmax.f32 v15, v17  }
0xaa: {  	v5 =	vmax.f32 v6, v5;
	v6 =	vmax.f32 v8, v15;
	v8 =	vmax.f32 v18, v11  }
0xab: {  	v10 =	vmax.f32 v16, v10;
	v6 =	vmax.f32 v6, v13;
	v7 =	vmax.f32 v8, v7  }
0xac: {  	v8 =	vmax.f32 v10, v9;
	v6 =	vmax.f32 v14, v6;
	v5 =	vmax.f32 v7, v5  }
0xad: {  	[tilespmem:s0+$0xFFFFFFF0] =	vst v6;
	v5 =	vmax.f32 v8, v5  }
0xae: {  	[tilespmem:s0+$0x0] =	vst v5  }
0xaf: {  	_ =	swait.ge [sflag:s16], $0x2000  }
0xb0: {  	[sflag:s16] =	ssyncset.done $0x0  }
0xb1: {  	s31 =	simm.s32 $0x41F0;
	[sflag:s16] =	ssyncadd.s32 $0xFFFFE000  }
0xb2: {  	v9 =	vld [tilespmem:s31+$0xFFFFFF80]  }
0xb3: {  	v7 =	vld [tilespmem:s31+$0x0]  }
0xb4: {  	v8 =	vld [tilespmem:s31+$0xFFFFFFF0]  }
0xb5: {  	v10 =	vld [tilespmem:s31+$0xFFFFFFE0]  }
0xb6: {  	v11 =	vld [tilespmem:s31+$0xFFFFFFD0]  }
0xb7: {  	v14 =	vld [tilespmem:s31+$0xFFFFFF10]  }
0xb8: {  	v13 =	vld [tilespmem:s31+$0xFFFFFE20]  }
0xb9: {  	v15 =	vld [tilespmem:s31+$0xFFFFFE30]  }
0xba: {  	v16 =	vld [tilespmem:s31+$0xFFFFFE40]  }
0xbb: {  	v12 =	vld [tilespmem:s31+$0xFFFFFE50]  }
0xbc: {  	v17 =	vld [tilespmem:s31+$0xFFFFFE60]  }
0xbd: {  	v18 =	vld [tilespmem:s31+$0xFFFFFE70]  }
0xbe: {  	v19 =	vld [tilespmem:s31+$0xFFFFFE80]  }
0xbf: {  	v20 =	vld [tilespmem:s31+$0xFFFFFE90]  }
0xc0: {  	v21 =	vld [tilespmem:s31+$0xFFFFFEA0]  }
0xc1: {  	v22 =	vld [tilespmem:s31+$0xFFFFFFC0]  }
0xc2: {  	v23 =	vld [tilespmem:s31+$0xFFFFFF50]  }
0xc3: {  	v24 =	vld [tilespmem:s31+$0xFFFFFFB0]  }
0xc4: {  	v25 =	vld [tilespmem:s31+$0xFFFFFF60]  }
0xc5: {  	v26 =	vld [tilespmem:s31+$0xFFFFFF70]  }
0xc6: {  	v27 =	vld [tilespmem:s31+$0xFFFFFED0]  }
0xc7: {  	v28 =	vld [tilespmem:s31+$0xFFFFFEE0]  }
0xc8: {  	v29 =	vld [tilespmem:s31+$0xFFFFFEF0]  }
0xc9: {  	v30 =	vld [tilespmem:s31+$0xFFFFFF00]  }
0xca: {  	v4 =	vmax.f32 v4, v6;
	v31 =	vld [tilespmem:s31+$0xFFFFFE10]  }
0xcb: {  	v4 =	vmax.f32 v4, v5;
	v32 =	vld [tilespmem:s31+$0xFFFFFF20]  }
0xcc: {  	v5 =	vmax.f32 v8, v7;
	v6 =	vmax.f32 v11, v10;
	v8 =	vmax.f32 v20, v21;
	v10 =	vld [tilespmem:s31+$0xFFFFFF30]  }
0xcd: {  	v11 =	vmax.f32 v18, v19;
	v7 =	vmax.f32 v24, v22;
	v17 =	vmax.f32 v12, v17;
	v12 =	vld [tilespmem:s31+$0xFFFFFF40]  }
0xce: {  	v18 =	vmax.f32 v23, v25;
	v9 =	vmax.f32 v26, v9;
	v16 =	vmax.f32 v15, v16;
	v15 =	vld [tilespmem:s31+$0xFFFFFEB0]  }
0xcf: {  	v13 =	vmax.f32 v31, v13;
	v20 =	vmax.f32 v29, v30;
	v19 =	vmax.f32 v17, v11;
	v11 =	vld [tilespmem:s31+$0xFFFFFFA0]  }
0xd0: {  	s1 =	simm.s32 $0x10410;
	v9 =	vmax.f32 v18, v9;
	v18 =	vmax.f32 v27, v28;
	v17 =	vld [tilespmem:s31+$0xFFFFFEC0];
	v63 =	vmax.f32 v13, v16  }
0xd1: {  	s4 =	simm.s32 $0x40;
	s5 =	simm.s32 $0x43F0;
	s0 =	simm.s32 $0x10410;
	v16 =	vmax.f32 v14, v32;
	v13 =	vmax.f32 v18, v20;
	v14 =	vmax.f32 v63, v19;
	v18 =	vld [tilespmem:s31+$0xFFFFFF90]  }
.LBB2_6:
0xd2: {  	v19 =	vld [tilespmem:s5+$0xFFFFFF80];
	s4 =	sadd.s32 $0x2, s4;
	s1 =	sadd.s32 $0x20, s1  }
0xd3: {  	v20 =	vld [tilespmem:s5+$0x0];
	p0 =	slt.u32 s4, $0x5E  }
0xd4: {  	v21 =	vld [tilespmem:s5+$0xFFFFFFF0]  }
0xd5: {  	v10 =	vmax.f32 v10, v12;
	v5 =	vmax.f32 v6, v5;
	v22 =	vld [tilespmem:s5+$0xFFFFFFE0];
	v15 =	vmax.f32 v15, v17  }
0xd6: {  	v10 =	vmax.f32 v16, v10;
	v6 =	vld [tilespmem:s5+$0xFFFFFFD0];
	v8 =	vmax.f32 v8, v15;
	v11 =	vmax.f32 v18, v11  }
0xd7: {  	v9 =	vmax.f32 v10, v9;
	v16 =	vld [tilespmem:s5+$0xFFFFFF10];
	v8 =	vmax.f32 v8, v13;
	v7 =	vmax.f32 v11, v7  }
0xd8: {  	v13 =	vld [tilespmem:s5+$0xFFFFFE20];
	v8 =	vmax.f32 v14, v8;
	v7 =	vmax.f32 v7, v5  }
0xd9: {  	v10 =	vld [tilespmem:s5+$0xFFFFFE30];
	v5 =	vmax.f32 v21, v20;
	[tilespmem:s0+$0xFFFFFFF0] =	vst v8;
	v4 =	vmax.f32 v4, v8;
	v7 =	vmax.f32 v9, v7  }
0xda: {  	v11 =	vld [tilespmem:s5+$0xFFFFFE40];
	[tilespmem:s0+$0x0] =	vst v7;
	v4 =	vmax.f32 v4, v7;
	s0 =	smov.u32 s1  }
0xdb: {  	v9 =	vld [tilespmem:s5+$0xFFFFFE50];
	v6 =	vmax.f32 v6, v22  }
0xdc: {  	v12 =	vld [tilespmem:s5+$0xFFFFFE60]  }
0xdd: {  	v7 =	vld [tilespmem:s5+$0xFFFFFE70]  }
0xde: {  	v14 =	vld [tilespmem:s5+$0xFFFFFE80]  }
0xdf: {  	v8 =	vld [tilespmem:s5+$0xFFFFFE90]  }
0xe0: {  	v15 =	vld [tilespmem:s5+$0xFFFFFEA0]  }
0xe1: {  	v17 =	vld [tilespmem:s5+$0xFFFFFFC0]  }
0xe2: {  	v18 =	vld [tilespmem:s5+$0xFFFFFF50]  }
0xe3: {  	v20 =	vld [tilespmem:s5+$0xFFFFFFB0]  }
0xe4: {  	v21 =	vld [tilespmem:s5+$0xFFFFFF60]  }
0xe5: {  	v22 =	vld [tilespmem:s5+$0xFFFFFF70]  }
0xe6: {  	v8 =	vmax.f32 v8, v15;
	v23 =	vld [tilespmem:s5+$0xFFFFFED0]  }
0xe7: {  	v15 =	vld [tilespmem:s5+$0xFFFFFEE0]  }
0xe8: {  	v14 =	vmax.f32 v7, v14;
	v24 =	vld [tilespmem:s5+$0xFFFFFEF0];
	v7 =	vmax.f32 v20, v17  }
0xe9: {  	v17 =	vld [tilespmem:s5+$0xFFFFFF00];
	v18 =	vmax.f32 v18, v21  }
0xea: {  	v9 =	vmax.f32 v9, v12;
	v20 =	vld [tilespmem:s5+$0xFFFFFE10];
	v12 =	vmax.f32 v22, v19  }
0xeb: {  	v14 =	vmax.f32 v9, v14;
	v19 =	vld [tilespmem:s5+$0xFFFFFF20];
	v9 =	vmax.f32 v18, v12  }
0xec: {  	v18 =	vmax.f32 v10, v11;
	v21 =	vmax.f32 v23, v15;
	v10 =	vld [tilespmem:s5+$0xFFFFFF30]  }
.Ltmp2:
0xed: {  	v12 =	vld [tilespmem:s5+$0xFFFFFF40];
	(pc) =	sbr.rel @p0 .LBB2_6-.Ltmp2, $4  }
0xee: {  	v17 =	vmax.f32 v24, v17;
	v11 =	vld [tilespmem:s5+$0xFFFFFFA0]  }
0xef: {  	v15 =	vld [tilespmem:s5+$0xFFFFFEB0];
	v20 =	vmax.f32 v20, v13;
	v13 =	vmax.f32 v21, v17  }
0xf0: {  	v17 =	vld [tilespmem:s5+$0xFFFFFEC0];
	v18 =	vmax.f32 v20, v18;
	v16 =	vmax.f32 v16, v19  }
0xf1: {  	v14 =	vmax.f32 v18, v14;
	v18 =	vld [tilespmem:s5+$0xFFFFFF90];
	s5 =	sadd.s32 $0x200, s5  }
0xf2: {  	_ =	sdelay $0x2  }
0xf3: {  	v10 =	vmax.f32 v10, v12;
	v15 =	vmax.f32 v15, v17  }
0xf4: {  	v5 =	vmax.f32 v6, v5;
	v6 =	vmax.f32 v8, v15;
	v8 =	vmax.f32 v18, v11  }
0xf5: {  	v10 =	vmax.f32 v16, v10;
	v6 =	vmax.f32 v6, v13;
	v7 =	vmax.f32 v8, v7  }
0xf6: {  	v8 =	vmax.f32 v10, v9;
	v6 =	vmax.f32 v14, v6;
	v5 =	vmax.f32 v7, v5  }
0xf7: {  	[tilespmem:s0+$0xFFFFFFF0] =	vst v6;
	v5 =	vmax.f32 v8, v5  }
0xf8: {  	[tilespmem:s0+$0x0] =	vst v5  }
0xf9: {  	_ =	swait.ge [sflag:s16], $0x2000  }
0xfa: {  	[sflag:s16] =	ssyncset.done $0x0  }
0xfb: {  	s31 =	simm.s32 $0x61F0;
	[sflag:s16] =	ssyncadd.s32 $0xFFFFE000  }
0xfc: {  	v9 =	vld [tilespmem:s31+$0xFFFFFF80]  }
0xfd: {  	v7 =	vld [tilespmem:s31+$0x0]  }
0xfe: {  	v8 =	vld [tilespmem:s31+$0xFFFFFFF0]  }
0xff: {  	v10 =	vld [tilespmem:s31+$0xFFFFFFE0]  }
0x100: {  	v11 =	vld [tilespmem:s31+$0xFFFFFFD0]  }
0x101: {  	v14 =	vld [tilespmem:s31+$0xFFFFFF10]  }
0x102: {  	v13 =	vld [tilespmem:s31+$0xFFFFFE20]  }
0x103: {  	v15 =	vld [tilespmem:s31+$0xFFFFFE30]  }
0x104: {  	v16 =	vld [tilespmem:s31+$0xFFFFFE40]  }
0x105: {  	v12 =	vld [tilespmem:s31+$0xFFFFFE50]  }
0x106: {  	v17 =	vld [tilespmem:s31+$0xFFFFFE60]  }
0x107: {  	v18 =	vld [tilespmem:s31+$0xFFFFFE70]  }
0x108: {  	v19 =	vld [tilespmem:s31+$0xFFFFFE80]  }
0x109: {  	v20 =	vld [tilespmem:s31+$0xFFFFFE90]  }
0x10a: {  	v21 =	vld [tilespmem:s31+$0xFFFFFEA0]  }
0x10b: {  	v22 =	vld [tilespmem:s31+$0xFFFFFFC0]  }
0x10c: {  	v23 =	vld [tilespmem:s31+$0xFFFFFF50]  }
0x10d: {  	v24 =	vld [tilespmem:s31+$0xFFFFFFB0]  }
0x10e: {  	v25 =	vld [tilespmem:s31+$0xFFFFFF60]  }
0x10f: {  	v26 =	vld [tilespmem:s31+$0xFFFFFF70]  }
0x110: {  	v27 =	vld [tilespmem:s31+$0xFFFFFED0]  }
0x111: {  	v28 =	vld [tilespmem:s31+$0xFFFFFEE0]  }
0x112: {  	v29 =	vld [tilespmem:s31+$0xFFFFFEF0]  }
0x113: {  	v30 =	vld [tilespmem:s31+$0xFFFFFF00]  }
0x114: {  	v4 =	vmax.f32 v4, v6;
	v31 =	vld [tilespmem:s31+$0xFFFFFE10]  }
0x115: {  	v4 =	vmax.f32 v4, v5;
	v32 =	vld [tilespmem:s31+$0xFFFFFF20]  }
0x116: {  	v5 =	vmax.f32 v8, v7;
	v6 =	vmax.f32 v11, v10;
	v8 =	vmax.f32 v20, v21;
	v10 =	vld [tilespmem:s31+$0xFFFFFF30]  }
0x117: {  	v11 =	vmax.f32 v18, v19;
	v7 =	vmax.f32 v24, v22;
	v17 =	vmax.f32 v12, v17;
	v12 =	vld [tilespmem:s31+$0xFFFFFF40]  }
0x118: {  	v18 =	vmax.f32 v23, v25;
	v9 =	vmax.f32 v26, v9;
	v16 =	vmax.f32 v15, v16;
	v15 =	vld [tilespmem:s31+$0xFFFFFEB0]  }
0x119: {  	v13 =	vmax.f32 v31, v13;
	v20 =	vmax.f32 v29, v30;
	v19 =	vmax.f32 v17, v11;
	v11 =	vld [tilespmem:s31+$0xFFFFFFA0]  }
0x11a: {  	s1 =	simm.s32 $0x10610;
	v9 =	vmax.f32 v18, v9;
	v18 =	vmax.f32 v27, v28;
	v17 =	vld [tilespmem:s31+$0xFFFFFEC0];
	v63 =	vmax.f32 v13, v16  }
0x11b: {  	s4 =	simm.s32 $0x60;
	s5 =	simm.s32 $0x63F0;
	s0 =	simm.s32 $0x10610;
	v16 =	vmax.f32 v14, v32;
	v13 =	vmax.f32 v18, v20;
	v14 =	vmax.f32 v63, v19;
	v18 =	vld [tilespmem:s31+$0xFFFFFF90]  }
.LBB2_8:
0x11c: {  	v19 =	vld [tilespmem:s5+$0xFFFFFF80];
	s4 =	sadd.s32 $0x2, s4;
	s1 =	sadd.s32 $0x20, s1  }
0x11d: {  	v20 =	vld [tilespmem:s5+$0x0];
	p0 =	slt.u32 s4, $0x7E  }
0x11e: {  	v21 =	vld [tilespmem:s5+$0xFFFFFFF0]  }
0x11f: {  	v10 =	vmax.f32 v10, v12;
	v5 =	vmax.f32 v6, v5;
	v22 =	vld [tilespmem:s5+$0xFFFFFFE0];
	v15 =	vmax.f32 v15, v17  }
0x120: {  	v10 =	vmax.f32 v16, v10;
	v6 =	vld [tilespmem:s5+$0xFFFFFFD0];
	v8 =	vmax.f32 v8, v15;
	v11 =	vmax.f32 v18, v11  }
0x121: {  	v9 =	vmax.f32 v10, v9;
	v16 =	vld [tilespmem:s5+$0xFFFFFF10];
	v8 =	vmax.f32 v8, v13;
	v7 =	vmax.f32 v11, v7  }
0x122: {  	v13 =	vld [tilespmem:s5+$0xFFFFFE20];
	v8 =	vmax.f32 v14, v8;
	v7 =	vmax.f32 v7, v5  }
0x123: {  	v10 =	vld [tilespmem:s5+$0xFFFFFE30];
	v5 =	vmax.f32 v21, v20;
	[tilespmem:s0+$0xFFFFFFF0] =	vst v8;
	v4 =	vmax.f32 v4, v8;
	v7 =	vmax.f32 v9, v7  }
0x124: {  	v11 =	vld [tilespmem:s5+$0xFFFFFE40];
	[tilespmem:s0+$0x0] =	vst v7;
	v4 =	vmax.f32 v4, v7;
	s0 =	smov.u32 s1  }
0x125: {  	v9 =	vld [tilespmem:s5+$0xFFFFFE50];
	v6 =	vmax.f32 v6, v22  }
0x126: {  	v12 =	vld [tilespmem:s5+$0xFFFFFE60]  }
0x127: {  	v7 =	vld [tilespmem:s5+$0xFFFFFE70]  }
0x128: {  	v14 =	vld [tilespmem:s5+$0xFFFFFE80]  }
0x129: {  	v8 =	vld [tilespmem:s5+$0xFFFFFE90]  }
0x12a: {  	v15 =	vld [tilespmem:s5+$0xFFFFFEA0]  }
0x12b: {  	v17 =	vld [tilespmem:s5+$0xFFFFFFC0]  }
0x12c: {  	v18 =	vld [tilespmem:s5+$0xFFFFFF50]  }
0x12d: {  	v20 =	vld [tilespmem:s5+$0xFFFFFFB0]  }
0x12e: {  	v21 =	vld [tilespmem:s5+$0xFFFFFF60]  }
0x12f: {  	v22 =	vld [tilespmem:s5+$0xFFFFFF70]  }
0x130: {  	v8 =	vmax.f32 v8, v15;
	v23 =	vld [tilespmem:s5+$0xFFFFFED0]  }
0x131: {  	v15 =	vld [tilespmem:s5+$0xFFFFFEE0]  }
0x132: {  	v14 =	vmax.f32 v7, v14;
	v24 =	vld [tilespmem:s5+$0xFFFFFEF0];
	v7 =	vmax.f32 v20, v17  }
0x133: {  	v17 =	vld [tilespmem:s5+$0xFFFFFF00];
	v18 =	vmax.f32 v18, v21  }
0x134: {  	v9 =	vmax.f32 v9, v12;
	v20 =	vld [tilespmem:s5+$0xFFFFFE10];
	v12 =	vmax.f32 v22, v19  }
0x135: {  	v14 =	vmax.f32 v9, v14;
	v19 =	vld [tilespmem:s5+$0xFFFFFF20];
	v9 =	vmax.f32 v18, v12  }
0x136: {  	v18 =	vmax.f32 v10, v11;
	v21 =	vmax.f32 v23, v15;
	v10 =	vld [tilespmem:s5+$0xFFFFFF30]  }
.Ltmp3:
0x137: {  	v12 =	vld [tilespmem:s5+$0xFFFFFF40];
	(pc) =	sbr.rel @p0 .LBB2_8-.Ltmp3, $4  }
0x138: {  	v17 =	vmax.f32 v24, v17;
	v11 =	vld [tilespmem:s5+$0xFFFFFFA0]  }
0x139: {  	v15 =	vld [tilespmem:s5+$0xFFFFFEB0];
	v20 =	vmax.f32 v20, v13;
	v13 =	vmax.f32 v21, v17  }
0x13a: {  	v17 =	vld [tilespmem:s5+$0xFFFFFEC0];
	v18 =	vmax.f32 v20, v18;
	v16 =	vmax.f32 v16, v19  }
0x13b: {  	v14 =	vmax.f32 v18, v14;
	v18 =	vld [tilespmem:s5+$0xFFFFFF90];
	s5 =	sadd.s32 $0x200, s5  }
0x13c: {  	_ =	sdelay $0x2  }
0x13d: {  	v10 =	vmax.f32 v10, v12;
	v15 =	vmax.f32 v15, v17  }
0x13e: {  	v5 =	vmax.f32 v6, v5;
	v6 =	vmax.f32 v8, v15;
	v8 =	vmax.f32 v18, v11  }
0x13f: {  	v10 =	vmax.f32 v16, v10;
	v6 =	vmax.f32 v6, v13;
	v7 =	vmax.f32 v8, v7  }
0x140: {  	v8 =	vmax.f32 v10, v9;
	v6 =	vmax.f32 v14, v6;
	v5 =	vmax.f32 v7, v5  }
0x141: {  	v4 =	vmax.f32 v4, v6;
	v5 =	vmax.f32 v8, v5  }
0x142: {  	v4 =	vmax.f32 v4, v5  }
0x143: {  	(xrf0) =	vmax.scan.msk.f32 $0xffff, v4;
	_ =	sdelay $0x5  }
0x144: {  	v4, _, _ =	vpop (xrf0)  }
0x145: {  	(v2sf) =	vpush v4, $0xF;
	_ =	sdelay $0xb  }
0x146: {  	[tilespmem:s0+$0xFFFFFFF0] =	vst v6  }
0x147: {  	s1 =	simm.s32 $0x10010;
	[tilespmem:s0+$0x0] =	vst v5  }
0x148: {  	s0 =	simm.s32 $0x0;
	v8 =	vld [tilespmem:s1+$0x0]  }
0x149: {  	v5 =	vmov s0;
	v7 =	vld [tilespmem:s1+$0xFFFFFFF0];
	s31 =	spop (v2sf)  }
0x14a: {  	s4 =	simm.s32 $0x1;
	v5 =	vand.u32 $0xFFFFFFFE, v5;
	s26 =	sadd.f32 $-1.000000000e+00, s31  }
0x14b: {  	v6 =	vmov s4;
	v5 =	vbroadcast v5, $0x0  }
0x14c: {  	v4 =	vmov s26  }
0x14d: {  	s4 =	simm.s32 $0x10030;
	s1 =	simm.s32 $0x2;
	vm0 =	vgt.f32 v8, v4  }
.LBB2_10:
0x14e: {  	v8 =	vld [tilespmem:s4+$0x0];
	p0 =	slt.u32 s1, $0x7E;
	vm1 =	vgt.f32 v7, v4;
	v9 =	vmpcnt.ones.xlane vm0;
	s5 =	smov.u32 s1;
	s1 =	sadd.s32 $0x2, s1  }
.Ltmp4:
0x14f: {  	v7 =	vld [tilespmem:s4+$0xFFFFFFF0];
	v10 =	vmov s5;
	v11 =	vmpcnt.ones.xlane vm1;
	(pc) =	sbr.rel @p0 .LBB2_10-.Ltmp4, $3  }
0x150: {  	s5 =	sadd.s32 $0x1, s5;
	v10 =	vand.u32 $0xFFFFFFFE, v10;
	[tilespmem:v6+s18+$0x0] =	vst.idx.msk $0x1, v9  }
0x151: {  	v6 =	vmov s5;
	[tilespmem:v5+s18+$0x0] =	vst.idx.msk $0x1, v11;
	v5 =	vbroadcast v10, $0x0;
	_ =	sdelay $0x1  }
0x152: {  	s4 =	sadd.s32 $0x20, s4;
	vm0 =	vgt.f32 v8, v4  }
0x153: {  	_ =	sdelay $0x1  }
0x154: {  	vm1 =	vgt.f32 v7, v4;
	v7 =	vmpcnt.ones.xlane vm0  }
0x155: {  	v8 =	vmpcnt.ones.xlane vm1  }
0x156: {  	[tilespmem:v6+s18+$0x0] =	vst.idx.msk $0x1, v7  }
0x157: {  	s5 =	simm.s32 $0x0;
	[tilespmem:v5+s18+$0x0] =	vst.idx.msk $0x1, v8  }
0x158: {  	s1 =	simm.s32 $0x10;
	v7 =	vld [tilespmem:s5+$0x10800]  }
0x159: {  	v5 =	vld [tilespmem:s1+$0x10800];
	_ =	sdelay $0x3  }
0x15a: {  	(xrf0) =	vadd.scan.msk.s32 $0xffff, v7  }
0x15b: {  	(xrf0) =	vadd.scan.msk.s32 $0xffff, v5;
	_ =	sdelay $0x4  }
0x15c: {  	s4 =	simm.s32 $0x20;
	v10, _, _ =	vpop (xrf0)  }
0x15d: {  	v8 =	vld [tilespmem:s4+$0x10800];
	(v2sf) =	vpush v10, $0xF;
	v9, _, _ =	vpop (xrf0)  }
0x15e: {  	(v2sf) =	vpush v9, $0xF;
	_ =	sdelay $0x3  }
0x15f: {  	s6 =	simm.s32 $0x30;
	(xrf0) =	vadd.scan.msk.s32 $0xffff, v8  }
0x160: {  	v6 =	vld [tilespmem:s6+$0x10800];
	_ =	sdelay $0x3  }
0x161: {  	s7 =	simm.s32 $0x100  }
.LBB2_12:
0x162: {  	s13 =	sshra.s32 s7, $0x2;
	p0 =	sne.s32 s7, $0x1C0;
	s7 =	sadd.s32 $0x40, s7;
	(xrf0) =	vadd.scan.msk.s32 $0xffff, v6;
	v11, _, _ =	vpop (xrf0);
	v12 =	vsub.s32 s0, v7;
	v7 =	vmov v5;
	v5 =	vmov v8  }
.Ltmp5:
0x163: {  	v8 =	vmovc v6;
	(v2sf) =	vpush v11, $0xF;
	v12 =	vadd.s32 v10, v12;
	v10 =	vmovc v9;
	v9 =	vmov v11;
	v6 =	vld [tilespmem:s13+$0x10800];
	(pc) =	sbr.rel @p0 .LBB2_12-.Ltmp5, $4  }
0x164: {  	[tilespmem:s5+$0x10880] =	vst v12;
	s5 =	smov.u32 s1;
	s1 =	smov.u32 s4;
	s4 =	smov.u32 s6  }
0x165: {  	s6 =	smov.u32 s13  }
0x166: {  	s13 =	spop (v2sf)  }
0x167: {  	s0 =	sadd.s32 s0, s13  }
0x168: {  	v11, _, _ =	vpop (xrf0)  }
0x169: {  	(v2sf) =	vpush v11, $0xF;
	_ =	sdelay $0xa  }
0x16a: {  	(xrf0) =	vadd.scan.msk.s32 $0xffff, v6;
	_ =	sdelay $0x1  }
0x16b: {  	s7 =	spop (v2sf)  }
0x16c: {  	v7 =	vsub.s32 s0, v7;
	s14 =	sadd.s32 s0, s7;
	s15 =	spop (v2sf)  }
0x16d: {  	v7 =	vadd.s32 v10, v7;
	v5 =	vsub.s32 s14, v5;
	s0 =	sadd.s32 s14, s15;
	s20 =	spop (v2sf)  }
0x16e: {  	[tilespmem:s5+$0x10880] =	vst v7;
	v5 =	vadd.s32 v9, v5;
	v7 =	vsub.s32 s0, v8;
	s7 =	sadd.s32 s0, s20  }
0x16f: {  	[tilespmem:s1+$0x10880] =	vst v5;
	v8, _, _ =	vpop (xrf0);
	v5 =	vadd.s32 v11, v7;
	v6 =	vsub.s32 s7, v6  }
0x170: {  	[tilespmem:s4+$0x10880] =	vst v5;
	v5 =	vadd.s32 v8, v6  }
0x171: {  	s21 =	simm.s32 $0x10881;
	[tilespmem:s6+$0x10880] =	vst v5  }
0x172: {  	v5 =	vld [tilespmem:s21+$0x0];
	_ =	sdelay $0x3  }
0x173: {  	(v2sf) =	vpush v8, $0xF  }
0x174: {  	(v2sf) =	vpush v5, $0x0;
	_ =	sdelay $0x2  }
0x175: {  	v6 =	vld [tilespmem:s21+$0xFFFFFFFF];
	_ =	sdelay $0x2  }
0x176: {  	s29 =	simm.s32 $0x10883  }
0x177: {  	v5 =	vld [tilespmem:s29+$0x0]  }
0x178: {  	s30 =	simm.s32 $0x10885;
	v8 =	vld [tilespmem:s29+$0xFFFFFFFF];
	(v2sf) =	vpush v6, $0x0  }
0x179: {  	v9 =	vld [tilespmem:s30+$0x0]  }
0x17a: {  	v12 =	vld [tilespmem:s30+$0xFFFFFFFF];
	_ =	sdelay $0x1  }
0x17b: {  	(v2sf) =	vpush v5, $0x0  }
0x17c: {  	s22 =	simm.s32 $0x10010;
	(v2sf) =	vpush v8, $0x0  }
0x17d: {  	v10 =	vld [tilespmem:s22+$0x0];
	s31 =	spop (v2sf);
	(v2sf) =	vpush v9, $0x0  }
0x17e: {  	s15 =	spop (v2sf);
	(v2sf) =	vpush v12, $0x0;
	_ =	sdelay $0x1  }
0x17f: {  	s13 =	simm.s32 $0x10030;
	v11 =	vld [tilespmem:s22+$0xFFFFFFF0]  }
0x180: {  	v7 =	vld [tilespmem:s13+$0xFFFFFFF0]  }
0x181: {  	s1 =	simm.s32 $0x10050;
	vm1 =	vgt.f32 v10, v4;
	v10 =	vld [tilespmem:s13+$0x0]  }
0x182: {  	s5 =	simm.s32 $0x10887;
	v6 =	vld [tilespmem:s1+$0xFFFFFFF0]  }
0x183: {  	s0 =	simm.s32 $0x10;
	v8 =	vld [tilespmem:s5+$0x0]  }
0x184: {  	s14 =	simm.s32 $0x0;
	s4 =	simm.s32 $0x10070;
	v13 =	vor.u32 s0, v0;
	s6 =	simm.s32 $0x6;
	v9 =	vld [tilespmem:s5+$0xFFFFFFFF]  }
0x185: {  	vm0 =	vgt.f32 v11, v4;
	v11 =	vor.u32 s14, v0;
	v5 =	vld [tilespmem:s4+$0xFFFFFFF0];
	s28 =	sadd.s32 s7, s31;
	s7 =	simm.s32 $0x10090;
	[tilespmem:s15+$0x10980] =	vst.msk vm1, v13;
	s13 =	spop (v2sf)  }
.LBB2_14:
0x186: {  	s6 =	sadd.s32 $0x2, s6  }
0x187: {  	v12 =	vld [tilespmem:s7+$0xFFFFFFF0];
	[tilespmem:s13+$0x10980] =	vst.msk vm0, v11;
	s0 =	sadd.s32 $0x20, s0;
	s14 =	smov.u32 s4;
	p0 =	slt.u32 s6, $0x7E  }
.Ltmp6:
0x188: {  	s5 =	sadd.s32 $0x2, s5;
	(v2sf) =	vpush v8, $0x0;
	(pc) =	sbr.rel @p0 .LBB2_14-.Ltmp6, $4  }
0x189: {  	s4 =	smov.u32 s7;
	v8 =	vld [tilespmem:s5+$0x0];
	(v2sf) =	vpush v9, $0x0  }
0x18a: {  	v9 =	vld [tilespmem:s5+$0xFFFFFFFF]  }
0x18b: {  	s13 =	sadd.s32 $0xFFFFFFF0, s0;
	v13 =	vor.u32 s0, v0;
	vm1 =	vgt.f32 v10, v4;
	s15 =	spop (v2sf)  }
0x18c: {  	s7 =	sadd.s32 $0x20, s7;
	vm0 =	vgt.f32 v7, v4;
	v7 =	vmovc v6;
	v6 =	vmovc v5;
	v11 =	vor.u32 s13, v0;
	v10 =	vld [tilespmem:s1+$0x0];
	[tilespmem:s15+$0x10980] =	vst.msk vm1, v13;
	s13 =	spop (v2sf);
	v5 =	vmov v12;
	s1 =	smov.u32 s14  }
0x18d: {  	_ = 	snop  }
0x18e: {  	(v2sf) =	vpush v8, $0x0  }
0x18f: {  	(v2sf) =	vpush v9, $0x0;
	_ =	sdelay $0x6  }
0x190: {  	v61 =	vld [tilespmem:s1+$0x0]  }
0x191: {  	s0 =	sadd.s32 $0x20, s0;
	s5 =	sshrl.u32 s28, $0x1F  }
0x192: {  	v62 =	vld [tilespmem:s4+$0x0];
	s10 =	spop (v2sf);
	s7 =	sadd.s32 $0xFFFFFFF0, s0;
	s21 =	sadd.s32 s5, s28  }
0x193: {  	[tilespmem:s13+$0x10980] =	vst.msk vm0, v11;
	vm1 =	vgt.f32 v7, v4;
	s13 =	spop (v2sf);
	v7 =	vor.u32 s7, v0;
	s29 =	sand.u32 $0xFFFFFFFE, s21  }
0x194: {  	v63 =	vor.u32 s0, v0;
	s0 =	sadd.s32 $0x20, s0;
	[tilespmem:s13+$0x10980] =	vst.msk vm1, v7;
	p0 =	slt.s32 s29, $0x1;
	vm11 =	vgt.f32 v10, v4  }
.Ltmp7:
0x195: {  	s14 =	sadd.s32 $0xFFFFFFF0, s0;
	v7 =	vor.u32 s0, v0;
	[tilespmem:s10+$0x10980] =	vst.msk vm11, v63;
	vm12 =	vgt.f32 v61, v4;
	s15 =	spop (v2sf);
	(pc) =	sbr.rel @p0 .LBB2_18-.Ltmp7, $4  }
0x196: {  	vm13 =	vgt.f32 v6, v4;
	v6 =	vor.u32 s14, v0;
	s0 =	sadd.s32 $0x20, s0;
	[tilespmem:s15+$0x10980] =	vst.msk vm12, v7;
	s20 =	spop (v2sf)  }
0x197: {  	s22 =	sadd.s32 $0xFFFFFFF0, s0;
	vm14 =	vgt.f32 v62, v4;
	[tilespmem:s20+$0x10980] =	vst.msk vm13, v6;
	v6 =	vor.u32 s0, v0;
	s30 =	spop (v2sf)  }
0x198: {  	vm15 =	vgt.f32 v5, v4;
	v5 =	vor.u32 s22, v0;
	[tilespmem:s30+$0x10980] =	vst.msk vm14, v6;
	s31 =	spop (v2sf)  }
0x199: {  	[tilespmem:s31+$0x10980] =	vst.msk vm15, v5  }
0x19a: {  	p5 =	sgt.s32 s29, $0x2  }
.Ltmp8:
0x19b: {  	_ = 	snop;
	(pc) =	sbr.rel @!p5 .LBB2_17-.Ltmp8, $4  }
0x19c: {  	_ = 	snop  }
0x19d: {  	s30 =	simm.s32 $0x11210;
	s1 =	simm.s32 $0x10981  }
0x19e: {  	s0 =	simm.s32 $0x10983;
	p0 =	por $0x0, $0x0;
	p1 =	por $0x0, $0x0;
	v10 =	vld [tilespmem:s1+$0x0]  }
0x19f: {  	p2 =	por $0x0, $0x0;
	p3 =	por $0x0, $0x0;
	p4 =	por $0x0, $0x0;
	v5 =	vld [tilespmem:s1+$0xFFFFFFFF]  }
0x1a0: {  	p5 =	sgt.s32 s29, $0x4  }
.Ltmp9:
0x1a1: {  	_ = 	snop;
	(pc) =	sbr.rel @!p5 .LBB2_26-.Ltmp9, $3  }
0x1a2: {  	_ =	sdelay $0x1  }
0x1a3: {  	(v2sf) =	vpush v10, $0x0;
	v10 =	vld [tilespmem:s0+$0x0]  }
0x1a4: {  	p0 =	por $0x1, $0x1;
	(v2sf) =	vpush v5, $0x0;
	v5 =	vld [tilespmem:s0+$0xFFFFFFFF];
	s0 =	simm.s32 $0x10985  }
0x1a5: {  	p5 =	sgt.s32 s29, $0x6  }
.Ltmp10:
0x1a6: {  	_ = 	snop;
	(pc) =	sbr.rel @!p5 .LBB2_28-.Ltmp10, $3  }
0x1a7: {  	_ =	sdelay $0x1  }
0x1a8: {  	(v2sf) =	vpush v10, $0x0;
	v10 =	vld [tilespmem:s0+$0x0]  }
0x1a9: {  	p1 =	por $0x1, $0x1;
	(v2sf) =	vpush v5, $0x0;
	v5 =	vld [tilespmem:s0+$0xFFFFFFFF];
	s0 =	simm.s32 $0x10987  }
0x1aa: {  	_ =	sdelay $0x3  }
0x1ab: {  	p5 =	sgt.s32 s29, $0x8  }
.Ltmp11:
0x1ac: {  	_ = 	snop;
	(pc) =	sbr.rel @!p5 .LBB2_30-.Ltmp11, $4  }
0x1ad: {  	_ = 	snop  }
0x1ae: {  	s5 =	spop (v2sf)  }
0x1af: {  	s1 =	simm.s32 $0x10989;
	p2 =	por $0x1, $0x1;
	(v2sf) =	vpush v10, $0x0;
	v10 =	vld [tilespmem:s0+$0x0];
	s4 =	sshll.u32 s5, $0x4  }
0x1b0: {  	(v2sf) =	vpush v5, $0x0;
	v5 =	vld [tilespmem:s0+$0xFFFFFFFF];
	s5 =	sand.u32 $0xF, s5;
	s14 =	spop (v2sf);
	s4 =	sand.u32 $0xFFFFFF00, s4  }
0x1b1: {  	_ =	sdelay $0x2  }
0x1b2: {  	(v2sf) =	vpush v10, $0x0;
	_ =	sdelay $0x1  }
0x1b3: {  	(v2sf) =	vpush v5, $0x0;
	_ =	sdelay $0x2  }
0x1b4: {  	p5 =	sgt.s32 s29, $0xA  }
.Ltmp12:
0x1b5: {  	_ = 	snop;
	(pc) =	sbr.rel @!p5 .LBB2_32-.Ltmp12, $4  }
0x1b6: {  	s0 =	sshll.u32 s14, $0x4;
	s6 =	sor.u32 s5, s4;
	s13 =	sand.u32 $0xF, s14  }
0x1b7: {  	p3 =	por $0x1, $0x1;
	s0 =	sand.u32 $0xFFFFFF00, s0;
	s7 =	spop (v2sf)  }
0x1b8: {  	s20 =	sor.u32 s13, s0;
	s0 =	simm.s32 $0x1098B;
	v10 =	vld [tilespmem:s1+$0x0];
	s15 =	sshll.u32 s7, $0x4  }
0x1b9: {  	v11 =	vor.u32 s6, v1;
	v12 =	vor.u32 s20, v1;
	v5 =	vld [tilespmem:s1+$0xFFFFFFFF];
	s22 =	spop (v2sf);
	s13 =	sand.u32 $0xFFFFFF00, s15;
	s15 =	sand.u32 $0xF, s7  }
0x1ba: {  	_ =	sdelay $0x2  }
0x1bb: {  	(v2sf) =	vpush v10, $0x0  }
0x1bc: {  	(v2sf) =	vpush v5, $0x0;
	_ =	sdelay $0x2  }
0x1bd: {  	s1 =	sshll.u32 s22, $0x4;
	p5 =	sgt.s32 s29, $0xC  }
.Ltmp13:
0x1be: {  	s6 =	simm.s32 $0xC;
	s31 =	sor.u32 s15, s13;
	v13 =	vld [tilespmem:s0+$0x0];
	(pc) =	sbr.rel @!p5 .LBB2_34-.Ltmp13, $4  }
0x1bf: {  	s7 =	sand.u32 $0xF, s22;
	s20 =	spop (v2sf);
	v6 =	vld.idx.msk [tilespmem:v11+s2+$0x0], $0xffff;
	s1 =	sand.u32 $0xFFFFFF00, s1  }
0x1c0: {  	v7 =	vld.idx.msk [tilespmem:v12+s2+$0x0], $0xffff;
	s21 =	simm.s32 $0x11230;
	p4 =	por $0x1, $0x1;
	v8 =	vor.u32 s31, v1;
	s10 =	sor.u32 s7, s1  }
0x1c1: {  	s31 =	spop (v2sf);
	s7 =	simm.s32 $0x1098D;
	s1 =	sshll.u32 s20, $0x4;
	v9 =	vor.u32 s10, v1;
	v5 =	vld [tilespmem:s0+$0xFFFFFFFF]  }
0x1c2: {  	s20 =	sand.u32 $0xF, s20;
	s1 =	sand.u32 $0xFFFFFF00, s1;
	s0 =	simm.s32 $0x11210  }
.LBB2_35:
0x1c3: {  	s6 =	sadd.s32 $0x2, s6  }
0x1c4: {  	(v2sf) =	vpush v13, $0x0;
	v13 =	vld [tilespmem:s7+$0x0];
	s10 =	sshll.u32 s31, $0x4;
	s1 =	sor.u32 s20, s1;
	p5 =	slt.s32 s6, s29  }
.Ltmp14:
0x1c5: {  	s20 =	sand.u32 $0xF, s31;
	s10 =	sand.u32 $0xFFFFFF00, s10;
	[tilespmem:s0+$0x0] =	vst v6;
	v6 =	vld.idx.msk [tilespmem:v8+s2+$0x0], $0xffff;
	v8 =	vor.u32 s1, v1;
	(pc) =	sbr.rel @p5 .LBB2_35-.Ltmp14, $4  }
0x1c6: {  	(v2sf) =	vpush v5, $0x0;
	s1 =	sor.u32 s20, s10;
	[tilespmem:s0+$0xFFFFFFF0] =	vst v7;
	v7 =	vld.idx.msk [tilespmem:v9+s2+$0x0], $0xffff;
	s0 =	smov.u32 s21  }
0x1c7: {  	v5 =	vld [tilespmem:s7+$0xFFFFFFFF];
	s10 =	spop (v2sf);
	v9 =	vor.u32 s1, v1  }
0x1c8: {  	s21 =	sadd.s32 $0x20, s21;
	s7 =	sadd.s32 $0x2, s7;
	s1 =	sshll.u32 s10, $0x4  }
0x1c9: {  	s20 =	sand.u32 $0xF, s10;
	s1 =	sand.u32 $0xFFFFFF00, s1;
	s31 =	spop (v2sf)  }
0x1ca: {  	v10 =	vmov v13  }
.LBB2_37:
0x1cb: {  	(v2sf) =	vpush v10, $0x0  }
0x1cc: {  	(v2sf) =	vpush v5, $0x0;
	_ =	sdelay $0x2  }
0x1cd: {  	s6 =	spop @p1 (v2sf)  }
0x1ce: {  	s1 =	sor.u32 @p2 s20, s1;
	s7 =	sshll.u32 @p1 s6, $0x4  }
0x1cf: {  	s10 =	spop @p1 (v2sf);
	s6 =	sand.u32 @p1 $0xF, s6;
	s7 =	sand.u32 @p1 $0xFFFFFF00, s7  }
0x1d0: {  	s22 =	smov.u32 @p1 s10;
	s13 =	smov.u32 @p1 s7;
	s7 =	sshll.u32 @p2 s31, $0x4  }
0x1d1: {  	s10 =	sand.u32 @p2 $0xF, s31;
	s15 =	smov.u32 @p1 s6;
	s7 =	sand.u32 @p2 $0xFFFFFF00, s7  }
0x1d2: {  	s6 =	sor.u32 @p2 s10, s7;
	s7 =	sshll.u32 @p1 s22, $0x4;
	s10 =	sor.u32 @p1 s15, s13  }
0x1d3: {  	s13 =	sand.u32 @p1 $0xF, s22;
	s7 =	sand.u32 @p1 $0xFFFFFF00, s7;
	s15 =	spop @p0 (v2sf)  }
0x1d4: {  	v5 =	vor.u32 @p2 s1, v1;
	s1 =	sor.u32 @p1 s13, s7;
	s7 =	sshll.u32 @p0 s15, $0x4;
	s13 =	spop @p0 (v2sf)  }
0x1d5: {  	v5 =	vpsel p2, v5, v11;
	v10 =	vor.u32 @p2 s6, v1;
	s6 =	sand.u32 @p0 $0xFFFFFF00, s7;
	s7 =	sand.u32 @p0 $0xF, s15;
	s14 =	smov.u32 @p0 s13  }
0x1d6: {  	v11 =	vor.u32 @p1 s10, v1;
	v10 =	vpsel p2, v10, v12;
	s4 =	smov.u32 @p0 s6;
	s5 =	smov.u32 @p0 s7;
	s6 =	sshll.u32 @p0 s14, $0x4  }
0x1d7: {  	v11 =	vpsel p1, v11, v0;
	v12 =	vor.u32 @p1 s1, v1;
	s1 =	sor.u32 @p0 s5, s4;
	s5 =	sand.u32 @p0 $0xF, s14;
	s4 =	sand.u32 @p0 $0xFFFFFF00, s6  }
0x1d8: {  	v8 =	vld.idx.msk @p3 [tilespmem:v8+s2+$0x0], $0xffff;
	v12 =	vpsel p1, v12, v0;
	v13 =	vor.u32 @p0 s1, v1;
	s1 =	sor.u32 @p0 s5, s4;
	s13 =	spop (v2sf)  }
0x1d9: {  	v9 =	vld.idx.msk @p3 [tilespmem:v9+s2+$0x0], $0xffff;
	s10 =	simm.s32 $0x11210;
	v13 =	vpsel p0, v13, v0;
	v14 =	vor.u32 @p0 s1, v1;
	s14 =	sshll.u32 s13, $0x4;
	s15 =	spop (v2sf)  }
0x1da: {  	v5 =	vld.idx.msk @p2 [tilespmem:v5+s2+$0x0], $0xffff;
	s4 =	sand.u32 $0xF, s13;
	v14 =	vpsel p0, v14, v0;
	s1 =	sand.u32 $0xFFFFFF00, s14;
	s20 =	sshll.u32 s15, $0x4  }
0x1db: {  	v10 =	vld.idx.msk @p2 [tilespmem:v10+s2+$0x0], $0xffff;
	s6 =	sand.u32 $0xF, s15;
	s1 =	sor.u32 s4, s1;
	s22 =	sand.u32 $0xFFFFFF00, s20  }
0x1dc: {  	[tilespmem:s0+$0x0] =	vst @p4 v6;
	s7 =	sadd.s32 @p3 $0x20, s21;
	v6 =	vld.idx.msk @p1 [tilespmem:v11+s2+$0x0], $0xffff;
	s5 =	smov.u32 @p3 s21;
	v62 =	vor.u32 s1, v1;
	s31 =	sor.u32 s6, s22  }
0x1dd: {  	[tilespmem:s0+$0xFFFFFFF0] =	vst @p4 v7;
	v7 =	vpsel p3, v8, v0;
	s10 =	smov.u32 @p3 s7;
	v8 =	vld.idx.msk @p1 [tilespmem:v12+s2+$0x0], $0xffff;
	s0 =	smov.u32 @p3 s5;
	v63 =	vor.u32 s31, v1  }
0x1de: {  	s5 =	simm.s32 $0x11210;
	[tilespmem:s0+$0x0] =	vst @p3 v7;
	v7 =	vpsel p3, v9, v0;
	s4 =	sadd.s32 @p2 $0x20, s10;
	s1 =	smov.u32 @p2 s10;
	v9 =	vld.idx.msk @p0 [tilespmem:v13+s2+$0x0], $0xffff  }
0x1df: {  	v5 =	vpsel p2, v5, v0;
	[tilespmem:s0+$0xFFFFFFF0] =	vst @p3 v7;
	s5 =	smov.u32 @p2 s4;
	s0 =	smov.u32 @p2 s1;
	v7 =	vld.idx.msk @p0 [tilespmem:v14+s2+$0x0], $0xffff  }
0x1e0: {  	v10 =	vpsel p2, v10, v0;
	s1 =	smov.u32 @p1 s5;
	s4 =	sadd.s32 @p1 $0x20, s5;
	s5 =	simm.s32 $0x11210;
	[tilespmem:s0+$0x0] =	vst @p2 v5  }
0x1e1: {  	[tilespmem:s0+$0xFFFFFFF0] =	vst @p2 v10;
	v5 =	vpsel p1, v6, v0;
	s0 =	smov.u32 @p1 s1;
	s5 =	smov.u32 @p1 s4;
	v6 =	vld.idx.msk [tilespmem:v62+s2+$0x0], $0xffff  }
0x1e2: {  	v8 =	vpsel p1, v8, v0;
	[tilespmem:s0+$0x0] =	vst @p1 v5;
	s1 =	smov.u32 @p0 s5;
	v5 =	vld.idx.msk [tilespmem:v63+s2+$0x0], $0xffff  }
0x1e3: {  	[tilespmem:s0+$0xFFFFFFF0] =	vst @p1 v8;
	s0 =	smov.u32 @p0 s1;
	v8 =	vpsel p0, v9, v0  }
0x1e4: {  	s1 =	sadd.s32 @p0 $0x20, s5;
	[tilespmem:s0+$0x0] =	vst @p0 v8;
	v7 =	vpsel p0, v7, v0  }
0x1e5: {  	s30 =	smov.u32 @p0 s1;
	[tilespmem:s0+$0xFFFFFFF0] =	vst @p0 v7  }
0x1e6: {  	[tilespmem:s30+$0x0] =	vst v6  }
0x1e7: {  	[tilespmem:s30+$0xFFFFFFF0] =	vst v5  }
.LBB2_18:
0x1e8: {  	p0 =	sge.s32 s29, s28  }
.Ltmp15:
0x1e9: {  	_ = 	snop;
	(pc) =	sbr.rel @p0 .LBB2_21-.Ltmp15, $1  }
0x1ea: {  	_ =	sdelay $0x3  }
0x1eb: {  	s0 =	sshll.u32 s29, $0x6;
	s1 =	sshll.u32 s29, $0x2  }
0x1ec: {  	s4 =	sshra.s32 s0, $0x2;
	s5 =	sshra.s32 s1, $0x2  }
0x1ed: {  	s0 =	ssub.s32 s28, s29;
	s1 =	sadd.s32 $0x11200, s4;
	s4 =	sadd.s32 $0x10980, s5  }
.LBB2_20:
0x1ee: {  	v5 =	vld [tilespmem:s4+$0x0];
	_ =	sdelay $0x4  }
0x1ef: {  	(v2sf) =	vpush v5, $0x0;
	_ =	sdelay $0xe  }
0x1f0: {  	s5 =	spop (v2sf)  }
0x1f1: {  	s6 =	sshll.u32 s5, $0x4  }
0x1f2: {  	s5 =	sand.u32 $0xF, s5;
	s6 =	sand.u32 $0xFFFFFF00, s6  }
0x1f3: {  	s5 =	sor.u32 s5, s6  }
0x1f4: {  	v5 =	vor.u32 s5, v1;
	_ =	sdelay $0x4  }
0x1f5: {  	p0 =	sne.s32 s0, $0x1;
	v5 =	vld.idx.msk [tilespmem:v5+s2+$0x0], $0xffff  }
.Ltmp16:
0x1f6: {  	_ = 	snop;
	(pc) =	sbr.rel @p0 .LBB2_20-.Ltmp16, $2  }
0x1f7: {  	_ =	sdelay $0x2  }
0x1f8: {  	s4 =	sadd.s32 $0x1, s4;
	s0 =	sadd.s32 $0xFFFFFFFF, s0;
	[tilespmem:s1+$0x0] =	vst v5;
	s1 =	sadd.s32 $0x10, s1  }
.LBB2_21:
0x1f9: {  	s0 =	sadd.f32 $-1.000000000e+00, s26;
	_ =	sdelay $0x1  }
0x1fa: {  	p0 =	sgt.f32 s26, s0  }
.Ltmp17:
0x1fb: {  	_ = 	snop;
	(pc) =	sbr.rel @!p0 .LBB2_39-.Ltmp17, $4  }
0x1fc: {  	_ = 	snop  }
0x1fd: {  	s1 =	sshll.u32 s28, $0x6  }
0x1fe: {  	s31 =	sshra.s32 s1, $0x2  }
0x1ff: {  	[tilespmem:s31+$0x11200] =	vst v2  }
.Ltmp18:
0x200: {  	(pc) =	sbr.rel .LBB2_23-.Ltmp18, $3  }
0x201: {  	_ =	sdelay $0x1  }
0x202: {  	s0 =	sadd.s32 $0x1, s28  }
0x203: {  	s1 =	simm.s32 $0x0;
	s0 =	sshra.s32 s0, $0x1  }
.LBB2_24:
0x204: {  	v4 =	vimm.s32 $0x0;
	v5 =	vimm.f32 $0.0e+00  }
.LBB2_67:
0x205: {  	(xrf2) =	vadd.scan.msk.f32 $0xffff, v5;
	_ =	sdelay $0x4  }
0x206: {  	(xrf0) =	vadd.scan.msk.s32 $0xffff, v4;
	_ =	sdelay $0x4  }
0x207: {  	v4, _, _ =	vpop (xrf2)  }
0x208: {  	(v2sf) =	vpush v4, $0xF;
	v4, _, _ =	vpop (xrf0)  }
0x209: {  	(v2sf) =	vpush v4, $0xF;
	_ =	sdelay $0xd  }
0x20a: {  	s4 =	spop (v2sf)  }
0x20b: {  	s5 =	spop (v2sf)  }
0x20c: {  	p0 =	sgt.s32 s5, $0x1  }
0x20d: {  	s5 =	simm.s32 @!p0 $0x1  }
0x20e: {  	v4 =	vmov s5  }
0x20f: {  	v4 =	vcvt.s32.f32 v4;
	_ =	sdelay $0x1  }
0x210: {  	v4 =	vbroadcast v4, $0x0;
	_ =	sdelay $0x1  }
0x211: {  	(erf) = vrcp.f32 v4;
	_ =	sdelay $0x7  }
0x212: {  	s4 =	sadd.f32 $-1.000000000e+00, s4  }
0x213: {  	v4 =	vpop (erf)  }
0x214: {  	v4 =	vmul.f32 s4, v4;
	_ =	sdelay $0x1  }
0x215: {  	(xrf0) =	vmax.scan.msk.f32 $0xffff, v4;
	_ =	sdelay $0x5  }
0x216: {  	v4, _, _ =	vpop (xrf0)  }
0x217: {  	(v2sf) =	vpush v4, $0xF;
	_ =	sdelay $0xe  }
0x218: {  	s31 =	spop (v2sf)  }
0x219: {  	p0 =	sgt.f32 s31, s26;
	_ =	sdelay $0x1  }
0x21a: {  	p1 =	slt.u32 @p0 s1, $0x3F  }
0x21b: {  	p0 =	por !p0, !p1  }
.Ltmp19:
0x21c: {  	_ = 	snop;
	(pc) =	sbr.rel @p0 .LBB2_38-.Ltmp19, $2  }
0x21d: {  	_ =	sdelay $0x2  }
0x21e: {  	s26 =	smov.u32 s31;
	s1 =	sadd.s32 $0x1, s1  }
.LBB2_23:
0x21f: {  	p0 =	slt.s32 s0, $0x1  }
.Ltmp20:
0x220: {  	_ = 	snop;
	(pc) =	sbr.rel @p0 .LBB2_24-.Ltmp20, $1  }
0x221: {  	_ =	sdelay $0x3  }
0x222: {  	s5 =	simm.s32 $0x11210  }
0x223: {  	p0 =	sne.s32 s0, $0x1;
	v6 =	vld [tilespmem:s5+$0x0]  }
.Ltmp21:
0x224: {  	v9 =	vld [tilespmem:s5+$0xFFFFFFF0];
	(pc) =	sbr.rel @!p0 .LBB2_66-.Ltmp21, $3  }
0x225: {  	_ =	sdelay $0x1  }
0x226: {  	v7 =	vmov s26;
	v5 =	vimm.f32 $0.0e+00;
	v4 =	vimm.s32 $0x0  }
0x227: {  	s4 =	sadd.s32 $0xFFFFFFFF, s0;
	v8 =	vimm.s32 $0x0;
	v10 =	vimm.f32 $0.0e+00;
	s5 =	simm.s32 $0x11230;
	vm0 =	vgt.f32 v6, v7  }
.LBB2_65:
0x228: {  	p0 =	sne.s32 s4, $0x1;
	s4 =	sadd.s32 $0xFFFFFFFF, s4;
	vm1 =	vgt.f32 v9, v7;
	v11 =	vnsel vm0, $0x0, v6;
	v6 =	vld [tilespmem:s5+$0x0];
	v12 =	vsel vm0, $0x1, v3  }
.Ltmp22:
0x229: {  	v13 =	vnsel vm1, $0x0, v9;
	v9 =	vld [tilespmem:s5+$0xFFFFFFF0];
	v14 =	vsel vm1, $0x1, v3;
	v4 =	vadd.s32 v12, v4;
	(pc) =	sbr.rel @p0 .LBB2_65-.Ltmp22, $2  }
0x22a: {  	v10 =	vadd.f32 v11, v10;
	v5 =	vadd.f32 v13, v5;
	v8 =	vadd.s32 v14, v8;
	_ =	sdelay $0x2  }
0x22b: {  	s5 =	sadd.s32 $0x20, s5;
	vm0 =	vgt.f32 v6, v7  }
.LBB2_66:
0x22c: {  	vm1 =	vgt.f32 v9, v7  }
.Ltmp23:
0x22d: {  	v6 =	vnsel vm0, $0x0, v6;
	v9 =	vnsel vm1, $0x0, v9;
	(pc) =	sbr.rel .LBB2_67-.Ltmp23, $4  }
0x22e: {  	v6 =	vadd.f32 v6, v10;
	v5 =	vadd.f32 v9, v5  }
0x22f: {  	v7 =	vsel vm0, $0x1, v3;
	v11 =	vsel vm1, $0x1, v3  }
0x230: {  	v4 =	vadd.s32 v7, v4;
	v7 =	vadd.s32 v11, v8;
	v5 =	vadd.f32 v6, v5  }
0x231: {  	v4 =	vadd.s32 v7, v4  }
.LBB2_38:
0x232: {  	v4 =	vbroadcast v4, $0xF  }
.LBB2_39:
0x233: {  	s26 =	simm.s32 $0x100  }
0x234: {  	v5 =	vld [tilespmem:s26+$0xFFFFFF10];
	_ =	sdelay $0x2  }
0x235: {  	v7 =	vld [tilespmem:s26+$0xFFFFFF30];
	_ =	sdelay $0x1  }
0x236: {  	v5 =	vsub.f32 v5, v4  }
0x237: {  	v9 =	vld [tilespmem:s26+$0xFFFFFF50]  }
0x238: {  	v5 =	vmax.f32 v5, $0.0e+00  }
0x239: {  	v6 =	vld [tilespmem:s26+$0xFFFFFF20];
	[tilespmem:s26+$0xFFFFFF10] =	vst v5;
	v5 =	vsub.f32 v7, v4  }
0x23a: {  	v11 =	vld [tilespmem:s26+$0xFFFFFF70]  }
0x23b: {  	v8 =	vld [tilespmem:s26+$0xFFFFFF40];
	v5 =	vmax.f32 v5, $0.0e+00  }
0x23c: {  	v13 =	vld [tilespmem:s26+$0xF0];
	[tilespmem:s26+$0xFFFFFF30] =	vst v5;
	v5 =	vsub.f32 v9, v4  }
0x23d: {  	v10 =	vld [tilespmem:s26+$0xFFFFFF60]  }
0x23e: {  	v6 =	vsub.f32 v6, v4;
	v7 =	vld [tilespmem:s26+$0xFFFFFF90];
	v5 =	vmax.f32 v5, $0.0e+00  }
0x23f: {  	v12 =	vld [tilespmem:s26+$0xFFFFFF80];
	[tilespmem:s26+$0xFFFFFF50] =	vst v5;
	v5 =	vsub.f32 v11, v4  }
0x240: {  	v14 =	vld [tilespmem:s26+$0x10];
	v6 =	vmax.f32 v6, $0.0e+00  }
0x241: {  	v15 =	vld [tilespmem:s26+$0x20];
	v13 =	vsub.f32 v13, v4;
	[tilespmem:s26+$0xFFFFFF20] =	vst v6;
	v5 =	vmax.f32 v5, $0.0e+00  }
0x242: {  	v6 =	vsub.f32 v8, v4;
	[tilespmem:s26+$0xFFFFFF70] =	vst v5;
	v5 =	vld [tilespmem:s26+$0x0]  }
0x243: {  	v13 =	vmax.f32 v13, $0.0e+00;
	v8 =	vld [tilespmem:s26+$0xFFFFFFA0];
	v7 =	vsub.f32 v7, v4  }
0x244: {  	[tilespmem:s26+$0xF0] =	vst v13;
	v13 =	vld [tilespmem:s26+$0xFFFFFFF0];
	v6 =	vmax.f32 v6, $0.0e+00  }
0x245: {  	v12 =	vsub.f32 v12, v4;
	[tilespmem:s26+$0xFFFFFF40] =	vst v6;
	v6 =	vsub.f32 v10, v4;
	v10 =	vld [tilespmem:s26+$0xFFFFFFC0];
	v7 =	vmax.f32 v7, $0.0e+00  }
0x246: {  	v11 =	vld [tilespmem:s26+$0xFFFFFFD0];
	[tilespmem:s26+$0xFFFFFF90] =	vst v7;
	v7 =	vsub.f32 v15, v4  }
0x247: {  	v12 =	vmax.f32 v12, $0.0e+00;
	v9 =	vld [tilespmem:s26+$0xFFFFFFB0];
	v5 =	vsub.f32 v5, v4  }
0x248: {  	v16 =	vld [tilespmem:s26+$0x30];
	[tilespmem:s26+$0xFFFFFF80] =	vst v12;
	v7 =	vmax.f32 v7, $0.0e+00  }
0x249: {  	v12 =	vsub.f32 v14, v4;
	[tilespmem:s26+$0x20] =	vst v7;
	v5 =	vmax.f32 v5, $0.0e+00  }
0x24a: {  	v17 =	vld [tilespmem:s26+$0x40];
	v6 =	vmax.f32 v6, $0.0e+00;
	v7 =	vsub.f32 v10, v4;
	[tilespmem:s26+$0x0] =	vst v5;
	v5 =	vsub.f32 v8, v4  }
0x24b: {  	[tilespmem:s26+$0xFFFFFF60] =	vst v6;
	v10 =	vsub.f32 v11, v4;
	v11 =	vsub.f32 v13, v4;
	v8 =	vmax.f32 v12, $0.0e+00  }
0x24c: {  	v18 =	vld [tilespmem:s26+$0x50];
	[tilespmem:s26+$0x10] =	vst v8;
	v8 =	vsub.f32 v9, v4;
	v5 =	vmax.f32 v5, $0.0e+00  }
0x24d: {  	v6 =	vld [tilespmem:s26+$0xFFFFFFE0];
	v11 =	vmax.f32 v11, $0.0e+00;
	[tilespmem:s26+$0xFFFFFFA0] =	vst v5;
	v5 =	vsub.f32 v16, v4  }
0x24e: {  	v19 =	vld [tilespmem:s26+$0x60];
	[tilespmem:s26+$0xFFFFFFF0] =	vst v11;
	v8 =	vmax.f32 v8, $0.0e+00  }
0x24f: {  	v14 =	vld [tilespmem:s26+$0x70];
	[tilespmem:s26+$0xFFFFFFB0] =	vst v8;
	v8 =	vsub.f32 v17, v4;
	v5 =	vmax.f32 v5, $0.0e+00  }
0x250: {  	v12 =	vld [tilespmem:s26+$0x80];
	[tilespmem:s26+$0x30] =	vst v5;
	v5 =	vmax.f32 v7, $0.0e+00  }
0x251: {  	v9 =	vld [tilespmem:s26+$0x90];
	v7 =	vsub.f32 v18, v4;
	v8 =	vmax.f32 v8, $0.0e+00;
	[tilespmem:s26+$0xFFFFFFC0] =	vst v5  }
0x252: {  	v15 =	vld [tilespmem:s26+$0xA0];
	[tilespmem:s26+$0x40] =	vst v8;
	v8 =	vsub.f32 v6, v4;
	v6 =	vmax.f32 v10, $0.0e+00  }
0x253: {  	v5 =	vld [tilespmem:s26+$0xB0];
	v10 =	vsub.f32 v19, v4;
	[tilespmem:s26+$0xFFFFFFD0] =	vst v6;
	v7 =	vmax.f32 v7, $0.0e+00  }
0x254: {  	v6 =	vld [tilespmem:s26+$0xC0];
	[tilespmem:s26+$0x50] =	vst v7;
	v7 =	vmax.f32 v8, $0.0e+00;
	v8 =	vsub.f32 v14, v4  }
0x255: {  	v12 =	vsub.f32 v12, v4;
	v10 =	vmax.f32 v10, $0.0e+00;
	[tilespmem:s26+$0xFFFFFFE0] =	vst v7;
	v7 =	vld [tilespmem:s26+$0xD0]  }
0x256: {  	[tilespmem:s26+$0x60] =	vst v10;
	v10 =	vsub.f32 v9, v4;
	v11 =	vmax.f32 v8, $0.0e+00;
	v8 =	vld [tilespmem:s26+$0xE0]  }
0x257: {  	s0 =	simm.s32 $0x0;
	s1 =	simm.s32 $0x300;
	v12 =	vmax.f32 v12, $0.0e+00;
	v9 =	vld [tilespmem:s26+$0xFFFFFF00];
	[tilespmem:s26+$0x70] =	vst v11;
	v11 =	vsub.f32 v15, v4  }
.LBB2_40:
0x258: {  	v13 =	vld [tilespmem:s1+$0xF0];
	s0 =	sadd.s32 $0x2, s0;
	[tilespmem:s26+$0x80] =	vst v12;
	v10 =	vmax.f32 v10, $0.0e+00;
	v5 =	vsub.f32 v5, v4  }
0x259: {  	v12 =	vld [tilespmem:s1+$0xFFFFFF10];
	p0 =	slt.u32 s0, $0x1E;
	[tilespmem:s26+$0x90] =	vst v10;
	v10 =	vmax.f32 v11, $0.0e+00;
	v6 =	vsub.f32 v6, v4  }
0x25a: {  	v11 =	vld [tilespmem:s1+$0xFFFFFF20];
	[tilespmem:s26+$0xA0] =	vst v10;
	v5 =	vmax.f32 v5, $0.0e+00;
	v7 =	vsub.f32 v7, v4  }
0x25b: {  	v10 =	vld [tilespmem:s1+$0xFFFFFF30];
	[tilespmem:s26+$0xB0] =	vst v5;
	v5 =	vmax.f32 v6, $0.0e+00;
	v6 =	vsub.f32 v8, v4  }
0x25c: {  	v8 =	vld [tilespmem:s1+$0xFFFFFF40];
	v9 =	vsub.f32 v9, v4;
	[tilespmem:s26+$0xC0] =	vst v5;
	v5 =	vmax.f32 v7, $0.0e+00  }
0x25d: {  	v7 =	vld [tilespmem:s1+$0xFFFFFF50];
	v13 =	vsub.f32 v13, v4;
	[tilespmem:s26+$0xD0] =	vst v5;
	v5 =	vmax.f32 v6, $0.0e+00  }
0x25e: {  	v6 =	vsub.f32 v12, v4;
	v12 =	vld [tilespmem:s1+$0xFFFFFF60];
	v9 =	vmax.f32 v9, $0.0e+00;
	[tilespmem:s26+$0xE0] =	vst v5  }
0x25f: {  	v5 =	vsub.f32 v11, v4;
	v11 =	vld [tilespmem:s1+$0xFFFFFF70];
	v13 =	vmax.f32 v13, $0.0e+00;
	[tilespmem:s26+$0xFFFFFF00] =	vst v9;
	s26 =	smov.u32 s1  }
0x260: {  	v6 =	vmax.f32 v6, $0.0e+00;
	v9 =	vsub.f32 v10, v4;
	v10 =	vld [tilespmem:s1+$0xFFFFFF80];
	[tilespmem:s1+$0xF0] =	vst v13  }
0x261: {  	[tilespmem:s1+$0xFFFFFF10] =	vst v6;
	v5 =	vmax.f32 v5, $0.0e+00;
	v6 =	vsub.f32 v8, v4;
	v8 =	vld [tilespmem:s1+$0xFFFFFF90]  }
0x262: {  	[tilespmem:s1+$0xFFFFFF20] =	vst v5;
	v5 =	vmax.f32 v9, $0.0e+00;
	v7 =	vsub.f32 v7, v4;
	v9 =	vld [tilespmem:s1+$0xFFFFFFA0]  }
0x263: {  	[tilespmem:s1+$0xFFFFFF30] =	vst v5;
	v5 =	vmax.f32 v6, $0.0e+00;
	v6 =	vsub.f32 v12, v4;
	v12 =	vld [tilespmem:s1+$0xFFFFFFB0]  }
0x264: {  	[tilespmem:s1+$0xFFFFFF40] =	vst v5;
	v5 =	vmax.f32 v7, $0.0e+00;
	v7 =	vsub.f32 v11, v4;
	v11 =	vld [tilespmem:s1+$0xFFFFFFC0]  }
0x265: {  	[tilespmem:s1+$0xFFFFFF50] =	vst v5;
	v5 =	vmax.f32 v6, $0.0e+00;
	v6 =	vsub.f32 v10, v4;
	v10 =	vld [tilespmem:s1+$0xFFFFFFD0]  }
0x266: {  	[tilespmem:s1+$0xFFFFFF60] =	vst v5;
	v5 =	vmax.f32 v7, $0.0e+00;
	v7 =	vsub.f32 v8, v4;
	v8 =	vld [tilespmem:s1+$0xFFFFFFE0]  }
0x267: {  	[tilespmem:s1+$0xFFFFFF70] =	vst v5;
	v5 =	vmax.f32 v6, $0.0e+00;
	v6 =	vsub.f32 v9, v4;
	v9 =	vld [tilespmem:s1+$0xFFFFFFF0]  }
0x268: {  	[tilespmem:s1+$0xFFFFFF80] =	vst v5;
	v5 =	vmax.f32 v7, $0.0e+00;
	v7 =	vsub.f32 v12, v4;
	v12 =	vld [tilespmem:s1+$0x0]  }
0x269: {  	[tilespmem:s1+$0xFFFFFF90] =	vst v5;
	v5 =	vmax.f32 v6, $0.0e+00;
	v6 =	vsub.f32 v11, v4;
	v11 =	vld [tilespmem:s1+$0x10]  }
0x26a: {  	[tilespmem:s1+$0xFFFFFFA0] =	vst v5;
	v5 =	vmax.f32 v7, $0.0e+00;
	v7 =	vsub.f32 v10, v4;
	v10 =	vld [tilespmem:s1+$0x20]  }
0x26b: {  	[tilespmem:s1+$0xFFFFFFB0] =	vst v5;
	v5 =	vmax.f32 v6, $0.0e+00;
	v6 =	vsub.f32 v8, v4;
	v8 =	vld [tilespmem:s1+$0x30]  }
0x26c: {  	[tilespmem:s1+$0xFFFFFFC0] =	vst v5;
	v5 =	vmax.f32 v7, $0.0e+00;
	v7 =	vsub.f32 v9, v4;
	v9 =	vld [tilespmem:s1+$0x40]  }
0x26d: {  	[tilespmem:s1+$0xFFFFFFD0] =	vst v5;
	v5 =	vmax.f32 v6, $0.0e+00;
	v6 =	vsub.f32 v12, v4;
	v12 =	vld [tilespmem:s1+$0x50]  }
0x26e: {  	[tilespmem:s1+$0xFFFFFFE0] =	vst v5;
	v5 =	vmax.f32 v7, $0.0e+00;
	v7 =	vsub.f32 v11, v4;
	v11 =	vld [tilespmem:s1+$0x60]  }
0x26f: {  	[tilespmem:s1+$0xFFFFFFF0] =	vst v5;
	v5 =	vmax.f32 v6, $0.0e+00;
	v6 =	vsub.f32 v10, v4;
	v10 =	vld [tilespmem:s1+$0x70]  }
0x270: {  	[tilespmem:s1+$0x0] =	vst v5;
	v5 =	vmax.f32 v7, $0.0e+00;
	v7 =	vsub.f32 v8, v4;
	v8 =	vld [tilespmem:s1+$0x80]  }
0x271: {  	[tilespmem:s1+$0x10] =	vst v5;
	v5 =	vmax.f32 v6, $0.0e+00;
	v6 =	vsub.f32 v9, v4;
	v9 =	vld [tilespmem:s1+$0x90]  }
0x272: {  	[tilespmem:s1+$0x20] =	vst v5;
	v5 =	vmax.f32 v7, $0.0e+00;
	v7 =	vsub.f32 v12, v4;
	v13 =	vld [tilespmem:s1+$0xA0]  }
.Ltmp24:
0x273: {  	[tilespmem:s1+$0x30] =	vst v5;
	v6 =	vmax.f32 v6, $0.0e+00;
	v11 =	vsub.f32 v11, v4;
	v5 =	vld [tilespmem:s1+$0xB0];
	(pc) =	sbr.rel @p0 .LBB2_40-.Ltmp24, $4  }
0x274: {  	[tilespmem:s1+$0x40] =	vst v6;
	v7 =	vmax.f32 v7, $0.0e+00;
	v10 =	vsub.f32 v10, v4;
	v6 =	vld [tilespmem:s1+$0xC0]  }
0x275: {  	[tilespmem:s1+$0x50] =	vst v7;
	v11 =	vmax.f32 v11, $0.0e+00;
	v12 =	vsub.f32 v8, v4;
	v7 =	vld [tilespmem:s1+$0xD0]  }
0x276: {  	[tilespmem:s1+$0x60] =	vst v11;
	v11 =	vmax.f32 v10, $0.0e+00;
	v10 =	vsub.f32 v9, v4;
	v8 =	vld [tilespmem:s1+$0xE0]  }
0x277: {  	s1 =	sadd.s32 $0x200, s1;
	v9 =	vld [tilespmem:s26+$0xFFFFFF00];
	[tilespmem:s26+$0x70] =	vst v11;
	v12 =	vmax.f32 v12, $0.0e+00;
	v11 =	vsub.f32 v13, v4  }
0x278: {  	[tilespmem:s26+$0x80] =	vst v12;
	v10 =	vmax.f32 v10, $0.0e+00;
	v5 =	vsub.f32 v5, v4  }
0x279: {  	[tilespmem:s26+$0x90] =	vst v10;
	v10 =	vmax.f32 v11, $0.0e+00;
	v6 =	vsub.f32 v6, v4  }
0x27a: {  	[tilespmem:s26+$0xA0] =	vst v10;
	v5 =	vmax.f32 v5, $0.0e+00;
	v7 =	vsub.f32 v7, v4  }
0x27b: {  	[tilespmem:s26+$0xB0] =	vst v5;
	v5 =	vmax.f32 v6, $0.0e+00;
	v6 =	vsub.f32 v8, v4  }
0x27c: {  	v8 =	vsub.f32 v9, v4;
	[tilespmem:s26+$0xC0] =	vst v5;
	v5 =	vmax.f32 v7, $0.0e+00  }
0x27d: {  	[tilespmem:s26+$0xD0] =	vst v5;
	v5 =	vmax.f32 v6, $0.0e+00  }
0x27e: {  	v6 =	vmax.f32 v8, $0.0e+00;
	[tilespmem:s26+$0xE0] =	vst v5  }
0x27f: {  	[tilespmem:s26+$0xFFFFFF00] =	vst v6;
	s26 =	simm.s32 $0x21F0  }
0x280: {  	[hbm4b:s8+s11] =	stream.strided.scatter [tilespmem:s2], [sflag:$0x3], $0x2000, s12, s11, $0x38;
	[tilespmem:$0x19280] =	vst v63  }
0x281: {  	v5 =	vld [tilespmem:s26+$0xFFFFFE20];
	_ =	sdelay $0x2  }
0x282: {  	v7 =	vld [tilespmem:s26+$0xFFFFFE40];
	_ =	sdelay $0x1  }
0x283: {  	v5 =	vsub.f32 v5, v4  }
0x284: {  	v9 =	vld [tilespmem:s26+$0xFFFFFE60]  }
0x285: {  	v5 =	vmax.f32 v5, $0.0e+00  }
0x286: {  	v6 =	vld [tilespmem:s26+$0xFFFFFE30];
	[tilespmem:s26+$0xFFFFFE20] =	vst v5;
	v5 =	vsub.f32 v7, v4  }
0x287: {  	v11 =	vld [tilespmem:s26+$0xFFFFFE80]  }
0x288: {  	v8 =	vld [tilespmem:s26+$0xFFFFFE50];
	v5 =	vmax.f32 v5, $0.0e+00  }
0x289: {  	v13 =	vld [tilespmem:s26+$0x0];
	[tilespmem:s26+$0xFFFFFE40] =	vst v5;
	v5 =	vsub.f32 v9, v4  }
0x28a: {  	v10 =	vld [tilespmem:s26+$0xFFFFFE70]  }
0x28b: {  	v6 =	vsub.f32 v6, v4;
	v7 =	vld [tilespmem:s26+$0xFFFFFEA0];
	v5 =	vmax.f32 v5, $0.0e+00  }
0x28c: {  	v12 =	vld [tilespmem:s26+$0xFFFFFE90];
	[tilespmem:s26+$0xFFFFFE60] =	vst v5;
	v5 =	vsub.f32 v11, v4  }
0x28d: {  	v14 =	vld [tilespmem:s26+$0xFFFFFF20];
	v6 =	vmax.f32 v6, $0.0e+00  }
0x28e: {  	v15 =	vld [tilespmem:s26+$0xFFFFFF30];
	v13 =	vsub.f32 v13, v4;
	[tilespmem:s26+$0xFFFFFE30] =	vst v6;
	v5 =	vmax.f32 v5, $0.0e+00  }
0x28f: {  	v6 =	vsub.f32 v8, v4;
	[tilespmem:s26+$0xFFFFFE80] =	vst v5;
	v5 =	vld [tilespmem:s26+$0xFFFFFF10]  }
0x290: {  	v13 =	vmax.f32 v13, $0.0e+00;
	v8 =	vld [tilespmem:s26+$0xFFFFFEB0];
	v7 =	vsub.f32 v7, v4  }
0x291: {  	[tilespmem:s26+$0x0] =	vst v13;
	v13 =	vld [tilespmem:s26+$0xFFFFFF00];
	v6 =	vmax.f32 v6, $0.0e+00  }
0x292: {  	v12 =	vsub.f32 v12, v4;
	[tilespmem:s26+$0xFFFFFE50] =	vst v6;
	v6 =	vsub.f32 v10, v4;
	v10 =	vld [tilespmem:s26+$0xFFFFFED0];
	v7 =	vmax.f32 v7, $0.0e+00  }
0x293: {  	v11 =	vld [tilespmem:s26+$0xFFFFFEE0];
	[tilespmem:s26+$0xFFFFFEA0] =	vst v7;
	v7 =	vsub.f32 v15, v4  }
0x294: {  	v12 =	vmax.f32 v12, $0.0e+00;
	v9 =	vld [tilespmem:s26+$0xFFFFFEC0];
	v5 =	vsub.f32 v5, v4  }
0x295: {  	v16 =	vld [tilespmem:s26+$0xFFFFFF40];
	[tilespmem:s26+$0xFFFFFE90] =	vst v12;
	v7 =	vmax.f32 v7, $0.0e+00  }
0x296: {  	v12 =	vsub.f32 v14, v4;
	[tilespmem:s26+$0xFFFFFF30] =	vst v7;
	v5 =	vmax.f32 v5, $0.0e+00  }
0x297: {  	v17 =	vld [tilespmem:s26+$0xFFFFFF50];
	v6 =	vmax.f32 v6, $0.0e+00;
	v7 =	vsub.f32 v10, v4;
	[tilespmem:s26+$0xFFFFFF10] =	vst v5;
	v5 =	vsub.f32 v8, v4  }
0x298: {  	[tilespmem:s26+$0xFFFFFE70] =	vst v6;
	v10 =	vsub.f32 v11, v4;
	v11 =	vsub.f32 v13, v4;
	v8 =	vmax.f32 v12, $0.0e+00  }
0x299: {  	v18 =	vld [tilespmem:s26+$0xFFFFFF60];
	[tilespmem:s26+$0xFFFFFF20] =	vst v8;
	v8 =	vsub.f32 v9, v4;
	v5 =	vmax.f32 v5, $0.0e+00  }
0x29a: {  	v6 =	vld [tilespmem:s26+$0xFFFFFEF0];
	v11 =	vmax.f32 v11, $0.0e+00;
	[tilespmem:s26+$0xFFFFFEB0] =	vst v5;
	v5 =	vsub.f32 v16, v4  }
0x29b: {  	v19 =	vld [tilespmem:s26+$0xFFFFFF70];
	[tilespmem:s26+$0xFFFFFF00] =	vst v11;
	v8 =	vmax.f32 v8, $0.0e+00  }
0x29c: {  	v14 =	vld [tilespmem:s26+$0xFFFFFF80];
	[tilespmem:s26+$0xFFFFFEC0] =	vst v8;
	v8 =	vsub.f32 v17, v4;
	v5 =	vmax.f32 v5, $0.0e+00  }
0x29d: {  	v12 =	vld [tilespmem:s26+$0xFFFFFF90];
	[tilespmem:s26+$0xFFFFFF40] =	vst v5;
	v5 =	vmax.f32 v7, $0.0e+00  }
0x29e: {  	v9 =	vld [tilespmem:s26+$0xFFFFFFA0];
	v7 =	vsub.f32 v18, v4;
	v8 =	vmax.f32 v8, $0.0e+00;
	[tilespmem:s26+$0xFFFFFED0] =	vst v5  }
0x29f: {  	v15 =	vld [tilespmem:s26+$0xFFFFFFB0];
	[tilespmem:s26+$0xFFFFFF50] =	vst v8;
	v8 =	vsub.f32 v6, v4;
	v6 =	vmax.f32 v10, $0.0e+00  }
0x2a0: {  	v5 =	vld [tilespmem:s26+$0xFFFFFFC0];
	v10 =	vsub.f32 v19, v4;
	[tilespmem:s26+$0xFFFFFEE0] =	vst v6;
	v7 =	vmax.f32 v7, $0.0e+00  }
0x2a1: {  	v6 =	vld [tilespmem:s26+$0xFFFFFFD0];
	[tilespmem:s26+$0xFFFFFF60] =	vst v7;
	v7 =	vmax.f32 v8, $0.0e+00;
	v8 =	vsub.f32 v14, v4  }
0x2a2: {  	v12 =	vsub.f32 v12, v4;
	v10 =	vmax.f32 v10, $0.0e+00;
	[tilespmem:s26+$0xFFFFFEF0] =	vst v7;
	v7 =	vld [tilespmem:s26+$0xFFFFFFE0]  }
0x2a3: {  	[tilespmem:s26+$0xFFFFFF70] =	vst v10;
	v10 =	vsub.f32 v9, v4;
	v11 =	vmax.f32 v8, $0.0e+00;
	v8 =	vld [tilespmem:s26+$0xFFFFFFF0]  }
0x2a4: {  	s0 =	simm.s32 $0x20;
	s1 =	simm.s32 $0x23F0;
	v12 =	vmax.f32 v12, $0.0e+00;
	v9 =	vld [tilespmem:s26+$0xFFFFFE10];
	[tilespmem:s26+$0xFFFFFF80] =	vst v11;
	v11 =	vsub.f32 v15, v4  }
.LBB2_42:
0x2a5: {  	v13 =	vld [tilespmem:s1+$0x0];
	s0 =	sadd.s32 $0x2, s0;
	[tilespmem:s26+$0xFFFFFF90] =	vst v12;
	v10 =	vmax.f32 v10, $0.0e+00;
	v5 =	vsub.f32 v5, v4  }
0x2a6: {  	v12 =	vld [tilespmem:s1+$0xFFFFFE20];
	p0 =	slt.u32 s0, $0x3E;
	[tilespmem:s26+$0xFFFFFFA0] =	vst v10;
	v10 =	vmax.f32 v11, $0.0e+00;
	v6 =	vsub.f32 v6, v4  }
0x2a7: {  	v11 =	vld [tilespmem:s1+$0xFFFFFE30];
	[tilespmem:s26+$0xFFFFFFB0] =	vst v10;
	v5 =	vmax.f32 v5, $0.0e+00;
	v7 =	vsub.f32 v7, v4  }
0x2a8: {  	v10 =	vld [tilespmem:s1+$0xFFFFFE40];
	[tilespmem:s26+$0xFFFFFFC0] =	vst v5;
	v5 =	vmax.f32 v6, $0.0e+00;
	v6 =	vsub.f32 v8, v4  }
0x2a9: {  	v8 =	vld [tilespmem:s1+$0xFFFFFE50];
	v9 =	vsub.f32 v9, v4;
	[tilespmem:s26+$0xFFFFFFD0] =	vst v5;
	v5 =	vmax.f32 v7, $0.0e+00  }
0x2aa: {  	v7 =	vld [tilespmem:s1+$0xFFFFFE60];
	v13 =	vsub.f32 v13, v4;
	[tilespmem:s26+$0xFFFFFFE0] =	vst v5;
	v5 =	vmax.f32 v6, $0.0e+00  }
0x2ab: {  	v6 =	vsub.f32 v12, v4;
	v12 =	vld [tilespmem:s1+$0xFFFFFE70];
	v9 =	vmax.f32 v9, $0.0e+00;
	[tilespmem:s26+$0xFFFFFFF0] =	vst v5  }
0x2ac: {  	v5 =	vsub.f32 v11, v4;
	v11 =	vld [tilespmem:s1+$0xFFFFFE80];
	v13 =	vmax.f32 v13, $0.0e+00;
	[tilespmem:s26+$0xFFFFFE10] =	vst v9;
	s26 =	smov.u32 s1  }
0x2ad: {  	v6 =	vmax.f32 v6, $0.0e+00;
	v9 =	vsub.f32 v10, v4;
	v10 =	vld [tilespmem:s1+$0xFFFFFE90];
	[tilespmem:s1+$0x0] =	vst v13  }
0x2ae: {  	[tilespmem:s1+$0xFFFFFE20] =	vst v6;
	v5 =	vmax.f32 v5, $0.0e+00;
	v6 =	vsub.f32 v8, v4;
	v8 =	vld [tilespmem:s1+$0xFFFFFEA0]  }
0x2af: {  	[tilespmem:s1+$0xFFFFFE30] =	vst v5;
	v5 =	vmax.f32 v9, $0.0e+00;
	v7 =	vsub.f32 v7, v4;
	v9 =	vld [tilespmem:s1+$0xFFFFFEB0]  }
0x2b0: {  	[tilespmem:s1+$0xFFFFFE40] =	vst v5;
	v5 =	vmax.f32 v6, $0.0e+00;
	v6 =	vsub.f32 v12, v4;
	v12 =	vld [tilespmem:s1+$0xFFFFFEC0]  }
0x2b1: {  	[tilespmem:s1+$0xFFFFFE50] =	vst v5;
	v5 =	vmax.f32 v7, $0.0e+00;
	v7 =	vsub.f32 v11, v4;
	v11 =	vld [tilespmem:s1+$0xFFFFFED0]  }
0x2b2: {  	[tilespmem:s1+$0xFFFFFE60] =	vst v5;
	v5 =	vmax.f32 v6, $0.0e+00;
	v6 =	vsub.f32 v10, v4;
	v10 =	vld [tilespmem:s1+$0xFFFFFEE0]  }
0x2b3: {  	[tilespmem:s1+$0xFFFFFE70] =	vst v5;
	v5 =	vmax.f32 v7, $0.0e+00;
	v7 =	vsub.f32 v8, v4;
	v8 =	vld [tilespmem:s1+$0xFFFFFEF0]  }
0x2b4: {  	[tilespmem:s1+$0xFFFFFE80] =	vst v5;
	v5 =	vmax.f32 v6, $0.0e+00;
	v6 =	vsub.f32 v9, v4;
	v9 =	vld [tilespmem:s1+$0xFFFFFF00]  }
0x2b5: {  	[tilespmem:s1+$0xFFFFFE90] =	vst v5;
	v5 =	vmax.f32 v7, $0.0e+00;
	v7 =	vsub.f32 v12, v4;
	v12 =	vld [tilespmem:s1+$0xFFFFFF10]  }
0x2b6: {  	[tilespmem:s1+$0xFFFFFEA0] =	vst v5;
	v5 =	vmax.f32 v6, $0.0e+00;
	v6 =	vsub.f32 v11, v4;
	v11 =	vld [tilespmem:s1+$0xFFFFFF20]  }
0x2b7: {  	[tilespmem:s1+$0xFFFFFEB0] =	vst v5;
	v5 =	vmax.f32 v7, $0.0e+00;
	v7 =	vsub.f32 v10, v4;
	v10 =	vld [tilespmem:s1+$0xFFFFFF30]  }
0x2b8: {  	[tilespmem:s1+$0xFFFFFEC0] =	vst v5;
	v5 =	vmax.f32 v6, $0.0e+00;
	v6 =	vsub.f32 v8, v4;
	v8 =	vld [tilespmem:s1+$0xFFFFFF40]  }
0x2b9: {  	[tilespmem:s1+$0xFFFFFED0] =	vst v5;
	v5 =	vmax.f32 v7, $0.0e+00;
	v7 =	vsub.f32 v9, v4;
	v9 =	vld [tilespmem:s1+$0xFFFFFF50]  }
0x2ba: {  	[tilespmem:s1+$0xFFFFFEE0] =	vst v5;
	v5 =	vmax.f32 v6, $0.0e+00;
	v6 =	vsub.f32 v12, v4;
	v12 =	vld [tilespmem:s1+$0xFFFFFF60]  }
0x2bb: {  	[tilespmem:s1+$0xFFFFFEF0] =	vst v5;
	v5 =	vmax.f32 v7, $0.0e+00;
	v7 =	vsub.f32 v11, v4;
	v11 =	vld [tilespmem:s1+$0xFFFFFF70]  }
0x2bc: {  	[tilespmem:s1+$0xFFFFFF00] =	vst v5;
	v5 =	vmax.f32 v6, $0.0e+00;
	v6 =	vsub.f32 v10, v4;
	v10 =	vld [tilespmem:s1+$0xFFFFFF80]  }
0x2bd: {  	[tilespmem:s1+$0xFFFFFF10] =	vst v5;
	v5 =	vmax.f32 v7, $0.0e+00;
	v7 =	vsub.f32 v8, v4;
	v8 =	vld [tilespmem:s1+$0xFFFFFF90]  }
0x2be: {  	[tilespmem:s1+$0xFFFFFF20] =	vst v5;
	v5 =	vmax.f32 v6, $0.0e+00;
	v6 =	vsub.f32 v9, v4;
	v9 =	vld [tilespmem:s1+$0xFFFFFFA0]  }
0x2bf: {  	[tilespmem:s1+$0xFFFFFF30] =	vst v5;
	v5 =	vmax.f32 v7, $0.0e+00;
	v7 =	vsub.f32 v12, v4;
	v13 =	vld [tilespmem:s1+$0xFFFFFFB0]  }
.Ltmp25:
0x2c0: {  	[tilespmem:s1+$0xFFFFFF40] =	vst v5;
	v6 =	vmax.f32 v6, $0.0e+00;
	v11 =	vsub.f32 v11, v4;
	v5 =	vld [tilespmem:s1+$0xFFFFFFC0];
	(pc) =	sbr.rel @p0 .LBB2_42-.Ltmp25, $4  }
0x2c1: {  	[tilespmem:s1+$0xFFFFFF50] =	vst v6;
	v7 =	vmax.f32 v7, $0.0e+00;
	v10 =	vsub.f32 v10, v4;
	v6 =	vld [tilespmem:s1+$0xFFFFFFD0]  }
0x2c2: {  	[tilespmem:s1+$0xFFFFFF60] =	vst v7;
	v11 =	vmax.f32 v11, $0.0e+00;
	v12 =	vsub.f32 v8, v4;
	v7 =	vld [tilespmem:s1+$0xFFFFFFE0]  }
0x2c3: {  	[tilespmem:s1+$0xFFFFFF70] =	vst v11;
	v11 =	vmax.f32 v10, $0.0e+00;
	v10 =	vsub.f32 v9, v4;
	v8 =	vld [tilespmem:s1+$0xFFFFFFF0]  }
0x2c4: {  	s1 =	sadd.s32 $0x200, s1;
	v9 =	vld [tilespmem:s26+$0xFFFFFE10];
	[tilespmem:s26+$0xFFFFFF80] =	vst v11;
	v12 =	vmax.f32 v12, $0.0e+00;
	v11 =	vsub.f32 v13, v4  }
0x2c5: {  	[tilespmem:s26+$0xFFFFFF90] =	vst v12;
	v10 =	vmax.f32 v10, $0.0e+00;
	v5 =	vsub.f32 v5, v4  }
0x2c6: {  	[tilespmem:s26+$0xFFFFFFA0] =	vst v10;
	v10 =	vmax.f32 v11, $0.0e+00;
	v6 =	vsub.f32 v6, v4  }
0x2c7: {  	[tilespmem:s26+$0xFFFFFFB0] =	vst v10;
	v5 =	vmax.f32 v5, $0.0e+00;
	v7 =	vsub.f32 v7, v4  }
0x2c8: {  	[tilespmem:s26+$0xFFFFFFC0] =	vst v5;
	v5 =	vmax.f32 v6, $0.0e+00;
	v6 =	vsub.f32 v8, v4  }
0x2c9: {  	v8 =	vsub.f32 v9, v4;
	[tilespmem:s26+$0xFFFFFFD0] =	vst v5;
	v5 =	vmax.f32 v7, $0.0e+00  }
0x2ca: {  	[tilespmem:s26+$0xFFFFFFE0] =	vst v5;
	v5 =	vmax.f32 v6, $0.0e+00  }
0x2cb: {  	v6 =	vmax.f32 v8, $0.0e+00;
	[tilespmem:s26+$0xFFFFFFF0] =	vst v5  }
0x2cc: {  	s0 =	sadd.s32 $0x2000, s8;
	[tilespmem:s26+$0xFFFFFE10] =	vst v6;
	s26 =	simm.s32 $0x4000  }
0x2cd: {  	[hbm4b:s0+s11] =	stream.strided.scatter [tilespmem:s3], [sflag:$0x3], $0x2000, s12, s11, $0x38;
	[tilespmem:$0x19280] =	vst v63  }
0x2ce: {  	v5 =	vld [tilespmem:s26+$0x10];
	_ =	sdelay $0x2  }
0x2cf: {  	v7 =	vld [tilespmem:s26+$0x30];
	_ =	sdelay $0x1  }
0x2d0: {  	v5 =	vsub.f32 v5, v4  }
0x2d1: {  	v9 =	vld [tilespmem:s26+$0x50]  }
0x2d2: {  	v5 =	vmax.f32 v5, $0.0e+00  }
0x2d3: {  	v6 =	vld [tilespmem:s26+$0x20];
	[tilespmem:s26+$0x10] =	vst v5;
	v5 =	vsub.f32 v7, v4  }
0x2d4: {  	v11 =	vld [tilespmem:s26+$0x70]  }
0x2d5: {  	v8 =	vld [tilespmem:s26+$0x40];
	v5 =	vmax.f32 v5, $0.0e+00  }
0x2d6: {  	v13 =	vld [tilespmem:s26+$0x1F0];
	[tilespmem:s26+$0x30] =	vst v5;
	v5 =	vsub.f32 v9, v4  }
0x2d7: {  	v10 =	vld [tilespmem:s26+$0x60]  }
0x2d8: {  	v6 =	vsub.f32 v6, v4;
	v7 =	vld [tilespmem:s26+$0x90];
	v5 =	vmax.f32 v5, $0.0e+00  }
0x2d9: {  	v12 =	vld [tilespmem:s26+$0x80];
	[tilespmem:s26+$0x50] =	vst v5;
	v5 =	vsub.f32 v11, v4  }
0x2da: {  	v14 =	vld [tilespmem:s26+$0x110];
	v6 =	vmax.f32 v6, $0.0e+00  }
0x2db: {  	v15 =	vld [tilespmem:s26+$0x120];
	v13 =	vsub.f32 v13, v4;
	[tilespmem:s26+$0x20] =	vst v6;
	v5 =	vmax.f32 v5, $0.0e+00  }
0x2dc: {  	v6 =	vsub.f32 v8, v4;
	[tilespmem:s26+$0x70] =	vst v5;
	v5 =	vld [tilespmem:s26+$0x100]  }
0x2dd: {  	v13 =	vmax.f32 v13, $0.0e+00;
	v8 =	vld [tilespmem:s26+$0xA0];
	v7 =	vsub.f32 v7, v4  }
0x2de: {  	[tilespmem:s26+$0x1F0] =	vst v13;
	v13 =	vld [tilespmem:s26+$0xF0];
	v6 =	vmax.f32 v6, $0.0e+00  }
0x2df: {  	v12 =	vsub.f32 v12, v4;
	[tilespmem:s26+$0x40] =	vst v6;
	v6 =	vsub.f32 v10, v4;
	v10 =	vld [tilespmem:s26+$0xC0];
	v7 =	vmax.f32 v7, $0.0e+00  }
0x2e0: {  	v11 =	vld [tilespmem:s26+$0xD0];
	[tilespmem:s26+$0x90] =	vst v7;
	v7 =	vsub.f32 v15, v4  }
0x2e1: {  	v12 =	vmax.f32 v12, $0.0e+00;
	v9 =	vld [tilespmem:s26+$0xB0];
	v5 =	vsub.f32 v5, v4  }
0x2e2: {  	v16 =	vld [tilespmem:s26+$0x130];
	[tilespmem:s26+$0x80] =	vst v12;
	v7 =	vmax.f32 v7, $0.0e+00  }
0x2e3: {  	v12 =	vsub.f32 v14, v4;
	[tilespmem:s26+$0x120] =	vst v7;
	v5 =	vmax.f32 v5, $0.0e+00  }
0x2e4: {  	v17 =	vld [tilespmem:s26+$0x140];
	v6 =	vmax.f32 v6, $0.0e+00;
	v7 =	vsub.f32 v10, v4;
	[tilespmem:s26+$0x100] =	vst v5;
	v5 =	vsub.f32 v8, v4  }
0x2e5: {  	[tilespmem:s26+$0x60] =	vst v6;
	v10 =	vsub.f32 v11, v4;
	v11 =	vsub.f32 v13, v4;
	v8 =	vmax.f32 v12, $0.0e+00  }
0x2e6: {  	v18 =	vld [tilespmem:s26+$0x150];
	[tilespmem:s26+$0x110] =	vst v8;
	v8 =	vsub.f32 v9, v4;
	v5 =	vmax.f32 v5, $0.0e+00  }
0x2e7: {  	v6 =	vld [tilespmem:s26+$0xE0];
	v11 =	vmax.f32 v11, $0.0e+00;
	[tilespmem:s26+$0xA0] =	vst v5;
	v5 =	vsub.f32 v16, v4  }
0x2e8: {  	v19 =	vld [tilespmem:s26+$0x160];
	[tilespmem:s26+$0xF0] =	vst v11;
	v8 =	vmax.f32 v8, $0.0e+00  }
0x2e9: {  	v14 =	vld [tilespmem:s26+$0x170];
	[tilespmem:s26+$0xB0] =	vst v8;
	v8 =	vsub.f32 v17, v4;
	v5 =	vmax.f32 v5, $0.0e+00  }
0x2ea: {  	v12 =	vld [tilespmem:s26+$0x180];
	[tilespmem:s26+$0x130] =	vst v5;
	v5 =	vmax.f32 v7, $0.0e+00  }
0x2eb: {  	v9 =	vld [tilespmem:s26+$0x190];
	v7 =	vsub.f32 v18, v4;
	v8 =	vmax.f32 v8, $0.0e+00;
	[tilespmem:s26+$0xC0] =	vst v5  }
0x2ec: {  	v15 =	vld [tilespmem:s26+$0x1A0];
	[tilespmem:s26+$0x140] =	vst v8;
	v8 =	vsub.f32 v6, v4;
	v6 =	vmax.f32 v10, $0.0e+00  }
0x2ed: {  	v5 =	vld [tilespmem:s26+$0x1B0];
	v10 =	vsub.f32 v19, v4;
	[tilespmem:s26+$0xD0] =	vst v6;
	v7 =	vmax.f32 v7, $0.0e+00  }
0x2ee: {  	v6 =	vld [tilespmem:s26+$0x1C0];
	[tilespmem:s26+$0x150] =	vst v7;
	v7 =	vmax.f32 v8, $0.0e+00;
	v8 =	vsub.f32 v14, v4  }
0x2ef: {  	v12 =	vsub.f32 v12, v4;
	v10 =	vmax.f32 v10, $0.0e+00;
	[tilespmem:s26+$0xE0] =	vst v7;
	v7 =	vld [tilespmem:s26+$0x1D0]  }
0x2f0: {  	[tilespmem:s26+$0x160] =	vst v10;
	v10 =	vsub.f32 v9, v4;
	v11 =	vmax.f32 v8, $0.0e+00;
	v8 =	vld [tilespmem:s26+$0x1E0]  }
0x2f1: {  	s1 =	simm.s32 $0x4200;
	s0 =	simm.s32 $0x40;
	v12 =	vmax.f32 v12, $0.0e+00;
	v9 =	vld [tilespmem:s26+$0x0];
	[tilespmem:s26+$0x170] =	vst v11;
	v11 =	vsub.f32 v15, v4  }
.LBB2_44:
0x2f2: {  	v13 =	vld [tilespmem:s1+$0x1F0];
	s0 =	sadd.s32 $0x2, s0;
	[tilespmem:s26+$0x180] =	vst v12;
	v10 =	vmax.f32 v10, $0.0e+00;
	v5 =	vsub.f32 v5, v4  }
0x2f3: {  	v12 =	vld [tilespmem:s1+$0x10];
	p0 =	slt.u32 s0, $0x5E;
	[tilespmem:s26+$0x190] =	vst v10;
	v10 =	vmax.f32 v11, $0.0e+00;
	v6 =	vsub.f32 v6, v4  }
0x2f4: {  	v11 =	vld [tilespmem:s1+$0x20];
	[tilespmem:s26+$0x1A0] =	vst v10;
	v5 =	vmax.f32 v5, $0.0e+00;
	v7 =	vsub.f32 v7, v4  }
0x2f5: {  	v10 =	vld [tilespmem:s1+$0x30];
	[tilespmem:s26+$0x1B0] =	vst v5;
	v5 =	vmax.f32 v6, $0.0e+00;
	v6 =	vsub.f32 v8, v4  }
0x2f6: {  	v8 =	vld [tilespmem:s1+$0x40];
	v9 =	vsub.f32 v9, v4;
	[tilespmem:s26+$0x1C0] =	vst v5;
	v5 =	vmax.f32 v7, $0.0e+00  }
0x2f7: {  	v7 =	vld [tilespmem:s1+$0x50];
	v13 =	vsub.f32 v13, v4;
	[tilespmem:s26+$0x1D0] =	vst v5;
	v5 =	vmax.f32 v6, $0.0e+00  }
0x2f8: {  	v6 =	vsub.f32 v12, v4;
	v12 =	vld [tilespmem:s1+$0x60];
	v9 =	vmax.f32 v9, $0.0e+00;
	[tilespmem:s26+$0x1E0] =	vst v5  }
0x2f9: {  	v5 =	vsub.f32 v11, v4;
	v11 =	vld [tilespmem:s1+$0x70];
	v13 =	vmax.f32 v13, $0.0e+00;
	[tilespmem:s26+$0x0] =	vst v9;
	s26 =	smov.u32 s1  }
0x2fa: {  	v6 =	vmax.f32 v6, $0.0e+00;
	v9 =	vsub.f32 v10, v4;
	v10 =	vld [tilespmem:s1+$0x80];
	[tilespmem:s1+$0x1F0] =	vst v13  }
0x2fb: {  	[tilespmem:s1+$0x10] =	vst v6;
	v5 =	vmax.f32 v5, $0.0e+00;
	v6 =	vsub.f32 v8, v4;
	v8 =	vld [tilespmem:s1+$0x90]  }
0x2fc: {  	[tilespmem:s1+$0x20] =	vst v5;
	v5 =	vmax.f32 v9, $0.0e+00;
	v7 =	vsub.f32 v7, v4;
	v9 =	vld [tilespmem:s1+$0xA0]  }
0x2fd: {  	[tilespmem:s1+$0x30] =	vst v5;
	v5 =	vmax.f32 v6, $0.0e+00;
	v6 =	vsub.f32 v12, v4;
	v12 =	vld [tilespmem:s1+$0xB0]  }
0x2fe: {  	[tilespmem:s1+$0x40] =	vst v5;
	v5 =	vmax.f32 v7, $0.0e+00;
	v7 =	vsub.f32 v11, v4;
	v11 =	vld [tilespmem:s1+$0xC0]  }
0x2ff: {  	[tilespmem:s1+$0x50] =	vst v5;
	v5 =	vmax.f32 v6, $0.0e+00;
	v6 =	vsub.f32 v10, v4;
	v10 =	vld [tilespmem:s1+$0xD0]  }
0x300: {  	[tilespmem:s1+$0x60] =	vst v5;
	v5 =	vmax.f32 v7, $0.0e+00;
	v7 =	vsub.f32 v8, v4;
	v8 =	vld [tilespmem:s1+$0xE0]  }
0x301: {  	[tilespmem:s1+$0x70] =	vst v5;
	v5 =	vmax.f32 v6, $0.0e+00;
	v6 =	vsub.f32 v9, v4;
	v9 =	vld [tilespmem:s1+$0xF0]  }
0x302: {  	[tilespmem:s1+$0x80] =	vst v5;
	v5 =	vmax.f32 v7, $0.0e+00;
	v7 =	vsub.f32 v12, v4;
	v12 =	vld [tilespmem:s1+$0x100]  }
0x303: {  	[tilespmem:s1+$0x90] =	vst v5;
	v5 =	vmax.f32 v6, $0.0e+00;
	v6 =	vsub.f32 v11, v4;
	v11 =	vld [tilespmem:s1+$0x110]  }
0x304: {  	[tilespmem:s1+$0xA0] =	vst v5;
	v5 =	vmax.f32 v7, $0.0e+00;
	v7 =	vsub.f32 v10, v4;
	v10 =	vld [tilespmem:s1+$0x120]  }
0x305: {  	[tilespmem:s1+$0xB0] =	vst v5;
	v5 =	vmax.f32 v6, $0.0e+00;
	v6 =	vsub.f32 v8, v4;
	v8 =	vld [tilespmem:s1+$0x130]  }
0x306: {  	[tilespmem:s1+$0xC0] =	vst v5;
	v5 =	vmax.f32 v7, $0.0e+00;
	v7 =	vsub.f32 v9, v4;
	v9 =	vld [tilespmem:s1+$0x140]  }
0x307: {  	[tilespmem:s1+$0xD0] =	vst v5;
	v5 =	vmax.f32 v6, $0.0e+00;
	v6 =	vsub.f32 v12, v4;
	v12 =	vld [tilespmem:s1+$0x150]  }
0x308: {  	[tilespmem:s1+$0xE0] =	vst v5;
	v5 =	vmax.f32 v7, $0.0e+00;
	v7 =	vsub.f32 v11, v4;
	v11 =	vld [tilespmem:s1+$0x160]  }
0x309: {  	[tilespmem:s1+$0xF0] =	vst v5;
	v5 =	vmax.f32 v6, $0.0e+00;
	v6 =	vsub.f32 v10, v4;
	v10 =	vld [tilespmem:s1+$0x170]  }
0x30a: {  	[tilespmem:s1+$0x100] =	vst v5;
	v5 =	vmax.f32 v7, $0.0e+00;
	v7 =	vsub.f32 v8, v4;
	v8 =	vld [tilespmem:s1+$0x180]  }
0x30b: {  	[tilespmem:s1+$0x110] =	vst v5;
	v5 =	vmax.f32 v6, $0.0e+00;
	v6 =	vsub.f32 v9, v4;
	v9 =	vld [tilespmem:s1+$0x190]  }
0x30c: {  	[tilespmem:s1+$0x120] =	vst v5;
	v5 =	vmax.f32 v7, $0.0e+00;
	v7 =	vsub.f32 v12, v4;
	v13 =	vld [tilespmem:s1+$0x1A0]  }
.Ltmp26:
0x30d: {  	[tilespmem:s1+$0x130] =	vst v5;
	v6 =	vmax.f32 v6, $0.0e+00;
	v11 =	vsub.f32 v11, v4;
	v5 =	vld [tilespmem:s1+$0x1B0];
	(pc) =	sbr.rel @p0 .LBB2_44-.Ltmp26, $4  }
0x30e: {  	[tilespmem:s1+$0x140] =	vst v6;
	v7 =	vmax.f32 v7, $0.0e+00;
	v10 =	vsub.f32 v10, v4;
	v6 =	vld [tilespmem:s1+$0x1C0]  }
0x30f: {  	[tilespmem:s1+$0x150] =	vst v7;
	v11 =	vmax.f32 v11, $0.0e+00;
	v12 =	vsub.f32 v8, v4;
	v7 =	vld [tilespmem:s1+$0x1D0]  }
0x310: {  	[tilespmem:s1+$0x160] =	vst v11;
	v11 =	vmax.f32 v10, $0.0e+00;
	v10 =	vsub.f32 v9, v4;
	v8 =	vld [tilespmem:s1+$0x1E0]  }
0x311: {  	s1 =	sadd.s32 $0x200, s1;
	v9 =	vld [tilespmem:s26+$0x0];
	[tilespmem:s26+$0x170] =	vst v11;
	v12 =	vmax.f32 v12, $0.0e+00;
	v11 =	vsub.f32 v13, v4  }
0x312: {  	[tilespmem:s26+$0x180] =	vst v12;
	v10 =	vmax.f32 v10, $0.0e+00;
	v5 =	vsub.f32 v5, v4  }
0x313: {  	[tilespmem:s26+$0x190] =	vst v10;
	v10 =	vmax.f32 v11, $0.0e+00;
	v6 =	vsub.f32 v6, v4  }
0x314: {  	[tilespmem:s26+$0x1A0] =	vst v10;
	v5 =	vmax.f32 v5, $0.0e+00;
	v7 =	vsub.f32 v7, v4  }
0x315: {  	[tilespmem:s26+$0x1B0] =	vst v5;
	v5 =	vmax.f32 v6, $0.0e+00;
	v6 =	vsub.f32 v8, v4  }
0x316: {  	v8 =	vsub.f32 v9, v4;
	[tilespmem:s26+$0x1C0] =	vst v5;
	v5 =	vmax.f32 v7, $0.0e+00  }
0x317: {  	[tilespmem:s26+$0x1D0] =	vst v5;
	v5 =	vmax.f32 v6, $0.0e+00  }
0x318: {  	v6 =	vmax.f32 v8, $0.0e+00;
	[tilespmem:s26+$0x1E0] =	vst v5  }
0x319: {  	s0 =	sadd.s32 $0x4000, s8;
	s1 =	simm.s32 $0x4000;
	[tilespmem:s26+$0x0] =	vst v6;
	s26 =	simm.s32 $0x6000  }
0x31a: {  	[hbm4b:s0+s11] =	stream.strided.scatter [tilespmem:s1], [sflag:$0x3], $0x2000, s12, s11, $0x38;
	[tilespmem:$0x19280] =	vst v63  }
0x31b: {  	v5 =	vld [tilespmem:s26+$0x10];
	_ =	sdelay $0x2  }
0x31c: {  	v7 =	vld [tilespmem:s26+$0x30];
	_ =	sdelay $0x1  }
0x31d: {  	v5 =	vsub.f32 v5, v4  }
0x31e: {  	v9 =	vld [tilespmem:s26+$0x50]  }
0x31f: {  	v5 =	vmax.f32 v5, $0.0e+00  }
0x320: {  	v6 =	vld [tilespmem:s26+$0x20];
	[tilespmem:s26+$0x10] =	vst v5;
	v5 =	vsub.f32 v7, v4  }
0x321: {  	v11 =	vld [tilespmem:s26+$0x70]  }
0x322: {  	v8 =	vld [tilespmem:s26+$0x40];
	v5 =	vmax.f32 v5, $0.0e+00  }
0x323: {  	v13 =	vld [tilespmem:s26+$0x1F0];
	[tilespmem:s26+$0x30] =	vst v5;
	v5 =	vsub.f32 v9, v4  }
0x324: {  	v10 =	vld [tilespmem:s26+$0x60]  }
0x325: {  	v6 =	vsub.f32 v6, v4;
	v7 =	vld [tilespmem:s26+$0x90];
	v5 =	vmax.f32 v5, $0.0e+00  }
0x326: {  	v12 =	vld [tilespmem:s26+$0x80];
	[tilespmem:s26+$0x50] =	vst v5;
	v5 =	vsub.f32 v11, v4  }
0x327: {  	v14 =	vld [tilespmem:s26+$0x110];
	v6 =	vmax.f32 v6, $0.0e+00  }
0x328: {  	v15 =	vld [tilespmem:s26+$0x120];
	v13 =	vsub.f32 v13, v4;
	[tilespmem:s26+$0x20] =	vst v6;
	v5 =	vmax.f32 v5, $0.0e+00  }
0x329: {  	v6 =	vsub.f32 v8, v4;
	[tilespmem:s26+$0x70] =	vst v5;
	v5 =	vld [tilespmem:s26+$0x100]  }
0x32a: {  	v13 =	vmax.f32 v13, $0.0e+00;
	v8 =	vld [tilespmem:s26+$0xA0];
	v7 =	vsub.f32 v7, v4  }
0x32b: {  	[tilespmem:s26+$0x1F0] =	vst v13;
	v13 =	vld [tilespmem:s26+$0xF0];
	v6 =	vmax.f32 v6, $0.0e+00  }
0x32c: {  	v12 =	vsub.f32 v12, v4;
	[tilespmem:s26+$0x40] =	vst v6;
	v6 =	vsub.f32 v10, v4;
	v10 =	vld [tilespmem:s26+$0xC0];
	v7 =	vmax.f32 v7, $0.0e+00  }
0x32d: {  	v11 =	vld [tilespmem:s26+$0xD0];
	[tilespmem:s26+$0x90] =	vst v7;
	v7 =	vsub.f32 v15, v4  }
0x32e: {  	v12 =	vmax.f32 v12, $0.0e+00;
	v9 =	vld [tilespmem:s26+$0xB0];
	v5 =	vsub.f32 v5, v4  }
0x32f: {  	v16 =	vld [tilespmem:s26+$0x130];
	[tilespmem:s26+$0x80] =	vst v12;
	v7 =	vmax.f32 v7, $0.0e+00  }
0x330: {  	v12 =	vsub.f32 v14, v4;
	[tilespmem:s26+$0x120] =	vst v7;
	v5 =	vmax.f32 v5, $0.0e+00  }
0x331: {  	v17 =	vld [tilespmem:s26+$0x140];
	v6 =	vmax.f32 v6, $0.0e+00;
	v7 =	vsub.f32 v10, v4;
	[tilespmem:s26+$0x100] =	vst v5;
	v5 =	vsub.f32 v8, v4  }
0x332: {  	[tilespmem:s26+$0x60] =	vst v6;
	v10 =	vsub.f32 v11, v4;
	v11 =	vsub.f32 v13, v4;
	v8 =	vmax.f32 v12, $0.0e+00  }
0x333: {  	v18 =	vld [tilespmem:s26+$0x150];
	[tilespmem:s26+$0x110] =	vst v8;
	v8 =	vsub.f32 v9, v4;
	v5 =	vmax.f32 v5, $0.0e+00  }
0x334: {  	v6 =	vld [tilespmem:s26+$0xE0];
	v11 =	vmax.f32 v11, $0.0e+00;
	[tilespmem:s26+$0xA0] =	vst v5;
	v5 =	vsub.f32 v16, v4  }
0x335: {  	v19 =	vld [tilespmem:s26+$0x160];
	[tilespmem:s26+$0xF0] =	vst v11;
	v8 =	vmax.f32 v8, $0.0e+00  }
0x336: {  	v14 =	vld [tilespmem:s26+$0x170];
	[tilespmem:s26+$0xB0] =	vst v8;
	v8 =	vsub.f32 v17, v4;
	v5 =	vmax.f32 v5, $0.0e+00  }
0x337: {  	v12 =	vld [tilespmem:s26+$0x180];
	[tilespmem:s26+$0x130] =	vst v5;
	v5 =	vmax.f32 v7, $0.0e+00  }
0x338: {  	v9 =	vld [tilespmem:s26+$0x190];
	v7 =	vsub.f32 v18, v4;
	v8 =	vmax.f32 v8, $0.0e+00;
	[tilespmem:s26+$0xC0] =	vst v5  }
0x339: {  	v15 =	vld [tilespmem:s26+$0x1A0];
	[tilespmem:s26+$0x140] =	vst v8;
	v8 =	vsub.f32 v6, v4;
	v6 =	vmax.f32 v10, $0.0e+00  }
0x33a: {  	v5 =	vld [tilespmem:s26+$0x1B0];
	v10 =	vsub.f32 v19, v4;
	[tilespmem:s26+$0xD0] =	vst v6;
	v7 =	vmax.f32 v7, $0.0e+00  }
0x33b: {  	v6 =	vld [tilespmem:s26+$0x1C0];
	[tilespmem:s26+$0x150] =	vst v7;
	v7 =	vmax.f32 v8, $0.0e+00;
	v8 =	vsub.f32 v14, v4  }
0x33c: {  	v12 =	vsub.f32 v12, v4;
	v10 =	vmax.f32 v10, $0.0e+00;
	[tilespmem:s26+$0xE0] =	vst v7;
	v7 =	vld [tilespmem:s26+$0x1D0]  }
0x33d: {  	[tilespmem:s26+$0x160] =	vst v10;
	v10 =	vsub.f32 v9, v4;
	v11 =	vmax.f32 v8, $0.0e+00;
	v8 =	vld [tilespmem:s26+$0x1E0]  }
0x33e: {  	s0 =	simm.s32 $0x60;
	s1 =	simm.s32 $0x6200;
	v12 =	vmax.f32 v12, $0.0e+00;
	v9 =	vld [tilespmem:s26+$0x0];
	[tilespmem:s26+$0x170] =	vst v11;
	v11 =	vsub.f32 v15, v4  }
.LBB2_46:
0x33f: {  	v13 =	vld [tilespmem:s1+$0x1F0];
	s0 =	sadd.s32 $0x2, s0;
	[tilespmem:s26+$0x180] =	vst v12;
	v10 =	vmax.f32 v10, $0.0e+00;
	v5 =	vsub.f32 v5, v4  }
0x340: {  	v12 =	vld [tilespmem:s1+$0x10];
	p0 =	slt.u32 s0, $0x7E;
	[tilespmem:s26+$0x190] =	vst v10;
	v10 =	vmax.f32 v11, $0.0e+00;
	v6 =	vsub.f32 v6, v4  }
0x341: {  	v11 =	vld [tilespmem:s1+$0x20];
	[tilespmem:s26+$0x1A0] =	vst v10;
	v5 =	vmax.f32 v5, $0.0e+00;
	v7 =	vsub.f32 v7, v4  }
0x342: {  	v10 =	vld [tilespmem:s1+$0x30];
	[tilespmem:s26+$0x1B0] =	vst v5;
	v5 =	vmax.f32 v6, $0.0e+00;
	v6 =	vsub.f32 v8, v4  }
0x343: {  	v8 =	vld [tilespmem:s1+$0x40];
	v9 =	vsub.f32 v9, v4;
	[tilespmem:s26+$0x1C0] =	vst v5;
	v5 =	vmax.f32 v7, $0.0e+00  }
0x344: {  	v7 =	vld [tilespmem:s1+$0x50];
	v13 =	vsub.f32 v13, v4;
	[tilespmem:s26+$0x1D0] =	vst v5;
	v5 =	vmax.f32 v6, $0.0e+00  }
0x345: {  	v6 =	vsub.f32 v12, v4;
	v12 =	vld [tilespmem:s1+$0x60];
	v9 =	vmax.f32 v9, $0.0e+00;
	[tilespmem:s26+$0x1E0] =	vst v5  }
0x346: {  	v5 =	vsub.f32 v11, v4;
	v11 =	vld [tilespmem:s1+$0x70];
	v13 =	vmax.f32 v13, $0.0e+00;
	[tilespmem:s26+$0x0] =	vst v9;
	s26 =	smov.u32 s1  }
0x347: {  	v6 =	vmax.f32 v6, $0.0e+00;
	v9 =	vsub.f32 v10, v4;
	v10 =	vld [tilespmem:s1+$0x80];
	[tilespmem:s1+$0x1F0] =	vst v13  }
0x348: {  	[tilespmem:s1+$0x10] =	vst v6;
	v5 =	vmax.f32 v5, $0.0e+00;
	v6 =	vsub.f32 v8, v4;
	v8 =	vld [tilespmem:s1+$0x90]  }
0x349: {  	[tilespmem:s1+$0x20] =	vst v5;
	v5 =	vmax.f32 v9, $0.0e+00;
	v7 =	vsub.f32 v7, v4;
	v9 =	vld [tilespmem:s1+$0xA0]  }
0x34a: {  	[tilespmem:s1+$0x30] =	vst v5;
	v5 =	vmax.f32 v6, $0.0e+00;
	v6 =	vsub.f32 v12, v4;
	v12 =	vld [tilespmem:s1+$0xB0]  }
0x34b: {  	[tilespmem:s1+$0x40] =	vst v5;
	v5 =	vmax.f32 v7, $0.0e+00;
	v7 =	vsub.f32 v11, v4;
	v11 =	vld [tilespmem:s1+$0xC0]  }
0x34c: {  	[tilespmem:s1+$0x50] =	vst v5;
	v5 =	vmax.f32 v6, $0.0e+00;
	v6 =	vsub.f32 v10, v4;
	v10 =	vld [tilespmem:s1+$0xD0]  }
0x34d: {  	[tilespmem:s1+$0x60] =	vst v5;
	v5 =	vmax.f32 v7, $0.0e+00;
	v7 =	vsub.f32 v8, v4;
	v8 =	vld [tilespmem:s1+$0xE0]  }
0x34e: {  	[tilespmem:s1+$0x70] =	vst v5;
	v5 =	vmax.f32 v6, $0.0e+00;
	v6 =	vsub.f32 v9, v4;
	v9 =	vld [tilespmem:s1+$0xF0]  }
0x34f: {  	[tilespmem:s1+$0x80] =	vst v5;
	v5 =	vmax.f32 v7, $0.0e+00;
	v7 =	vsub.f32 v12, v4;
	v12 =	vld [tilespmem:s1+$0x100]  }
0x350: {  	[tilespmem:s1+$0x90] =	vst v5;
	v5 =	vmax.f32 v6, $0.0e+00;
	v6 =	vsub.f32 v11, v4;
	v11 =	vld [tilespmem:s1+$0x110]  }
0x351: {  	[tilespmem:s1+$0xA0] =	vst v5;
	v5 =	vmax.f32 v7, $0.0e+00;
	v7 =	vsub.f32 v10, v4;
	v10 =	vld [tilespmem:s1+$0x120]  }
0x352: {  	[tilespmem:s1+$0xB0] =	vst v5;
	v5 =	vmax.f32 v6, $0.0e+00;
	v6 =	vsub.f32 v8, v4;
	v8 =	vld [tilespmem:s1+$0x130]  }
0x353: {  	[tilespmem:s1+$0xC0] =	vst v5;
	v5 =	vmax.f32 v7, $0.0e+00;
	v7 =	vsub.f32 v9, v4;
	v9 =	vld [tilespmem:s1+$0x140]  }
0x354: {  	[tilespmem:s1+$0xD0] =	vst v5;
	v5 =	vmax.f32 v6, $0.0e+00;
	v6 =	vsub.f32 v12, v4;
	v12 =	vld [tilespmem:s1+$0x150]  }
0x355: {  	[tilespmem:s1+$0xE0] =	vst v5;
	v5 =	vmax.f32 v7, $0.0e+00;
	v7 =	vsub.f32 v11, v4;
	v11 =	vld [tilespmem:s1+$0x160]  }
0x356: {  	[tilespmem:s1+$0xF0] =	vst v5;
	v5 =	vmax.f32 v6, $0.0e+00;
	v6 =	vsub.f32 v10, v4;
	v10 =	vld [tilespmem:s1+$0x170]  }
0x357: {  	[tilespmem:s1+$0x100] =	vst v5;
	v5 =	vmax.f32 v7, $0.0e+00;
	v7 =	vsub.f32 v8, v4;
	v8 =	vld [tilespmem:s1+$0x180]  }
0x358: {  	[tilespmem:s1+$0x110] =	vst v5;
	v5 =	vmax.f32 v6, $0.0e+00;
	v6 =	vsub.f32 v9, v4;
	v9 =	vld [tilespmem:s1+$0x190]  }
0x359: {  	[tilespmem:s1+$0x120] =	vst v5;
	v5 =	vmax.f32 v7, $0.0e+00;
	v7 =	vsub.f32 v12, v4;
	v13 =	vld [tilespmem:s1+$0x1A0]  }
.Ltmp27:
0x35a: {  	[tilespmem:s1+$0x130] =	vst v5;
	v6 =	vmax.f32 v6, $0.0e+00;
	v11 =	vsub.f32 v11, v4;
	v5 =	vld [tilespmem:s1+$0x1B0];
	(pc) =	sbr.rel @p0 .LBB2_46-.Ltmp27, $4  }
0x35b: {  	[tilespmem:s1+$0x140] =	vst v6;
	v7 =	vmax.f32 v7, $0.0e+00;
	v10 =	vsub.f32 v10, v4;
	v6 =	vld [tilespmem:s1+$0x1C0]  }
0x35c: {  	[tilespmem:s1+$0x150] =	vst v7;
	v11 =	vmax.f32 v11, $0.0e+00;
	v12 =	vsub.f32 v8, v4;
	v7 =	vld [tilespmem:s1+$0x1D0]  }
0x35d: {  	[tilespmem:s1+$0x160] =	vst v11;
	v11 =	vmax.f32 v10, $0.0e+00;
	v10 =	vsub.f32 v9, v4;
	v8 =	vld [tilespmem:s1+$0x1E0]  }
0x35e: {  	s1 =	sadd.s32 $0x200, s1;
	v9 =	vld [tilespmem:s26+$0x0];
	[tilespmem:s26+$0x170] =	vst v11;
	v12 =	vmax.f32 v12, $0.0e+00;
	v11 =	vsub.f32 v13, v4  }
0x35f: {  	[tilespmem:s26+$0x180] =	vst v12;
	v10 =	vmax.f32 v10, $0.0e+00;
	v5 =	vsub.f32 v5, v4  }
0x360: {  	[tilespmem:s26+$0x190] =	vst v10;
	v10 =	vmax.f32 v11, $0.0e+00;
	v6 =	vsub.f32 v6, v4  }
0x361: {  	[tilespmem:s26+$0x1A0] =	vst v10;
	v5 =	vmax.f32 v5, $0.0e+00;
	v7 =	vsub.f32 v7, v4  }
0x362: {  	[tilespmem:s26+$0x1B0] =	vst v5;
	v5 =	vmax.f32 v6, $0.0e+00;
	v6 =	vsub.f32 v8, v4  }
0x363: {  	v4 =	vsub.f32 v9, v4;
	[tilespmem:s26+$0x1C0] =	vst v5;
	v5 =	vmax.f32 v7, $0.0e+00  }
0x364: {  	[tilespmem:s26+$0x1D0] =	vst v5;
	v5 =	vmax.f32 v6, $0.0e+00  }
0x365: {  	v4 =	vmax.f32 v4, $0.0e+00;
	[tilespmem:s26+$0x1E0] =	vst v5  }
0x366: {  	s0 =	sadd.s32 $0x6000, s8;
	s1 =	simm.s32 $0x6000;
	[tilespmem:s26+$0x0] =	vst v4  }
0x367: {  	[hbm4b:s0+s11] =	stream.strided.scatter [tilespmem:s1], [sflag:$0x3], $0x2000, s12, s11, $0x38;
	[tilespmem:$0x19280] =	vst v63  }
0x368: {  	_ =	swait.ge [sflag:s19], $0x8000  }
0x369: {  	[sflag:s19] =	ssyncset.done $0x0  }
0x36a: {  	s31 =	simm.s32 $0x8100;
	[sflag:s19] =	ssyncadd.s32 $0xFFFF8000  }
0x36b: {  	v4 =	vld [tilespmem:s31+$0x70]  }
0x36c: {  	v5 =	vld [tilespmem:s31+$0xF0]  }
0x36d: {  	v6 =	vld [tilespmem:s31+$0xE0]  }
0x36e: {  	v7 =	vld [tilespmem:s31+$0xD0]  }
0x36f: {  	v8 =	vld [tilespmem:s31+$0xC0]  }
0x370: {  	v14 =	vld [tilespmem:s31+$0x0]  }
0x371: {  	v13 =	vld [tilespmem:s31+$0xFFFFFF10]  }
0x372: {  	v15 =	vld [tilespmem:s31+$0xFFFFFF20]  }
0x373: {  	v16 =	vld [tilespmem:s31+$0xFFFFFF30]  }
0x374: {  	v9 =	vld [tilespmem:s31+$0xFFFFFF40]  }
0x375: {  	v11 =	vld [tilespmem:s31+$0xFFFFFF50]  }
0x376: {  	v10 =	vld [tilespmem:s31+$0xFFFFFF60]  }
0x377: {  	v12 =	vld [tilespmem:s31+$0xFFFFFF70]  }
0x378: {  	v17 =	vld [tilespmem:s31+$0xFFFFFF80]  }
0x379: {  	v18 =	vld [tilespmem:s31+$0xFFFFFF90]  }
0x37a: {  	v19 =	vld [tilespmem:s31+$0xB0]  }
0x37b: {  	v20 =	vld [tilespmem:s31+$0x40]  }
0x37c: {  	v21 =	vld [tilespmem:s31+$0xA0]  }
0x37d: {  	v22 =	vld [tilespmem:s31+$0x50]  }
0x37e: {  	v23 =	vld [tilespmem:s31+$0x60]  }
0x37f: {  	v24 =	vld [tilespmem:s31+$0xFFFFFFC0]  }
0x380: {  	v25 =	vld [tilespmem:s31+$0xFFFFFFD0]  }
0x381: {  	v26 =	vld [tilespmem:s31+$0xFFFFFFE0]  }
0x382: {  	v27 =	vld [tilespmem:s31+$0xFFFFFFF0]  }
0x383: {  	v28 =	vld [tilespmem:s31+$0xFFFFFF00]  }
0x384: {  	v29 =	vld [tilespmem:s31+$0x10];
	v5 =	vmax.f32 v6, v5  }
0x385: {  	v6 =	vmax.f32 v8, v7;
	v8 =	vmax.f32 v17, v18;
	v17 =	vmax.f32 v10, v12;
	v10 =	vld [tilespmem:s31+$0x20]  }
0x386: {  	v7 =	vmax.f32 v21, v19;
	v18 =	vmax.f32 v20, v22;
	v9 =	vmax.f32 v9, v11;
	v12 =	vld [tilespmem:s31+$0x30]  }
0x387: {  	v19 =	vmax.f32 v23, v4;
	v4 =	vimm.f32 $-3.000000010e+38;
	v11 =	vld [tilespmem:s31+$0x90];
	v16 =	vmax.f32 v15, v16  }
0x388: {  	v15 =	vld [tilespmem:s31+$0xFFFFFFA0];
	v13 =	vmax.f32 v28, v13;
	v20 =	vmax.f32 v9, v17;
	v9 =	vmax.f32 v18, v19  }
0x389: {  	s4 =	simm.s32 $0x10010;
	s13 =	simm.s32 $0x0;
	v18 =	vmax.f32 v24, v25;
	v19 =	vmax.f32 v26, v27;
	v17 =	vld [tilespmem:s31+$0xFFFFFFB0];
	v63 =	vmax.f32 v13, v16  }
0x38a: {  	s5 =	simm.s32 $0x8300;
	s1 =	simm.s32 $0xA1F0;
	s0 =	simm.s32 $0x10010;
	v16 =	vmax.f32 v14, v29;
	v13 =	vmax.f32 v18, v19;
	v14 =	vmax.f32 v63, v20;
	v18 =	vld [tilespmem:s31+$0x80]  }
.LBB2_48:
0x38b: {  	v19 =	vld [tilespmem:s5+$0x70];
	s13 =	sadd.s32 $0x2, s13;
	s4 =	sadd.s32 $0x20, s4  }
0x38c: {  	v20 =	vld [tilespmem:s5+$0xF0];
	p0 =	slt.u32 s13, $0x1E  }
0x38d: {  	v21 =	vld [tilespmem:s5+$0xE0]  }
0x38e: {  	v10 =	vmax.f32 v10, v12;
	v5 =	vmax.f32 v6, v5;
	v22 =	vld [tilespmem:s5+$0xD0];
	v15 =	vmax.f32 v15, v17  }
0x38f: {  	v10 =	vmax.f32 v16, v10;
	v6 =	vld [tilespmem:s5+$0xC0];
	v8 =	vmax.f32 v8, v15;
	v11 =	vmax.f32 v18, v11  }
0x390: {  	v9 =	vmax.f32 v10, v9;
	v16 =	vld [tilespmem:s5+$0x0];
	v8 =	vmax.f32 v8, v13;
	v7 =	vmax.f32 v11, v7  }
0x391: {  	v13 =	vld [tilespmem:s5+$0xFFFFFF10];
	v8 =	vmax.f32 v14, v8;
	v7 =	vmax.f32 v7, v5  }
0x392: {  	v10 =	vld [tilespmem:s5+$0xFFFFFF20];
	v5 =	vmax.f32 v21, v20;
	[tilespmem:s0+$0xFFFFFFF0] =	vst v8;
	v4 =	vmax.f32 v4, v8;
	v7 =	vmax.f32 v9, v7  }
0x393: {  	v11 =	vld [tilespmem:s5+$0xFFFFFF30];
	[tilespmem:s0+$0x0] =	vst v7;
	v4 =	vmax.f32 v4, v7;
	s0 =	smov.u32 s4  }
0x394: {  	v9 =	vld [tilespmem:s5+$0xFFFFFF40];
	v6 =	vmax.f32 v6, v22  }
0x395: {  	v12 =	vld [tilespmem:s5+$0xFFFFFF50]  }
0x396: {  	v7 =	vld [tilespmem:s5+$0xFFFFFF60]  }
0x397: {  	v14 =	vld [tilespmem:s5+$0xFFFFFF70]  }
0x398: {  	v8 =	vld [tilespmem:s5+$0xFFFFFF80]  }
0x399: {  	v15 =	vld [tilespmem:s5+$0xFFFFFF90]  }
0x39a: {  	v17 =	vld [tilespmem:s5+$0xB0]  }
0x39b: {  	v18 =	vld [tilespmem:s5+$0x40]  }
0x39c: {  	v20 =	vld [tilespmem:s5+$0xA0]  }
0x39d: {  	v21 =	vld [tilespmem:s5+$0x50]  }
0x39e: {  	v22 =	vld [tilespmem:s5+$0x60]  }
0x39f: {  	v8 =	vmax.f32 v8, v15;
	v23 =	vld [tilespmem:s5+$0xFFFFFFC0]  }
0x3a0: {  	v15 =	vld [tilespmem:s5+$0xFFFFFFD0]  }
0x3a1: {  	v14 =	vmax.f32 v7, v14;
	v24 =	vld [tilespmem:s5+$0xFFFFFFE0];
	v7 =	vmax.f32 v20, v17  }
0x3a2: {  	v17 =	vld [tilespmem:s5+$0xFFFFFFF0];
	v18 =	vmax.f32 v18, v21  }
0x3a3: {  	v9 =	vmax.f32 v9, v12;
	v20 =	vld [tilespmem:s5+$0xFFFFFF00];
	v12 =	vmax.f32 v22, v19  }
0x3a4: {  	v14 =	vmax.f32 v9, v14;
	v19 =	vld [tilespmem:s5+$0x10];
	v9 =	vmax.f32 v18, v12  }
0x3a5: {  	v18 =	vmax.f32 v10, v11;
	v21 =	vmax.f32 v23, v15;
	v10 =	vld [tilespmem:s5+$0x20]  }
.Ltmp28:
0x3a6: {  	v12 =	vld [tilespmem:s5+$0x30];
	(pc) =	sbr.rel @p0 .LBB2_48-.Ltmp28, $4  }
0x3a7: {  	v17 =	vmax.f32 v24, v17;
	v11 =	vld [tilespmem:s5+$0x90]  }
0x3a8: {  	v15 =	vld [tilespmem:s5+$0xFFFFFFA0];
	v20 =	vmax.f32 v20, v13;
	v13 =	vmax.f32 v21, v17  }
0x3a9: {  	v17 =	vld [tilespmem:s5+$0xFFFFFFB0];
	v18 =	vmax.f32 v20, v18;
	v16 =	vmax.f32 v16, v19  }
0x3aa: {  	s26 =	simm.s32 $0x10210;
	v14 =	vmax.f32 v18, v14;
	v18 =	vld [tilespmem:s5+$0x80];
	s5 =	sadd.s32 $0x200, s5  }
0x3ab: {  	_ =	sdelay $0x2  }
0x3ac: {  	v10 =	vmax.f32 v10, v12;
	v15 =	vmax.f32 v15, v17  }
0x3ad: {  	v5 =	vmax.f32 v6, v5;
	v6 =	vmax.f32 v8, v15;
	v8 =	vmax.f32 v18, v11  }
0x3ae: {  	v10 =	vmax.f32 v16, v10;
	v6 =	vmax.f32 v6, v13;
	v7 =	vmax.f32 v8, v7  }
0x3af: {  	v8 =	vmax.f32 v10, v9;
	v6 =	vmax.f32 v14, v6;
	v5 =	vmax.f32 v7, v5  }
0x3b0: {  	[tilespmem:s0+$0xFFFFFFF0] =	vst v6;
	v5 =	vmax.f32 v8, v5  }
0x3b1: {  	[tilespmem:s0+$0x0] =	vst v5  }
0x3b2: {  	v9 =	vld [tilespmem:s1+$0xFFFFFF80]  }
0x3b3: {  	v7 =	vld [tilespmem:s1+$0x0]  }
0x3b4: {  	v8 =	vld [tilespmem:s1+$0xFFFFFFF0]  }
0x3b5: {  	v10 =	vld [tilespmem:s1+$0xFFFFFFE0]  }
0x3b6: {  	v11 =	vld [tilespmem:s1+$0xFFFFFFD0]  }
0x3b7: {  	v14 =	vld [tilespmem:s1+$0xFFFFFF10]  }
0x3b8: {  	v13 =	vld [tilespmem:s1+$0xFFFFFE20]  }
0x3b9: {  	v15 =	vld [tilespmem:s1+$0xFFFFFE30]  }
0x3ba: {  	v16 =	vld [tilespmem:s1+$0xFFFFFE40]  }
0x3bb: {  	v12 =	vld [tilespmem:s1+$0xFFFFFE50]  }
0x3bc: {  	v17 =	vld [tilespmem:s1+$0xFFFFFE60]  }
0x3bd: {  	v18 =	vld [tilespmem:s1+$0xFFFFFE70]  }
0x3be: {  	v19 =	vld [tilespmem:s1+$0xFFFFFE80]  }
0x3bf: {  	v20 =	vld [tilespmem:s1+$0xFFFFFE90]  }
0x3c0: {  	v21 =	vld [tilespmem:s1+$0xFFFFFEA0]  }
0x3c1: {  	v22 =	vld [tilespmem:s1+$0xFFFFFFC0]  }
0x3c2: {  	v23 =	vld [tilespmem:s1+$0xFFFFFF50]  }
0x3c3: {  	v24 =	vld [tilespmem:s1+$0xFFFFFFB0]  }
0x3c4: {  	v25 =	vld [tilespmem:s1+$0xFFFFFF60]  }
0x3c5: {  	v26 =	vld [tilespmem:s1+$0xFFFFFF70]  }
0x3c6: {  	v27 =	vld [tilespmem:s1+$0xFFFFFED0]  }
0x3c7: {  	v28 =	vld [tilespmem:s1+$0xFFFFFEE0]  }
0x3c8: {  	v29 =	vld [tilespmem:s1+$0xFFFFFEF0]  }
0x3c9: {  	v30 =	vld [tilespmem:s1+$0xFFFFFF00]  }
0x3ca: {  	v4 =	vmax.f32 v4, v6;
	v31 =	vld [tilespmem:s1+$0xFFFFFE10]  }
0x3cb: {  	v4 =	vmax.f32 v4, v5;
	v32 =	vld [tilespmem:s1+$0xFFFFFF20]  }
0x3cc: {  	v5 =	vmax.f32 v8, v7;
	v6 =	vmax.f32 v11, v10;
	v8 =	vmax.f32 v20, v21;
	v10 =	vld [tilespmem:s1+$0xFFFFFF30]  }
0x3cd: {  	v11 =	vmax.f32 v18, v19;
	v7 =	vmax.f32 v24, v22;
	v17 =	vmax.f32 v12, v17;
	v12 =	vld [tilespmem:s1+$0xFFFFFF40]  }
0x3ce: {  	v18 =	vmax.f32 v23, v25;
	v9 =	vmax.f32 v26, v9;
	v16 =	vmax.f32 v15, v16;
	v15 =	vld [tilespmem:s1+$0xFFFFFEB0]  }
0x3cf: {  	v13 =	vmax.f32 v31, v13;
	v20 =	vmax.f32 v29, v30;
	v19 =	vmax.f32 v17, v11;
	v11 =	vld [tilespmem:s1+$0xFFFFFFA0]  }
0x3d0: {  	s4 =	simm.s32 $0x20;
	v9 =	vmax.f32 v18, v9;
	v18 =	vmax.f32 v27, v28;
	v17 =	vld [tilespmem:s1+$0xFFFFFEC0];
	v63 =	vmax.f32 v13, v16  }
0x3d1: {  	s5 =	simm.s32 $0xA3F0;
	s0 =	simm.s32 $0x10210;
	v16 =	vmax.f32 v14, v32;
	v13 =	vmax.f32 v18, v20;
	v14 =	vmax.f32 v63, v19;
	v18 =	vld [tilespmem:s1+$0xFFFFFF90];
	s1 =	simm.s32 $0xC1F0  }
.LBB2_50:
0x3d2: {  	v19 =	vld [tilespmem:s5+$0xFFFFFF80];
	s4 =	sadd.s32 $0x2, s4;
	s26 =	sadd.s32 $0x20, s26  }
0x3d3: {  	v20 =	vld [tilespmem:s5+$0x0];
	p0 =	slt.u32 s4, $0x3E  }
0x3d4: {  	v21 =	vld [tilespmem:s5+$0xFFFFFFF0]  }
0x3d5: {  	v10 =	vmax.f32 v10, v12;
	v5 =	vmax.f32 v6, v5;
	v22 =	vld [tilespmem:s5+$0xFFFFFFE0];
	v15 =	vmax.f32 v15, v17  }
0x3d6: {  	v10 =	vmax.f32 v16, v10;
	v6 =	vld [tilespmem:s5+$0xFFFFFFD0];
	v8 =	vmax.f32 v8, v15;
	v11 =	vmax.f32 v18, v11  }
0x3d7: {  	v9 =	vmax.f32 v10, v9;
	v16 =	vld [tilespmem:s5+$0xFFFFFF10];
	v8 =	vmax.f32 v8, v13;
	v7 =	vmax.f32 v11, v7  }
0x3d8: {  	v13 =	vld [tilespmem:s5+$0xFFFFFE20];
	v8 =	vmax.f32 v14, v8;
	v7 =	vmax.f32 v7, v5  }
0x3d9: {  	v10 =	vld [tilespmem:s5+$0xFFFFFE30];
	v5 =	vmax.f32 v21, v20;
	[tilespmem:s0+$0xFFFFFFF0] =	vst v8;
	v4 =	vmax.f32 v4, v8;
	v7 =	vmax.f32 v9, v7  }
0x3da: {  	v11 =	vld [tilespmem:s5+$0xFFFFFE40];
	[tilespmem:s0+$0x0] =	vst v7;
	v4 =	vmax.f32 v4, v7;
	s0 =	smov.u32 s26  }
0x3db: {  	v9 =	vld [tilespmem:s5+$0xFFFFFE50];
	v6 =	vmax.f32 v6, v22  }
0x3dc: {  	v12 =	vld [tilespmem:s5+$0xFFFFFE60]  }
0x3dd: {  	v7 =	vld [tilespmem:s5+$0xFFFFFE70]  }
0x3de: {  	v14 =	vld [tilespmem:s5+$0xFFFFFE80]  }
0x3df: {  	v8 =	vld [tilespmem:s5+$0xFFFFFE90]  }
0x3e0: {  	v15 =	vld [tilespmem:s5+$0xFFFFFEA0]  }
0x3e1: {  	v17 =	vld [tilespmem:s5+$0xFFFFFFC0]  }
0x3e2: {  	v18 =	vld [tilespmem:s5+$0xFFFFFF50]  }
0x3e3: {  	v20 =	vld [tilespmem:s5+$0xFFFFFFB0]  }
0x3e4: {  	v21 =	vld [tilespmem:s5+$0xFFFFFF60]  }
0x3e5: {  	v22 =	vld [tilespmem:s5+$0xFFFFFF70]  }
0x3e6: {  	v8 =	vmax.f32 v8, v15;
	v23 =	vld [tilespmem:s5+$0xFFFFFED0]  }
0x3e7: {  	v15 =	vld [tilespmem:s5+$0xFFFFFEE0]  }
0x3e8: {  	v14 =	vmax.f32 v7, v14;
	v24 =	vld [tilespmem:s5+$0xFFFFFEF0];
	v7 =	vmax.f32 v20, v17  }
0x3e9: {  	v17 =	vld [tilespmem:s5+$0xFFFFFF00];
	v18 =	vmax.f32 v18, v21  }
0x3ea: {  	v9 =	vmax.f32 v9, v12;
	v20 =	vld [tilespmem:s5+$0xFFFFFE10];
	v12 =	vmax.f32 v22, v19  }
0x3eb: {  	v14 =	vmax.f32 v9, v14;
	v19 =	vld [tilespmem:s5+$0xFFFFFF20];
	v9 =	vmax.f32 v18, v12  }
0x3ec: {  	v18 =	vmax.f32 v10, v11;
	v21 =	vmax.f32 v23, v15;
	v10 =	vld [tilespmem:s5+$0xFFFFFF30]  }
.Ltmp29:
0x3ed: {  	v12 =	vld [tilespmem:s5+$0xFFFFFF40];
	(pc) =	sbr.rel @p0 .LBB2_50-.Ltmp29, $4  }
0x3ee: {  	v17 =	vmax.f32 v24, v17;
	v11 =	vld [tilespmem:s5+$0xFFFFFFA0]  }
0x3ef: {  	v15 =	vld [tilespmem:s5+$0xFFFFFEB0];
	v20 =	vmax.f32 v20, v13;
	v13 =	vmax.f32 v21, v17  }
0x3f0: {  	v17 =	vld [tilespmem:s5+$0xFFFFFEC0];
	v18 =	vmax.f32 v20, v18;
	v16 =	vmax.f32 v16, v19  }
0x3f1: {  	s28 =	simm.s32 $0x10410;
	v14 =	vmax.f32 v18, v14;
	v18 =	vld [tilespmem:s5+$0xFFFFFF90];
	s5 =	sadd.s32 $0x200, s5  }
0x3f2: {  	_ =	sdelay $0x2  }
0x3f3: {  	v10 =	vmax.f32 v10, v12;
	v15 =	vmax.f32 v15, v17  }
0x3f4: {  	v5 =	vmax.f32 v6, v5;
	v6 =	vmax.f32 v8, v15;
	v8 =	vmax.f32 v18, v11  }
0x3f5: {  	v10 =	vmax.f32 v16, v10;
	v6 =	vmax.f32 v6, v13;
	v7 =	vmax.f32 v8, v7  }
0x3f6: {  	v8 =	vmax.f32 v10, v9;
	v6 =	vmax.f32 v14, v6;
	v5 =	vmax.f32 v7, v5  }
0x3f7: {  	[tilespmem:s0+$0xFFFFFFF0] =	vst v6;
	v5 =	vmax.f32 v8, v5  }
0x3f8: {  	[tilespmem:s0+$0x0] =	vst v5  }
0x3f9: {  	v9 =	vld [tilespmem:s1+$0xFFFFFF80]  }
0x3fa: {  	v7 =	vld [tilespmem:s1+$0x0]  }
0x3fb: {  	v8 =	vld [tilespmem:s1+$0xFFFFFFF0]  }
0x3fc: {  	v10 =	vld [tilespmem:s1+$0xFFFFFFE0]  }
0x3fd: {  	v11 =	vld [tilespmem:s1+$0xFFFFFFD0]  }
0x3fe: {  	v14 =	vld [tilespmem:s1+$0xFFFFFF10]  }
0x3ff: {  	v13 =	vld [tilespmem:s1+$0xFFFFFE20]  }
0x400: {  	v15 =	vld [tilespmem:s1+$0xFFFFFE30]  }
0x401: {  	v16 =	vld [tilespmem:s1+$0xFFFFFE40]  }
0x402: {  	v12 =	vld [tilespmem:s1+$0xFFFFFE50]  }
0x403: {  	v17 =	vld [tilespmem:s1+$0xFFFFFE60]  }
0x404: {  	v18 =	vld [tilespmem:s1+$0xFFFFFE70]  }
0x405: {  	v19 =	vld [tilespmem:s1+$0xFFFFFE80]  }
0x406: {  	v20 =	vld [tilespmem:s1+$0xFFFFFE90]  }
0x407: {  	v21 =	vld [tilespmem:s1+$0xFFFFFEA0]  }
0x408: {  	v22 =	vld [tilespmem:s1+$0xFFFFFFC0]  }
0x409: {  	v23 =	vld [tilespmem:s1+$0xFFFFFF50]  }
0x40a: {  	v24 =	vld [tilespmem:s1+$0xFFFFFFB0]  }
0x40b: {  	v25 =	vld [tilespmem:s1+$0xFFFFFF60]  }
0x40c: {  	v26 =	vld [tilespmem:s1+$0xFFFFFF70]  }
0x40d: {  	v27 =	vld [tilespmem:s1+$0xFFFFFED0]  }
0x40e: {  	v28 =	vld [tilespmem:s1+$0xFFFFFEE0]  }
0x40f: {  	v29 =	vld [tilespmem:s1+$0xFFFFFEF0]  }
0x410: {  	v30 =	vld [tilespmem:s1+$0xFFFFFF00]  }
0x411: {  	v4 =	vmax.f32 v4, v6;
	v31 =	vld [tilespmem:s1+$0xFFFFFE10]  }
0x412: {  	v4 =	vmax.f32 v4, v5;
	v32 =	vld [tilespmem:s1+$0xFFFFFF20]  }
0x413: {  	v5 =	vmax.f32 v8, v7;
	v6 =	vmax.f32 v11, v10;
	v8 =	vmax.f32 v20, v21;
	v10 =	vld [tilespmem:s1+$0xFFFFFF30]  }
0x414: {  	v11 =	vmax.f32 v18, v19;
	v7 =	vmax.f32 v24, v22;
	v17 =	vmax.f32 v12, v17;
	v12 =	vld [tilespmem:s1+$0xFFFFFF40]  }
0x415: {  	v18 =	vmax.f32 v23, v25;
	v9 =	vmax.f32 v26, v9;
	v16 =	vmax.f32 v15, v16;
	v15 =	vld [tilespmem:s1+$0xFFFFFEB0]  }
0x416: {  	v13 =	vmax.f32 v31, v13;
	v20 =	vmax.f32 v29, v30;
	v19 =	vmax.f32 v17, v11;
	v11 =	vld [tilespmem:s1+$0xFFFFFFA0]  }
0x417: {  	s4 =	simm.s32 $0x40;
	v9 =	vmax.f32 v18, v9;
	v18 =	vmax.f32 v27, v28;
	v17 =	vld [tilespmem:s1+$0xFFFFFEC0];
	v63 =	vmax.f32 v13, v16  }
0x418: {  	s5 =	simm.s32 $0xC3F0;
	s0 =	simm.s32 $0x10410;
	v16 =	vmax.f32 v14, v32;
	v13 =	vmax.f32 v18, v20;
	v14 =	vmax.f32 v63, v19;
	v18 =	vld [tilespmem:s1+$0xFFFFFF90];
	s1 =	simm.s32 $0xE1F0  }
.LBB2_52:
0x419: {  	v19 =	vld [tilespmem:s5+$0xFFFFFF80];
	s4 =	sadd.s32 $0x2, s4;
	s28 =	sadd.s32 $0x20, s28  }
0x41a: {  	v20 =	vld [tilespmem:s5+$0x0];
	p0 =	slt.u32 s4, $0x5E  }
0x41b: {  	v21 =	vld [tilespmem:s5+$0xFFFFFFF0]  }
0x41c: {  	v10 =	vmax.f32 v10, v12;
	v5 =	vmax.f32 v6, v5;
	v22 =	vld [tilespmem:s5+$0xFFFFFFE0];
	v15 =	vmax.f32 v15, v17  }
0x41d: {  	v10 =	vmax.f32 v16, v10;
	v6 =	vld [tilespmem:s5+$0xFFFFFFD0];
	v8 =	vmax.f32 v8, v15;
	v11 =	vmax.f32 v18, v11  }
0x41e: {  	v9 =	vmax.f32 v10, v9;
	v16 =	vld [tilespmem:s5+$0xFFFFFF10];
	v8 =	vmax.f32 v8, v13;
	v7 =	vmax.f32 v11, v7  }
0x41f: {  	v13 =	vld [tilespmem:s5+$0xFFFFFE20];
	v8 =	vmax.f32 v14, v8;
	v7 =	vmax.f32 v7, v5  }
0x420: {  	v10 =	vld [tilespmem:s5+$0xFFFFFE30];
	v5 =	vmax.f32 v21, v20;
	[tilespmem:s0+$0xFFFFFFF0] =	vst v8;
	v4 =	vmax.f32 v4, v8;
	v7 =	vmax.f32 v9, v7  }
0x421: {  	v11 =	vld [tilespmem:s5+$0xFFFFFE40];
	[tilespmem:s0+$0x0] =	vst v7;
	v4 =	vmax.f32 v4, v7;
	s0 =	smov.u32 s28  }
0x422: {  	v9 =	vld [tilespmem:s5+$0xFFFFFE50];
	v6 =	vmax.f32 v6, v22  }
0x423: {  	v12 =	vld [tilespmem:s5+$0xFFFFFE60]  }
0x424: {  	v7 =	vld [tilespmem:s5+$0xFFFFFE70]  }
0x425: {  	v14 =	vld [tilespmem:s5+$0xFFFFFE80]  }
0x426: {  	v8 =	vld [tilespmem:s5+$0xFFFFFE90]  }
0x427: {  	v15 =	vld [tilespmem:s5+$0xFFFFFEA0]  }
0x428: {  	v17 =	vld [tilespmem:s5+$0xFFFFFFC0]  }
0x429: {  	v18 =	vld [tilespmem:s5+$0xFFFFFF50]  }
0x42a: {  	v20 =	vld [tilespmem:s5+$0xFFFFFFB0]  }
0x42b: {  	v21 =	vld [tilespmem:s5+$0xFFFFFF60]  }
0x42c: {  	v22 =	vld [tilespmem:s5+$0xFFFFFF70]  }
0x42d: {  	v8 =	vmax.f32 v8, v15;
	v23 =	vld [tilespmem:s5+$0xFFFFFED0]  }
0x42e: {  	v15 =	vld [tilespmem:s5+$0xFFFFFEE0]  }
0x42f: {  	v14 =	vmax.f32 v7, v14;
	v24 =	vld [tilespmem:s5+$0xFFFFFEF0];
	v7 =	vmax.f32 v20, v17  }
0x430: {  	v17 =	vld [tilespmem:s5+$0xFFFFFF00];
	v18 =	vmax.f32 v18, v21  }
0x431: {  	v9 =	vmax.f32 v9, v12;
	v20 =	vld [tilespmem:s5+$0xFFFFFE10];
	v12 =	vmax.f32 v22, v19  }
0x432: {  	v14 =	vmax.f32 v9, v14;
	v19 =	vld [tilespmem:s5+$0xFFFFFF20];
	v9 =	vmax.f32 v18, v12  }
0x433: {  	v18 =	vmax.f32 v10, v11;
	v21 =	vmax.f32 v23, v15;
	v10 =	vld [tilespmem:s5+$0xFFFFFF30]  }
.Ltmp30:
0x434: {  	v12 =	vld [tilespmem:s5+$0xFFFFFF40];
	(pc) =	sbr.rel @p0 .LBB2_52-.Ltmp30, $4  }
0x435: {  	v17 =	vmax.f32 v24, v17;
	v11 =	vld [tilespmem:s5+$0xFFFFFFA0]  }
0x436: {  	v15 =	vld [tilespmem:s5+$0xFFFFFEB0];
	v20 =	vmax.f32 v20, v13;
	v13 =	vmax.f32 v21, v17  }
0x437: {  	v17 =	vld [tilespmem:s5+$0xFFFFFEC0];
	v18 =	vmax.f32 v20, v18;
	v16 =	vmax.f32 v16, v19  }
0x438: {  	s26 =	simm.s32 $0x10610;
	v14 =	vmax.f32 v18, v14;
	v18 =	vld [tilespmem:s5+$0xFFFFFF90];
	s5 =	sadd.s32 $0x200, s5  }
0x439: {  	_ =	sdelay $0x2  }
0x43a: {  	v10 =	vmax.f32 v10, v12;
	v15 =	vmax.f32 v15, v17  }
0x43b: {  	v5 =	vmax.f32 v6, v5;
	v6 =	vmax.f32 v8, v15;
	v8 =	vmax.f32 v18, v11  }
0x43c: {  	v10 =	vmax.f32 v16, v10;
	v6 =	vmax.f32 v6, v13;
	v7 =	vmax.f32 v8, v7  }
0x43d: {  	v8 =	vmax.f32 v10, v9;
	v6 =	vmax.f32 v14, v6;
	v5 =	vmax.f32 v7, v5  }
0x43e: {  	[tilespmem:s0+$0xFFFFFFF0] =	vst v6;
	v5 =	vmax.f32 v8, v5  }
0x43f: {  	[tilespmem:s0+$0x0] =	vst v5  }
0x440: {  	v9 =	vld [tilespmem:s1+$0xFFFFFF80]  }
0x441: {  	v7 =	vld [tilespmem:s1+$0x0]  }
0x442: {  	v8 =	vld [tilespmem:s1+$0xFFFFFFF0]  }
0x443: {  	v10 =	vld [tilespmem:s1+$0xFFFFFFE0]  }
0x444: {  	v11 =	vld [tilespmem:s1+$0xFFFFFFD0]  }
0x445: {  	v14 =	vld [tilespmem:s1+$0xFFFFFF10]  }
0x446: {  	v13 =	vld [tilespmem:s1+$0xFFFFFE20]  }
0x447: {  	v15 =	vld [tilespmem:s1+$0xFFFFFE30]  }
0x448: {  	v16 =	vld [tilespmem:s1+$0xFFFFFE40]  }
0x449: {  	v12 =	vld [tilespmem:s1+$0xFFFFFE50]  }
0x44a: {  	v17 =	vld [tilespmem:s1+$0xFFFFFE60]  }
0x44b: {  	v18 =	vld [tilespmem:s1+$0xFFFFFE70]  }
0x44c: {  	v19 =	vld [tilespmem:s1+$0xFFFFFE80]  }
0x44d: {  	v20 =	vld [tilespmem:s1+$0xFFFFFE90]  }
0x44e: {  	v21 =	vld [tilespmem:s1+$0xFFFFFEA0]  }
0x44f: {  	v22 =	vld [tilespmem:s1+$0xFFFFFFC0]  }
0x450: {  	v23 =	vld [tilespmem:s1+$0xFFFFFF50]  }
0x451: {  	v24 =	vld [tilespmem:s1+$0xFFFFFFB0]  }
0x452: {  	v25 =	vld [tilespmem:s1+$0xFFFFFF60]  }
0x453: {  	v26 =	vld [tilespmem:s1+$0xFFFFFF70]  }
0x454: {  	v27 =	vld [tilespmem:s1+$0xFFFFFED0]  }
0x455: {  	v28 =	vld [tilespmem:s1+$0xFFFFFEE0]  }
0x456: {  	v29 =	vld [tilespmem:s1+$0xFFFFFEF0]  }
0x457: {  	v30 =	vld [tilespmem:s1+$0xFFFFFF00]  }
0x458: {  	v4 =	vmax.f32 v4, v6;
	v31 =	vld [tilespmem:s1+$0xFFFFFE10]  }
0x459: {  	v4 =	vmax.f32 v4, v5;
	v32 =	vld [tilespmem:s1+$0xFFFFFF20]  }
0x45a: {  	v5 =	vmax.f32 v8, v7;
	v6 =	vmax.f32 v11, v10;
	v8 =	vmax.f32 v20, v21;
	v10 =	vld [tilespmem:s1+$0xFFFFFF30]  }
0x45b: {  	v11 =	vmax.f32 v18, v19;
	v7 =	vmax.f32 v24, v22;
	v17 =	vmax.f32 v12, v17;
	v12 =	vld [tilespmem:s1+$0xFFFFFF40]  }
0x45c: {  	v18 =	vmax.f32 v23, v25;
	v9 =	vmax.f32 v26, v9;
	v16 =	vmax.f32 v15, v16;
	v15 =	vld [tilespmem:s1+$0xFFFFFEB0]  }
0x45d: {  	v13 =	vmax.f32 v31, v13;
	v20 =	vmax.f32 v29, v30;
	v19 =	vmax.f32 v17, v11;
	v11 =	vld [tilespmem:s1+$0xFFFFFFA0]  }
0x45e: {  	v9 =	vmax.f32 v18, v9;
	v18 =	vmax.f32 v27, v28;
	v17 =	vld [tilespmem:s1+$0xFFFFFEC0];
	v63 =	vmax.f32 v13, v16  }
0x45f: {  	s4 =	simm.s32 $0x60;
	s0 =	simm.s32 $0x10610;
	v16 =	vmax.f32 v14, v32;
	v13 =	vmax.f32 v18, v20;
	v14 =	vmax.f32 v63, v19;
	v18 =	vld [tilespmem:s1+$0xFFFFFF90];
	s1 =	simm.s32 $0xE3F0  }
.LBB2_54:
0x460: {  	v19 =	vld [tilespmem:s1+$0xFFFFFF80];
	s4 =	sadd.s32 $0x2, s4;
	s26 =	sadd.s32 $0x20, s26  }
0x461: {  	v20 =	vld [tilespmem:s1+$0x0];
	p0 =	slt.u32 s4, $0x7E  }
0x462: {  	v21 =	vld [tilespmem:s1+$0xFFFFFFF0]  }
0x463: {  	v10 =	vmax.f32 v10, v12;
	v5 =	vmax.f32 v6, v5;
	v22 =	vld [tilespmem:s1+$0xFFFFFFE0];
	v15 =	vmax.f32 v15, v17  }
0x464: {  	v10 =	vmax.f32 v16, v10;
	v6 =	vld [tilespmem:s1+$0xFFFFFFD0];
	v8 =	vmax.f32 v8, v15;
	v11 =	vmax.f32 v18, v11  }
0x465: {  	v9 =	vmax.f32 v10, v9;
	v16 =	vld [tilespmem:s1+$0xFFFFFF10];
	v8 =	vmax.f32 v8, v13;
	v7 =	vmax.f32 v11, v7  }
0x466: {  	v13 =	vld [tilespmem:s1+$0xFFFFFE20];
	v8 =	vmax.f32 v14, v8;
	v7 =	vmax.f32 v7, v5  }
0x467: {  	v10 =	vld [tilespmem:s1+$0xFFFFFE30];
	v5 =	vmax.f32 v21, v20;
	[tilespmem:s0+$0xFFFFFFF0] =	vst v8;
	v4 =	vmax.f32 v4, v8;
	v7 =	vmax.f32 v9, v7  }
0x468: {  	v11 =	vld [tilespmem:s1+$0xFFFFFE40];
	[tilespmem:s0+$0x0] =	vst v7;
	v4 =	vmax.f32 v4, v7;
	s0 =	smov.u32 s26  }
0x469: {  	v9 =	vld [tilespmem:s1+$0xFFFFFE50];
	v6 =	vmax.f32 v6, v22  }
0x46a: {  	v12 =	vld [tilespmem:s1+$0xFFFFFE60]  }
0x46b: {  	v7 =	vld [tilespmem:s1+$0xFFFFFE70]  }
0x46c: {  	v14 =	vld [tilespmem:s1+$0xFFFFFE80]  }
0x46d: {  	v8 =	vld [tilespmem:s1+$0xFFFFFE90]  }
0x46e: {  	v15 =	vld [tilespmem:s1+$0xFFFFFEA0]  }
0x46f: {  	v17 =	vld [tilespmem:s1+$0xFFFFFFC0]  }
0x470: {  	v18 =	vld [tilespmem:s1+$0xFFFFFF50]  }
0x471: {  	v20 =	vld [tilespmem:s1+$0xFFFFFFB0]  }
0x472: {  	v21 =	vld [tilespmem:s1+$0xFFFFFF60]  }
0x473: {  	v22 =	vld [tilespmem:s1+$0xFFFFFF70]  }
0x474: {  	v8 =	vmax.f32 v8, v15;
	v23 =	vld [tilespmem:s1+$0xFFFFFED0]  }
0x475: {  	v15 =	vld [tilespmem:s1+$0xFFFFFEE0]  }
0x476: {  	v14 =	vmax.f32 v7, v14;
	v24 =	vld [tilespmem:s1+$0xFFFFFEF0];
	v7 =	vmax.f32 v20, v17  }
0x477: {  	v17 =	vld [tilespmem:s1+$0xFFFFFF00];
	v18 =	vmax.f32 v18, v21  }
0x478: {  	v9 =	vmax.f32 v9, v12;
	v20 =	vld [tilespmem:s1+$0xFFFFFE10];
	v12 =	vmax.f32 v22, v19  }
0x479: {  	v14 =	vmax.f32 v9, v14;
	v19 =	vld [tilespmem:s1+$0xFFFFFF20];
	v9 =	vmax.f32 v18, v12  }
0x47a: {  	v18 =	vmax.f32 v10, v11;
	v21 =	vmax.f32 v23, v15;
	v10 =	vld [tilespmem:s1+$0xFFFFFF30]  }
.Ltmp31:
0x47b: {  	v12 =	vld [tilespmem:s1+$0xFFFFFF40];
	(pc) =	sbr.rel @p0 .LBB2_54-.Ltmp31, $4  }
0x47c: {  	v17 =	vmax.f32 v24, v17;
	v11 =	vld [tilespmem:s1+$0xFFFFFFA0]  }
0x47d: {  	v15 =	vld [tilespmem:s1+$0xFFFFFEB0];
	v20 =	vmax.f32 v20, v13;
	v13 =	vmax.f32 v21, v17  }
0x47e: {  	v17 =	vld [tilespmem:s1+$0xFFFFFEC0];
	v18 =	vmax.f32 v20, v18;
	v16 =	vmax.f32 v16, v19  }
0x47f: {  	v14 =	vmax.f32 v18, v14;
	v18 =	vld [tilespmem:s1+$0xFFFFFF90];
	s1 =	sadd.s32 $0x200, s1  }
0x480: {  	_ =	sdelay $0x2  }
0x481: {  	v10 =	vmax.f32 v10, v12;
	v15 =	vmax.f32 v15, v17  }
0x482: {  	v5 =	vmax.f32 v6, v5;
	v6 =	vmax.f32 v8, v15;
	v8 =	vmax.f32 v18, v11  }
0x483: {  	v10 =	vmax.f32 v16, v10;
	v6 =	vmax.f32 v6, v13;
	v7 =	vmax.f32 v8, v7  }
0x484: {  	v8 =	vmax.f32 v10, v9;
	v6 =	vmax.f32 v14, v6;
	v5 =	vmax.f32 v7, v5  }
0x485: {  	v4 =	vmax.f32 v4, v6;
	v5 =	vmax.f32 v8, v5  }
0x486: {  	v4 =	vmax.f32 v4, v5  }
0x487: {  	(xrf0) =	vmax.scan.msk.f32 $0xffff, v4;
	_ =	sdelay $0x5  }
0x488: {  	v4, _, _ =	vpop (xrf0)  }
0x489: {  	(v2sf) =	vpush v4, $0xF;
	_ =	sdelay $0xb  }
0x48a: {  	[tilespmem:s0+$0xFFFFFFF0] =	vst v6  }
0x48b: {  	s1 =	simm.s32 $0x10010;
	[tilespmem:s0+$0x0] =	vst v5  }
0x48c: {  	s0 =	simm.s32 $0x0;
	v8 =	vld [tilespmem:s1+$0x0]  }
0x48d: {  	v5 =	vmov s0;
	v7 =	vld [tilespmem:s1+$0xFFFFFFF0];
	s31 =	spop (v2sf)  }
0x48e: {  	s4 =	simm.s32 $0x1;
	v5 =	vand.u32 $0xFFFFFFFE, v5;
	s26 =	sadd.f32 $-1.000000000e+00, s31  }
0x48f: {  	v6 =	vmov s4;
	v5 =	vbroadcast v5, $0x0  }
0x490: {  	v4 =	vmov s26  }
0x491: {  	s4 =	simm.s32 $0x10030;
	s1 =	simm.s32 $0x2;
	vm0 =	vgt.f32 v8, v4  }
.LBB2_56:
0x492: {  	v8 =	vld [tilespmem:s4+$0x0];
	p0 =	slt.u32 s1, $0x7E;
	vm1 =	vgt.f32 v7, v4;
	v9 =	vmpcnt.ones.xlane vm0;
	s5 =	smov.u32 s1;
	s1 =	sadd.s32 $0x2, s1  }
.Ltmp32:
0x493: {  	v7 =	vld [tilespmem:s4+$0xFFFFFFF0];
	v10 =	vmov s5;
	v11 =	vmpcnt.ones.xlane vm1;
	(pc) =	sbr.rel @p0 .LBB2_56-.Ltmp32, $3  }
0x494: {  	s5 =	sadd.s32 $0x1, s5;
	v10 =	vand.u32 $0xFFFFFFFE, v10;
	[tilespmem:v6+s18+$0x0] =	vst.idx.msk $0x1, v9  }
0x495: {  	v6 =	vmov s5;
	[tilespmem:v5+s18+$0x0] =	vst.idx.msk $0x1, v11;
	v5 =	vbroadcast v10, $0x0;
	_ =	sdelay $0x1  }
0x496: {  	s4 =	sadd.s32 $0x20, s4;
	vm0 =	vgt.f32 v8, v4  }
0x497: {  	_ =	sdelay $0x1  }
0x498: {  	vm1 =	vgt.f32 v7, v4;
	v7 =	vmpcnt.ones.xlane vm0  }
0x499: {  	v8 =	vmpcnt.ones.xlane vm1  }
0x49a: {  	[tilespmem:v6+s18+$0x0] =	vst.idx.msk $0x1, v7  }
0x49b: {  	s5 =	simm.s32 $0x0;
	[tilespmem:v5+s18+$0x0] =	vst.idx.msk $0x1, v8  }
0x49c: {  	s1 =	simm.s32 $0x10;
	v7 =	vld [tilespmem:s5+$0x10800]  }
0x49d: {  	v5 =	vld [tilespmem:s1+$0x10800];
	_ =	sdelay $0x3  }
0x49e: {  	(xrf0) =	vadd.scan.msk.s32 $0xffff, v7  }
0x49f: {  	(xrf0) =	vadd.scan.msk.s32 $0xffff, v5;
	_ =	sdelay $0x4  }
0x4a0: {  	s4 =	simm.s32 $0x20;
	v10, _, _ =	vpop (xrf0)  }
0x4a1: {  	v8 =	vld [tilespmem:s4+$0x10800];
	(v2sf) =	vpush v10, $0xF;
	v9, _, _ =	vpop (xrf0)  }
0x4a2: {  	(v2sf) =	vpush v9, $0xF;
	_ =	sdelay $0x3  }
0x4a3: {  	s6 =	simm.s32 $0x30;
	(xrf0) =	vadd.scan.msk.s32 $0xffff, v8  }
0x4a4: {  	v6 =	vld [tilespmem:s6+$0x10800];
	_ =	sdelay $0x3  }
0x4a5: {  	s7 =	simm.s32 $0x100  }
.LBB2_58:
0x4a6: {  	s10 =	sshra.s32 s7, $0x2;
	p0 =	sne.s32 s7, $0x1C0;
	s7 =	sadd.s32 $0x40, s7;
	(xrf0) =	vadd.scan.msk.s32 $0xffff, v6;
	v11, _, _ =	vpop (xrf0);
	v12 =	vsub.s32 s0, v7;
	v7 =	vmov v5;
	v5 =	vmov v8  }
.Ltmp33:
0x4a7: {  	v8 =	vmovc v6;
	(v2sf) =	vpush v11, $0xF;
	v12 =	vadd.s32 v10, v12;
	v10 =	vmovc v9;
	v9 =	vmov v11;
	v6 =	vld [tilespmem:s10+$0x10800];
	(pc) =	sbr.rel @p0 .LBB2_58-.Ltmp33, $4  }
0x4a8: {  	[tilespmem:s5+$0x10880] =	vst v12;
	s5 =	smov.u32 s1;
	s1 =	smov.u32 s4;
	s4 =	smov.u32 s6  }
0x4a9: {  	s6 =	smov.u32 s10  }
0x4aa: {  	s10 =	spop (v2sf)  }
0x4ab: {  	s0 =	sadd.s32 s0, s10  }
0x4ac: {  	v11, _, _ =	vpop (xrf0)  }
0x4ad: {  	(v2sf) =	vpush v11, $0xF;
	_ =	sdelay $0xa  }
0x4ae: {  	(xrf0) =	vadd.scan.msk.s32 $0xffff, v6;
	_ =	sdelay $0x1  }
0x4af: {  	s7 =	spop (v2sf)  }
0x4b0: {  	v7 =	vsub.s32 s0, v7;
	s14 =	sadd.s32 s0, s7;
	s15 =	spop (v2sf)  }
0x4b1: {  	v7 =	vadd.s32 v10, v7;
	v5 =	vsub.s32 s14, v5;
	s0 =	sadd.s32 s14, s15;
	s20 =	spop (v2sf)  }
0x4b2: {  	[tilespmem:s5+$0x10880] =	vst v7;
	v5 =	vadd.s32 v9, v5;
	v7 =	vsub.s32 s0, v8;
	s7 =	sadd.s32 s0, s20  }
0x4b3: {  	[tilespmem:s1+$0x10880] =	vst v5;
	v8, _, _ =	vpop (xrf0);
	v5 =	vadd.s32 v11, v7;
	v6 =	vsub.s32 s7, v6  }
0x4b4: {  	[tilespmem:s4+$0x10880] =	vst v5;
	v5 =	vadd.s32 v8, v6  }
0x4b5: {  	s21 =	simm.s32 $0x10881;
	[tilespmem:s6+$0x10880] =	vst v5  }
0x4b6: {  	v5 =	vld [tilespmem:s21+$0x0];
	_ =	sdelay $0x3  }
0x4b7: {  	(v2sf) =	vpush v8, $0xF  }
0x4b8: {  	(v2sf) =	vpush v5, $0x0;
	_ =	sdelay $0x2  }
0x4b9: {  	v6 =	vld [tilespmem:s21+$0xFFFFFFFF];
	_ =	sdelay $0x2  }
0x4ba: {  	s29 =	simm.s32 $0x10883  }
0x4bb: {  	v5 =	vld [tilespmem:s29+$0x0]  }
0x4bc: {  	s30 =	simm.s32 $0x10885;
	v8 =	vld [tilespmem:s29+$0xFFFFFFFF];
	(v2sf) =	vpush v6, $0x0  }
0x4bd: {  	v9 =	vld [tilespmem:s30+$0x0]  }
0x4be: {  	v12 =	vld [tilespmem:s30+$0xFFFFFFFF];
	_ =	sdelay $0x1  }
0x4bf: {  	(v2sf) =	vpush v5, $0x0  }
0x4c0: {  	s22 =	simm.s32 $0x10010;
	(v2sf) =	vpush v8, $0x0  }
0x4c1: {  	v10 =	vld [tilespmem:s22+$0x0];
	s31 =	spop (v2sf);
	(v2sf) =	vpush v9, $0x0  }
0x4c2: {  	s14 =	spop (v2sf);
	(v2sf) =	vpush v12, $0x0;
	_ =	sdelay $0x1  }
0x4c3: {  	s10 =	simm.s32 $0x10030;
	v11 =	vld [tilespmem:s22+$0xFFFFFFF0]  }
0x4c4: {  	v7 =	vld [tilespmem:s10+$0xFFFFFFF0]  }
0x4c5: {  	s1 =	simm.s32 $0x10050;
	vm1 =	vgt.f32 v10, v4;
	v10 =	vld [tilespmem:s10+$0x0]  }
0x4c6: {  	s5 =	simm.s32 $0x10887;
	v6 =	vld [tilespmem:s1+$0xFFFFFFF0]  }
0x4c7: {  	s0 =	simm.s32 $0x10;
	v8 =	vld [tilespmem:s5+$0x0]  }
0x4c8: {  	s13 =	simm.s32 $0x0;
	s4 =	simm.s32 $0x10070;
	v13 =	vor.u32 s0, v0;
	s6 =	simm.s32 $0x6;
	v9 =	vld [tilespmem:s5+$0xFFFFFFFF]  }
0x4c9: {  	vm0 =	vgt.f32 v11, v4;
	v11 =	vor.u32 s13, v0;
	v5 =	vld [tilespmem:s4+$0xFFFFFFF0];
	s28 =	sadd.s32 s7, s31;
	s7 =	simm.s32 $0x10090;
	[tilespmem:s14+$0x10980] =	vst.msk vm1, v13;
	s13 =	spop (v2sf)  }
.LBB2_60:
0x4ca: {  	s6 =	sadd.s32 $0x2, s6  }
0x4cb: {  	v12 =	vld [tilespmem:s7+$0xFFFFFFF0];
	[tilespmem:s13+$0x10980] =	vst.msk vm0, v11;
	s0 =	sadd.s32 $0x20, s0;
	s10 =	smov.u32 s4;
	p0 =	slt.u32 s6, $0x7E  }
.Ltmp34:
0x4cc: {  	s5 =	sadd.s32 $0x2, s5;
	(v2sf) =	vpush v8, $0x0;
	(pc) =	sbr.rel @p0 .LBB2_60-.Ltmp34, $4  }
0x4cd: {  	s4 =	smov.u32 s7;
	v8 =	vld [tilespmem:s5+$0x0];
	(v2sf) =	vpush v9, $0x0  }
0x4ce: {  	v9 =	vld [tilespmem:s5+$0xFFFFFFFF]  }
0x4cf: {  	s13 =	sadd.s32 $0xFFFFFFF0, s0;
	v13 =	vor.u32 s0, v0;
	vm1 =	vgt.f32 v10, v4;
	s14 =	spop (v2sf)  }
0x4d0: {  	s7 =	sadd.s32 $0x20, s7;
	vm0 =	vgt.f32 v7, v4;
	v7 =	vmovc v6;
	v6 =	vmovc v5;
	v11 =	vor.u32 s13, v0;
	v10 =	vld [tilespmem:s1+$0x0];
	[tilespmem:s14+$0x10980] =	vst.msk vm1, v13;
	s13 =	spop (v2sf);
	v5 =	vmov v12;
	s1 =	smov.u32 s10  }
0x4d1: {  	_ = 	snop  }
0x4d2: {  	(v2sf) =	vpush v8, $0x0  }
0x4d3: {  	(v2sf) =	vpush v9, $0x0;
	_ =	sdelay $0x6  }
0x4d4: {  	v61 =	vld [tilespmem:s1+$0x0]  }
0x4d5: {  	s0 =	sadd.s32 $0x20, s0;
	s5 =	sshrl.u32 s28, $0x1F  }
0x4d6: {  	v62 =	vld [tilespmem:s4+$0x0];
	s10 =	spop (v2sf);
	s7 =	sadd.s32 $0xFFFFFFF0, s0;
	s21 =	sadd.s32 s5, s28  }
0x4d7: {  	[tilespmem:s13+$0x10980] =	vst.msk vm0, v11;
	vm1 =	vgt.f32 v7, v4;
	s13 =	spop (v2sf);
	v7 =	vor.u32 s7, v0;
	s29 =	sand.u32 $0xFFFFFFFE, s21  }
0x4d8: {  	v63 =	vor.u32 s0, v0;
	s0 =	sadd.s32 $0x20, s0;
	[tilespmem:s13+$0x10980] =	vst.msk vm1, v7;
	p0 =	slt.s32 s29, $0x1;
	vm11 =	vgt.f32 v10, v4  }
.Ltmp35:
0x4d9: {  	s14 =	sadd.s32 $0xFFFFFFF0, s0;
	v7 =	vor.u32 s0, v0;
	[tilespmem:s10+$0x10980] =	vst.msk vm11, v63;
	vm12 =	vgt.f32 v61, v4;
	s15 =	spop (v2sf);
	(pc) =	sbr.rel @p0 .LBB2_68-.Ltmp35, $4  }
0x4da: {  	vm13 =	vgt.f32 v6, v4;
	v6 =	vor.u32 s14, v0;
	s0 =	sadd.s32 $0x20, s0;
	[tilespmem:s15+$0x10980] =	vst.msk vm12, v7;
	s20 =	spop (v2sf)  }
0x4db: {  	s22 =	sadd.s32 $0xFFFFFFF0, s0;
	vm14 =	vgt.f32 v62, v4;
	[tilespmem:s20+$0x10980] =	vst.msk vm13, v6;
	v6 =	vor.u32 s0, v0;
	s30 =	spop (v2sf)  }
0x4dc: {  	vm15 =	vgt.f32 v5, v4;
	v5 =	vor.u32 s22, v0;
	[tilespmem:s30+$0x10980] =	vst.msk vm14, v6;
	s31 =	spop (v2sf)  }
0x4dd: {  	[tilespmem:s31+$0x10980] =	vst.msk vm15, v5  }
0x4de: {  	p5 =	sgt.s32 s29, $0x2  }
.Ltmp36:
0x4df: {  	_ = 	snop;
	(pc) =	sbr.rel @!p5 .LBB2_63-.Ltmp36, $4  }
0x4e0: {  	_ = 	snop  }
0x4e1: {  	s30 =	simm.s32 $0x11210;
	s1 =	simm.s32 $0x10981  }
0x4e2: {  	s0 =	simm.s32 $0x10983;
	p0 =	por $0x0, $0x0;
	p1 =	por $0x0, $0x0;
	v10 =	vld [tilespmem:s1+$0x0]  }
0x4e3: {  	p2 =	por $0x0, $0x0;
	p3 =	por $0x0, $0x0;
	p4 =	por $0x0, $0x0;
	v5 =	vld [tilespmem:s1+$0xFFFFFFFF]  }
0x4e4: {  	p5 =	sgt.s32 s29, $0x4  }
.Ltmp37:
0x4e5: {  	_ = 	snop;
	(pc) =	sbr.rel @!p5 .LBB2_76-.Ltmp37, $3  }
0x4e6: {  	_ =	sdelay $0x1  }
0x4e7: {  	(v2sf) =	vpush v10, $0x0;
	v10 =	vld [tilespmem:s0+$0x0]  }
0x4e8: {  	p0 =	por $0x1, $0x1;
	(v2sf) =	vpush v5, $0x0;
	v5 =	vld [tilespmem:s0+$0xFFFFFFFF];
	s0 =	simm.s32 $0x10985  }
0x4e9: {  	p5 =	sgt.s32 s29, $0x6  }
.Ltmp38:
0x4ea: {  	_ = 	snop;
	(pc) =	sbr.rel @!p5 .LBB2_78-.Ltmp38, $3  }
0x4eb: {  	_ =	sdelay $0x1  }
0x4ec: {  	(v2sf) =	vpush v10, $0x0;
	v10 =	vld [tilespmem:s0+$0x0]  }
0x4ed: {  	p1 =	por $0x1, $0x1;
	(v2sf) =	vpush v5, $0x0;
	v5 =	vld [tilespmem:s0+$0xFFFFFFFF];
	s0 =	simm.s32 $0x10987  }
0x4ee: {  	_ =	sdelay $0x3  }
0x4ef: {  	p5 =	sgt.s32 s29, $0x8  }
.Ltmp39:
0x4f0: {  	_ = 	snop;
	(pc) =	sbr.rel @!p5 .LBB2_80-.Ltmp39, $4  }
0x4f1: {  	_ = 	snop  }
0x4f2: {  	s5 =	spop (v2sf)  }
0x4f3: {  	s4 =	simm.s32 $0x10989;
	p2 =	por $0x1, $0x1;
	(v2sf) =	vpush v10, $0x0;
	v10 =	vld [tilespmem:s0+$0x0];
	s1 =	sshll.u32 s5, $0x4  }
0x4f4: {  	(v2sf) =	vpush v5, $0x0;
	v5 =	vld [tilespmem:s0+$0xFFFFFFFF];
	s20 =	sand.u32 $0xF, s5;
	s31 =	spop (v2sf);
	s1 =	sand.u32 $0xFFFFFF00, s1  }
0x4f5: {  	_ =	sdelay $0x2  }
0x4f6: {  	(v2sf) =	vpush v10, $0x0;
	_ =	sdelay $0x1  }
0x4f7: {  	(v2sf) =	vpush v5, $0x0;
	_ =	sdelay $0x2  }
0x4f8: {  	p5 =	sgt.s32 s29, $0xA  }
.Ltmp40:
0x4f9: {  	_ = 	snop;
	(pc) =	sbr.rel @!p5 .LBB2_82-.Ltmp40, $4  }
0x4fa: {  	s0 =	sshll.u32 s31, $0x4;
	s5 =	sor.u32 s20, s1;
	s7 =	sand.u32 $0xF, s31  }
0x4fb: {  	p3 =	por $0x1, $0x1;
	s0 =	sand.u32 $0xFFFFFF00, s0;
	s6 =	spop (v2sf)  }
0x4fc: {  	s7 =	sor.u32 s7, s0;
	s0 =	simm.s32 $0x1098B;
	v10 =	vld [tilespmem:s4+$0x0];
	s10 =	sshll.u32 s6, $0x4  }
0x4fd: {  	v11 =	vor.u32 s5, v1;
	v12 =	vor.u32 s7, v1;
	v5 =	vld [tilespmem:s4+$0xFFFFFFFF];
	s15 =	sand.u32 $0xF, s6;
	s22 =	spop (v2sf);
	s13 =	sand.u32 $0xFFFFFF00, s10  }
0x4fe: {  	_ =	sdelay $0x2  }
0x4ff: {  	(v2sf) =	vpush v10, $0x0  }
0x500: {  	(v2sf) =	vpush v5, $0x0;
	_ =	sdelay $0x2  }
0x501: {  	s4 =	sshll.u32 s22, $0x4;
	p5 =	sgt.s32 s29, $0xC  }
.Ltmp41:
0x502: {  	s6 =	simm.s32 $0xC;
	s10 =	sor.u32 s15, s13;
	v13 =	vld [tilespmem:s0+$0x0];
	(pc) =	sbr.rel @!p5 .LBB2_84-.Ltmp41, $4  }
0x503: {  	s5 =	sand.u32 $0xF, s22;
	s14 =	spop (v2sf);
	v6 =	vld.idx.msk [tilespmem:v11+s17+$0x0], $0xffff;
	s4 =	sand.u32 $0xFFFFFF00, s4  }
0x504: {  	s7 =	simm.s32 $0x1098D;
	v7 =	vld.idx.msk [tilespmem:v12+s17+$0x0], $0xffff;
	v8 =	vor.u32 s10, v1;
	s3 =	sor.u32 s5, s4;
	s5 =	sshll.u32 s14, $0x4  }
0x505: {  	s21 =	simm.s32 $0x11230;
	p4 =	por $0x1, $0x1;
	s4 =	sand.u32 $0xFFFFFF00, s5;
	v9 =	vor.u32 s3, v1;
	v5 =	vld [tilespmem:s0+$0xFFFFFFFF]  }
0x506: {  	s5 =	sand.u32 $0xF, s14;
	s14 =	spop (v2sf);
	s0 =	simm.s32 $0x11210  }
.LBB2_85:
0x507: {  	s6 =	sadd.s32 $0x2, s6  }
0x508: {  	(v2sf) =	vpush v13, $0x0;
	v13 =	vld [tilespmem:s7+$0x0];
	s3 =	sshll.u32 s14, $0x4;
	s4 =	sor.u32 s5, s4;
	p5 =	slt.s32 s6, s29  }
.Ltmp42:
0x509: {  	s5 =	sand.u32 $0xF, s14;
	s3 =	sand.u32 $0xFFFFFF00, s3;
	[tilespmem:s0+$0x0] =	vst v6;
	v6 =	vld.idx.msk [tilespmem:v8+s17+$0x0], $0xffff;
	v8 =	vor.u32 s4, v1;
	(pc) =	sbr.rel @p5 .LBB2_85-.Ltmp42, $4  }
0x50a: {  	(v2sf) =	vpush v5, $0x0;
	s3 =	sor.u32 s5, s3;
	[tilespmem:s0+$0xFFFFFFF0] =	vst v7;
	v7 =	vld.idx.msk [tilespmem:v9+s17+$0x0], $0xffff;
	s0 =	smov.u32 s21  }
0x50b: {  	v5 =	vld [tilespmem:s7+$0xFFFFFFFF];
	s5 =	spop (v2sf);
	v9 =	vor.u32 s3, v1  }
0x50c: {  	s21 =	sadd.s32 $0x20, s21;
	s7 =	sadd.s32 $0x2, s7;
	s3 =	sshll.u32 s5, $0x4  }
0x50d: {  	s5 =	sand.u32 $0xF, s5;
	s4 =	sand.u32 $0xFFFFFF00, s3;
	s14 =	spop (v2sf)  }
0x50e: {  	v10 =	vmov v13  }
.LBB2_87:
0x50f: {  	(v2sf) =	vpush v10, $0x0  }
0x510: {  	(v2sf) =	vpush v5, $0x0;
	_ =	sdelay $0x2  }
0x511: {  	s3 =	spop @p1 (v2sf)  }
0x512: {  	s4 =	sor.u32 @p2 s5, s4;
	s6 =	sshll.u32 @p1 s3, $0x4  }
0x513: {  	s7 =	spop @p1 (v2sf);
	s3 =	sand.u32 @p1 $0xF, s3;
	s5 =	sand.u32 @p1 $0xFFFFFF00, s6  }
0x514: {  	s22 =	smov.u32 @p1 s7;
	s13 =	smov.u32 @p1 s5;
	s5 =	sshll.u32 @p2 s14, $0x4  }
0x515: {  	s6 =	sand.u32 @p2 $0xF, s14;
	s15 =	smov.u32 @p1 s3;
	s5 =	sand.u32 @p2 $0xFFFFFF00, s5  }
0x516: {  	s7 =	sand.u32 @p1 $0xF, s22;
	s3 =	sor.u32 @p2 s6, s5;
	s5 =	sshll.u32 @p1 s22, $0x4  }
0x517: {  	s6 =	sor.u32 @p1 s15, s13;
	s5 =	sand.u32 @p1 $0xFFFFFF00, s5;
	s10 =	spop @p0 (v2sf)  }
0x518: {  	v5 =	vor.u32 @p2 s4, v1;
	s4 =	sor.u32 @p1 s7, s5;
	s5 =	sshll.u32 @p0 s10, $0x4;
	s7 =	spop @p0 (v2sf)  }
0x519: {  	v5 =	vpsel p2, v5, v11;
	v10 =	vor.u32 @p2 s3, v1;
	s3 =	sand.u32 @p0 $0xFFFFFF00, s5;
	s5 =	sand.u32 @p0 $0xF, s10;
	s31 =	smov.u32 @p0 s7  }
0x51a: {  	v11 =	vor.u32 @p1 s6, v1;
	v10 =	vpsel p2, v10, v12;
	s1 =	smov.u32 @p0 s3;
	s20 =	smov.u32 @p0 s5;
	s3 =	sshll.u32 @p0 s31, $0x4  }
0x51b: {  	v11 =	vpsel p1, v11, v0;
	v12 =	vor.u32 @p1 s4, v1;
	s1 =	sor.u32 @p0 s20, s1;
	s4 =	sand.u32 @p0 $0xF, s31;
	s3 =	sand.u32 @p0 $0xFFFFFF00, s3  }
0x51c: {  	v8 =	vld.idx.msk @p3 [tilespmem:v8+s17+$0x0], $0xffff;
	v12 =	vpsel p1, v12, v0;
	v13 =	vor.u32 @p0 s1, v1;
	s1 =	sor.u32 @p0 s4, s3;
	s13 =	spop (v2sf)  }
0x51d: {  	v9 =	vld.idx.msk @p3 [tilespmem:v9+s17+$0x0], $0xffff;
	s6 =	sadd.s32 @p3 $0x20, s21;
	v13 =	vpsel p0, v13, v0;
	v14 =	vor.u32 @p0 s1, v1;
	s14 =	sshll.u32 s13, $0x4;
	s15 =	spop (v2sf)  }
0x51e: {  	v5 =	vld.idx.msk @p2 [tilespmem:v5+s17+$0x0], $0xffff;
	s3 =	sand.u32 $0xF, s13;
	v14 =	vpsel p0, v14, v0;
	s1 =	sand.u32 $0xFFFFFF00, s14;
	s20 =	sshll.u32 s15, $0x4  }
0x51f: {  	v10 =	vld.idx.msk @p2 [tilespmem:v10+s17+$0x0], $0xffff;
	s5 =	sand.u32 $0xF, s15;
	s1 =	sor.u32 s3, s1;
	s22 =	sand.u32 $0xFFFFFF00, s20  }
0x520: {  	[tilespmem:s0+$0x0] =	vst @p4 v6;
	s7 =	simm.s32 $0x11210;
	v6 =	vld.idx.msk @p1 [tilespmem:v11+s17+$0x0], $0xffff;
	s4 =	smov.u32 @p3 s21;
	v62 =	vor.u32 s1, v1;
	s31 =	sor.u32 s5, s22  }
0x521: {  	[tilespmem:s0+$0xFFFFFFF0] =	vst @p4 v7;
	v7 =	vpsel p3, v8, v0;
	s7 =	smov.u32 @p3 s6;
	v8 =	vld.idx.msk @p1 [tilespmem:v12+s17+$0x0], $0xffff;
	s0 =	smov.u32 @p3 s4;
	v63 =	vor.u32 s31, v1  }
0x522: {  	s4 =	simm.s32 $0x11210;
	[tilespmem:s0+$0x0] =	vst @p3 v7;
	v7 =	vpsel p3, v9, v0;
	s3 =	sadd.s32 @p2 $0x20, s7;
	s1 =	smov.u32 @p2 s7;
	v9 =	vld.idx.msk @p0 [tilespmem:v13+s17+$0x0], $0xffff  }
0x523: {  	v5 =	vpsel p2, v5, v0;
	[tilespmem:s0+$0xFFFFFFF0] =	vst @p3 v7;
	s4 =	smov.u32 @p2 s3;
	s0 =	smov.u32 @p2 s1;
	v7 =	vld.idx.msk @p0 [tilespmem:v14+s17+$0x0], $0xffff  }
0x524: {  	v10 =	vpsel p2, v10, v0;
	s1 =	smov.u32 @p1 s4;
	s3 =	sadd.s32 @p1 $0x20, s4;
	s4 =	simm.s32 $0x11210;
	[tilespmem:s0+$0x0] =	vst @p2 v5  }
0x525: {  	[tilespmem:s0+$0xFFFFFFF0] =	vst @p2 v10;
	v5 =	vpsel p1, v6, v0;
	s0 =	smov.u32 @p1 s1;
	s4 =	smov.u32 @p1 s3;
	v6 =	vld.idx.msk [tilespmem:v62+s17+$0x0], $0xffff  }
0x526: {  	v8 =	vpsel p1, v8, v0;
	[tilespmem:s0+$0x0] =	vst @p1 v5;
	s1 =	smov.u32 @p0 s4;
	v5 =	vld.idx.msk [tilespmem:v63+s17+$0x0], $0xffff  }
0x527: {  	[tilespmem:s0+$0xFFFFFFF0] =	vst @p1 v8;
	s0 =	smov.u32 @p0 s1;
	v8 =	vpsel p0, v9, v0  }
0x528: {  	s1 =	sadd.s32 @p0 $0x20, s4;
	[tilespmem:s0+$0x0] =	vst @p0 v8;
	v7 =	vpsel p0, v7, v0  }
0x529: {  	s30 =	smov.u32 @p0 s1;
	[tilespmem:s0+$0xFFFFFFF0] =	vst @p0 v7  }
0x52a: {  	[tilespmem:s30+$0x0] =	vst v6  }
0x52b: {  	[tilespmem:s30+$0xFFFFFFF0] =	vst v5  }
.LBB2_68:
0x52c: {  	p0 =	sge.s32 s29, s28  }
.Ltmp43:
0x52d: {  	_ = 	snop;
	(pc) =	sbr.rel @p0 .LBB2_71-.Ltmp43, $1  }
0x52e: {  	_ =	sdelay $0x3  }
0x52f: {  	s0 =	sshll.u32 s29, $0x6;
	s1 =	sshll.u32 s29, $0x2  }
0x530: {  	s4 =	sshra.s32 s0, $0x2;
	s5 =	sshra.s32 s1, $0x2  }
0x531: {  	s0 =	ssub.s32 s28, s29;
	s1 =	sadd.s32 $0x11200, s4;
	s4 =	sadd.s32 $0x10980, s5  }
.LBB2_70:
0x532: {  	v5 =	vld [tilespmem:s4+$0x0];
	_ =	sdelay $0x4  }
0x533: {  	(v2sf) =	vpush v5, $0x0;
	_ =	sdelay $0xe  }
0x534: {  	s3 =	spop (v2sf)  }
0x535: {  	s5 =	sshll.u32 s3, $0x4  }
0x536: {  	s3 =	sand.u32 $0xF, s3;
	s5 =	sand.u32 $0xFFFFFF00, s5  }
0x537: {  	s3 =	sor.u32 s3, s5  }
0x538: {  	v5 =	vor.u32 s3, v1;
	_ =	sdelay $0x4  }
0x539: {  	p0 =	sne.s32 s0, $0x1;
	v5 =	vld.idx.msk [tilespmem:v5+s17+$0x0], $0xffff  }
.Ltmp44:
0x53a: {  	_ = 	snop;
	(pc) =	sbr.rel @p0 .LBB2_70-.Ltmp44, $2  }
0x53b: {  	_ =	sdelay $0x2  }
0x53c: {  	s4 =	sadd.s32 $0x1, s4;
	s0 =	sadd.s32 $0xFFFFFFFF, s0;
	[tilespmem:s1+$0x0] =	vst v5;
	s1 =	sadd.s32 $0x10, s1  }
.LBB2_71:
0x53d: {  	s0 =	sadd.f32 $-1.000000000e+00, s26;
	_ =	sdelay $0x1  }
0x53e: {  	p0 =	sgt.f32 s26, s0  }
.Ltmp45:
0x53f: {  	_ = 	snop;
	(pc) =	sbr.rel @!p0 .LBB2_89-.Ltmp45, $4  }
0x540: {  	_ = 	snop  }
0x541: {  	s1 =	sshll.u32 s28, $0x6  }
0x542: {  	s31 =	sshra.s32 s1, $0x2  }
0x543: {  	[tilespmem:s31+$0x11200] =	vst v2  }
.Ltmp46:
0x544: {  	(pc) =	sbr.rel .LBB2_73-.Ltmp46, $3  }
0x545: {  	_ =	sdelay $0x1  }
0x546: {  	s0 =	sadd.s32 $0x1, s28  }
0x547: {  	s1 =	simm.s32 $0x0;
	s0 =	sshra.s32 s0, $0x1  }
.LBB2_74:
0x548: {  	v4 =	vimm.s32 $0x0;
	v5 =	vimm.f32 $0.0e+00  }
.LBB2_102:
0x549: {  	(xrf2) =	vadd.scan.msk.f32 $0xffff, v5;
	_ =	sdelay $0x4  }
0x54a: {  	(xrf0) =	vadd.scan.msk.s32 $0xffff, v4;
	_ =	sdelay $0x4  }
0x54b: {  	v4, _, _ =	vpop (xrf2)  }
0x54c: {  	(v2sf) =	vpush v4, $0xF;
	v4, _, _ =	vpop (xrf0)  }
0x54d: {  	(v2sf) =	vpush v4, $0xF;
	_ =	sdelay $0xd  }
0x54e: {  	s3 =	spop (v2sf)  }
0x54f: {  	s4 =	spop (v2sf)  }
0x550: {  	p0 =	sgt.s32 s4, $0x1  }
0x551: {  	s4 =	simm.s32 @!p0 $0x1  }
0x552: {  	v4 =	vmov s4  }
0x553: {  	v4 =	vcvt.s32.f32 v4;
	_ =	sdelay $0x1  }
0x554: {  	v4 =	vbroadcast v4, $0x0;
	_ =	sdelay $0x1  }
0x555: {  	(erf) = vrcp.f32 v4;
	_ =	sdelay $0x7  }
0x556: {  	s3 =	sadd.f32 $-1.000000000e+00, s3  }
0x557: {  	v4 =	vpop (erf)  }
0x558: {  	v4 =	vmul.f32 s3, v4;
	_ =	sdelay $0x1  }
0x559: {  	(xrf0) =	vmax.scan.msk.f32 $0xffff, v4;
	_ =	sdelay $0x5  }
0x55a: {  	v4, _, _ =	vpop (xrf0)  }
0x55b: {  	(v2sf) =	vpush v4, $0xF;
	_ =	sdelay $0xe  }
0x55c: {  	s31 =	spop (v2sf)  }
0x55d: {  	p0 =	sgt.f32 s31, s26;
	_ =	sdelay $0x1  }
0x55e: {  	p1 =	slt.u32 @p0 s1, $0x3F  }
0x55f: {  	p0 =	por !p0, !p1  }
.Ltmp47:
0x560: {  	_ = 	snop;
	(pc) =	sbr.rel @p0 .LBB2_88-.Ltmp47, $2  }
0x561: {  	_ =	sdelay $0x2  }
0x562: {  	s26 =	smov.u32 s31;
	s1 =	sadd.s32 $0x1, s1  }
.LBB2_73:
0x563: {  	p0 =	slt.s32 s0, $0x1  }
.Ltmp48:
0x564: {  	_ = 	snop;
	(pc) =	sbr.rel @p0 .LBB2_74-.Ltmp48, $1  }
0x565: {  	_ =	sdelay $0x3  }
0x566: {  	s3 =	simm.s32 $0x11210  }
0x567: {  	p0 =	sne.s32 s0, $0x1;
	v6 =	vld [tilespmem:s3+$0x0]  }
.Ltmp49:
0x568: {  	v9 =	vld [tilespmem:s3+$0xFFFFFFF0];
	(pc) =	sbr.rel @!p0 .LBB2_101-.Ltmp49, $3  }
0x569: {  	_ =	sdelay $0x1  }
0x56a: {  	v7 =	vmov s26;
	v5 =	vimm.f32 $0.0e+00;
	v4 =	vimm.s32 $0x0  }
0x56b: {  	s4 =	sadd.s32 $0xFFFFFFFF, s0;
	s5 =	simm.s32 $0x11230;
	v8 =	vimm.s32 $0x0;
	v10 =	vimm.f32 $0.0e+00;
	vm0 =	vgt.f32 v6, v7  }
.LBB2_100:
0x56c: {  	p0 =	sne.s32 s4, $0x1;
	s4 =	sadd.s32 $0xFFFFFFFF, s4;
	vm1 =	vgt.f32 v9, v7;
	v11 =	vnsel vm0, $0x0, v6;
	v6 =	vld [tilespmem:s5+$0x0];
	v12 =	vsel vm0, $0x1, v3  }
.Ltmp50:
0x56d: {  	v13 =	vnsel vm1, $0x0, v9;
	v9 =	vld [tilespmem:s5+$0xFFFFFFF0];
	v14 =	vsel vm1, $0x1, v3;
	v4 =	vadd.s32 v12, v4;
	(pc) =	sbr.rel @p0 .LBB2_100-.Ltmp50, $2  }
0x56e: {  	v10 =	vadd.f32 v11, v10;
	v5 =	vadd.f32 v13, v5;
	v8 =	vadd.s32 v14, v8;
	_ =	sdelay $0x2  }
0x56f: {  	s5 =	sadd.s32 $0x20, s5;
	vm0 =	vgt.f32 v6, v7  }
.LBB2_101:
0x570: {  	vm1 =	vgt.f32 v9, v7  }
.Ltmp51:
0x571: {  	v6 =	vnsel vm0, $0x0, v6;
	v9 =	vnsel vm1, $0x0, v9;
	(pc) =	sbr.rel .LBB2_102-.Ltmp51, $4  }
0x572: {  	v6 =	vadd.f32 v6, v10;
	v5 =	vadd.f32 v9, v5  }
0x573: {  	v7 =	vsel vm0, $0x1, v3;
	v11 =	vsel vm1, $0x1, v3  }
0x574: {  	v4 =	vadd.s32 v7, v4;
	v7 =	vadd.s32 v11, v8;
	v5 =	vadd.f32 v6, v5  }
0x575: {  	v4 =	vadd.s32 v7, v4  }
.LBB2_88:
0x576: {  	v4 =	vbroadcast v4, $0xF  }
.LBB2_89:
0x577: {  	s26 =	simm.s32 $0x8100  }
0x578: {  	v5 =	vld [tilespmem:s26+$0xFFFFFF10];
	_ =	sdelay $0x2  }
0x579: {  	v7 =	vld [tilespmem:s26+$0xFFFFFF30];
	_ =	sdelay $0x1  }
0x57a: {  	v5 =	vsub.f32 v5, v4  }
0x57b: {  	v9 =	vld [tilespmem:s26+$0xFFFFFF50]  }
0x57c: {  	v5 =	vmax.f32 v5, $0.0e+00  }
0x57d: {  	v6 =	vld [tilespmem:s26+$0xFFFFFF20];
	[tilespmem:s26+$0xFFFFFF10] =	vst v5;
	v5 =	vsub.f32 v7, v4  }
0x57e: {  	v11 =	vld [tilespmem:s26+$0xFFFFFF70]  }
0x57f: {  	v8 =	vld [tilespmem:s26+$0xFFFFFF40];
	v5 =	vmax.f32 v5, $0.0e+00  }
0x580: {  	v13 =	vld [tilespmem:s26+$0xF0];
	[tilespmem:s26+$0xFFFFFF30] =	vst v5;
	v5 =	vsub.f32 v9, v4  }
0x581: {  	v10 =	vld [tilespmem:s26+$0xFFFFFF60]  }
0x582: {  	v6 =	vsub.f32 v6, v4;
	v7 =	vld [tilespmem:s26+$0xFFFFFF90];
	v5 =	vmax.f32 v5, $0.0e+00  }
0x583: {  	v12 =	vld [tilespmem:s26+$0xFFFFFF80];
	[tilespmem:s26+$0xFFFFFF50] =	vst v5;
	v5 =	vsub.f32 v11, v4  }
0x584: {  	v14 =	vld [tilespmem:s26+$0x10];
	v6 =	vmax.f32 v6, $0.0e+00  }
0x585: {  	v15 =	vld [tilespmem:s26+$0x20];
	v13 =	vsub.f32 v13, v4;
	[tilespmem:s26+$0xFFFFFF20] =	vst v6;
	v5 =	vmax.f32 v5, $0.0e+00  }
0x586: {  	v6 =	vsub.f32 v8, v4;
	[tilespmem:s26+$0xFFFFFF70] =	vst v5;
	v5 =	vld [tilespmem:s26+$0x0]  }
0x587: {  	v13 =	vmax.f32 v13, $0.0e+00;
	v8 =	vld [tilespmem:s26+$0xFFFFFFA0];
	v7 =	vsub.f32 v7, v4  }
0x588: {  	[tilespmem:s26+$0xF0] =	vst v13;
	v13 =	vld [tilespmem:s26+$0xFFFFFFF0];
	v6 =	vmax.f32 v6, $0.0e+00  }
0x589: {  	v12 =	vsub.f32 v12, v4;
	[tilespmem:s26+$0xFFFFFF40] =	vst v6;
	v6 =	vsub.f32 v10, v4;
	v10 =	vld [tilespmem:s26+$0xFFFFFFC0];
	v7 =	vmax.f32 v7, $0.0e+00  }
0x58a: {  	v11 =	vld [tilespmem:s26+$0xFFFFFFD0];
	[tilespmem:s26+$0xFFFFFF90] =	vst v7;
	v7 =	vsub.f32 v15, v4  }
0x58b: {  	v12 =	vmax.f32 v12, $0.0e+00;
	v9 =	vld [tilespmem:s26+$0xFFFFFFB0];
	v5 =	vsub.f32 v5, v4  }
0x58c: {  	v16 =	vld [tilespmem:s26+$0x30];
	[tilespmem:s26+$0xFFFFFF80] =	vst v12;
	v7 =	vmax.f32 v7, $0.0e+00  }
0x58d: {  	v12 =	vsub.f32 v14, v4;
	[tilespmem:s26+$0x20] =	vst v7;
	v5 =	vmax.f32 v5, $0.0e+00  }
0x58e: {  	v17 =	vld [tilespmem:s26+$0x40];
	v6 =	vmax.f32 v6, $0.0e+00;
	v7 =	vsub.f32 v10, v4;
	[tilespmem:s26+$0x0] =	vst v5;
	v5 =	vsub.f32 v8, v4  }
0x58f: {  	[tilespmem:s26+$0xFFFFFF60] =	vst v6;
	v10 =	vsub.f32 v11, v4;
	v11 =	vsub.f32 v13, v4;
	v8 =	vmax.f32 v12, $0.0e+00  }
0x590: {  	v18 =	vld [tilespmem:s26+$0x50];
	[tilespmem:s26+$0x10] =	vst v8;
	v8 =	vsub.f32 v9, v4;
	v5 =	vmax.f32 v5, $0.0e+00  }
0x591: {  	v6 =	vld [tilespmem:s26+$0xFFFFFFE0];
	v11 =	vmax.f32 v11, $0.0e+00;
	[tilespmem:s26+$0xFFFFFFA0] =	vst v5;
	v5 =	vsub.f32 v16, v4  }
0x592: {  	v19 =	vld [tilespmem:s26+$0x60];
	[tilespmem:s26+$0xFFFFFFF0] =	vst v11;
	v8 =	vmax.f32 v8, $0.0e+00  }
0x593: {  	v14 =	vld [tilespmem:s26+$0x70];
	[tilespmem:s26+$0xFFFFFFB0] =	vst v8;
	v8 =	vsub.f32 v17, v4;
	v5 =	vmax.f32 v5, $0.0e+00  }
0x594: {  	v12 =	vld [tilespmem:s26+$0x80];
	[tilespmem:s26+$0x30] =	vst v5;
	v5 =	vmax.f32 v7, $0.0e+00  }
0x595: {  	v9 =	vld [tilespmem:s26+$0x90];
	v7 =	vsub.f32 v18, v4;
	v8 =	vmax.f32 v8, $0.0e+00;
	[tilespmem:s26+$0xFFFFFFC0] =	vst v5  }
0x596: {  	v15 =	vld [tilespmem:s26+$0xA0];
	[tilespmem:s26+$0x40] =	vst v8;
	v8 =	vsub.f32 v6, v4;
	v6 =	vmax.f32 v10, $0.0e+00  }
0x597: {  	v5 =	vld [tilespmem:s26+$0xB0];
	v10 =	vsub.f32 v19, v4;
	[tilespmem:s26+$0xFFFFFFD0] =	vst v6;
	v7 =	vmax.f32 v7, $0.0e+00  }
0x598: {  	v6 =	vld [tilespmem:s26+$0xC0];
	[tilespmem:s26+$0x50] =	vst v7;
	v7 =	vmax.f32 v8, $0.0e+00;
	v8 =	vsub.f32 v14, v4  }
0x599: {  	v12 =	vsub.f32 v12, v4;
	v10 =	vmax.f32 v10, $0.0e+00;
	[tilespmem:s26+$0xFFFFFFE0] =	vst v7;
	v7 =	vld [tilespmem:s26+$0xD0]  }
0x59a: {  	[tilespmem:s26+$0x60] =	vst v10;
	v10 =	vsub.f32 v9, v4;
	v11 =	vmax.f32 v8, $0.0e+00;
	v8 =	vld [tilespmem:s26+$0xE0]  }
0x59b: {  	s0 =	simm.s32 $0x0;
	s1 =	simm.s32 $0x8300;
	s3 =	simm.s32 $0x2000;
	v12 =	vmax.f32 v12, $0.0e+00;
	v9 =	vld [tilespmem:s26+$0xFFFFFF00];
	[tilespmem:s26+$0x70] =	vst v11;
	v11 =	vsub.f32 v15, v4  }
.LBB2_90:
0x59c: {  	v13 =	vld [tilespmem:s1+$0xF0];
	s0 =	sadd.s32 $0x2, s0;
	[tilespmem:s26+$0x80] =	vst v12;
	v10 =	vmax.f32 v10, $0.0e+00;
	v5 =	vsub.f32 v5, v4  }
0x59d: {  	v12 =	vld [tilespmem:s1+$0xFFFFFF10];
	p0 =	slt.u32 s0, $0x1E;
	[tilespmem:s26+$0x90] =	vst v10;
	v10 =	vmax.f32 v11, $0.0e+00;
	v6 =	vsub.f32 v6, v4  }
0x59e: {  	v11 =	vld [tilespmem:s1+$0xFFFFFF20];
	[tilespmem:s26+$0xA0] =	vst v10;
	v5 =	vmax.f32 v5, $0.0e+00;
	v7 =	vsub.f32 v7, v4  }
0x59f: {  	v10 =	vld [tilespmem:s1+$0xFFFFFF30];
	[tilespmem:s26+$0xB0] =	vst v5;
	v5 =	vmax.f32 v6, $0.0e+00;
	v6 =	vsub.f32 v8, v4  }
0x5a0: {  	v8 =	vld [tilespmem:s1+$0xFFFFFF40];
	v9 =	vsub.f32 v9, v4;
	[tilespmem:s26+$0xC0] =	vst v5;
	v5 =	vmax.f32 v7, $0.0e+00  }
0x5a1: {  	v7 =	vld [tilespmem:s1+$0xFFFFFF50];
	v13 =	vsub.f32 v13, v4;
	[tilespmem:s26+$0xD0] =	vst v5;
	v5 =	vmax.f32 v6, $0.0e+00  }
0x5a2: {  	v6 =	vsub.f32 v12, v4;
	v12 =	vld [tilespmem:s1+$0xFFFFFF60];
	v9 =	vmax.f32 v9, $0.0e+00;
	[tilespmem:s26+$0xE0] =	vst v5  }
0x5a3: {  	v5 =	vsub.f32 v11, v4;
	v11 =	vld [tilespmem:s1+$0xFFFFFF70];
	v13 =	vmax.f32 v13, $0.0e+00;
	[tilespmem:s26+$0xFFFFFF00] =	vst v9;
	s26 =	smov.u32 s1  }
0x5a4: {  	v6 =	vmax.f32 v6, $0.0e+00;
	v9 =	vsub.f32 v10, v4;
	v10 =	vld [tilespmem:s1+$0xFFFFFF80];
	[tilespmem:s1+$0xF0] =	vst v13  }
0x5a5: {  	[tilespmem:s1+$0xFFFFFF10] =	vst v6;
	v5 =	vmax.f32 v5, $0.0e+00;
	v6 =	vsub.f32 v8, v4;
	v8 =	vld [tilespmem:s1+$0xFFFFFF90]  }
0x5a6: {  	[tilespmem:s1+$0xFFFFFF20] =	vst v5;
	v5 =	vmax.f32 v9, $0.0e+00;
	v7 =	vsub.f32 v7, v4;
	v9 =	vld [tilespmem:s1+$0xFFFFFFA0]  }
0x5a7: {  	[tilespmem:s1+$0xFFFFFF30] =	vst v5;
	v5 =	vmax.f32 v6, $0.0e+00;
	v6 =	vsub.f32 v12, v4;
	v12 =	vld [tilespmem:s1+$0xFFFFFFB0]  }
0x5a8: {  	[tilespmem:s1+$0xFFFFFF40] =	vst v5;
	v5 =	vmax.f32 v7, $0.0e+00;
	v7 =	vsub.f32 v11, v4;
	v11 =	vld [tilespmem:s1+$0xFFFFFFC0]  }
0x5a9: {  	[tilespmem:s1+$0xFFFFFF50] =	vst v5;
	v5 =	vmax.f32 v6, $0.0e+00;
	v6 =	vsub.f32 v10, v4;
	v10 =	vld [tilespmem:s1+$0xFFFFFFD0]  }
0x5aa: {  	[tilespmem:s1+$0xFFFFFF60] =	vst v5;
	v5 =	vmax.f32 v7, $0.0e+00;
	v7 =	vsub.f32 v8, v4;
	v8 =	vld [tilespmem:s1+$0xFFFFFFE0]  }
0x5ab: {  	[tilespmem:s1+$0xFFFFFF70] =	vst v5;
	v5 =	vmax.f32 v6, $0.0e+00;
	v6 =	vsub.f32 v9, v4;
	v9 =	vld [tilespmem:s1+$0xFFFFFFF0]  }
0x5ac: {  	[tilespmem:s1+$0xFFFFFF80] =	vst v5;
	v5 =	vmax.f32 v7, $0.0e+00;
	v7 =	vsub.f32 v12, v4;
	v12 =	vld [tilespmem:s1+$0x0]  }
0x5ad: {  	[tilespmem:s1+$0xFFFFFF90] =	vst v5;
	v5 =	vmax.f32 v6, $0.0e+00;
	v6 =	vsub.f32 v11, v4;
	v11 =	vld [tilespmem:s1+$0x10]  }
0x5ae: {  	[tilespmem:s1+$0xFFFFFFA0] =	vst v5;
	v5 =	vmax.f32 v7, $0.0e+00;
	v7 =	vsub.f32 v10, v4;
	v10 =	vld [tilespmem:s1+$0x20]  }
0x5af: {  	[tilespmem:s1+$0xFFFFFFB0] =	vst v5;
	v5 =	vmax.f32 v6, $0.0e+00;
	v6 =	vsub.f32 v8, v4;
	v8 =	vld [tilespmem:s1+$0x30]  }
0x5b0: {  	[tilespmem:s1+$0xFFFFFFC0] =	vst v5;
	v5 =	vmax.f32 v7, $0.0e+00;
	v7 =	vsub.f32 v9, v4;
	v9 =	vld [tilespmem:s1+$0x40]  }
0x5b1: {  	[tilespmem:s1+$0xFFFFFFD0] =	vst v5;
	v5 =	vmax.f32 v6, $0.0e+00;
	v6 =	vsub.f32 v12, v4;
	v12 =	vld [tilespmem:s1+$0x50]  }
0x5b2: {  	[tilespmem:s1+$0xFFFFFFE0] =	vst v5;
	v5 =	vmax.f32 v7, $0.0e+00;
	v7 =	vsub.f32 v11, v4;
	v11 =	vld [tilespmem:s1+$0x60]  }
0x5b3: {  	[tilespmem:s1+$0xFFFFFFF0] =	vst v5;
	v5 =	vmax.f32 v6, $0.0e+00;
	v6 =	vsub.f32 v10, v4;
	v10 =	vld [tilespmem:s1+$0x70]  }
0x5b4: {  	[tilespmem:s1+$0x0] =	vst v5;
	v5 =	vmax.f32 v7, $0.0e+00;
	v7 =	vsub.f32 v8, v4;
	v8 =	vld [tilespmem:s1+$0x80]  }
0x5b5: {  	[tilespmem:s1+$0x10] =	vst v5;
	v5 =	vmax.f32 v6, $0.0e+00;
	v6 =	vsub.f32 v9, v4;
	v9 =	vld [tilespmem:s1+$0x90]  }
0x5b6: {  	[tilespmem:s1+$0x20] =	vst v5;
	v5 =	vmax.f32 v7, $0.0e+00;
	v7 =	vsub.f32 v12, v4;
	v13 =	vld [tilespmem:s1+$0xA0]  }
.Ltmp52:
0x5b7: {  	[tilespmem:s1+$0x30] =	vst v5;
	v6 =	vmax.f32 v6, $0.0e+00;
	v11 =	vsub.f32 v11, v4;
	v5 =	vld [tilespmem:s1+$0xB0];
	(pc) =	sbr.rel @p0 .LBB2_90-.Ltmp52, $4  }
0x5b8: {  	[tilespmem:s1+$0x40] =	vst v6;
	v7 =	vmax.f32 v7, $0.0e+00;
	v10 =	vsub.f32 v10, v4;
	v6 =	vld [tilespmem:s1+$0xC0]  }
0x5b9: {  	[tilespmem:s1+$0x50] =	vst v7;
	v11 =	vmax.f32 v11, $0.0e+00;
	v12 =	vsub.f32 v8, v4;
	v7 =	vld [tilespmem:s1+$0xD0]  }
0x5ba: {  	[tilespmem:s1+$0x60] =	vst v11;
	v11 =	vmax.f32 v10, $0.0e+00;
	v10 =	vsub.f32 v9, v4;
	v8 =	vld [tilespmem:s1+$0xE0]  }
0x5bb: {  	s1 =	sadd.s32 $0x200, s1;
	v9 =	vld [tilespmem:s26+$0xFFFFFF00];
	[tilespmem:s26+$0x70] =	vst v11;
	v12 =	vmax.f32 v12, $0.0e+00;
	v11 =	vsub.f32 v13, v4  }
0x5bc: {  	[tilespmem:s26+$0x80] =	vst v12;
	v10 =	vmax.f32 v10, $0.0e+00;
	v5 =	vsub.f32 v5, v4  }
0x5bd: {  	[tilespmem:s26+$0x90] =	vst v10;
	v10 =	vmax.f32 v11, $0.0e+00;
	v6 =	vsub.f32 v6, v4  }
0x5be: {  	[tilespmem:s26+$0xA0] =	vst v10;
	v5 =	vmax.f32 v5, $0.0e+00;
	v7 =	vsub.f32 v7, v4  }
0x5bf: {  	[tilespmem:s26+$0xB0] =	vst v5;
	v5 =	vmax.f32 v6, $0.0e+00;
	v6 =	vsub.f32 v8, v4  }
0x5c0: {  	v8 =	vsub.f32 v9, v4;
	[tilespmem:s26+$0xC0] =	vst v5;
	v5 =	vmax.f32 v7, $0.0e+00  }
0x5c1: {  	[tilespmem:s26+$0xD0] =	vst v5;
	v5 =	vmax.f32 v6, $0.0e+00  }
0x5c2: {  	v6 =	vmax.f32 v8, $0.0e+00;
	[tilespmem:s26+$0xE0] =	vst v5  }
0x5c3: {  	[tilespmem:s26+$0xFFFFFF00] =	vst v6;
	s26 =	simm.s32 $0xA1F0  }
0x5c4: {  	[hbm4b:s9+s11] =	stream.strided.scatter [tilespmem:s17], [sflag:$0x4], $0x2000, s12, s11, $0x38;
	[tilespmem:$0x19280] =	vst v63  }
0x5c5: {  	v5 =	vld [tilespmem:s26+$0xFFFFFE20];
	_ =	sdelay $0x2  }
0x5c6: {  	v7 =	vld [tilespmem:s26+$0xFFFFFE40];
	_ =	sdelay $0x1  }
0x5c7: {  	v5 =	vsub.f32 v5, v4  }
0x5c8: {  	v9 =	vld [tilespmem:s26+$0xFFFFFE60]  }
0x5c9: {  	v5 =	vmax.f32 v5, $0.0e+00  }
0x5ca: {  	v6 =	vld [tilespmem:s26+$0xFFFFFE30];
	[tilespmem:s26+$0xFFFFFE20] =	vst v5;
	v5 =	vsub.f32 v7, v4  }
0x5cb: {  	v11 =	vld [tilespmem:s26+$0xFFFFFE80]  }
0x5cc: {  	v8 =	vld [tilespmem:s26+$0xFFFFFE50];
	v5 =	vmax.f32 v5, $0.0e+00  }
0x5cd: {  	v13 =	vld [tilespmem:s26+$0x0];
	[tilespmem:s26+$0xFFFFFE40] =	vst v5;
	v5 =	vsub.f32 v9, v4  }
0x5ce: {  	v10 =	vld [tilespmem:s26+$0xFFFFFE70]  }
0x5cf: {  	v6 =	vsub.f32 v6, v4;
	v7 =	vld [tilespmem:s26+$0xFFFFFEA0];
	v5 =	vmax.f32 v5, $0.0e+00  }
0x5d0: {  	v12 =	vld [tilespmem:s26+$0xFFFFFE90];
	[tilespmem:s26+$0xFFFFFE60] =	vst v5;
	v5 =	vsub.f32 v11, v4  }
0x5d1: {  	v14 =	vld [tilespmem:s26+$0xFFFFFF20];
	v6 =	vmax.f32 v6, $0.0e+00  }
0x5d2: {  	v15 =	vld [tilespmem:s26+$0xFFFFFF30];
	v13 =	vsub.f32 v13, v4;
	[tilespmem:s26+$0xFFFFFE30] =	vst v6;
	v5 =	vmax.f32 v5, $0.0e+00  }
0x5d3: {  	v6 =	vsub.f32 v8, v4;
	[tilespmem:s26+$0xFFFFFE80] =	vst v5;
	v5 =	vld [tilespmem:s26+$0xFFFFFF10]  }
0x5d4: {  	v13 =	vmax.f32 v13, $0.0e+00;
	v8 =	vld [tilespmem:s26+$0xFFFFFEB0];
	v7 =	vsub.f32 v7, v4  }
0x5d5: {  	[tilespmem:s26+$0x0] =	vst v13;
	v13 =	vld [tilespmem:s26+$0xFFFFFF00];
	v6 =	vmax.f32 v6, $0.0e+00  }
0x5d6: {  	v12 =	vsub.f32 v12, v4;
	[tilespmem:s26+$0xFFFFFE50] =	vst v6;
	v6 =	vsub.f32 v10, v4;
	v10 =	vld [tilespmem:s26+$0xFFFFFED0];
	v7 =	vmax.f32 v7, $0.0e+00  }
0x5d7: {  	v11 =	vld [tilespmem:s26+$0xFFFFFEE0];
	[tilespmem:s26+$0xFFFFFEA0] =	vst v7;
	v7 =	vsub.f32 v15, v4  }
0x5d8: {  	v12 =	vmax.f32 v12, $0.0e+00;
	v9 =	vld [tilespmem:s26+$0xFFFFFEC0];
	v5 =	vsub.f32 v5, v4  }
0x5d9: {  	v16 =	vld [tilespmem:s26+$0xFFFFFF40];
	[tilespmem:s26+$0xFFFFFE90] =	vst v12;
	v7 =	vmax.f32 v7, $0.0e+00  }
0x5da: {  	v12 =	vsub.f32 v14, v4;
	[tilespmem:s26+$0xFFFFFF30] =	vst v7;
	v5 =	vmax.f32 v5, $0.0e+00  }
0x5db: {  	v17 =	vld [tilespmem:s26+$0xFFFFFF50];
	v6 =	vmax.f32 v6, $0.0e+00;
	v7 =	vsub.f32 v10, v4;
	[tilespmem:s26+$0xFFFFFF10] =	vst v5;
	v5 =	vsub.f32 v8, v4  }
0x5dc: {  	[tilespmem:s26+$0xFFFFFE70] =	vst v6;
	v10 =	vsub.f32 v11, v4;
	v11 =	vsub.f32 v13, v4;
	v8 =	vmax.f32 v12, $0.0e+00  }
0x5dd: {  	v18 =	vld [tilespmem:s26+$0xFFFFFF60];
	[tilespmem:s26+$0xFFFFFF20] =	vst v8;
	v8 =	vsub.f32 v9, v4;
	v5 =	vmax.f32 v5, $0.0e+00  }
0x5de: {  	v6 =	vld [tilespmem:s26+$0xFFFFFEF0];
	v11 =	vmax.f32 v11, $0.0e+00;
	[tilespmem:s26+$0xFFFFFEB0] =	vst v5;
	v5 =	vsub.f32 v16, v4  }
0x5df: {  	v19 =	vld [tilespmem:s26+$0xFFFFFF70];
	[tilespmem:s26+$0xFFFFFF00] =	vst v11;
	v8 =	vmax.f32 v8, $0.0e+00  }
0x5e0: {  	v14 =	vld [tilespmem:s26+$0xFFFFFF80];
	[tilespmem:s26+$0xFFFFFEC0] =	vst v8;
	v8 =	vsub.f32 v17, v4;
	v5 =	vmax.f32 v5, $0.0e+00  }
0x5e1: {  	v12 =	vld [tilespmem:s26+$0xFFFFFF90];
	[tilespmem:s26+$0xFFFFFF40] =	vst v5;
	v5 =	vmax.f32 v7, $0.0e+00  }
0x5e2: {  	v9 =	vld [tilespmem:s26+$0xFFFFFFA0];
	v7 =	vsub.f32 v18, v4;
	v8 =	vmax.f32 v8, $0.0e+00;
	[tilespmem:s26+$0xFFFFFED0] =	vst v5  }
0x5e3: {  	v15 =	vld [tilespmem:s26+$0xFFFFFFB0];
	[tilespmem:s26+$0xFFFFFF50] =	vst v8;
	v8 =	vsub.f32 v6, v4;
	v6 =	vmax.f32 v10, $0.0e+00  }
0x5e4: {  	v5 =	vld [tilespmem:s26+$0xFFFFFFC0];
	v10 =	vsub.f32 v19, v4;
	[tilespmem:s26+$0xFFFFFEE0] =	vst v6;
	v7 =	vmax.f32 v7, $0.0e+00  }
0x5e5: {  	v6 =	vld [tilespmem:s26+$0xFFFFFFD0];
	[tilespmem:s26+$0xFFFFFF60] =	vst v7;
	v7 =	vmax.f32 v8, $0.0e+00;
	v8 =	vsub.f32 v14, v4  }
0x5e6: {  	v12 =	vsub.f32 v12, v4;
	v10 =	vmax.f32 v10, $0.0e+00;
	[tilespmem:s26+$0xFFFFFEF0] =	vst v7;
	v7 =	vld [tilespmem:s26+$0xFFFFFFE0]  }
0x5e7: {  	[tilespmem:s26+$0xFFFFFF70] =	vst v10;
	v10 =	vsub.f32 v9, v4;
	v11 =	vmax.f32 v8, $0.0e+00;
	v8 =	vld [tilespmem:s26+$0xFFFFFFF0]  }
0x5e8: {  	s0 =	simm.s32 $0x20;
	s1 =	simm.s32 $0xA3F0;
	v12 =	vmax.f32 v12, $0.0e+00;
	v9 =	vld [tilespmem:s26+$0xFFFFFE10];
	[tilespmem:s26+$0xFFFFFF80] =	vst v11;
	v11 =	vsub.f32 v15, v4  }
.LBB2_92:
0x5e9: {  	v13 =	vld [tilespmem:s1+$0x0];
	s0 =	sadd.s32 $0x2, s0;
	[tilespmem:s26+$0xFFFFFF90] =	vst v12;
	v10 =	vmax.f32 v10, $0.0e+00;
	v5 =	vsub.f32 v5, v4  }
0x5ea: {  	v12 =	vld [tilespmem:s1+$0xFFFFFE20];
	p0 =	slt.u32 s0, $0x3E;
	[tilespmem:s26+$0xFFFFFFA0] =	vst v10;
	v10 =	vmax.f32 v11, $0.0e+00;
	v6 =	vsub.f32 v6, v4  }
0x5eb: {  	v11 =	vld [tilespmem:s1+$0xFFFFFE30];
	[tilespmem:s26+$0xFFFFFFB0] =	vst v10;
	v5 =	vmax.f32 v5, $0.0e+00;
	v7 =	vsub.f32 v7, v4  }
0x5ec: {  	v10 =	vld [tilespmem:s1+$0xFFFFFE40];
	[tilespmem:s26+$0xFFFFFFC0] =	vst v5;
	v5 =	vmax.f32 v6, $0.0e+00;
	v6 =	vsub.f32 v8, v4  }
0x5ed: {  	v8 =	vld [tilespmem:s1+$0xFFFFFE50];
	v9 =	vsub.f32 v9, v4;
	[tilespmem:s26+$0xFFFFFFD0] =	vst v5;
	v5 =	vmax.f32 v7, $0.0e+00  }
0x5ee: {  	v7 =	vld [tilespmem:s1+$0xFFFFFE60];
	v13 =	vsub.f32 v13, v4;
	[tilespmem:s26+$0xFFFFFFE0] =	vst v5;
	v5 =	vmax.f32 v6, $0.0e+00  }
0x5ef: {  	v6 =	vsub.f32 v12, v4;
	v12 =	vld [tilespmem:s1+$0xFFFFFE70];
	v9 =	vmax.f32 v9, $0.0e+00;
	[tilespmem:s26+$0xFFFFFFF0] =	vst v5  }
0x5f0: {  	v5 =	vsub.f32 v11, v4;
	v11 =	vld [tilespmem:s1+$0xFFFFFE80];
	v13 =	vmax.f32 v13, $0.0e+00;
	[tilespmem:s26+$0xFFFFFE10] =	vst v9;
	s26 =	smov.u32 s1  }
0x5f1: {  	v6 =	vmax.f32 v6, $0.0e+00;
	v9 =	vsub.f32 v10, v4;
	v10 =	vld [tilespmem:s1+$0xFFFFFE90];
	[tilespmem:s1+$0x0] =	vst v13  }
0x5f2: {  	[tilespmem:s1+$0xFFFFFE20] =	vst v6;
	v5 =	vmax.f32 v5, $0.0e+00;
	v6 =	vsub.f32 v8, v4;
	v8 =	vld [tilespmem:s1+$0xFFFFFEA0]  }
0x5f3: {  	[tilespmem:s1+$0xFFFFFE30] =	vst v5;
	v5 =	vmax.f32 v9, $0.0e+00;
	v7 =	vsub.f32 v7, v4;
	v9 =	vld [tilespmem:s1+$0xFFFFFEB0]  }
0x5f4: {  	[tilespmem:s1+$0xFFFFFE40] =	vst v5;
	v5 =	vmax.f32 v6, $0.0e+00;
	v6 =	vsub.f32 v12, v4;
	v12 =	vld [tilespmem:s1+$0xFFFFFEC0]  }
0x5f5: {  	[tilespmem:s1+$0xFFFFFE50] =	vst v5;
	v5 =	vmax.f32 v7, $0.0e+00;
	v7 =	vsub.f32 v11, v4;
	v11 =	vld [tilespmem:s1+$0xFFFFFED0]  }
0x5f6: {  	[tilespmem:s1+$0xFFFFFE60] =	vst v5;
	v5 =	vmax.f32 v6, $0.0e+00;
	v6 =	vsub.f32 v10, v4;
	v10 =	vld [tilespmem:s1+$0xFFFFFEE0]  }
0x5f7: {  	[tilespmem:s1+$0xFFFFFE70] =	vst v5;
	v5 =	vmax.f32 v7, $0.0e+00;
	v7 =	vsub.f32 v8, v4;
	v8 =	vld [tilespmem:s1+$0xFFFFFEF0]  }
0x5f8: {  	[tilespmem:s1+$0xFFFFFE80] =	vst v5;
	v5 =	vmax.f32 v6, $0.0e+00;
	v6 =	vsub.f32 v9, v4;
	v9 =	vld [tilespmem:s1+$0xFFFFFF00]  }
0x5f9: {  	[tilespmem:s1+$0xFFFFFE90] =	vst v5;
	v5 =	vmax.f32 v7, $0.0e+00;
	v7 =	vsub.f32 v12, v4;
	v12 =	vld [tilespmem:s1+$0xFFFFFF10]  }
0x5fa: {  	[tilespmem:s1+$0xFFFFFEA0] =	vst v5;
	v5 =	vmax.f32 v6, $0.0e+00;
	v6 =	vsub.f32 v11, v4;
	v11 =	vld [tilespmem:s1+$0xFFFFFF20]  }
0x5fb: {  	[tilespmem:s1+$0xFFFFFEB0] =	vst v5;
	v5 =	vmax.f32 v7, $0.0e+00;
	v7 =	vsub.f32 v10, v4;
	v10 =	vld [tilespmem:s1+$0xFFFFFF30]  }
0x5fc: {  	[tilespmem:s1+$0xFFFFFEC0] =	vst v5;
	v5 =	vmax.f32 v6, $0.0e+00;
	v6 =	vsub.f32 v8, v4;
	v8 =	vld [tilespmem:s1+$0xFFFFFF40]  }
0x5fd: {  	[tilespmem:s1+$0xFFFFFED0] =	vst v5;
	v5 =	vmax.f32 v7, $0.0e+00;
	v7 =	vsub.f32 v9, v4;
	v9 =	vld [tilespmem:s1+$0xFFFFFF50]  }
0x5fe: {  	[tilespmem:s1+$0xFFFFFEE0] =	vst v5;
	v5 =	vmax.f32 v6, $0.0e+00;
	v6 =	vsub.f32 v12, v4;
	v12 =	vld [tilespmem:s1+$0xFFFFFF60]  }
0x5ff: {  	[tilespmem:s1+$0xFFFFFEF0] =	vst v5;
	v5 =	vmax.f32 v7, $0.0e+00;
	v7 =	vsub.f32 v11, v4;
	v11 =	vld [tilespmem:s1+$0xFFFFFF70]  }
0x600: {  	[tilespmem:s1+$0xFFFFFF00] =	vst v5;
	v5 =	vmax.f32 v6, $0.0e+00;
	v6 =	vsub.f32 v10, v4;
	v10 =	vld [tilespmem:s1+$0xFFFFFF80]  }
0x601: {  	[tilespmem:s1+$0xFFFFFF10] =	vst v5;
	v5 =	vmax.f32 v7, $0.0e+00;
	v7 =	vsub.f32 v8, v4;
	v8 =	vld [tilespmem:s1+$0xFFFFFF90]  }
0x602: {  	[tilespmem:s1+$0xFFFFFF20] =	vst v5;
	v5 =	vmax.f32 v6, $0.0e+00;
	v6 =	vsub.f32 v9, v4;
	v9 =	vld [tilespmem:s1+$0xFFFFFFA0]  }
0x603: {  	[tilespmem:s1+$0xFFFFFF30] =	vst v5;
	v5 =	vmax.f32 v7, $0.0e+00;
	v7 =	vsub.f32 v12, v4;
	v13 =	vld [tilespmem:s1+$0xFFFFFFB0]  }
.Ltmp53:
0x604: {  	[tilespmem:s1+$0xFFFFFF40] =	vst v5;
	v6 =	vmax.f32 v6, $0.0e+00;
	v11 =	vsub.f32 v11, v4;
	v5 =	vld [tilespmem:s1+$0xFFFFFFC0];
	(pc) =	sbr.rel @p0 .LBB2_92-.Ltmp53, $4  }
0x605: {  	[tilespmem:s1+$0xFFFFFF50] =	vst v6;
	v7 =	vmax.f32 v7, $0.0e+00;
	v10 =	vsub.f32 v10, v4;
	v6 =	vld [tilespmem:s1+$0xFFFFFFD0]  }
0x606: {  	[tilespmem:s1+$0xFFFFFF60] =	vst v7;
	v11 =	vmax.f32 v11, $0.0e+00;
	v12 =	vsub.f32 v8, v4;
	v7 =	vld [tilespmem:s1+$0xFFFFFFE0]  }
0x607: {  	[tilespmem:s1+$0xFFFFFF70] =	vst v11;
	v11 =	vmax.f32 v10, $0.0e+00;
	v10 =	vsub.f32 v9, v4;
	v8 =	vld [tilespmem:s1+$0xFFFFFFF0]  }
0x608: {  	s1 =	sadd.s32 $0x200, s1;
	v9 =	vld [tilespmem:s26+$0xFFFFFE10];
	[tilespmem:s26+$0xFFFFFF80] =	vst v11;
	v12 =	vmax.f32 v12, $0.0e+00;
	v11 =	vsub.f32 v13, v4  }
0x609: {  	[tilespmem:s26+$0xFFFFFF90] =	vst v12;
	v10 =	vmax.f32 v10, $0.0e+00;
	v5 =	vsub.f32 v5, v4  }
0x60a: {  	[tilespmem:s26+$0xFFFFFFA0] =	vst v10;
	v10 =	vmax.f32 v11, $0.0e+00;
	v6 =	vsub.f32 v6, v4  }
0x60b: {  	[tilespmem:s26+$0xFFFFFFB0] =	vst v10;
	v5 =	vmax.f32 v5, $0.0e+00;
	v7 =	vsub.f32 v7, v4  }
0x60c: {  	[tilespmem:s26+$0xFFFFFFC0] =	vst v5;
	v5 =	vmax.f32 v6, $0.0e+00;
	v6 =	vsub.f32 v8, v4  }
0x60d: {  	v8 =	vsub.f32 v9, v4;
	[tilespmem:s26+$0xFFFFFFD0] =	vst v5;
	v5 =	vmax.f32 v7, $0.0e+00  }
0x60e: {  	[tilespmem:s26+$0xFFFFFFE0] =	vst v5;
	v5 =	vmax.f32 v6, $0.0e+00  }
0x60f: {  	v6 =	vmax.f32 v8, $0.0e+00;
	[tilespmem:s26+$0xFFFFFFF0] =	vst v5  }
0x610: {  	s0 =	sadd.s32 $0x2000, s9;
	s1 =	simm.s32 $0xA000;
	[tilespmem:s26+$0xFFFFFE10] =	vst v6;
	s26 =	simm.s32 $0xC000  }
0x611: {  	[hbm4b:s0+s11] =	stream.strided.scatter [tilespmem:s1], [sflag:$0x4], $0x2000, s12, s11, $0x38;
	[tilespmem:$0x19280] =	vst v63  }
0x612: {  	v5 =	vld [tilespmem:s26+$0x10];
	_ =	sdelay $0x2  }
0x613: {  	v7 =	vld [tilespmem:s26+$0x30];
	_ =	sdelay $0x1  }
0x614: {  	v5 =	vsub.f32 v5, v4  }
0x615: {  	v9 =	vld [tilespmem:s26+$0x50]  }
0x616: {  	v5 =	vmax.f32 v5, $0.0e+00  }
0x617: {  	v6 =	vld [tilespmem:s26+$0x20];
	[tilespmem:s26+$0x10] =	vst v5;
	v5 =	vsub.f32 v7, v4  }
0x618: {  	v11 =	vld [tilespmem:s26+$0x70]  }
0x619: {  	v8 =	vld [tilespmem:s26+$0x40];
	v5 =	vmax.f32 v5, $0.0e+00  }
0x61a: {  	v13 =	vld [tilespmem:s26+$0x1F0];
	[tilespmem:s26+$0x30] =	vst v5;
	v5 =	vsub.f32 v9, v4  }
0x61b: {  	v10 =	vld [tilespmem:s26+$0x60]  }
0x61c: {  	v6 =	vsub.f32 v6, v4;
	v7 =	vld [tilespmem:s26+$0x90];
	v5 =	vmax.f32 v5, $0.0e+00  }
0x61d: {  	v12 =	vld [tilespmem:s26+$0x80];
	[tilespmem:s26+$0x50] =	vst v5;
	v5 =	vsub.f32 v11, v4  }
0x61e: {  	v14 =	vld [tilespmem:s26+$0x110];
	v6 =	vmax.f32 v6, $0.0e+00  }
0x61f: {  	v15 =	vld [tilespmem:s26+$0x120];
	v13 =	vsub.f32 v13, v4;
	[tilespmem:s26+$0x20] =	vst v6;
	v5 =	vmax.f32 v5, $0.0e+00  }
0x620: {  	v6 =	vsub.f32 v8, v4;
	[tilespmem:s26+$0x70] =	vst v5;
	v5 =	vld [tilespmem:s26+$0x100]  }
0x621: {  	v13 =	vmax.f32 v13, $0.0e+00;
	v8 =	vld [tilespmem:s26+$0xA0];
	v7 =	vsub.f32 v7, v4  }
0x622: {  	[tilespmem:s26+$0x1F0] =	vst v13;
	v13 =	vld [tilespmem:s26+$0xF0];
	v6 =	vmax.f32 v6, $0.0e+00  }
0x623: {  	v12 =	vsub.f32 v12, v4;
	[tilespmem:s26+$0x40] =	vst v6;
	v6 =	vsub.f32 v10, v4;
	v10 =	vld [tilespmem:s26+$0xC0];
	v7 =	vmax.f32 v7, $0.0e+00  }
0x624: {  	v11 =	vld [tilespmem:s26+$0xD0];
	[tilespmem:s26+$0x90] =	vst v7;
	v7 =	vsub.f32 v15, v4  }
0x625: {  	v12 =	vmax.f32 v12, $0.0e+00;
	v9 =	vld [tilespmem:s26+$0xB0];
	v5 =	vsub.f32 v5, v4  }
0x626: {  	v16 =	vld [tilespmem:s26+$0x130];
	[tilespmem:s26+$0x80] =	vst v12;
	v7 =	vmax.f32 v7, $0.0e+00  }
0x627: {  	v12 =	vsub.f32 v14, v4;
	[tilespmem:s26+$0x120] =	vst v7;
	v5 =	vmax.f32 v5, $0.0e+00  }
0x628: {  	v17 =	vld [tilespmem:s26+$0x140];
	v6 =	vmax.f32 v6, $0.0e+00;
	v7 =	vsub.f32 v10, v4;
	[tilespmem:s26+$0x100] =	vst v5;
	v5 =	vsub.f32 v8, v4  }
0x629: {  	[tilespmem:s26+$0x60] =	vst v6;
	v10 =	vsub.f32 v11, v4;
	v11 =	vsub.f32 v13, v4;
	v8 =	vmax.f32 v12, $0.0e+00  }
0x62a: {  	v18 =	vld [tilespmem:s26+$0x150];
	[tilespmem:s26+$0x110] =	vst v8;
	v8 =	vsub.f32 v9, v4;
	v5 =	vmax.f32 v5, $0.0e+00  }
0x62b: {  	v6 =	vld [tilespmem:s26+$0xE0];
	v11 =	vmax.f32 v11, $0.0e+00;
	[tilespmem:s26+$0xA0] =	vst v5;
	v5 =	vsub.f32 v16, v4  }
0x62c: {  	v19 =	vld [tilespmem:s26+$0x160];
	[tilespmem:s26+$0xF0] =	vst v11;
	v8 =	vmax.f32 v8, $0.0e+00  }
0x62d: {  	v14 =	vld [tilespmem:s26+$0x170];
	[tilespmem:s26+$0xB0] =	vst v8;
	v8 =	vsub.f32 v17, v4;
	v5 =	vmax.f32 v5, $0.0e+00  }
0x62e: {  	v12 =	vld [tilespmem:s26+$0x180];
	[tilespmem:s26+$0x130] =	vst v5;
	v5 =	vmax.f32 v7, $0.0e+00  }
0x62f: {  	v9 =	vld [tilespmem:s26+$0x190];
	v7 =	vsub.f32 v18, v4;
	v8 =	vmax.f32 v8, $0.0e+00;
	[tilespmem:s26+$0xC0] =	vst v5  }
0x630: {  	v15 =	vld [tilespmem:s26+$0x1A0];
	[tilespmem:s26+$0x140] =	vst v8;
	v8 =	vsub.f32 v6, v4;
	v6 =	vmax.f32 v10, $0.0e+00  }
0x631: {  	v5 =	vld [tilespmem:s26+$0x1B0];
	v10 =	vsub.f32 v19, v4;
	[tilespmem:s26+$0xD0] =	vst v6;
	v7 =	vmax.f32 v7, $0.0e+00  }
0x632: {  	v6 =	vld [tilespmem:s26+$0x1C0];
	[tilespmem:s26+$0x150] =	vst v7;
	v7 =	vmax.f32 v8, $0.0e+00;
	v8 =	vsub.f32 v14, v4  }
0x633: {  	v12 =	vsub.f32 v12, v4;
	v10 =	vmax.f32 v10, $0.0e+00;
	[tilespmem:s26+$0xE0] =	vst v7;
	v7 =	vld [tilespmem:s26+$0x1D0]  }
0x634: {  	[tilespmem:s26+$0x160] =	vst v10;
	v10 =	vsub.f32 v9, v4;
	v11 =	vmax.f32 v8, $0.0e+00;
	v8 =	vld [tilespmem:s26+$0x1E0]  }
0x635: {  	s0 =	simm.s32 $0x40;
	s1 =	simm.s32 $0xC200;
	v12 =	vmax.f32 v12, $0.0e+00;
	v9 =	vld [tilespmem:s26+$0x0];
	[tilespmem:s26+$0x170] =	vst v11;
	v11 =	vsub.f32 v15, v4  }
.LBB2_94:
0x636: {  	v13 =	vld [tilespmem:s1+$0x1F0];
	s0 =	sadd.s32 $0x2, s0;
	[tilespmem:s26+$0x180] =	vst v12;
	v10 =	vmax.f32 v10, $0.0e+00;
	v5 =	vsub.f32 v5, v4  }
0x637: {  	v12 =	vld [tilespmem:s1+$0x10];
	p0 =	slt.u32 s0, $0x5E;
	[tilespmem:s26+$0x190] =	vst v10;
	v10 =	vmax.f32 v11, $0.0e+00;
	v6 =	vsub.f32 v6, v4  }
0x638: {  	v11 =	vld [tilespmem:s1+$0x20];
	[tilespmem:s26+$0x1A0] =	vst v10;
	v5 =	vmax.f32 v5, $0.0e+00;
	v7 =	vsub.f32 v7, v4  }
0x639: {  	v10 =	vld [tilespmem:s1+$0x30];
	[tilespmem:s26+$0x1B0] =	vst v5;
	v5 =	vmax.f32 v6, $0.0e+00;
	v6 =	vsub.f32 v8, v4  }
0x63a: {  	v8 =	vld [tilespmem:s1+$0x40];
	v9 =	vsub.f32 v9, v4;
	[tilespmem:s26+$0x1C0] =	vst v5;
	v5 =	vmax.f32 v7, $0.0e+00  }
0x63b: {  	v7 =	vld [tilespmem:s1+$0x50];
	v13 =	vsub.f32 v13, v4;
	[tilespmem:s26+$0x1D0] =	vst v5;
	v5 =	vmax.f32 v6, $0.0e+00  }
0x63c: {  	v6 =	vsub.f32 v12, v4;
	v12 =	vld [tilespmem:s1+$0x60];
	v9 =	vmax.f32 v9, $0.0e+00;
	[tilespmem:s26+$0x1E0] =	vst v5  }
0x63d: {  	v5 =	vsub.f32 v11, v4;
	v11 =	vld [tilespmem:s1+$0x70];
	v13 =	vmax.f32 v13, $0.0e+00;
	[tilespmem:s26+$0x0] =	vst v9;
	s26 =	smov.u32 s1  }
0x63e: {  	v6 =	vmax.f32 v6, $0.0e+00;
	v9 =	vsub.f32 v10, v4;
	v10 =	vld [tilespmem:s1+$0x80];
	[tilespmem:s1+$0x1F0] =	vst v13  }
0x63f: {  	[tilespmem:s1+$0x10] =	vst v6;
	v5 =	vmax.f32 v5, $0.0e+00;
	v6 =	vsub.f32 v8, v4;
	v8 =	vld [tilespmem:s1+$0x90]  }
0x640: {  	[tilespmem:s1+$0x20] =	vst v5;
	v5 =	vmax.f32 v9, $0.0e+00;
	v7 =	vsub.f32 v7, v4;
	v9 =	vld [tilespmem:s1+$0xA0]  }
0x641: {  	[tilespmem:s1+$0x30] =	vst v5;
	v5 =	vmax.f32 v6, $0.0e+00;
	v6 =	vsub.f32 v12, v4;
	v12 =	vld [tilespmem:s1+$0xB0]  }
0x642: {  	[tilespmem:s1+$0x40] =	vst v5;
	v5 =	vmax.f32 v7, $0.0e+00;
	v7 =	vsub.f32 v11, v4;
	v11 =	vld [tilespmem:s1+$0xC0]  }
0x643: {  	[tilespmem:s1+$0x50] =	vst v5;
	v5 =	vmax.f32 v6, $0.0e+00;
	v6 =	vsub.f32 v10, v4;
	v10 =	vld [tilespmem:s1+$0xD0]  }
0x644: {  	[tilespmem:s1+$0x60] =	vst v5;
	v5 =	vmax.f32 v7, $0.0e+00;
	v7 =	vsub.f32 v8, v4;
	v8 =	vld [tilespmem:s1+$0xE0]  }
0x645: {  	[tilespmem:s1+$0x70] =	vst v5;
	v5 =	vmax.f32 v6, $0.0e+00;
	v6 =	vsub.f32 v9, v4;
	v9 =	vld [tilespmem:s1+$0xF0]  }
0x646: {  	[tilespmem:s1+$0x80] =	vst v5;
	v5 =	vmax.f32 v7, $0.0e+00;
	v7 =	vsub.f32 v12, v4;
	v12 =	vld [tilespmem:s1+$0x100]  }
0x647: {  	[tilespmem:s1+$0x90] =	vst v5;
	v5 =	vmax.f32 v6, $0.0e+00;
	v6 =	vsub.f32 v11, v4;
	v11 =	vld [tilespmem:s1+$0x110]  }
0x648: {  	[tilespmem:s1+$0xA0] =	vst v5;
	v5 =	vmax.f32 v7, $0.0e+00;
	v7 =	vsub.f32 v10, v4;
	v10 =	vld [tilespmem:s1+$0x120]  }
0x649: {  	[tilespmem:s1+$0xB0] =	vst v5;
	v5 =	vmax.f32 v6, $0.0e+00;
	v6 =	vsub.f32 v8, v4;
	v8 =	vld [tilespmem:s1+$0x130]  }
0x64a: {  	[tilespmem:s1+$0xC0] =	vst v5;
	v5 =	vmax.f32 v7, $0.0e+00;
	v7 =	vsub.f32 v9, v4;
	v9 =	vld [tilespmem:s1+$0x140]  }
0x64b: {  	[tilespmem:s1+$0xD0] =	vst v5;
	v5 =	vmax.f32 v6, $0.0e+00;
	v6 =	vsub.f32 v12, v4;
	v12 =	vld [tilespmem:s1+$0x150]  }
0x64c: {  	[tilespmem:s1+$0xE0] =	vst v5;
	v5 =	vmax.f32 v7, $0.0e+00;
	v7 =	vsub.f32 v11, v4;
	v11 =	vld [tilespmem:s1+$0x160]  }
0x64d: {  	[tilespmem:s1+$0xF0] =	vst v5;
	v5 =	vmax.f32 v6, $0.0e+00;
	v6 =	vsub.f32 v10, v4;
	v10 =	vld [tilespmem:s1+$0x170]  }
0x64e: {  	[tilespmem:s1+$0x100] =	vst v5;
	v5 =	vmax.f32 v7, $0.0e+00;
	v7 =	vsub.f32 v8, v4;
	v8 =	vld [tilespmem:s1+$0x180]  }
0x64f: {  	[tilespmem:s1+$0x110] =	vst v5;
	v5 =	vmax.f32 v6, $0.0e+00;
	v6 =	vsub.f32 v9, v4;
	v9 =	vld [tilespmem:s1+$0x190]  }
0x650: {  	[tilespmem:s1+$0x120] =	vst v5;
	v5 =	vmax.f32 v7, $0.0e+00;
	v7 =	vsub.f32 v12, v4;
	v13 =	vld [tilespmem:s1+$0x1A0]  }
.Ltmp54:
0x651: {  	[tilespmem:s1+$0x130] =	vst v5;
	v6 =	vmax.f32 v6, $0.0e+00;
	v11 =	vsub.f32 v11, v4;
	v5 =	vld [tilespmem:s1+$0x1B0];
	(pc) =	sbr.rel @p0 .LBB2_94-.Ltmp54, $4  }
0x652: {  	[tilespmem:s1+$0x140] =	vst v6;
	v7 =	vmax.f32 v7, $0.0e+00;
	v10 =	vsub.f32 v10, v4;
	v6 =	vld [tilespmem:s1+$0x1C0]  }
0x653: {  	[tilespmem:s1+$0x150] =	vst v7;
	v11 =	vmax.f32 v11, $0.0e+00;
	v12 =	vsub.f32 v8, v4;
	v7 =	vld [tilespmem:s1+$0x1D0]  }
0x654: {  	[tilespmem:s1+$0x160] =	vst v11;
	v11 =	vmax.f32 v10, $0.0e+00;
	v10 =	vsub.f32 v9, v4;
	v8 =	vld [tilespmem:s1+$0x1E0]  }
0x655: {  	s1 =	sadd.s32 $0x200, s1;
	v9 =	vld [tilespmem:s26+$0x0];
	[tilespmem:s26+$0x170] =	vst v11;
	v12 =	vmax.f32 v12, $0.0e+00;
	v11 =	vsub.f32 v13, v4  }
0x656: {  	[tilespmem:s26+$0x180] =	vst v12;
	v10 =	vmax.f32 v10, $0.0e+00;
	v5 =	vsub.f32 v5, v4  }
0x657: {  	[tilespmem:s26+$0x190] =	vst v10;
	v10 =	vmax.f32 v11, $0.0e+00;
	v6 =	vsub.f32 v6, v4  }
0x658: {  	[tilespmem:s26+$0x1A0] =	vst v10;
	v5 =	vmax.f32 v5, $0.0e+00;
	v7 =	vsub.f32 v7, v4  }
0x659: {  	[tilespmem:s26+$0x1B0] =	vst v5;
	v5 =	vmax.f32 v6, $0.0e+00;
	v6 =	vsub.f32 v8, v4  }
0x65a: {  	v8 =	vsub.f32 v9, v4;
	[tilespmem:s26+$0x1C0] =	vst v5;
	v5 =	vmax.f32 v7, $0.0e+00  }
0x65b: {  	[tilespmem:s26+$0x1D0] =	vst v5;
	v5 =	vmax.f32 v6, $0.0e+00  }
0x65c: {  	v6 =	vmax.f32 v8, $0.0e+00;
	[tilespmem:s26+$0x1E0] =	vst v5  }
0x65d: {  	s0 =	sadd.s32 $0x4000, s9;
	s1 =	simm.s32 $0xC000;
	[tilespmem:s26+$0x0] =	vst v6;
	s26 =	simm.s32 $0xE000  }
0x65e: {  	[hbm4b:s0+s11] =	stream.strided.scatter [tilespmem:s1], [sflag:$0x4], $0x2000, s12, s11, $0x38;
	[tilespmem:$0x19280] =	vst v63  }
0x65f: {  	v5 =	vld [tilespmem:s26+$0x10];
	_ =	sdelay $0x2  }
0x660: {  	v7 =	vld [tilespmem:s26+$0x30];
	_ =	sdelay $0x1  }
0x661: {  	v5 =	vsub.f32 v5, v4  }
0x662: {  	v9 =	vld [tilespmem:s26+$0x50]  }
0x663: {  	v5 =	vmax.f32 v5, $0.0e+00  }
0x664: {  	v6 =	vld [tilespmem:s26+$0x20];
	[tilespmem:s26+$0x10] =	vst v5;
	v5 =	vsub.f32 v7, v4  }
0x665: {  	v11 =	vld [tilespmem:s26+$0x70]  }
0x666: {  	v8 =	vld [tilespmem:s26+$0x40];
	v5 =	vmax.f32 v5, $0.0e+00  }
0x667: {  	v13 =	vld [tilespmem:s26+$0x1F0];
	[tilespmem:s26+$0x30] =	vst v5;
	v5 =	vsub.f32 v9, v4  }
0x668: {  	v10 =	vld [tilespmem:s26+$0x60]  }
0x669: {  	v6 =	vsub.f32 v6, v4;
	v7 =	vld [tilespmem:s26+$0x90];
	v5 =	vmax.f32 v5, $0.0e+00  }
0x66a: {  	v12 =	vld [tilespmem:s26+$0x80];
	[tilespmem:s26+$0x50] =	vst v5;
	v5 =	vsub.f32 v11, v4  }
0x66b: {  	v14 =	vld [tilespmem:s26+$0x110];
	v6 =	vmax.f32 v6, $0.0e+00  }
0x66c: {  	v15 =	vld [tilespmem:s26+$0x120];
	v13 =	vsub.f32 v13, v4;
	[tilespmem:s26+$0x20] =	vst v6;
	v5 =	vmax.f32 v5, $0.0e+00  }
0x66d: {  	v6 =	vsub.f32 v8, v4;
	[tilespmem:s26+$0x70] =	vst v5;
	v5 =	vld [tilespmem:s26+$0x100]  }
0x66e: {  	v13 =	vmax.f32 v13, $0.0e+00;
	v8 =	vld [tilespmem:s26+$0xA0];
	v7 =	vsub.f32 v7, v4  }
0x66f: {  	[tilespmem:s26+$0x1F0] =	vst v13;
	v13 =	vld [tilespmem:s26+$0xF0];
	v6 =	vmax.f32 v6, $0.0e+00  }
0x670: {  	v12 =	vsub.f32 v12, v4;
	[tilespmem:s26+$0x40] =	vst v6;
	v6 =	vsub.f32 v10, v4;
	v10 =	vld [tilespmem:s26+$0xC0];
	v7 =	vmax.f32 v7, $0.0e+00  }
0x671: {  	v11 =	vld [tilespmem:s26+$0xD0];
	[tilespmem:s26+$0x90] =	vst v7;
	v7 =	vsub.f32 v15, v4  }
0x672: {  	v12 =	vmax.f32 v12, $0.0e+00;
	v9 =	vld [tilespmem:s26+$0xB0];
	v5 =	vsub.f32 v5, v4  }
0x673: {  	v16 =	vld [tilespmem:s26+$0x130];
	[tilespmem:s26+$0x80] =	vst v12;
	v7 =	vmax.f32 v7, $0.0e+00  }
0x674: {  	v12 =	vsub.f32 v14, v4;
	[tilespmem:s26+$0x120] =	vst v7;
	v5 =	vmax.f32 v5, $0.0e+00  }
0x675: {  	v17 =	vld [tilespmem:s26+$0x140];
	v6 =	vmax.f32 v6, $0.0e+00;
	v7 =	vsub.f32 v10, v4;
	[tilespmem:s26+$0x100] =	vst v5;
	v5 =	vsub.f32 v8, v4  }
0x676: {  	[tilespmem:s26+$0x60] =	vst v6;
	v10 =	vsub.f32 v11, v4;
	v11 =	vsub.f32 v13, v4;
	v8 =	vmax.f32 v12, $0.0e+00  }
0x677: {  	v18 =	vld [tilespmem:s26+$0x150];
	[tilespmem:s26+$0x110] =	vst v8;
	v8 =	vsub.f32 v9, v4;
	v5 =	vmax.f32 v5, $0.0e+00  }
0x678: {  	v6 =	vld [tilespmem:s26+$0xE0];
	v11 =	vmax.f32 v11, $0.0e+00;
	[tilespmem:s26+$0xA0] =	vst v5;
	v5 =	vsub.f32 v16, v4  }
0x679: {  	v19 =	vld [tilespmem:s26+$0x160];
	[tilespmem:s26+$0xF0] =	vst v11;
	v8 =	vmax.f32 v8, $0.0e+00  }
0x67a: {  	v14 =	vld [tilespmem:s26+$0x170];
	[tilespmem:s26+$0xB0] =	vst v8;
	v8 =	vsub.f32 v17, v4;
	v5 =	vmax.f32 v5, $0.0e+00  }
0x67b: {  	v12 =	vld [tilespmem:s26+$0x180];
	[tilespmem:s26+$0x130] =	vst v5;
	v5 =	vmax.f32 v7, $0.0e+00  }
0x67c: {  	v9 =	vld [tilespmem:s26+$0x190];
	v7 =	vsub.f32 v18, v4;
	v8 =	vmax.f32 v8, $0.0e+00;
	[tilespmem:s26+$0xC0] =	vst v5  }
0x67d: {  	v15 =	vld [tilespmem:s26+$0x1A0];
	[tilespmem:s26+$0x140] =	vst v8;
	v8 =	vsub.f32 v6, v4;
	v6 =	vmax.f32 v10, $0.0e+00  }
0x67e: {  	v5 =	vld [tilespmem:s26+$0x1B0];
	v10 =	vsub.f32 v19, v4;
	[tilespmem:s26+$0xD0] =	vst v6;
	v7 =	vmax.f32 v7, $0.0e+00  }
0x67f: {  	v6 =	vld [tilespmem:s26+$0x1C0];
	[tilespmem:s26+$0x150] =	vst v7;
	v7 =	vmax.f32 v8, $0.0e+00;
	v8 =	vsub.f32 v14, v4  }
0x680: {  	v12 =	vsub.f32 v12, v4;
	v10 =	vmax.f32 v10, $0.0e+00;
	[tilespmem:s26+$0xE0] =	vst v7;
	v7 =	vld [tilespmem:s26+$0x1D0]  }
0x681: {  	[tilespmem:s26+$0x160] =	vst v10;
	v10 =	vsub.f32 v9, v4;
	v11 =	vmax.f32 v8, $0.0e+00;
	v8 =	vld [tilespmem:s26+$0x1E0]  }
0x682: {  	s0 =	simm.s32 $0x60;
	s1 =	simm.s32 $0xE200;
	v12 =	vmax.f32 v12, $0.0e+00;
	v9 =	vld [tilespmem:s26+$0x0];
	[tilespmem:s26+$0x170] =	vst v11;
	v11 =	vsub.f32 v15, v4  }
.LBB2_96:
0x683: {  	v13 =	vld [tilespmem:s1+$0x1F0];
	s0 =	sadd.s32 $0x2, s0;
	[tilespmem:s26+$0x180] =	vst v12;
	v10 =	vmax.f32 v10, $0.0e+00;
	v5 =	vsub.f32 v5, v4  }
0x684: {  	v12 =	vld [tilespmem:s1+$0x10];
	p0 =	slt.u32 s0, $0x7E;
	[tilespmem:s26+$0x190] =	vst v10;
	v10 =	vmax.f32 v11, $0.0e+00;
	v6 =	vsub.f32 v6, v4  }
0x685: {  	v11 =	vld [tilespmem:s1+$0x20];
	[tilespmem:s26+$0x1A0] =	vst v10;
	v5 =	vmax.f32 v5, $0.0e+00;
	v7 =	vsub.f32 v7, v4  }
0x686: {  	v10 =	vld [tilespmem:s1+$0x30];
	[tilespmem:s26+$0x1B0] =	vst v5;
	v5 =	vmax.f32 v6, $0.0e+00;
	v6 =	vsub.f32 v8, v4  }
0x687: {  	v8 =	vld [tilespmem:s1+$0x40];
	v9 =	vsub.f32 v9, v4;
	[tilespmem:s26+$0x1C0] =	vst v5;
	v5 =	vmax.f32 v7, $0.0e+00  }
0x688: {  	v7 =	vld [tilespmem:s1+$0x50];
	v13 =	vsub.f32 v13, v4;
	[tilespmem:s26+$0x1D0] =	vst v5;
	v5 =	vmax.f32 v6, $0.0e+00  }
0x689: {  	v6 =	vsub.f32 v12, v4;
	v12 =	vld [tilespmem:s1+$0x60];
	v9 =	vmax.f32 v9, $0.0e+00;
	[tilespmem:s26+$0x1E0] =	vst v5  }
0x68a: {  	v5 =	vsub.f32 v11, v4;
	v11 =	vld [tilespmem:s1+$0x70];
	v13 =	vmax.f32 v13, $0.0e+00;
	[tilespmem:s26+$0x0] =	vst v9;
	s26 =	smov.u32 s1  }
0x68b: {  	v6 =	vmax.f32 v6, $0.0e+00;
	v9 =	vsub.f32 v10, v4;
	v10 =	vld [tilespmem:s1+$0x80];
	[tilespmem:s1+$0x1F0] =	vst v13  }
0x68c: {  	[tilespmem:s1+$0x10] =	vst v6;
	v5 =	vmax.f32 v5, $0.0e+00;
	v6 =	vsub.f32 v8, v4;
	v8 =	vld [tilespmem:s1+$0x90]  }
0x68d: {  	[tilespmem:s1+$0x20] =	vst v5;
	v5 =	vmax.f32 v9, $0.0e+00;
	v7 =	vsub.f32 v7, v4;
	v9 =	vld [tilespmem:s1+$0xA0]  }
0x68e: {  	[tilespmem:s1+$0x30] =	vst v5;
	v5 =	vmax.f32 v6, $0.0e+00;
	v6 =	vsub.f32 v12, v4;
	v12 =	vld [tilespmem:s1+$0xB0]  }
0x68f: {  	[tilespmem:s1+$0x40] =	vst v5;
	v5 =	vmax.f32 v7, $0.0e+00;
	v7 =	vsub.f32 v11, v4;
	v11 =	vld [tilespmem:s1+$0xC0]  }
0x690: {  	[tilespmem:s1+$0x50] =	vst v5;
	v5 =	vmax.f32 v6, $0.0e+00;
	v6 =	vsub.f32 v10, v4;
	v10 =	vld [tilespmem:s1+$0xD0]  }
0x691: {  	[tilespmem:s1+$0x60] =	vst v5;
	v5 =	vmax.f32 v7, $0.0e+00;
	v7 =	vsub.f32 v8, v4;
	v8 =	vld [tilespmem:s1+$0xE0]  }
0x692: {  	[tilespmem:s1+$0x70] =	vst v5;
	v5 =	vmax.f32 v6, $0.0e+00;
	v6 =	vsub.f32 v9, v4;
	v9 =	vld [tilespmem:s1+$0xF0]  }
0x693: {  	[tilespmem:s1+$0x80] =	vst v5;
	v5 =	vmax.f32 v7, $0.0e+00;
	v7 =	vsub.f32 v12, v4;
	v12 =	vld [tilespmem:s1+$0x100]  }
0x694: {  	[tilespmem:s1+$0x90] =	vst v5;
	v5 =	vmax.f32 v6, $0.0e+00;
	v6 =	vsub.f32 v11, v4;
	v11 =	vld [tilespmem:s1+$0x110]  }
0x695: {  	[tilespmem:s1+$0xA0] =	vst v5;
	v5 =	vmax.f32 v7, $0.0e+00;
	v7 =	vsub.f32 v10, v4;
	v10 =	vld [tilespmem:s1+$0x120]  }
0x696: {  	[tilespmem:s1+$0xB0] =	vst v5;
	v5 =	vmax.f32 v6, $0.0e+00;
	v6 =	vsub.f32 v8, v4;
	v8 =	vld [tilespmem:s1+$0x130]  }
0x697: {  	[tilespmem:s1+$0xC0] =	vst v5;
	v5 =	vmax.f32 v7, $0.0e+00;
	v7 =	vsub.f32 v9, v4;
	v9 =	vld [tilespmem:s1+$0x140]  }
0x698: {  	[tilespmem:s1+$0xD0] =	vst v5;
	v5 =	vmax.f32 v6, $0.0e+00;
	v6 =	vsub.f32 v12, v4;
	v12 =	vld [tilespmem:s1+$0x150]  }
0x699: {  	[tilespmem:s1+$0xE0] =	vst v5;
	v5 =	vmax.f32 v7, $0.0e+00;
	v7 =	vsub.f32 v11, v4;
	v11 =	vld [tilespmem:s1+$0x160]  }
0x69a: {  	[tilespmem:s1+$0xF0] =	vst v5;
	v5 =	vmax.f32 v6, $0.0e+00;
	v6 =	vsub.f32 v10, v4;
	v10 =	vld [tilespmem:s1+$0x170]  }
0x69b: {  	[tilespmem:s1+$0x100] =	vst v5;
	v5 =	vmax.f32 v7, $0.0e+00;
	v7 =	vsub.f32 v8, v4;
	v8 =	vld [tilespmem:s1+$0x180]  }
0x69c: {  	[tilespmem:s1+$0x110] =	vst v5;
	v5 =	vmax.f32 v6, $0.0e+00;
	v6 =	vsub.f32 v9, v4;
	v9 =	vld [tilespmem:s1+$0x190]  }
0x69d: {  	[tilespmem:s1+$0x120] =	vst v5;
	v5 =	vmax.f32 v7, $0.0e+00;
	v7 =	vsub.f32 v12, v4;
	v13 =	vld [tilespmem:s1+$0x1A0]  }
.Ltmp55:
0x69e: {  	[tilespmem:s1+$0x130] =	vst v5;
	v6 =	vmax.f32 v6, $0.0e+00;
	v11 =	vsub.f32 v11, v4;
	v5 =	vld [tilespmem:s1+$0x1B0];
	(pc) =	sbr.rel @p0 .LBB2_96-.Ltmp55, $4  }
0x69f: {  	[tilespmem:s1+$0x140] =	vst v6;
	v7 =	vmax.f32 v7, $0.0e+00;
	v10 =	vsub.f32 v10, v4;
	v6 =	vld [tilespmem:s1+$0x1C0]  }
0x6a0: {  	[tilespmem:s1+$0x150] =	vst v7;
	v11 =	vmax.f32 v11, $0.0e+00;
	v12 =	vsub.f32 v8, v4;
	v7 =	vld [tilespmem:s1+$0x1D0]  }
0x6a1: {  	[tilespmem:s1+$0x160] =	vst v11;
	v11 =	vmax.f32 v10, $0.0e+00;
	v10 =	vsub.f32 v9, v4;
	v8 =	vld [tilespmem:s1+$0x1E0]  }
0x6a2: {  	s1 =	sadd.s32 $0x200, s1;
	v9 =	vld [tilespmem:s26+$0x0];
	[tilespmem:s26+$0x170] =	vst v11;
	v12 =	vmax.f32 v12, $0.0e+00;
	v11 =	vsub.f32 v13, v4  }
0x6a3: {  	[tilespmem:s26+$0x180] =	vst v12;
	v10 =	vmax.f32 v10, $0.0e+00;
	v5 =	vsub.f32 v5, v4  }
0x6a4: {  	[tilespmem:s26+$0x190] =	vst v10;
	v62 =	vmax.f32 v11, $0.0e+00;
	v6 =	vsub.f32 v6, v4  }
0x6a5: {  	[tilespmem:s26+$0x1A0] =	vst v62;
	v5 =	vmax.f32 v5, $0.0e+00;
	v7 =	vsub.f32 v7, v4  }
0x6a6: {  	[tilespmem:s26+$0x1B0] =	vst v5;
	v5 =	vmax.f32 v6, $0.0e+00;
	v63 =	vsub.f32 v8, v4  }
0x6a7: {  	v4 =	vsub.f32 v9, v4;
	[tilespmem:s26+$0x1C0] =	vst v5;
	v5 =	vmax.f32 v7, $0.0e+00  }
0x6a8: {  	[tilespmem:s26+$0x1D0] =	vst v5;
	v5 =	vmax.f32 v63, $0.0e+00  }
0x6a9: {  	v4 =	vmax.f32 v4, $0.0e+00;
	[tilespmem:s26+$0x1E0] =	vst v5  }
0x6aa: {  	s0 =	sadd.s32 $0x6000, s9;
	s1 =	simm.s32 $0xE000;
	[tilespmem:s26+$0x0] =	vst v4  }
0x6ab: {  	[hbm4b:s0+s11] =	stream.strided.scatter [tilespmem:s1], [sflag:$0x4], $0x2000, s12, s11, $0x38;
	[tilespmem:$0x19280] =	vst v63  }
0x6ac: {  	_ =	swait.ge [sflag:s23], $0x2000  }
0x6ad: {  	[sflag:s23] =	ssyncset.done $0x0  }
0x6ae: {  	[sflag:s23] =	ssyncadd.s32 $0xFFFFE000  }
0x6af: {  	_ =	swait.ge [sflag:s23], $0x2000  }
0x6b0: {  	[sflag:s23] =	ssyncset.done $0x0  }
0x6b1: {  	[sflag:s23] =	ssyncadd.s32 $0xFFFFE000  }
0x6b2: {  	_ =	swait.ge [sflag:s23], $0x2000  }
0x6b3: {  	[sflag:s23] =	ssyncset.done $0x0  }
0x6b4: {  	[sflag:s23] =	ssyncadd.s32 $0xFFFFE000  }
0x6b5: {  	_ =	swait.ge [sflag:s23], $0x2000  }
0x6b6: {  	[sflag:s23] =	ssyncset.done $0x0  }
0x6b7: {  	[sflag:s23] =	ssyncadd.s32 $0xFFFFE000  }
0x6b8: {  	_ =	swait.ge [sflag:s24], $0x2000  }
0x6b9: {  	[sflag:s24] =	ssyncset.done $0x0  }
0x6ba: {  	[sflag:s24] =	ssyncadd.s32 $0xFFFFE000  }
0x6bb: {  	_ =	swait.ge [sflag:s24], $0x2000  }
0x6bc: {  	[sflag:s24] =	ssyncset.done $0x0  }
0x6bd: {  	[sflag:s24] =	ssyncadd.s32 $0xFFFFE000  }
0x6be: {  	_ =	swait.ge [sflag:s24], $0x2000  }
0x6bf: {  	[sflag:s24] =	ssyncset.done $0x0  }
0x6c0: {  	[sflag:s24] =	ssyncadd.s32 $0xFFFFE000  }
0x6c1: {  	_ =	swait.ge [sflag:s24], $0x2000  }
0x6c2: {  	s25 =	sadd.s32 $0x1, s25;
	s31 =	rddreg [dreg:$0x8]  }
0x6c3: {  	p0 =	sne.s32 s25, s31  }
.Ltmp56:
0x6c4: {  	_ = 	snop;
	(pc) =	sbr.rel @p0 .LBB2_1-.Ltmp56, $4  }
.Ltmp57:
0x6c5: {  	_ = 	snop;
	(pc) =	sbr.rel @!p0 .LBB2_98-.Ltmp57, $4  }
0x6c6: {  	_ = 	snop  }
0x6c7: {  	[sflag:s24] =	ssyncset.done $0x0  }
0x6c8: {  	[sflag:s24] =	ssyncadd.s32 $0xFFFFE000  }
0x6c9: {  	_ = 	snop  }
.LBB2_17:
.Ltmp58:
0x6ca: {  	(pc) =	sbr.rel .LBB2_37-.Ltmp58, $2  }
0x6cb: {  	_ =	sdelay $0x2  }
0x6cc: {  	s21 =	simm.s32 $0x11210  }
.LBB2_63:
.Ltmp59:
0x6cd: {  	(pc) =	sbr.rel .LBB2_87-.Ltmp59, $2  }
0x6ce: {  	_ =	sdelay $0x2  }
0x6cf: {  	s21 =	simm.s32 $0x11210  }
.LBB2_26:
.Ltmp60:
0x6d0: {  	(pc) =	sbr.rel .LBB2_37-.Ltmp60, $2  }
0x6d1: {  	_ =	sdelay $0x2  }
0x6d2: {  	s21 =	simm.s32 $0x11210  }
.LBB2_76:
.Ltmp61:
0x6d3: {  	(pc) =	sbr.rel .LBB2_87-.Ltmp61, $2  }
0x6d4: {  	_ =	sdelay $0x2  }
0x6d5: {  	s21 =	simm.s32 $0x11210  }
.LBB2_28:
.Ltmp62:
0x6d6: {  	(pc) =	sbr.rel .LBB2_37-.Ltmp62, $2  }
0x6d7: {  	_ =	sdelay $0x2  }
0x6d8: {  	s21 =	simm.s32 $0x11210  }
.LBB2_78:
.Ltmp63:
0x6d9: {  	(pc) =	sbr.rel .LBB2_87-.Ltmp63, $2  }
0x6da: {  	_ =	sdelay $0x2  }
0x6db: {  	s21 =	simm.s32 $0x11210  }
.LBB2_30:
.Ltmp64:
0x6dc: {  	(pc) =	sbr.rel .LBB2_37-.Ltmp64, $3  }
0x6dd: {  	_ =	sdelay $0x1  }
0x6de: {  	s31 =	smov.u32 s14  }
0x6df: {  	s1 =	smov.u32 s4;
	s20 =	smov.u32 s5;
	s21 =	simm.s32 $0x11210  }
.LBB2_80:
.Ltmp65:
0x6e0: {  	(pc) =	sbr.rel .LBB2_87-.Ltmp65, $3  }
0x6e1: {  	_ =	sdelay $0x1  }
0x6e2: {  	s14 =	smov.u32 s31  }
0x6e3: {  	s4 =	smov.u32 s1;
	s5 =	smov.u32 s20;
	s21 =	simm.s32 $0x11210  }
.LBB2_32:
.Ltmp66:
0x6e4: {  	(pc) =	sbr.rel .LBB2_37-.Ltmp66, $3  }
0x6e5: {  	_ =	sdelay $0x1  }
0x6e6: {  	s31 =	smov.u32 s22;
	_ =	sdelay $0x1  }
0x6e7: {  	s1 =	smov.u32 s13;
	s20 =	smov.u32 s15;
	v8 =	vmov v11;
	v9 =	vmov v12;
	s21 =	simm.s32 $0x11210  }
.LBB2_82:
.Ltmp67:
0x6e8: {  	(pc) =	sbr.rel .LBB2_87-.Ltmp67, $3  }
0x6e9: {  	_ =	sdelay $0x1  }
0x6ea: {  	s14 =	smov.u32 s22;
	_ =	sdelay $0x1  }
0x6eb: {  	s4 =	smov.u32 s13;
	s5 =	smov.u32 s15;
	v8 =	vmov v11;
	v9 =	vmov v12;
	s21 =	simm.s32 $0x11210  }
.LBB2_34:
.Ltmp68:
0x6ec: {  	(pc) =	sbr.rel .LBB2_37-.Ltmp68, $2  }
0x6ed: {  	_ =	sdelay $0x2  }
0x6ee: {  	v10 =	vmov v13;
	s0 =	simm.s32 $0x11210  }
.LBB2_84:
.Ltmp69:
0x6ef: {  	(pc) =	sbr.rel .LBB2_87-.Ltmp69, $2  }
0x6f0: {  	_ =	sdelay $0x2  }
0x6f1: {  	v10 =	vmov v13;
	s0 =	simm.s32 $0x11210  }
.LBB2_98:
0x6f2: {  	_ =	sfence.sel $0x180000  }
0x6f3: {  	[bflag:$0x0] =	sbarrier.arrive $0xFFFF  }
0x6f4: {  	_ =	strace $0x90000047  }
0x6f5: {  	s0 =	stileid.u32;
	[bflag:$0x2] =	sbarrier.arrive $0xFFFF  }
0x6f6: {  	p0 =	sne.s32 s0, $0x0;
	s0 =	rddreg [dreg:$0x2]  }
0x6f7: {  	s0 =	sadd.s32 @!p0 $0x100000, s0  }
0x6f8: {  	[sflag:s0] =	ssyncadd.tile.s32 @!p0 $0x1;
	_ =	shalt  }
.Lfunc_end2:
_tile_overlayer_lowered:
.L_overlay_start_2:
0x6f9: {  	(tag) =	ssettag $0x2  }
0x6fa: {  	s0 =	rddreg [dreg:$0x0];
	s2 =	stileid.u32  }
0x6fb: {  	s1 =	rddreg [dreg:$0x1];
	p0 =	sne.s32 s2, $0x0  }
0x6fc: {  	s3 =	rddreg [dreg:$0x2];
	[bflag:$0x3] =	sbarrier.arrive $0xFFFF;
	s2 =	simm.s32 @!p0 $0x1C05  }
0x6fd: {  	[timem:s3], [sflag:s2] =	dma.local @!p0 [hbm:s0], s1  }
0x6fe: {  	s0 =	simm.s32 @!p0 $0x5  }
0x6ff: {  	_ =	swait.ge @!p0 [sflag:s0], s1  }
0x700: {  	s1 =	ssub.s32 @!p0 $0x0, s1;
	[sflag:s0] =	ssyncset.done @!p0 $0x0  }
0x701: {  	[sflag:s0] =	ssyncadd.s32 @!p0 s1  }
0x702: {  	[bflag:$0x3] =	sbarrier.arrive $0xFFFF  }
0x703: {  	_ =	shalt  }

</sc_bundles>
